<compile_context>
chip_gen: v7x
topology: tpu7x:2x2x1
jax: 0.10.2.dev20260603
libtpu: 0.0.44.dev20260713+nightly
codegen_flags: <defaults>
</compile_context>

<pallas_src>
import jax
import jax.numpy as jnp
from jax import lax
from jax.experimental import pallas as pl
from jax.experimental.pallas import tpu as pltpu
from jax.experimental.pallas import tpu_sc as plsc

_NC = 2
_NS = 16
_NW = _NC * _NS
_C = 128


def _make_segsum(d, npt, n_out_pad):
    rpt = n_out_pad // _NS
    hp = npt // 2
    mesh = plsc.VectorSubcoreMesh(core_axis_name="c", subcore_axis_name="s")

    def body(table, src, dst, zeros, out, idx_s, idx_d, rows0, rows1, acc,
             g0, g1, s0, s1):
        c = lax.axis_index("c")
        s = lax.axis_index("s")
        wid = s * _NC + c
        r0 = s * rpt

        def pair(k, carry):
            a = 2 * k
            b = a + 1
            nxt = lax.rem(a + 2, hp)
            pltpu.make_async_copy(table.at[idx_s.at[a]], rows0, g0).wait()
            pltpu.async_copy(table.at[idx_s.at[b]], rows1, g1)
            pltpu.async_copy(rows0, acc.at[idx_d.at[a]], s0, add=True)
            pltpu.make_async_copy(table.at[idx_s.at[b]], rows1, g1).wait()
            pltpu.make_async_copy(rows0, acc.at[idx_d.at[a]], s0).wait()
            pltpu.async_copy(rows1, acc.at[idx_d.at[b]], s1, add=True)
            pltpu.async_copy(table.at[idx_s.at[nxt]], rows0, g0)
            pltpu.make_async_copy(rows1, acc.at[idx_d.at[b]], s1).wait()
            return carry

        for p in range(2):
            pltpu.sync_copy(src.at[wid].at[pl.ds(p * hp, hp)], idx_s)
            pltpu.sync_copy(dst.at[wid].at[pl.ds(p * hp, hp)], idx_d)
            if p == 0:
                pltpu.sync_copy(zeros, acc.at[pl.ds(r0, rpt)])
            pltpu.async_copy(table.at[idx_s.at[0]], rows0, g0)
            if p == 0:
                plsc.subcore_barrier()
            lax.fori_loop(0, hp // 2, pair, 0)
            pltpu.make_async_copy(table.at[idx_s.at[0]], rows0, g0).wait()

        plsc.subcore_barrier()
        pltpu.sync_copy(acc.at[pl.ds(r0, rpt)], out.at[c].at[pl.ds(r0, rpt)])

    return pl.kernel(
        body,
        out_type=jax.ShapeDtypeStruct((_NC, n_out_pad, d), jnp.float32),
        mesh=mesh,
        scratch_types=[
            pltpu.VMEM((hp, _C), jnp.int32),
            pltpu.VMEM((hp, _C), jnp.int32),
            pltpu.VMEM((_C, d), jnp.float32),
            pltpu.VMEM((_C, d), jnp.float32),
            pltpu.VMEM_SHARED((n_out_pad, d), jnp.float32),
            pltpu.SemaphoreType.DMA,
            pltpu.SemaphoreType.DMA,
            pltpu.SemaphoreType.DMA,
            pltpu.SemaphoreType.DMA,
        ],
    )


def _segsum(table, src, dst, n_out, zrow):
    d = table.shape[1]
    e = src.shape[0]
    grp = _NW * _C * 4
    e_pad = -(-e // grp) * grp
    pad = e_pad - e
    if pad:
        ar = lax.iota(jnp.int32, pad)
        src = jnp.concatenate([src, zrow + (ar % 8)])
        dst = jnp.concatenate([dst, ar % n_out])
    n_out_pad = -(-(n_out + 8) // (_NS * 8)) * (_NS * 8)
    npt = e_pad // (_NW * _C)
    src2 = src.reshape(_NW, npt, _C)
    dst2 = dst.reshape(_NW, npt, _C)
    zeros = jnp.zeros((n_out_pad // _NS, d), jnp.float32)
    fn = _make_segsum(d, npt, n_out_pad)
    return fn(table, src2, dst2, zeros)


def _dense_layer(p, x, wn, ws, b, bn, n_real):
    n, din = x.shape
    dout = wn.shape[1]
    grid = -(-n // bn)

    def body(p_ref, x_ref, wn_ref, ws_ref, b_ref, o_ref):
        agg = p_ref[0] + p_ref[1]
        y = jnp.dot(agg, wn_ref[...], preferred_element_type=jnp.float32)
        y = y + jnp.dot(x_ref[...], ws_ref[...], preferred_element_type=jnp.float32)
        y = jnp.maximum(y + b_ref[...], 0.0)
        rid = pl.program_id(0) * bn + lax.broadcasted_iota(jnp.int32, y.shape, 0)
        o_ref[...] = jnp.where(rid < n_real, y, 0.0)

    return pl.pallas_call(
        body,
        grid=(grid,),
        in_specs=[
            pl.BlockSpec((2, bn, din), lambda i: (0, i, 0)),
            pl.BlockSpec((bn, din), lambda i: (i, 0)),
            pl.BlockSpec((din, dout), lambda i: (0, 0)),
            pl.BlockSpec((din, dout), lambda i: (0, 0)),
            pl.BlockSpec((1, dout), lambda i: (0, 0)),
        ],
        out_specs=pl.BlockSpec((bn, dout), lambda i: (i, 0)),
        out_shape=jax.ShapeDtypeStruct((n, dout), jnp.float32),
    )(p, x, wn, ws, b.reshape(1, -1))


def _sum_partials(p, n_real):
    _, n_pad, dd = p.shape

    def body(p_ref, o_ref):
        y = p_ref[0] + p_ref[1]
        rid = lax.broadcasted_iota(jnp.int32, y.shape, 0)
        o_ref[...] = jnp.where(rid < n_real, y, 0.0)

    return pl.pallas_call(
        body,
        out_shape=jax.ShapeDtypeStruct((n_pad, dd), jnp.float32),
    )(p)


def _dense_layer_split(p_lo, p_hi, x_lo, x_hi, wn, ws, b, n_real):
    n, dd = x_lo.shape
    dout = wn.shape[1]

    def body(pl_ref, ph_ref, xl_ref, xh_ref, wnl_ref, wnh_ref, wsl_ref,
             wsh_ref, b_ref, o_ref):
        y = jnp.dot(pl_ref[0] + pl_ref[1], wnl_ref[...],
                    preferred_element_type=jnp.float32)
        y = y + jnp.dot(ph_ref[0] + ph_ref[1], wnh_ref[...],
                        preferred_element_type=jnp.float32)
        y = y + jnp.dot(xl_ref[...], wsl_ref[...],
                        preferred_element_type=jnp.float32)
        y = y + jnp.dot(xh_ref[...], wsh_ref[...],
                        preferred_element_type=jnp.float32)
        y = jnp.maximum(y + b_ref[...], 0.0)
        rid = lax.broadcasted_iota(jnp.int32, y.shape, 0)
        o_ref[...] = jnp.where(rid < n_real, y, 0.0)

    return pl.pallas_call(
        body,
        out_shape=jax.ShapeDtypeStruct((n, dout), jnp.float32),
    )(p_lo, p_hi, x_lo, x_hi, wn[:dd], wn[dd:], ws[:dd], ws[dd:],
      b.reshape(1, -1))


def _final_fused(p, xt1, wtn, wts, bt, batch_p, wm0, bm0, wm1, bm1, ng):
    n_pad = xt1.shape[0]
    ncls = wm1.shape[1]

    def body(p_ref, x_ref, wtn_ref, wts_ref, bt_ref, b_ref, wm0_ref, bm0_ref,
             wm1_ref, bm1_ref, o_ref):
        agg = p_ref[0] + p_ref[1]
        zt = jnp.dot(agg, wtn_ref[...], preferred_element_type=jnp.float32)
        zt = zt + jnp.dot(x_ref[...], wts_ref[...], preferred_element_type=jnp.float32)
        zt = jnp.maximum(zt + bt_ref[...], 0.0)
        gids = lax.broadcasted_iota(jnp.int32, (ng, n_pad), 0)
        oh = (gids == b_ref[...]).astype(jnp.float32)
        s = jnp.dot(oh, zt, preferred_element_type=jnp.float32)
        cnt = jnp.sum(oh, axis=1, keepdims=True)
        zg = s / jnp.maximum(cnt, 1.0)
        h = jnp.dot(zg, wm0_ref[...], preferred_element_type=jnp.float32)
        h = jnp.maximum(h + bm0_ref[...], 0.0)
        o_ref[...] = jnp.dot(h, wm1_ref[...], preferred_element_type=jnp.float32) + bm1_ref[...]

    return pl.pallas_call(
        body,
        out_shape=jax.ShapeDtypeStruct((ng, ncls), jnp.float32),
    )(p, xt1, wtn, wts, bt.reshape(1, -1), batch_p, wm0, bm0.reshape(1, -1),
      wm1, bm1.reshape(1, -1))


def kernel(x_cell, edge_index_cell, x_cell_batch, assignment, x_tissue,
           edge_index_tissue, x_tissue_batch,
           Wc_nbr_0, Wc_self_0, bc_0, Wc_nbr_1, Wc_self_1, bc_1,
           Wc_nbr_2, Wc_self_2, bc_2,
           Wt_nbr_0, Wt_self_0, bt_0, Wt_nbr_1, Wt_self_1, bt_1,
           Wm_0, bm_0, Wm_1, bm_1):
    n_cell, d = x_cell.shape
    n_tiss = x_tissue.shape[0]
    ng = 8

    src_c = edge_index_cell[0].astype(jnp.int32)
    dst_c = edge_index_cell[1].astype(jnp.int32)
    src_t = edge_index_tissue[0].astype(jnp.int32)
    dst_t = edge_index_tissue[1].astype(jnp.int32)

    n_cp = n_cell + 16
    x = jnp.zeros((n_cp, d), jnp.float32).at[:n_cell].set(x_cell)
    for wn, ws, b in ((Wc_nbr_0, Wc_self_0, bc_0),
                      (Wc_nbr_1, Wc_self_1, bc_1),
                      (Wc_nbr_2, Wc_self_2, bc_2)):
        p = _segsum(x, src_c, dst_c, n_cell, n_cell)
        x = _dense_layer(p, x, wn, ws, b, 512, n_cell)

    pz = _segsum(x, lax.iota(jnp.int32, n_cell), assignment.astype(jnp.int32),
                 n_tiss, n_cell)
    n_tp = pz.shape[1]
    pooled = _sum_partials(pz, n_tiss)
    xtp = jnp.zeros((n_tp, d), jnp.float32).at[:n_tiss].set(x_tissue)

    pt_lo = _segsum(pooled, src_t, dst_t, n_tiss, n_tiss)
    pt_hi = _segsum(xtp, src_t, dst_t, n_tiss, n_tiss)
    xt1 = _dense_layer_split(pt_lo, pt_hi, pooled, xtp, Wt_nbr_0, Wt_self_0,
                             bt_0, n_tiss)

    pt1 = _segsum(xt1, src_t, dst_t, n_tiss, n_tiss)
    batch_p = jnp.full((1, n_tp), ng + 1, jnp.int32).at[0, :n_tiss].set(
        x_tissue_batch.astype(jnp.int32))
    return _final_fused(pt1, xt1, Wt_nbr_1, Wt_self_1, bt_1, batch_p,
                        Wm_0, bm_0, Wm_1, bm_1, ng)

# --- scband reference (transcript-rebuilt; emitter-appended) ---
"""Pipeline reference for scband-hactnet-57638461112892 (READ-ONLY COPY).

The authoritative reference and input builder live on the scoring server;
editing this copy changes nothing except your own understanding.
"""

import jax, jax.numpy as jnp
import numpy as np

N_CELL = 10000
E_CELL = 320000
N_TISS = 1000
E_TISS = 16000
D = 128
NG = 8
NCLS = 10


def setup_inputs(seed: int = 0) -> dict:
    key = jax.random.key(seed)
    ks = jax.random.split(key, 40)
    inp = {}
    inp["x_cell"] = jax.random.normal(ks[0], (N_CELL, D), dtype=jnp.float32)
    inp["edge_index_cell"] = jax.random.randint(ks[1], (2, E_CELL), 0, N_CELL)
    inp["x_cell_batch"] = jnp.sort(jax.random.randint(ks[2], (N_CELL,), 0, NG))
    inp["assignment"] = jax.random.randint(ks[3], (N_CELL,), 0, N_TISS)
    inp["x_tissue"] = jax.random.normal(ks[4], (N_TISS, D), dtype=jnp.float32)
    inp["edge_index_tissue"] = jax.random.randint(ks[5], (2, E_TISS), 0, N_TISS)
    inp["x_tissue_batch"] = jnp.sort(jax.random.randint(ks[6], (N_TISS,), 0, NG))
    k = 7
    # cell GNN: 3 layers, D -> D
    for l in range(3):
        inp[f"Wc_nbr_{l}"] = jax.random.normal(ks[k], (D, D), dtype=jnp.float32) * 0.05; k += 1
        inp[f"Wc_self_{l}"] = jax.random.normal(ks[k], (D, D), dtype=jnp.float32) * 0.05; k += 1
        inp[f"bc_{l}"] = jnp.zeros((D,), dtype=jnp.float32)
    # tissue GNN: 2 layers, (D + cell_out) = 2D -> D, then D -> D
    inp["Wt_nbr_0"] = jax.random.normal(ks[k], (2 * D, D), dtype=jnp.float32) * 0.05; k += 1
    inp["Wt_self_0"] = jax.random.normal(ks[k], (2 * D, D), dtype=jnp.float32) * 0.05; k += 1
    inp["bt_0"] = jnp.zeros((D,), dtype=jnp.float32)
    inp["Wt_nbr_1"] = jax.random.normal(ks[k], (D, D), dtype=jnp.float32) * 0.05; k += 1
    inp["Wt_self_1"] = jax.random.normal(ks[k], (D, D), dtype=jnp.float32) * 0.05; k += 1
    inp["bt_1"] = jnp.zeros((D,), dtype=jnp.float32)
    # classifier MLP: D -> D -> NCLS
    inp["Wm_0"] = jax.random.normal(ks[k], (D, D), dtype=jnp.float32) * 0.05; k += 1
    inp["bm_0"] = jnp.zeros((D,), dtype=jnp.float32)
    inp["Wm_1"] = jax.random.normal(ks[k], (D, NCLS), dtype=jnp.float32) * 0.05; k += 1
    inp["bm_1"] = jnp.zeros((NCLS,), dtype=jnp.float32)
    return inp


def _gnn(x, src, dst, layers):
    for Wn, Ws, b in layers:
        agg = jax.ops.segment_sum(x[src], dst, num_segments=x.shape[0])
        x = jax.nn.relu(agg @ Wn + x @ Ws + b)
    return x


def _readout_mean(x, batch_ids, num_graphs):
    s = jax.ops.segment_sum(x, batch_ids, num_segments=num_graphs)
    cnt = jax.ops.segment_sum(jnp.ones((x.shape[0],), x.dtype), batch_ids, num_segments=num_graphs)
    return s / jnp.maximum(cnt, 1.0)[:, None]


def reference(x_cell, edge_index_cell, x_cell_batch, assignment, x_tissue,
              edge_index_tissue, x_tissue_batch,
              Wc_nbr_0, Wc_self_0, bc_0, Wc_nbr_1, Wc_self_1, bc_1,
              Wc_nbr_2, Wc_self_2, bc_2,
              Wt_nbr_0, Wt_self_0, bt_0, Wt_nbr_1, Wt_self_1, bt_1,
              Wm_0, bm_0, Wm_1, bm_1):
    cell_layers = [(Wc_nbr_0, Wc_self_0, bc_0), (Wc_nbr_1, Wc_self_1, bc_1), (Wc_nbr_2, Wc_self_2, bc_2)]
    tissue_layers = [(Wt_nbr_0, Wt_self_0, bt_0), (Wt_nbr_1, Wt_self_1, bt_1)]
    # cell GNN, no readout -> node-level embeddings
    z_cell = _gnn(x_cell, edge_index_cell[0], edge_index_cell[1], cell_layers)
    # scatter_sum cell embeddings to tissue nodes
    z_c2t = jax.ops.segment_sum(z_cell, assignment, num_segments=x_tissue.shape[0])
    xt = jnp.concatenate([z_c2t, x_tissue], axis=1)
    # tissue GNN with mean readout per graph
    z_t = _gnn(xt, edge_index_tissue[0], edge_index_tissue[1], tissue_layers)
    z_g = _readout_mean(z_t, x_tissue_batch, NG)
    # classifier MLP
    h = jax.nn.relu(z_g @ Wm_0 + bm_0)
    return h @ Wm_1 + bm_1

if __name__ == "__main__":
    import jax
    _d = setup_inputs()
    print(jax.jit(kernel)(*tuple(_d.values())))

</pallas_src>

<mosaic_0001>
#map = affine_map<(d0, d1) -> (0, 0)>
#map1 = affine_map<(d0, d1) -> (0, 0, 0)>
module attributes {stable_mosaic.version = 14 : i64} {
  func.func @body(%arg0: i32, %arg1: i32, %arg2: memref<10016x128xf32, #tpu.memory_space<hbm>>, %arg3: memref<32x4x128xi32, #tpu.memory_space<hbm>>, %arg4: memref<32x4x128xi32, #tpu.memory_space<hbm>>, %arg5: memref<64x128xf32, #tpu.memory_space<hbm>>, %arg6: memref<2x1024x128xf32, #tpu.memory_space<hbm>>, %arg7: memref<2x128xi32, #tpu.memory_space<vmem>>, %arg8: memref<2x128xi32, #tpu.memory_space<vmem>>, %arg9: memref<128x128xf32, #tpu.memory_space<vmem>>, %arg10: memref<128x128xf32, #tpu.memory_space<vmem>>, %arg11: memref<1024x128xf32, #tpu.memory_space<vmem_shared>>, %arg12: memref<!tpu.dma_semaphore, #tpu.memory_space<semaphore_mem>>, %arg13: memref<!tpu.dma_semaphore, #tpu.memory_space<semaphore_mem>>, %arg14: memref<!tpu.dma_semaphore, #tpu.memory_space<semaphore_mem>>, %arg15: memref<!tpu.dma_semaphore, #tpu.memory_space<semaphore_mem>>) attributes {dimension_semantics = [#tpu.dimension_semantics<core_parallel>, #tpu.dimension_semantics<subcore_parallel>], iteration_bounds = array<i64: 2, 16>, scalar_prefetch = 0 : i64, scratch_operands = 9 : i64, tpu.core_type = #tpu.core_type<sc_vector_subcore>, window_params = [{transform_indices = #map}, {transform_indices = #map1}, {transform_indices = #map1}, {transform_indices = #map}, {transform_indices = #map1}]} {
    %mul3A = arith.constant 2 : i32
    %mul3A_0 = arith.muli %arg1, %mul3A : i32
    %add3A = arith.addi %mul3A_0, %arg0 : i32
    %mul3A_1 = arith.constant 64 : i32
    %mul3A_2 = arith.muli %arg1, %mul3A_1 : i32
    "tpu.region"() ({
      %run_scoped3A = tpu.sem_alloc : memref<!tpu.dma_semaphore, #tpu.memory_space<semaphore_mem>>
      %dma_start3A_146 = arith.constant 0 : i32
      %dma_start3A_147 = arith.constant 0 : i32
      %dma_start3A_148 = tpu.memref_slice %arg3[%add3A, %dma_start3A_146, %dma_start3A_147] : memref<32x4x128xi32, #tpu.memory_space<hbm>> -> memref<1x4x128xi32, #tpu.memory_space<hbm>>
      %dma_start3A_149 = tpu.memref_squeeze %dma_start3A_148 : memref<1x4x128xi32, #tpu.memory_space<hbm>> -> memref<4x128xi32, #tpu.memory_space<hbm>>
      %dma_start3A_150 = arith.constant 0 : i32
      %dma_start3A_151 = arith.constant 0 : i32
      %dma_start3A_152 = tpu.memref_slice %dma_start3A_149[%dma_start3A_150, %dma_start3A_151] : memref<4x128xi32, #tpu.memory_space<hbm>> -> memref<2x128xi32, #tpu.memory_space<hbm>>
      %dma_start3A_153 = arith.constant 0 : i32
      %dma_start3A_154 = arith.constant 0 : i32
      %dma_start3A_155 = tpu.memref_slice %arg3[%add3A, %dma_start3A_153, %dma_start3A_154] : memref<32x4x128xi32, #tpu.memory_space<hbm>> -> memref<1x4x128xi32, #tpu.memory_space<hbm>>
      %dma_start3A_156 = tpu.memref_squeeze %dma_start3A_155 : memref<1x4x128xi32, #tpu.memory_space<hbm>> -> memref<4x128xi32, #tpu.memory_space<hbm>>
      %dma_start3A_157 = arith.constant 0 : i32
      %dma_start3A_158 = arith.constant 0 : i32
      %dma_start3A_159 = tpu.memref_slice %dma_start3A_156[%dma_start3A_157, %dma_start3A_158] : memref<4x128xi32, #tpu.memory_space<hbm>> -> memref<2x128xi32, #tpu.memory_space<hbm>>
      tpu.enqueue_dma source(%dma_start3A_159 : memref<2x128xi32, #tpu.memory_space<hbm>>) target(%arg7 : memref<2x128xi32, #tpu.memory_space<vmem>>) target_semaphore(%run_scoped3A : memref<!tpu.dma_semaphore, #tpu.memory_space<semaphore_mem>>)
      %dma_wait3A_160 = arith.constant 0 : i32
      %dma_wait3A_161 = arith.constant 0 : i32
      %dma_wait3A_162 = tpu.memref_slice %arg3[%add3A, %dma_wait3A_160, %dma_wait3A_161] : memref<32x4x128xi32, #tpu.memory_space<hbm>> -> memref<1x4x128xi32, #tpu.memory_space<hbm>>
      %dma_wait3A_163 = tpu.memref_squeeze %dma_wait3A_162 : memref<1x4x128xi32, #tpu.memory_space<hbm>> -> memref<4x128xi32, #tpu.memory_space<hbm>>
      %dma_wait3A_164 = arith.constant 0 : i32
      %dma_wait3A_165 = arith.constant 0 : i32
      %dma_wait3A_166 = tpu.memref_slice %dma_wait3A_163[%dma_wait3A_164, %dma_wait3A_165] : memref<4x128xi32, #tpu.memory_space<hbm>> -> memref<2x128xi32, #tpu.memory_space<hbm>>
      %dma_wait3A_167 = arith.constant 0 : i32
      %dma_wait3A_168 = arith.constant 0 : i32
      %dma_wait3A_169 = tpu.memref_slice %arg3[%add3A, %dma_wait3A_167, %dma_wait3A_168] : memref<32x4x128xi32, #tpu.memory_space<hbm>> -> memref<1x4x128xi32, #tpu.memory_space<hbm>>
      %dma_wait3A_170 = tpu.memref_squeeze %dma_wait3A_169 : memref<1x4x128xi32, #tpu.memory_space<hbm>> -> memref<4x128xi32, #tpu.memory_space<hbm>>
      %dma_wait3A_171 = arith.constant 0 : i32
      %dma_wait3A_172 = arith.constant 0 : i32
      %dma_wait3A_173 = tpu.memref_slice %dma_wait3A_170[%dma_wait3A_171, %dma_wait3A_172] : memref<4x128xi32, #tpu.memory_space<hbm>> -> memref<2x128xi32, #tpu.memory_space<hbm>>
      tpu.wait_dma2 semaphore(%run_scoped3A : memref<!tpu.dma_semaphore, #tpu.memory_space<semaphore_mem>>) src(%dma_wait3A_173 : memref<2x128xi32, #tpu.memory_space<hbm>>) dst(%arg7 : memref<2x128xi32, #tpu.memory_space<vmem>>)
      tpu.yield
    }) : () -> ()
    "tpu.region"() ({
      %run_scoped3A = tpu.sem_alloc : memref<!tpu.dma_semaphore, #tpu.memory_space<semaphore_mem>>
      %dma_start3A_146 = arith.constant 0 : i32
      %dma_start3A_147 = arith.constant 0 : i32
      %dma_start3A_148 = tpu.memref_slice %arg4[%add3A, %dma_start3A_146, %dma_start3A_147] : memref<32x4x128xi32, #tpu.memory_space<hbm>> -> memref<1x4x128xi32, #tpu.memory_space<hbm>>
      %dma_start3A_149 = tpu.memref_squeeze %dma_start3A_148 : memref<1x4x128xi32, #tpu.memory_space<hbm>> -> memref<4x128xi32, #tpu.memory_space<hbm>>
      %dma_start3A_150 = arith.constant 0 : i32
      %dma_start3A_151 = arith.constant 0 : i32
      %dma_start3A_152 = tpu.memref_slice %dma_start3A_149[%dma_start3A_150, %dma_start3A_151] : memref<4x128xi32, #tpu.memory_space<hbm>> -> memref<2x128xi32, #tpu.memory_space<hbm>>
      %dma_start3A_153 = arith.constant 0 : i32
      %dma_start3A_154 = arith.constant 0 : i32
      %dma_start3A_155 = tpu.memref_slice %arg4[%add3A, %dma_start3A_153, %dma_start3A_154] : memref<32x4x128xi32, #tpu.memory_space<hbm>> -> memref<1x4x128xi32, #tpu.memory_space<hbm>>
      %dma_start3A_156 = tpu.memref_squeeze %dma_start3A_155 : memref<1x4x128xi32, #tpu.memory_space<hbm>> -> memref<4x128xi32, #tpu.memory_space<hbm>>
      %dma_start3A_157 = arith.constant 0 : i32
      %dma_start3A_158 = arith.constant 0 : i32
      %dma_start3A_159 = tpu.memref_slice %dma_start3A_156[%dma_start3A_157, %dma_start3A_158] : memref<4x128xi32, #tpu.memory_space<hbm>> -> memref<2x128xi32, #tpu.memory_space<hbm>>
      tpu.enqueue_dma source(%dma_start3A_159 : memref<2x128xi32, #tpu.memory_space<hbm>>) target(%arg8 : memref<2x128xi32, #tpu.memory_space<vmem>>) target_semaphore(%run_scoped3A : memref<!tpu.dma_semaphore, #tpu.memory_space<semaphore_mem>>)
      %dma_wait3A_160 = arith.constant 0 : i32
      %dma_wait3A_161 = arith.constant 0 : i32
      %dma_wait3A_162 = tpu.memref_slice %arg4[%add3A, %dma_wait3A_160, %dma_wait3A_161] : memref<32x4x128xi32, #tpu.memory_space<hbm>> -> memref<1x4x128xi32, #tpu.memory_space<hbm>>
      %dma_wait3A_163 = tpu.memref_squeeze %dma_wait3A_162 : memref<1x4x128xi32, #tpu.memory_space<hbm>> -> memref<4x128xi32, #tpu.memory_space<hbm>>
      %dma_wait3A_164 = arith.constant 0 : i32
      %dma_wait3A_165 = arith.constant 0 : i32
      %dma_wait3A_166 = tpu.memref_slice %dma_wait3A_163[%dma_wait3A_164, %dma_wait3A_165] : memref<4x128xi32, #tpu.memory_space<hbm>> -> memref<2x128xi32, #tpu.memory_space<hbm>>
      %dma_wait3A_167 = arith.constant 0 : i32
      %dma_wait3A_168 = arith.constant 0 : i32
      %dma_wait3A_169 = tpu.memref_slice %arg4[%add3A, %dma_wait3A_167, %dma_wait3A_168] : memref<32x4x128xi32, #tpu.memory_space<hbm>> -> memref<1x4x128xi32, #tpu.memory_space<hbm>>
      %dma_wait3A_170 = tpu.memref_squeeze %dma_wait3A_169 : memref<1x4x128xi32, #tpu.memory_space<hbm>> -> memref<4x128xi32, #tpu.memory_space<hbm>>
      %dma_wait3A_171 = arith.constant 0 : i32
      %dma_wait3A_172 = arith.constant 0 : i32
      %dma_wait3A_173 = tpu.memref_slice %dma_wait3A_170[%dma_wait3A_171, %dma_wait3A_172] : memref<4x128xi32, #tpu.memory_space<hbm>> -> memref<2x128xi32, #tpu.memory_space<hbm>>
      tpu.wait_dma2 semaphore(%run_scoped3A : memref<!tpu.dma_semaphore, #tpu.memory_space<semaphore_mem>>) src(%dma_wait3A_173 : memref<2x128xi32, #tpu.memory_space<hbm>>) dst(%arg8 : memref<2x128xi32, #tpu.memory_space<vmem>>)
      tpu.yield
    }) : () -> ()
    "tpu.region"() ({
      %run_scoped3A = tpu.sem_alloc : memref<!tpu.dma_semaphore, #tpu.memory_space<semaphore_mem>>
      %dma_start3A_146 = arith.constant 0 : i32
      %dma_start3A_147 = tpu.memref_slice %arg11[%mul3A_2, %dma_start3A_146] : memref<1024x128xf32, #tpu.memory_space<vmem_shared>> -> memref<64x128xf32, #tpu.memory_space<vmem_shared>>
      tpu.enqueue_dma source(%arg5 : memref<64x128xf32, #tpu.memory_space<hbm>>) target(%dma_start3A_147 : memref<64x128xf32, #tpu.memory_space<vmem_shared>>) target_semaphore(%run_scoped3A : memref<!tpu.dma_semaphore, #tpu.memory_space<semaphore_mem>>)
      %dma_wait3A_148 = arith.constant 0 : i32
      %dma_wait3A_149 = tpu.memref_slice %arg11[%mul3A_2, %dma_wait3A_148] : memref<1024x128xf32, #tpu.memory_space<vmem_shared>> -> memref<64x128xf32, #tpu.memory_space<vmem_shared>>
      tpu.wait_dma2 semaphore(%run_scoped3A : memref<!tpu.dma_semaphore, #tpu.memory_space<semaphore_mem>>) src(%arg5 : memref<64x128xf32, #tpu.memory_space<hbm>>) dst(%dma_wait3A_149 : memref<64x128xf32, #tpu.memory_space<vmem_shared>>)
      tpu.yield
    }) : () -> ()
    %dma_start3A = arith.constant 0 : i32
    %dma_start3A_3 = arith.constant 0 : i32
    %dma_start3A_4 = tpu.memref_slice %arg7[%dma_start3A, %dma_start3A_3] : memref<2x128xi32, #tpu.memory_space<vmem>> -> memref<1x128xi32, #tpu.memory_space<vmem>>
    %dma_start3A_5 = tpu.memref_squeeze %dma_start3A_4 : memref<1x128xi32, #tpu.memory_space<vmem>> -> memref<128xi32, #tpu.memory_space<vmem>>
    %dma_start3A_6 = arith.constant 0 : i32
    %dma_start3A_7 = arith.constant 0 : i32
    %dma_start3A_8 = tpu.memref_slice %arg2[%dma_start3A_6, %dma_start3A_7] : memref<10016x128xf32, #tpu.memory_space<hbm>> -> memref<10016x128xf32, #tpu.memory_space<hbm>>
    tpu.enqueue_indirect_dma source(%dma_start3A_8 : memref<10016x128xf32, #tpu.memory_space<hbm>>) target(%arg9 : memref<128x128xf32, #tpu.memory_space<vmem>>) offsets(%dma_start3A_5 : memref<128xi32, #tpu.memory_space<vmem>>) semaphore(%arg12 : memref<!tpu.dma_semaphore, #tpu.memory_space<semaphore_mem>>)
    %barrier3A = arith.constant 0 : index
    tpu.barrier barrier_id(%barrier3A)
    %scan3A = arith.constant 0 : i32
    %scan3A_9 = arith.constant 0 : i32
    %mul3A_10 = arith.constant 2 : i32
    %mul3A_11 = arith.muli %mul3A_10, %scan3A_9 : i32
    %add3A_12 = arith.constant 1 : i32
    %add3A_13 = arith.addi %mul3A_11, %add3A_12 : i32
    %add3A_14 = arith.constant 2 : i32
    %add3A_15 = arith.addi %mul3A_11, %add3A_14 : i32
    %rem3A = arith.constant 2 : i32
    %rem3A_16 = arith.remsi %add3A_15, %rem3A : i32
    %dma_wait3A = arith.constant 0 : i32
    %dma_wait3A_17 = tpu.memref_slice %arg7[%mul3A_11, %dma_wait3A] : memref<2x128xi32, #tpu.memory_space<vmem>> -> memref<1x128xi32, #tpu.memory_space<vmem>>
    %dma_wait3A_18 = tpu.memref_squeeze %dma_wait3A_17 : memref<1x128xi32, #tpu.memory_space<vmem>> -> memref<128xi32, #tpu.memory_space<vmem>>
    %dma_wait3A_19 = arith.constant 0 : i32
    %dma_wait3A_20 = arith.constant 0 : i32
    %dma_wait3A_21 = tpu.memref_slice %arg2[%dma_wait3A_19, %dma_wait3A_20] : memref<10016x128xf32, #tpu.memory_space<hbm>> -> memref<10016x128xf32, #tpu.memory_space<hbm>>
    tpu.wait_indirect_dma semaphore(%arg12 : memref<!tpu.dma_semaphore, #tpu.memory_space<semaphore_mem>>) src(%dma_wait3A_21 : memref<10016x128xf32, #tpu.memory_space<hbm>>) dst(%arg9 : memref<128x128xf32, #tpu.memory_space<vmem>>)
    %dma_start3A_22 = arith.constant 0 : i32
    %dma_start3A_23 = tpu.memref_slice %arg7[%add3A_13, %dma_start3A_22] : memref<2x128xi32, #tpu.memory_space<vmem>> -> memref<1x128xi32, #tpu.memory_space<vmem>>
    %dma_start3A_24 = tpu.memref_squeeze %dma_start3A_23 : memref<1x128xi32, #tpu.memory_space<vmem>> -> memref<128xi32, #tpu.memory_space<vmem>>
    %dma_start3A_25 = arith.constant 0 : i32
    %dma_start3A_26 = arith.constant 0 : i32
    %dma_start3A_27 = tpu.memref_slice %arg2[%dma_start3A_25, %dma_start3A_26] : memref<10016x128xf32, #tpu.memory_space<hbm>> -> memref<10016x128xf32, #tpu.memory_space<hbm>>
    tpu.enqueue_indirect_dma source(%dma_start3A_27 : memref<10016x128xf32, #tpu.memory_space<hbm>>) target(%arg10 : memref<128x128xf32, #tpu.memory_space<vmem>>) offsets(%dma_start3A_24 : memref<128xi32, #tpu.memory_space<vmem>>) semaphore(%arg13 : memref<!tpu.dma_semaphore, #tpu.memory_space<semaphore_mem>>)
    %dma_start3A_28 = arith.constant 0 : i32
    %dma_start3A_29 = tpu.memref_slice %arg8[%mul3A_11, %dma_start3A_28] : memref<2x128xi32, #tpu.memory_space<vmem>> -> memref<1x128xi32, #tpu.memory_space<vmem>>
    %dma_start3A_30 = tpu.memref_squeeze %dma_start3A_29 : memref<1x128xi32, #tpu.memory_space<vmem>> -> memref<128xi32, #tpu.memory_space<vmem>>
    %dma_start3A_31 = arith.constant 0 : i32
    %dma_start3A_32 = arith.constant 0 : i32
    %dma_start3A_33 = tpu.memref_slice %arg11[%dma_start3A_31, %dma_start3A_32] : memref<1024x128xf32, #tpu.memory_space<vmem_shared>> -> memref<1024x128xf32, #tpu.memory_space<vmem_shared>>
    tpu.enqueue_indirect_dma source(%arg9 : memref<128x128xf32, #tpu.memory_space<vmem>>) target(%dma_start3A_33 : memref<1024x128xf32, #tpu.memory_space<vmem_shared>>) offsets(%dma_start3A_30 : memref<128xi32, #tpu.memory_space<vmem>>) semaphore(%arg14 : memref<!tpu.dma_semaphore, #tpu.memory_space<semaphore_mem>>) {add = true}
    %dma_wait3A_34 = arith.constant 0 : i32
    %dma_wait3A_35 = tpu.memref_slice %arg7[%add3A_13, %dma_wait3A_34] : memref<2x128xi32, #tpu.memory_space<vmem>> -> memref<1x128xi32, #tpu.memory_space<vmem>>
    %dma_wait3A_36 = tpu.memref_squeeze %dma_wait3A_35 : memref<1x128xi32, #tpu.memory_space<vmem>> -> memref<128xi32, #tpu.memory_space<vmem>>
    %dma_wait3A_37 = arith.constant 0 : i32
    %dma_wait3A_38 = arith.constant 0 : i32
    %dma_wait3A_39 = tpu.memref_slice %arg2[%dma_wait3A_37, %dma_wait3A_38] : memref<10016x128xf32, #tpu.memory_space<hbm>> -> memref<10016x128xf32, #tpu.memory_space<hbm>>
    tpu.wait_indirect_dma semaphore(%arg13 : memref<!tpu.dma_semaphore, #tpu.memory_space<semaphore_mem>>) src(%dma_wait3A_39 : memref<10016x128xf32, #tpu.memory_space<hbm>>) dst(%arg10 : memref<128x128xf32, #tpu.memory_space<vmem>>)
    %dma_wait3A_40 = arith.constant 0 : i32
    %dma_wait3A_41 = tpu.memref_slice %arg8[%mul3A_11, %dma_wait3A_40] : memref<2x128xi32, #tpu.memory_space<vmem>> -> memref<1x128xi32, #tpu.memory_space<vmem>>
    %dma_wait3A_42 = tpu.memref_squeeze %dma_wait3A_41 : memref<1x128xi32, #tpu.memory_space<vmem>> -> memref<128xi32, #tpu.memory_space<vmem>>
    %dma_wait3A_43 = arith.constant 0 : i32
    %dma_wait3A_44 = arith.constant 0 : i32
    %dma_wait3A_45 = tpu.memref_slice %arg11[%dma_wait3A_43, %dma_wait3A_44] : memref<1024x128xf32, #tpu.memory_space<vmem_shared>> -> memref<1024x128xf32, #tpu.memory_space<vmem_shared>>
    tpu.wait_indirect_dma semaphore(%arg14 : memref<!tpu.dma_semaphore, #tpu.memory_space<semaphore_mem>>) src(%arg9 : memref<128x128xf32, #tpu.memory_space<vmem>>) dst(%dma_wait3A_45 : memref<1024x128xf32, #tpu.memory_space<vmem_shared>>)
    %dma_start3A_46 = arith.constant 0 : i32
    %dma_start3A_47 = tpu.memref_slice %arg8[%add3A_13, %dma_start3A_46] : memref<2x128xi32, #tpu.memory_space<vmem>> -> memref<1x128xi32, #tpu.memory_space<vmem>>
    %dma_start3A_48 = tpu.memref_squeeze %dma_start3A_47 : memref<1x128xi32, #tpu.memory_space<vmem>> -> memref<128xi32, #tpu.memory_space<vmem>>
    %dma_start3A_49 = arith.constant 0 : i32
    %dma_start3A_50 = arith.constant 0 : i32
    %dma_start3A_51 = tpu.memref_slice %arg11[%dma_start3A_49, %dma_start3A_50] : memref<1024x128xf32, #tpu.memory_space<vmem_shared>> -> memref<1024x128xf32, #tpu.memory_space<vmem_shared>>
    tpu.enqueue_indirect_dma source(%arg10 : memref<128x128xf32, #tpu.memory_space<vmem>>) target(%dma_start3A_51 : memref<1024x128xf32, #tpu.memory_space<vmem_shared>>) offsets(%dma_start3A_48 : memref<128xi32, #tpu.memory_space<vmem>>) semaphore(%arg15 : memref<!tpu.dma_semaphore, #tpu.memory_space<semaphore_mem>>) {add = true}
    %dma_start3A_52 = arith.constant 0 : i32
    %dma_start3A_53 = tpu.memref_slice %arg7[%rem3A_16, %dma_start3A_52] : memref<2x128xi32, #tpu.memory_space<vmem>> -> memref<1x128xi32, #tpu.memory_space<vmem>>
    %dma_start3A_54 = tpu.memref_squeeze %dma_start3A_53 : memref<1x128xi32, #tpu.memory_space<vmem>> -> memref<128xi32, #tpu.memory_space<vmem>>
    %dma_start3A_55 = arith.constant 0 : i32
    %dma_start3A_56 = arith.constant 0 : i32
    %dma_start3A_57 = tpu.memref_slice %arg2[%dma_start3A_55, %dma_start3A_56] : memref<10016x128xf32, #tpu.memory_space<hbm>> -> memref<10016x128xf32, #tpu.memory_space<hbm>>
    tpu.enqueue_indirect_dma source(%dma_start3A_57 : memref<10016x128xf32, #tpu.memory_space<hbm>>) target(%arg9 : memref<128x128xf32, #tpu.memory_space<vmem>>) offsets(%dma_start3A_54 : memref<128xi32, #tpu.memory_space<vmem>>) semaphore(%arg12 : memref<!tpu.dma_semaphore, #tpu.memory_space<semaphore_mem>>)
    %dma_wait3A_58 = arith.constant 0 : i32
    %dma_wait3A_59 = tpu.memref_slice %arg8[%add3A_13, %dma_wait3A_58] : memref<2x128xi32, #tpu.memory_space<vmem>> -> memref<1x128xi32, #tpu.memory_space<vmem>>
    %dma_wait3A_60 = tpu.memref_squeeze %dma_wait3A_59 : memref<1x128xi32, #tpu.memory_space<vmem>> -> memref<128xi32, #tpu.memory_space<vmem>>
    %dma_wait3A_61 = arith.constant 0 : i32
    %dma_wait3A_62 = arith.constant 0 : i32
    %dma_wait3A_63 = tpu.memref_slice %arg11[%dma_wait3A_61, %dma_wait3A_62] : memref<1024x128xf32, #tpu.memory_space<vmem_shared>> -> memref<1024x128xf32, #tpu.memory_space<vmem_shared>>
    tpu.wait_indirect_dma semaphore(%arg15 : memref<!tpu.dma_semaphore, #tpu.memory_space<semaphore_mem>>) src(%arg10 : memref<128x128xf32, #tpu.memory_space<vmem>>) dst(%dma_wait3A_63 : memref<1024x128xf32, #tpu.memory_space<vmem_shared>>)
    %scan3A_64 = arith.constant 1 : i32
    %dma_wait3A_65 = arith.constant 0 : i32
    %dma_wait3A_66 = arith.constant 0 : i32
    %dma_wait3A_67 = tpu.memref_slice %arg7[%dma_wait3A_65, %dma_wait3A_66] : memref<2x128xi32, #tpu.memory_space<vmem>> -> memref<1x128xi32, #tpu.memory_space<vmem>>
    %dma_wait3A_68 = tpu.memref_squeeze %dma_wait3A_67 : memref<1x128xi32, #tpu.memory_space<vmem>> -> memref<128xi32, #tpu.memory_space<vmem>>
    %dma_wait3A_69 = arith.constant 0 : i32
    %dma_wait3A_70 = arith.constant 0 : i32
    %dma_wait3A_71 = tpu.memref_slice %arg2[%dma_wait3A_69, %dma_wait3A_70] : memref<10016x128xf32, #tpu.memory_space<hbm>> -> memref<10016x128xf32, #tpu.memory_space<hbm>>
    tpu.wait_indirect_dma semaphore(%arg12 : memref<!tpu.dma_semaphore, #tpu.memory_space<semaphore_mem>>) src(%dma_wait3A_71 : memref<10016x128xf32, #tpu.memory_space<hbm>>) dst(%arg9 : memref<128x128xf32, #tpu.memory_space<vmem>>)
    "tpu.region"() ({
      %run_scoped3A = tpu.sem_alloc : memref<!tpu.dma_semaphore, #tpu.memory_space<semaphore_mem>>
      %dma_start3A_146 = arith.constant 0 : i32
      %dma_start3A_147 = arith.constant 0 : i32
      %dma_start3A_148 = tpu.memref_slice %arg3[%add3A, %dma_start3A_146, %dma_start3A_147] : memref<32x4x128xi32, #tpu.memory_space<hbm>> -> memref<1x4x128xi32, #tpu.memory_space<hbm>>
      %dma_start3A_149 = tpu.memref_squeeze %dma_start3A_148 : memref<1x4x128xi32, #tpu.memory_space<hbm>> -> memref<4x128xi32, #tpu.memory_space<hbm>>
      %dma_start3A_150 = arith.constant 2 : i32
      %dma_start3A_151 = arith.constant 0 : i32
      %dma_start3A_152 = tpu.memref_slice %dma_start3A_149[%dma_start3A_150, %dma_start3A_151] : memref<4x128xi32, #tpu.memory_space<hbm>> -> memref<2x128xi32, #tpu.memory_space<hbm>>
      %dma_start3A_153 = arith.constant 0 : i32
      %dma_start3A_154 = arith.constant 0 : i32
      %dma_start3A_155 = tpu.memref_slice %arg3[%add3A, %dma_start3A_153, %dma_start3A_154] : memref<32x4x128xi32, #tpu.memory_space<hbm>> -> memref<1x4x128xi32, #tpu.memory_space<hbm>>
      %dma_start3A_156 = tpu.memref_squeeze %dma_start3A_155 : memref<1x4x128xi32, #tpu.memory_space<hbm>> -> memref<4x128xi32, #tpu.memory_space<hbm>>
      %dma_start3A_157 = arith.constant 2 : i32
      %dma_start3A_158 = arith.constant 0 : i32
      %dma_start3A_159 = tpu.memref_slice %dma_start3A_156[%dma_start3A_157, %dma_start3A_158] : memref<4x128xi32, #tpu.memory_space<hbm>> -> memref<2x128xi32, #tpu.memory_space<hbm>>
      tpu.enqueue_dma source(%dma_start3A_159 : memref<2x128xi32, #tpu.memory_space<hbm>>) target(%arg7 : memref<2x128xi32, #tpu.memory_space<vmem>>) target_semaphore(%run_scoped3A : memref<!tpu.dma_semaphore, #tpu.memory_space<semaphore_mem>>)
      %dma_wait3A_160 = arith.constant 0 : i32
      %dma_wait3A_161 = arith.constant 0 : i32
      %dma_wait3A_162 = tpu.memref_slice %arg3[%add3A, %dma_wait3A_160, %dma_wait3A_161] : memref<32x4x128xi32, #tpu.memory_space<hbm>> -> memref<1x4x128xi32, #tpu.memory_space<hbm>>
      %dma_wait3A_163 = tpu.memref_squeeze %dma_wait3A_162 : memref<1x4x128xi32, #tpu.memory_space<hbm>> -> memref<4x128xi32, #tpu.memory_space<hbm>>
      %dma_wait3A_164 = arith.constant 2 : i32
      %dma_wait3A_165 = arith.constant 0 : i32
      %dma_wait3A_166 = tpu.memref_slice %dma_wait3A_163[%dma_wait3A_164, %dma_wait3A_165] : memref<4x128xi32, #tpu.memory_space<hbm>> -> memref<2x128xi32, #tpu.memory_space<hbm>>
      %dma_wait3A_167 = arith.constant 0 : i32
      %dma_wait3A_168 = arith.constant 0 : i32
      %dma_wait3A_169 = tpu.memref_slice %arg3[%add3A, %dma_wait3A_167, %dma_wait3A_168] : memref<32x4x128xi32, #tpu.memory_space<hbm>> -> memref<1x4x128xi32, #tpu.memory_space<hbm>>
      %dma_wait3A_170 = tpu.memref_squeeze %dma_wait3A_169 : memref<1x4x128xi32, #tpu.memory_space<hbm>> -> memref<4x128xi32, #tpu.memory_space<hbm>>
      %dma_wait3A_171 = arith.constant 2 : i32
      %dma_wait3A_172 = arith.constant 0 : i32
      %dma_wait3A_173 = tpu.memref_slice %dma_wait3A_170[%dma_wait3A_171, %dma_wait3A_172] : memref<4x128xi32, #tpu.memory_space<hbm>> -> memref<2x128xi32, #tpu.memory_space<hbm>>
      tpu.wait_dma2 semaphore(%run_scoped3A : memref<!tpu.dma_semaphore, #tpu.memory_space<semaphore_mem>>) src(%dma_wait3A_173 : memref<2x128xi32, #tpu.memory_space<hbm>>) dst(%arg7 : memref<2x128xi32, #tpu.memory_space<vmem>>)
      tpu.yield
    }) : () -> ()
    "tpu.region"() ({
      %run_scoped3A = tpu.sem_alloc : memref<!tpu.dma_semaphore, #tpu.memory_space<semaphore_mem>>
      %dma_start3A_146 = arith.constant 0 : i32
      %dma_start3A_147 = arith.constant 0 : i32
      %dma_start3A_148 = tpu.memref_slice %arg4[%add3A, %dma_start3A_146, %dma_start3A_147] : memref<32x4x128xi32, #tpu.memory_space<hbm>> -> memref<1x4x128xi32, #tpu.memory_space<hbm>>
      %dma_start3A_149 = tpu.memref_squeeze %dma_start3A_148 : memref<1x4x128xi32, #tpu.memory_space<hbm>> -> memref<4x128xi32, #tpu.memory_space<hbm>>
      %dma_start3A_150 = arith.constant 2 : i32
      %dma_start3A_151 = arith.constant 0 : i32
      %dma_start3A_152 = tpu.memref_slice %dma_start3A_149[%dma_start3A_150, %dma_start3A_151] : memref<4x128xi32, #tpu.memory_space<hbm>> -> memref<2x128xi32, #tpu.memory_space<hbm>>
      %dma_start3A_153 = arith.constant 0 : i32
      %dma_start3A_154 = arith.constant 0 : i32
      %dma_start3A_155 = tpu.memref_slice %arg4[%add3A, %dma_start3A_153, %dma_start3A_154] : memref<32x4x128xi32, #tpu.memory_space<hbm>> -> memref<1x4x128xi32, #tpu.memory_space<hbm>>
      %dma_start3A_156 = tpu.memref_squeeze %dma_start3A_155 : memref<1x4x128xi32, #tpu.memory_space<hbm>> -> memref<4x128xi32, #tpu.memory_space<hbm>>
      %dma_start3A_157 = arith.constant 2 : i32
      %dma_start3A_158 = arith.constant 0 : i32
      %dma_start3A_159 = tpu.memref_slice %dma_start3A_156[%dma_start3A_157, %dma_start3A_158] : memref<4x128xi32, #tpu.memory_space<hbm>> -> memref<2x128xi32, #tpu.memory_space<hbm>>
      tpu.enqueue_dma source(%dma_start3A_159 : memref<2x128xi32, #tpu.memory_space<hbm>>) target(%arg8 : memref<2x128xi32, #tpu.memory_space<vmem>>) target_semaphore(%run_scoped3A : memref<!tpu.dma_semaphore, #tpu.memory_space<semaphore_mem>>)
      %dma_wait3A_160 = arith.constant 0 : i32
      %dma_wait3A_161 = arith.constant 0 : i32
      %dma_wait3A_162 = tpu.memref_slice %arg4[%add3A, %dma_wait3A_160, %dma_wait3A_161] : memref<32x4x128xi32, #tpu.memory_space<hbm>> -> memref<1x4x128xi32, #tpu.memory_space<hbm>>
      %dma_wait3A_163 = tpu.memref_squeeze %dma_wait3A_162 : memref<1x4x128xi32, #tpu.memory_space<hbm>> -> memref<4x128xi32, #tpu.memory_space<hbm>>
      %dma_wait3A_164 = arith.constant 2 : i32
      %dma_wait3A_165 = arith.constant 0 : i32
      %dma_wait3A_166 = tpu.memref_slice %dma_wait3A_163[%dma_wait3A_164, %dma_wait3A_165] : memref<4x128xi32, #tpu.memory_space<hbm>> -> memref<2x128xi32, #tpu.memory_space<hbm>>
      %dma_wait3A_167 = arith.constant 0 : i32
      %dma_wait3A_168 = arith.constant 0 : i32
      %dma_wait3A_169 = tpu.memref_slice %arg4[%add3A, %dma_wait3A_167, %dma_wait3A_168] : memref<32x4x128xi32, #tpu.memory_space<hbm>> -> memref<1x4x128xi32, #tpu.memory_space<hbm>>
      %dma_wait3A_170 = tpu.memref_squeeze %dma_wait3A_169 : memref<1x4x128xi32, #tpu.memory_space<hbm>> -> memref<4x128xi32, #tpu.memory_space<hbm>>
      %dma_wait3A_171 = arith.constant 2 : i32
      %dma_wait3A_172 = arith.constant 0 : i32
      %dma_wait3A_173 = tpu.memref_slice %dma_wait3A_170[%dma_wait3A_171, %dma_wait3A_172] : memref<4x128xi32, #tpu.memory_space<hbm>> -> memref<2x128xi32, #tpu.memory_space<hbm>>
      tpu.wait_dma2 semaphore(%run_scoped3A : memref<!tpu.dma_semaphore, #tpu.memory_space<semaphore_mem>>) src(%dma_wait3A_173 : memref<2x128xi32, #tpu.memory_space<hbm>>) dst(%arg8 : memref<2x128xi32, #tpu.memory_space<vmem>>)
      tpu.yield
    }) : () -> ()
    %dma_start3A_72 = arith.constant 0 : i32
    %dma_start3A_73 = arith.constant 0 : i32
    %dma_start3A_74 = tpu.memref_slice %arg7[%dma_start3A_72, %dma_start3A_73] : memref<2x128xi32, #tpu.memory_space<vmem>> -> memref<1x128xi32, #tpu.memory_space<vmem>>
    %dma_start3A_75 = tpu.memref_squeeze %dma_start3A_74 : memref<1x128xi32, #tpu.memory_space<vmem>> -> memref<128xi32, #tpu.memory_space<vmem>>
    %dma_start3A_76 = arith.constant 0 : i32
    %dma_start3A_77 = arith.constant 0 : i32
    %dma_start3A_78 = tpu.memref_slice %arg2[%dma_start3A_76, %dma_start3A_77] : memref<10016x128xf32, #tpu.memory_space<hbm>> -> memref<10016x128xf32, #tpu.memory_space<hbm>>
    tpu.enqueue_indirect_dma source(%dma_start3A_78 : memref<10016x128xf32, #tpu.memory_space<hbm>>) target(%arg9 : memref<128x128xf32, #tpu.memory_space<vmem>>) offsets(%dma_start3A_75 : memref<128xi32, #tpu.memory_space<vmem>>) semaphore(%arg12 : memref<!tpu.dma_semaphore, #tpu.memory_space<semaphore_mem>>)
    %scan3A_79 = arith.constant 0 : i32
    %scan3A_80 = arith.constant 0 : i32
    %mul3A_81 = arith.constant 2 : i32
    %mul3A_82 = arith.muli %mul3A_81, %scan3A_80 : i32
    %add3A_83 = arith.constant 1 : i32
    %add3A_84 = arith.addi %mul3A_82, %add3A_83 : i32
    %add3A_85 = arith.constant 2 : i32
    %add3A_86 = arith.addi %mul3A_82, %add3A_85 : i32
    %rem3A_87 = arith.constant 2 : i32
    %rem3A_88 = arith.remsi %add3A_86, %rem3A_87 : i32
    %dma_wait3A_89 = arith.constant 0 : i32
    %dma_wait3A_90 = tpu.memref_slice %arg7[%mul3A_82, %dma_wait3A_89] : memref<2x128xi32, #tpu.memory_space<vmem>> -> memref<1x128xi32, #tpu.memory_space<vmem>>
    %dma_wait3A_91 = tpu.memref_squeeze %dma_wait3A_90 : memref<1x128xi32, #tpu.memory_space<vmem>> -> memref<128xi32, #tpu.memory_space<vmem>>
    %dma_wait3A_92 = arith.constant 0 : i32
    %dma_wait3A_93 = arith.constant 0 : i32
    %dma_wait3A_94 = tpu.memref_slice %arg2[%dma_wait3A_92, %dma_wait3A_93] : memref<10016x128xf32, #tpu.memory_space<hbm>> -> memref<10016x128xf32, #tpu.memory_space<hbm>>
    tpu.wait_indirect_dma semaphore(%arg12 : memref<!tpu.dma_semaphore, #tpu.memory_space<semaphore_mem>>) src(%dma_wait3A_94 : memref<10016x128xf32, #tpu.memory_space<hbm>>) dst(%arg9 : memref<128x128xf32, #tpu.memory_space<vmem>>)
    %dma_start3A_95 = arith.constant 0 : i32
    %dma_start3A_96 = tpu.memref_slice %arg7[%add3A_84, %dma_start3A_95] : memref<2x128xi32, #tpu.memory_space<vmem>> -> memref<1x128xi32, #tpu.memory_space<vmem>>
    %dma_start3A_97 = tpu.memref_squeeze %dma_start3A_96 : memref<1x128xi32, #tpu.memory_space<vmem>> -> memref<128xi32, #tpu.memory_space<vmem>>
    %dma_start3A_98 = arith.constant 0 : i32
    %dma_start3A_99 = arith.constant 0 : i32
    %dma_start3A_100 = tpu.memref_slice %arg2[%dma_start3A_98, %dma_start3A_99] : memref<10016x128xf32, #tpu.memory_space<hbm>> -> memref<10016x128xf32, #tpu.memory_space<hbm>>
    tpu.enqueue_indirect_dma source(%dma_start3A_100 : memref<10016x128xf32, #tpu.memory_space<hbm>>) target(%arg10 : memref<128x128xf32, #tpu.memory_space<vmem>>) offsets(%dma_start3A_97 : memref<128xi32, #tpu.memory_space<vmem>>) semaphore(%arg13 : memref<!tpu.dma_semaphore, #tpu.memory_space<semaphore_mem>>)
    %dma_start3A_101 = arith.constant 0 : i32
    %dma_start3A_102 = tpu.memref_slice %arg8[%mul3A_82, %dma_start3A_101] : memref<2x128xi32, #tpu.memory_space<vmem>> -> memref<1x128xi32, #tpu.memory_space<vmem>>
    %dma_start3A_103 = tpu.memref_squeeze %dma_start3A_102 : memref<1x128xi32, #tpu.memory_space<vmem>> -> memref<128xi32, #tpu.memory_space<vmem>>
    %dma_start3A_104 = arith.constant 0 : i32
    %dma_start3A_105 = arith.constant 0 : i32
    %dma_start3A_106 = tpu.memref_slice %arg11[%dma_start3A_104, %dma_start3A_105] : memref<1024x128xf32, #tpu.memory_space<vmem_shared>> -> memref<1024x128xf32, #tpu.memory_space<vmem_shared>>
    tpu.enqueue_indirect_dma source(%arg9 : memref<128x128xf32, #tpu.memory_space<vmem>>) target(%dma_start3A_106 : memref<1024x128xf32, #tpu.memory_space<vmem_shared>>) offsets(%dma_start3A_103 : memref<128xi32, #tpu.memory_space<vmem>>) semaphore(%arg14 : memref<!tpu.dma_semaphore, #tpu.memory_space<semaphore_mem>>) {add = true}
    %dma_wait3A_107 = arith.constant 0 : i32
    %dma_wait3A_108 = tpu.memref_slice %arg7[%add3A_84, %dma_wait3A_107] : memref<2x128xi32, #tpu.memory_space<vmem>> -> memref<1x128xi32, #tpu.memory_space<vmem>>
    %dma_wait3A_109 = tpu.memref_squeeze %dma_wait3A_108 : memref<1x128xi32, #tpu.memory_space<vmem>> -> memref<128xi32, #tpu.memory_space<vmem>>
    %dma_wait3A_110 = arith.constant 0 : i32
    %dma_wait3A_111 = arith.constant 0 : i32
    %dma_wait3A_112 = tpu.memref_slice %arg2[%dma_wait3A_110, %dma_wait3A_111] : memref<10016x128xf32, #tpu.memory_space<hbm>> -> memref<10016x128xf32, #tpu.memory_space<hbm>>
    tpu.wait_indirect_dma semaphore(%arg13 : memref<!tpu.dma_semaphore, #tpu.memory_space<semaphore_mem>>) src(%dma_wait3A_112 : memref<10016x128xf32, #tpu.memory_space<hbm>>) dst(%arg10 : memref<128x128xf32, #tpu.memory_space<vmem>>)
    %dma_wait3A_113 = arith.constant 0 : i32
    %dma_wait3A_114 = tpu.memref_slice %arg8[%mul3A_82, %dma_wait3A_113] : memref<2x128xi32, #tpu.memory_space<vmem>> -> memref<1x128xi32, #tpu.memory_space<vmem>>
    %dma_wait3A_115 = tpu.memref_squeeze %dma_wait3A_114 : memref<1x128xi32, #tpu.memory_space<vmem>> -> memref<128xi32, #tpu.memory_space<vmem>>
    %dma_wait3A_116 = arith.constant 0 : i32
    %dma_wait3A_117 = arith.constant 0 : i32
    %dma_wait3A_118 = tpu.memref_slice %arg11[%dma_wait3A_116, %dma_wait3A_117] : memref<1024x128xf32, #tpu.memory_space<vmem_shared>> -> memref<1024x128xf32, #tpu.memory_space<vmem_shared>>
    tpu.wait_indirect_dma semaphore(%arg14 : memref<!tpu.dma_semaphore, #tpu.memory_space<semaphore_mem>>) src(%arg9 : memref<128x128xf32, #tpu.memory_space<vmem>>) dst(%dma_wait3A_118 : memref<1024x128xf32, #tpu.memory_space<vmem_shared>>)
    %dma_start3A_119 = arith.constant 0 : i32
    %dma_start3A_120 = tpu.memref_slice %arg8[%add3A_84, %dma_start3A_119] : memref<2x128xi32, #tpu.memory_space<vmem>> -> memref<1x128xi32, #tpu.memory_space<vmem>>
    %dma_start3A_121 = tpu.memref_squeeze %dma_start3A_120 : memref<1x128xi32, #tpu.memory_space<vmem>> -> memref<128xi32, #tpu.memory_space<vmem>>
    %dma_start3A_122 = arith.constant 0 : i32
    %dma_start3A_123 = arith.constant 0 : i32
    %dma_start3A_124 = tpu.memref_slice %arg11[%dma_start3A_122, %dma_start3A_123] : memref<1024x128xf32, #tpu.memory_space<vmem_shared>> -> memref<1024x128xf32, #tpu.memory_space<vmem_shared>>
    tpu.enqueue_indirect_dma source(%arg10 : memref<128x128xf32, #tpu.memory_space<vmem>>) target(%dma_start3A_124 : memref<1024x128xf32, #tpu.memory_space<vmem_shared>>) offsets(%dma_start3A_121 : memref<128xi32, #tpu.memory_space<vmem>>) semaphore(%arg15 : memref<!tpu.dma_semaphore, #tpu.memory_space<semaphore_mem>>) {add = true}
    %dma_start3A_125 = arith.constant 0 : i32
    %dma_start3A_126 = tpu.memref_slice %arg7[%rem3A_88, %dma_start3A_125] : memref<2x128xi32, #tpu.memory_space<vmem>> -> memref<1x128xi32, #tpu.memory_space<vmem>>
    %dma_start3A_127 = tpu.memref_squeeze %dma_start3A_126 : memref<1x128xi32, #tpu.memory_space<vmem>> -> memref<128xi32, #tpu.memory_space<vmem>>
    %dma_start3A_128 = arith.constant 0 : i32
    %dma_start3A_129 = arith.constant 0 : i32
    %dma_start3A_130 = tpu.memref_slice %arg2[%dma_start3A_128, %dma_start3A_129] : memref<10016x128xf32, #tpu.memory_space<hbm>> -> memref<10016x128xf32, #tpu.memory_space<hbm>>
    tpu.enqueue_indirect_dma source(%dma_start3A_130 : memref<10016x128xf32, #tpu.memory_space<hbm>>) target(%arg9 : memref<128x128xf32, #tpu.memory_space<vmem>>) offsets(%dma_start3A_127 : memref<128xi32, #tpu.memory_space<vmem>>) semaphore(%arg12 : memref<!tpu.dma_semaphore, #tpu.memory_space<semaphore_mem>>)
    %dma_wait3A_131 = arith.constant 0 : i32
    %dma_wait3A_132 = tpu.memref_slice %arg8[%add3A_84, %dma_wait3A_131] : memref<2x128xi32, #tpu.memory_space<vmem>> -> memref<1x128xi32, #tpu.memory_space<vmem>>
    %dma_wait3A_133 = tpu.memref_squeeze %dma_wait3A_132 : memref<1x128xi32, #tpu.memory_space<vmem>> -> memref<128xi32, #tpu.memory_space<vmem>>
    %dma_wait3A_134 = arith.constant 0 : i32
    %dma_wait3A_135 = arith.constant 0 : i32
    %dma_wait3A_136 = tpu.memref_slice %arg11[%dma_wait3A_134, %dma_wait3A_135] : memref<1024x128xf32, #tpu.memory_space<vmem_shared>> -> memref<1024x128xf32, #tpu.memory_space<vmem_shared>>
    tpu.wait_indirect_dma semaphore(%arg15 : memref<!tpu.dma_semaphore, #tpu.memory_space<semaphore_mem>>) src(%arg10 : memref<128x128xf32, #tpu.memory_space<vmem>>) dst(%dma_wait3A_136 : memref<1024x128xf32, #tpu.memory_space<vmem_shared>>)
    %scan3A_137 = arith.constant 1 : i32
    %dma_wait3A_138 = arith.constant 0 : i32
    %dma_wait3A_139 = arith.constant 0 : i32
    %dma_wait3A_140 = tpu.memref_slice %arg7[%dma_wait3A_138, %dma_wait3A_139] : memref<2x128xi32, #tpu.memory_space<vmem>> -> memref<1x128xi32, #tpu.memory_space<vmem>>
    %dma_wait3A_141 = tpu.memref_squeeze %dma_wait3A_140 : memref<1x128xi32, #tpu.memory_space<vmem>> -> memref<128xi32, #tpu.memory_space<vmem>>
    %dma_wait3A_142 = arith.constant 0 : i32
    %dma_wait3A_143 = arith.constant 0 : i32
    %dma_wait3A_144 = tpu.memref_slice %arg2[%dma_wait3A_142, %dma_wait3A_143] : memref<10016x128xf32, #tpu.memory_space<hbm>> -> memref<10016x128xf32, #tpu.memory_space<hbm>>
    tpu.wait_indirect_dma semaphore(%arg12 : memref<!tpu.dma_semaphore, #tpu.memory_space<semaphore_mem>>) src(%dma_wait3A_144 : memref<10016x128xf32, #tpu.memory_space<hbm>>) dst(%arg9 : memref<128x128xf32, #tpu.memory_space<vmem>>)
    %barrier3A_145 = arith.constant 0 : index
    tpu.barrier barrier_id(%barrier3A_145)
    "tpu.region"() ({
      %run_scoped3A = tpu.sem_alloc : memref<!tpu.dma_semaphore, #tpu.memory_space<semaphore_mem>>
      %dma_start3A_146 = arith.constant 0 : i32
      %dma_start3A_147 = arith.constant 0 : i32
      %dma_start3A_148 = tpu.memref_slice %arg6[%arg0, %dma_start3A_146, %dma_start3A_147] : memref<2x1024x128xf32, #tpu.memory_space<hbm>> -> memref<1x1024x128xf32, #tpu.memory_space<hbm>>
      %dma_start3A_149 = tpu.memref_squeeze %dma_start3A_148 : memref<1x1024x128xf32, #tpu.memory_space<hbm>> -> memref<1024x128xf32, #tpu.memory_space<hbm>>
      %dma_start3A_150 = arith.constant 0 : i32
      %dma_start3A_151 = tpu.memref_slice %dma_start3A_149[%mul3A_2, %dma_start3A_150] : memref<1024x128xf32, #tpu.memory_space<hbm>> -> memref<64x128xf32, #tpu.memory_space<hbm>>
      %dma_start3A_152 = arith.constant 0 : i32
      %dma_start3A_153 = tpu.memref_slice %arg11[%mul3A_2, %dma_start3A_152] : memref<1024x128xf32, #tpu.memory_space<vmem_shared>> -> memref<64x128xf32, #tpu.memory_space<vmem_shared>>
      tpu.enqueue_dma source(%dma_start3A_153 : memref<64x128xf32, #tpu.memory_space<vmem_shared>>) target(%dma_start3A_151 : memref<64x128xf32, #tpu.memory_space<hbm>>) target_semaphore(%run_scoped3A : memref<!tpu.dma_semaphore, #tpu.memory_space<semaphore_mem>>)
      %dma_wait3A_154 = arith.constant 0 : i32
      %dma_wait3A_155 = arith.constant 0 : i32
      %dma_wait3A_156 = tpu.memref_slice %arg6[%arg0, %dma_wait3A_154, %dma_wait3A_155] : memref<2x1024x128xf32, #tpu.memory_space<hbm>> -> memref<1x1024x128xf32, #tpu.memory_space<hbm>>
      %dma_wait3A_157 = tpu.memref_squeeze %dma_wait3A_156 : memref<1x1024x128xf32, #tpu.memory_space<hbm>> -> memref<1024x128xf32, #tpu.memory_space<hbm>>
      %dma_wait3A_158 = arith.constant 0 : i32
      %dma_wait3A_159 = tpu.memref_slice %dma_wait3A_157[%mul3A_2, %dma_wait3A_158] : memref<1024x128xf32, #tpu.memory_space<hbm>> -> memref<64x128xf32, #tpu.memory_space<hbm>>
      %dma_wait3A_160 = arith.constant 0 : i32
      %dma_wait3A_161 = tpu.memref_slice %arg11[%mul3A_2, %dma_wait3A_160] : memref<1024x128xf32, #tpu.memory_space<vmem_shared>> -> memref<64x128xf32, #tpu.memory_space<vmem_shared>>
      tpu.wait_dma2 semaphore(%run_scoped3A : memref<!tpu.dma_semaphore, #tpu.memory_space<semaphore_mem>>) src(%dma_wait3A_161 : memref<64x128xf32, #tpu.memory_space<vmem_shared>>) dst(%dma_wait3A_159 : memref<64x128xf32, #tpu.memory_space<hbm>>)
      tpu.yield
    }) : () -> ()
    return
  }
}

#map = affine_map<(d0, d1) -> (0, 0)>
#map1 = affine_map<(d0, d1) -> (0, 0, 0)>
module attributes {stable_mosaic.version = 14 : i64} {
  func.func @body(%arg0: i32, %arg1: i32, %arg2: memref<10016x128xf32, #tpu.memory_space<hbm>>, %arg3: memref<32x80x128xi32, #tpu.memory_space<hbm>>, %arg4: memref<32x80x128xi32, #tpu.memory_space<hbm>>, %arg5: memref<632x128xf32, #tpu.memory_space<hbm>>, %arg6: memref<2x10112x128xf32, #tpu.memory_space<hbm>>, %arg7: memref<40x128xi32, #tpu.memory_space<vmem>>, %arg8: memref<40x128xi32, #tpu.memory_space<vmem>>, %arg9: memref<128x128xf32, #tpu.memory_space<vmem>>, %arg10: memref<128x128xf32, #tpu.memory_space<vmem>>, %arg11: memref<10112x128xf32, #tpu.memory_space<vmem_shared>>, %arg12: memref<!tpu.dma_semaphore, #tpu.memory_space<semaphore_mem>>, %arg13: memref<!tpu.dma_semaphore, #tpu.memory_space<semaphore_mem>>, %arg14: memref<!tpu.dma_semaphore, #tpu.memory_space<semaphore_mem>>, %arg15: memref<!tpu.dma_semaphore, #tpu.memory_space<semaphore_mem>>) attributes {dimension_semantics = [#tpu.dimension_semantics<core_parallel>, #tpu.dimension_semantics<subcore_parallel>], iteration_bounds = array<i64: 2, 16>, scalar_prefetch = 0 : i64, scratch_operands = 9 : i64, tpu.core_type = #tpu.core_type<sc_vector_subcore>, window_params = [{transform_indices = #map}, {transform_indices = #map1}, {transform_indices = #map1}, {transform_indices = #map}, {transform_indices = #map1}]} {
    %mul3A = arith.constant 2 : i32
    %mul3A_0 = arith.muli %arg1, %mul3A : i32
    %add3A = arith.addi %mul3A_0, %arg0 : i32
    %mul3A_1 = arith.constant 632 : i32
    %mul3A_2 = arith.muli %arg1, %mul3A_1 : i32
    "tpu.region"() ({
      %run_scoped3A = tpu.sem_alloc : memref<!tpu.dma_semaphore, #tpu.memory_space<semaphore_mem>>
      %dma_start3A_41 = arith.constant 0 : i32
      %dma_start3A_42 = arith.constant 0 : i32
      %dma_start3A_43 = tpu.memref_slice %arg3[%add3A, %dma_start3A_41, %dma_start3A_42] : memref<32x80x128xi32, #tpu.memory_space<hbm>> -> memref<1x80x128xi32, #tpu.memory_space<hbm>>
      %dma_start3A_44 = tpu.memref_squeeze %dma_start3A_43 : memref<1x80x128xi32, #tpu.memory_space<hbm>> -> memref<80x128xi32, #tpu.memory_space<hbm>>
      %dma_start3A_45 = arith.constant 0 : i32
      %dma_start3A_46 = arith.constant 0 : i32
      %dma_start3A_47 = tpu.memref_slice %dma_start3A_44[%dma_start3A_45, %dma_start3A_46] : memref<80x128xi32, #tpu.memory_space<hbm>> -> memref<40x128xi32, #tpu.memory_space<hbm>>
      %dma_start3A_48 = arith.constant 0 : i32
      %dma_start3A_49 = arith.constant 0 : i32
      %dma_start3A_50 = tpu.memref_slice %arg3[%add3A, %dma_start3A_48, %dma_start3A_49] : memref<32x80x128xi32, #tpu.memory_space<hbm>> -> memref<1x80x128xi32, #tpu.memory_space<hbm>>
      %dma_start3A_51 = tpu.memref_squeeze %dma_start3A_50 : memref<1x80x128xi32, #tpu.memory_space<hbm>> -> memref<80x128xi32, #tpu.memory_space<hbm>>
      %dma_start3A_52 = arith.constant 0 : i32
      %dma_start3A_53 = arith.constant 0 : i32
      %dma_start3A_54 = tpu.memref_slice %dma_start3A_51[%dma_start3A_52, %dma_start3A_53] : memref<80x128xi32, #tpu.memory_space<hbm>> -> memref<40x128xi32, #tpu.memory_space<hbm>>
      tpu.enqueue_dma source(%dma_start3A_54 : memref<40x128xi32, #tpu.memory_space<hbm>>) target(%arg7 : memref<40x128xi32, #tpu.memory_space<vmem>>) target_semaphore(%run_scoped3A : memref<!tpu.dma_semaphore, #tpu.memory_space<semaphore_mem>>)
      %dma_wait3A_55 = arith.constant 0 : i32
      %dma_wait3A_56 = arith.constant 0 : i32
      %dma_wait3A_57 = tpu.memref_slice %arg3[%add3A, %dma_wait3A_55, %dma_wait3A_56] : memref<32x80x128xi32, #tpu.memory_space<hbm>> -> memref<1x80x128xi32, #tpu.memory_space<hbm>>
      %dma_wait3A_58 = tpu.memref_squeeze %dma_wait3A_57 : memref<1x80x128xi32, #tpu.memory_space<hbm>> -> memref<80x128xi32, #tpu.memory_space<hbm>>
      %dma_wait3A_59 = arith.constant 0 : i32
      %dma_wait3A_60 = arith.constant 0 : i32
      %dma_wait3A_61 = tpu.memref_slice %dma_wait3A_58[%dma_wait3A_59, %dma_wait3A_60] : memref<80x128xi32, #tpu.memory_space<hbm>> -> memref<40x128xi32, #tpu.memory_space<hbm>>
      %dma_wait3A_62 = arith.constant 0 : i32
      %dma_wait3A_63 = arith.constant 0 : i32
      %dma_wait3A_64 = tpu.memref_slice %arg3[%add3A, %dma_wait3A_62, %dma_wait3A_63] : memref<32x80x128xi32, #tpu.memory_space<hbm>> -> memref<1x80x128xi32, #tpu.memory_space<hbm>>
      %dma_wait3A_65 = tpu.memref_squeeze %dma_wait3A_64 : memref<1x80x128xi32, #tpu.memory_space<hbm>> -> memref<80x128xi32, #tpu.memory_space<hbm>>
      %dma_wait3A_66 = arith.constant 0 : i32
      %dma_wait3A_67 = arith.constant 0 : i32
      %dma_wait3A_68 = tpu.memref_slice %dma_wait3A_65[%dma_wait3A_66, %dma_wait3A_67] : memref<80x128xi32, #tpu.memory_space<hbm>> -> memref<40x128xi32, #tpu.memory_space<hbm>>
      tpu.wait_dma2 semaphore(%run_scoped3A : memref<!tpu.dma_semaphore, #tpu.memory_space<semaphore_mem>>) src(%dma_wait3A_68 : memref<40x128xi32, #tpu.memory_space<hbm>>) dst(%arg7 : memref<40x128xi32, #tpu.memory_space<vmem>>)
      tpu.yield
    }) : () -> ()
    "tpu.region"() ({
      %run_scoped3A = tpu.sem_alloc : memref<!tpu.dma_semaphore, #tpu.memory_space<semaphore_mem>>
      %dma_start3A_41 = arith.constant 0 : i32
      %dma_start3A_42 = arith.constant 0 : i32
      %dma_start3A_43 = tpu.memref_slice %arg4[%add3A, %dma_start3A_41, %dma_start3A_42] : memref<32x80x128xi32, #tpu.memory_space<hbm>> -> memref<1x80x128xi32, #tpu.memory_space<hbm>>
      %dma_start3A_44 = tpu.memref_squeeze %dma_start3A_43 : memref<1x80x128xi32, #tpu.memory_space<hbm>> -> memref<80x128xi32, #tpu.memory_space<hbm>>
      %dma_start3A_45 = arith.constant 0 : i32
      %dma_start3A_46 = arith.constant 0 : i32
      %dma_start3A_47 = tpu.memref_slice %dma_start3A_44[%dma_start3A_45, %dma_start3A_46] : memref<80x128xi32, #tpu.memory_space<hbm>> -> memref<40x128xi32, #tpu.memory_space<hbm>>
      %dma_start3A_48 = arith.constant 0 : i32
      %dma_start3A_49 = arith.constant 0 : i32
      %dma_start3A_50 = tpu.memref_slice %arg4[%add3A, %dma_start3A_48, %dma_start3A_49] : memref<32x80x128xi32, #tpu.memory_space<hbm>> -> memref<1x80x128xi32, #tpu.memory_space<hbm>>
      %dma_start3A_51 = tpu.memref_squeeze %dma_start3A_50 : memref<1x80x128xi32, #tpu.memory_space<hbm>> -> memref<80x128xi32, #tpu.memory_space<hbm>>
      %dma_start3A_52 = arith.constant 0 : i32
      %dma_start3A_53 = arith.constant 0 : i32
      %dma_start3A_54 = tpu.memref_slice %dma_start3A_51[%dma_start3A_52, %dma_start3A_53] : memref<80x128xi32, #tpu.memory_space<hbm>> -> memref<40x128xi32, #tpu.memory_space<hbm>>
      tpu.enqueue_dma source(%dma_start3A_54 : memref<40x128xi32, #tpu.memory_space<hbm>>) target(%arg8 : memref<40x128xi32, #tpu.memory_space<vmem>>) target_semaphore(%run_scoped3A : memref<!tpu.dma_semaphore, #tpu.memory_space<semaphore_mem>>)
      %dma_wait3A_55 = arith.constant 0 : i32
      %dma_wait3A_56 = arith.constant 0 : i32
      %dma_wait3A_57 = tpu.memref_slice %arg4[%add3A, %dma_wait3A_55, %dma_wait3A_56] : memref<32x80x128xi32, #tpu.memory_space<hbm>> -> memref<1x80x128xi32, #tpu.memory_space<hbm>>
      %dma_wait3A_58 = tpu.memref_squeeze %dma_wait3A_57 : memref<1x80x128xi32, #tpu.memory_space<hbm>> -> memref<80x128xi32, #tpu.memory_space<hbm>>
      %dma_wait3A_59 = arith.constant 0 : i32
      %dma_wait3A_60 = arith.constant 0 : i32
      %dma_wait3A_61 = tpu.memref_slice %dma_wait3A_58[%dma_wait3A_59, %dma_wait3A_60] : memref<80x128xi32, #tpu.memory_space<hbm>> -> memref<40x128xi32, #tpu.memory_space<hbm>>
      %dma_wait3A_62 = arith.constant 0 : i32
      %dma_wait3A_63 = arith.constant 0 : i32
      %dma_wait3A_64 = tpu.memref_slice %arg4[%add3A, %dma_wait3A_62, %dma_wait3A_63] : memref<32x80x128xi32, #tpu.memory_space<hbm>> -> memref<1x80x128xi32, #tpu.memory_space<hbm>>
      %dma_wait3A_65 = tpu.memref_squeeze %dma_wait3A_64 : memref<1x80x128xi32, #tpu.memory_space<hbm>> -> memref<80x128xi32, #tpu.memory_space<hbm>>
      %dma_wait3A_66 = arith.constant 0 : i32
      %dma_wait3A_67 = arith.constant 0 : i32
      %dma_wait3A_68 = tpu.memref_slice %dma_wait3A_65[%dma_wait3A_66, %dma_wait3A_67] : memref<80x128xi32, #tpu.memory_space<hbm>> -> memref<40x128xi32, #tpu.memory_space<hbm>>
      tpu.wait_dma2 semaphore(%run_scoped3A : memref<!tpu.dma_semaphore, #tpu.memory_space<semaphore_mem>>) src(%dma_wait3A_68 : memref<40x128xi32, #tpu.memory_space<hbm>>) dst(%arg8 : memref<40x128xi32, #tpu.memory_space<vmem>>)
      tpu.yield
    }) : () -> ()
    "tpu.region"() ({
      %run_scoped3A = tpu.sem_alloc : memref<!tpu.dma_semaphore, #tpu.memory_space<semaphore_mem>>
      %dma_start3A_41 = arith.constant 0 : i32
      %dma_start3A_42 = tpu.memref_slice %arg11[%mul3A_2, %dma_start3A_41] : memref<10112x128xf32, #tpu.memory_space<vmem_shared>> -> memref<632x128xf32, #tpu.memory_space<vmem_shared>>
      tpu.enqueue_dma source(%arg5 : memref<632x128xf32, #tpu.memory_space<hbm>>) target(%dma_start3A_42 : memref<632x128xf32, #tpu.memory_space<vmem_shared>>) target_semaphore(%run_scoped3A : memref<!tpu.dma_semaphore, #tpu.memory_space<semaphore_mem>>)
      %dma_wait3A_43 = arith.constant 0 : i32
      %dma_wait3A_44 = tpu.memref_slice %arg11[%mul3A_2, %dma_wait3A_43] : memref<10112x128xf32, #tpu.memory_space<vmem_shared>> -> memref<632x128xf32, #tpu.memory_space<vmem_shared>>
      tpu.wait_dma2 semaphore(%run_scoped3A : memref<!tpu.dma_semaphore, #tpu.memory_space<semaphore_mem>>) src(%arg5 : memref<632x128xf32, #tpu.memory_space<hbm>>) dst(%dma_wait3A_44 : memref<632x128xf32, #tpu.memory_space<vmem_shared>>)
      tpu.yield
    }) : () -> ()
    %dma_start3A = arith.constant 0 : i32
    %dma_start3A_3 = arith.constant 0 : i32
    %dma_start3A_4 = tpu.memref_slice %arg7[%dma_start3A, %dma_start3A_3] : memref<40x128xi32, #tpu.memory_space<vmem>> -> memref<1x128xi32, #tpu.memory_space<vmem>>
    %dma_start3A_5 = tpu.memref_squeeze %dma_start3A_4 : memref<1x128xi32, #tpu.memory_space<vmem>> -> memref<128xi32, #tpu.memory_space<vmem>>
    %dma_start3A_6 = arith.constant 0 : i32
    %dma_start3A_7 = arith.constant 0 : i32
    %dma_start3A_8 = tpu.memref_slice %arg2[%dma_start3A_6, %dma_start3A_7] : memref<10016x128xf32, #tpu.memory_space<hbm>> -> memref<10016x128xf32, #tpu.memory_space<hbm>>
    tpu.enqueue_indirect_dma source(%dma_start3A_8 : memref<10016x128xf32, #tpu.memory_space<hbm>>) target(%arg9 : memref<128x128xf32, #tpu.memory_space<vmem>>) offsets(%dma_start3A_5 : memref<128xi32, #tpu.memory_space<vmem>>) semaphore(%arg12 : memref<!tpu.dma_semaphore, #tpu.memory_space<semaphore_mem>>)
    %barrier3A = arith.constant 0 : index
    tpu.barrier barrier_id(%barrier3A)
    %scan3A = arith.constant 0 : i32
    %scan3A_9 = arith.constant 0 : i32
    %scan3A_10 = arith.constant 20 : i32
    %scan3A_11 = arith.addi %scan3A_9, %scan3A_10 : i32
    %scan3A_12 = arith.constant 1 : i32
    scf.for %scan3A_41 = %scan3A_9 to %scan3A_11 step %scan3A_12  : i32 {
      %mul3A_42 = arith.constant 2 : i32
      %mul3A_43 = arith.muli %mul3A_42, %scan3A_41 : i32
      %add3A_44 = arith.constant 1 : i32
      %add3A_45 = arith.addi %mul3A_43, %add3A_44 : i32
      %add3A_46 = arith.constant 2 : i32
      %add3A_47 = arith.addi %mul3A_43, %add3A_46 : i32
      %rem3A = arith.constant 40 : i32
      %rem3A_48 = arith.remsi %add3A_47, %rem3A : i32
      %dma_wait3A_49 = arith.constant 0 : i32
      %dma_wait3A_50 = tpu.memref_slice %arg7[%mul3A_43, %dma_wait3A_49] : memref<40x128xi32, #tpu.memory_space<vmem>> -> memref<1x128xi32, #tpu.memory_space<vmem>>
      %dma_wait3A_51 = tpu.memref_squeeze %dma_wait3A_50 : memref<1x128xi32, #tpu.memory_space<vmem>> -> memref<128xi32, #tpu.memory_space<vmem>>
      %dma_wait3A_52 = arith.constant 0 : i32
      %dma_wait3A_53 = arith.constant 0 : i32
      %dma_wait3A_54 = tpu.memref_slice %arg2[%dma_wait3A_52, %dma_wait3A_53] : memref<10016x128xf32, #tpu.memory_space<hbm>> -> memref<10016x128xf32, #tpu.memory_space<hbm>>
      tpu.wait_indirect_dma semaphore(%arg12 : memref<!tpu.dma_semaphore, #tpu.memory_space<semaphore_mem>>) src(%dma_wait3A_54 : memref<10016x128xf32, #tpu.memory_space<hbm>>) dst(%arg9 : memref<128x128xf32, #tpu.memory_space<vmem>>)
      %dma_start3A_55 = arith.constant 0 : i32
      %dma_start3A_56 = tpu.memref_slice %arg7[%add3A_45, %dma_start3A_55] : memref<40x128xi32, #tpu.memory_space<vmem>> -> memref<1x128xi32, #tpu.memory_space<vmem>>
      %dma_start3A_57 = tpu.memref_squeeze %dma_start3A_56 : memref<1x128xi32, #tpu.memory_space<vmem>> -> memref<128xi32, #tpu.memory_space<vmem>>
      %dma_start3A_58 = arith.constant 0 : i32
      %dma_start3A_59 = arith.constant 0 : i32
      %dma_start3A_60 = tpu.memref_slice %arg2[%dma_start3A_58, %dma_start3A_59] : memref<10016x128xf32, #tpu.memory_space<hbm>> -> memref<10016x128xf32, #tpu.memory_space<hbm>>
      tpu.enqueue_indirect_dma source(%dma_start3A_60 : memref<10016x128xf32, #tpu.memory_space<hbm>>) target(%arg10 : memref<128x128xf32, #tpu.memory_space<vmem>>) offsets(%dma_start3A_57 : memref<128xi32, #tpu.memory_space<vmem>>) semaphore(%arg13 : memref<!tpu.dma_semaphore, #tpu.memory_space<semaphore_mem>>)
      %dma_start3A_61 = arith.constant 0 : i32
      %dma_start3A_62 = tpu.memref_slice %arg8[%mul3A_43, %dma_start3A_61] : memref<40x128xi32, #tpu.memory_space<vmem>> -> memref<1x128xi32, #tpu.memory_space<vmem>>
      %dma_start3A_63 = tpu.memref_squeeze %dma_start3A_62 : memref<1x128xi32, #tpu.memory_space<vmem>> -> memref<128xi32, #tpu.memory_space<vmem>>
      %dma_start3A_64 = arith.constant 0 : i32
      %dma_start3A_65 = arith.constant 0 : i32
      %dma_start3A_66 = tpu.memref_slice %arg11[%dma_start3A_64, %dma_start3A_65] : memref<10112x128xf32, #tpu.memory_space<vmem_shared>> -> memref<10112x128xf32, #tpu.memory_space<vmem_shared>>
      tpu.enqueue_indirect_dma source(%arg9 : memref<128x128xf32, #tpu.memory_space<vmem>>) target(%dma_start3A_66 : memref<10112x128xf32, #tpu.memory_space<vmem_shared>>) offsets(%dma_start3A_63 : memref<128xi32, #tpu.memory_space<vmem>>) semaphore(%arg14 : memref<!tpu.dma_semaphore, #tpu.memory_space<semaphore_mem>>) {add = true}
      %dma_wait3A_67 = arith.constant 0 : i32
      %dma_wait3A_68 = tpu.memref_slice %arg7[%add3A_45, %dma_wait3A_67] : memref<40x128xi32, #tpu.memory_space<vmem>> -> memref<1x128xi32, #tpu.memory_space<vmem>>
      %dma_wait3A_69 = tpu.memref_squeeze %dma_wait3A_68 : memref<1x128xi32, #tpu.memory_space<vmem>> -> memref<128xi32, #tpu.memory_space<vmem>>
      %dma_wait3A_70 = arith.constant 0 : i32
      %dma_wait3A_71 = arith.constant 0 : i32
      %dma_wait3A_72 = tpu.memref_slice %arg2[%dma_wait3A_70, %dma_wait3A_71] : memref<10016x128xf32, #tpu.memory_space<hbm>> -> memref<10016x128xf32, #tpu.memory_space<hbm>>
      tpu.wait_indirect_dma semaphore(%arg13 : memref<!tpu.dma_semaphore, #tpu.memory_space<semaphore_mem>>) src(%dma_wait3A_72 : memref<10016x128xf32, #tpu.memory_space<hbm>>) dst(%arg10 : memref<128x128xf32, #tpu.memory_space<vmem>>)
      %dma_wait3A_73 = arith.constant 0 : i32
      %dma_wait3A_74 = tpu.memref_slice %arg8[%mul3A_43, %dma_wait3A_73] : memref<40x128xi32, #tpu.memory_space<vmem>> -> memref<1x128xi32, #tpu.memory_space<vmem>>
      %dma_wait3A_75 = tpu.memref_squeeze %dma_wait3A_74 : memref<1x128xi32, #tpu.memory_space<vmem>> -> memref<128xi32, #tpu.memory_space<vmem>>
      %dma_wait3A_76 = arith.constant 0 : i32
      %dma_wait3A_77 = arith.constant 0 : i32
      %dma_wait3A_78 = tpu.memref_slice %arg11[%dma_wait3A_76, %dma_wait3A_77] : memref<10112x128xf32, #tpu.memory_space<vmem_shared>> -> memref<10112x128xf32, #tpu.memory_space<vmem_shared>>
      tpu.wait_indirect_dma semaphore(%arg14 : memref<!tpu.dma_semaphore, #tpu.memory_space<semaphore_mem>>) src(%arg9 : memref<128x128xf32, #tpu.memory_space<vmem>>) dst(%dma_wait3A_78 : memref<10112x128xf32, #tpu.memory_space<vmem_shared>>)
      %dma_start3A_79 = arith.constant 0 : i32
      %dma_start3A_80 = tpu.memref_slice %arg8[%add3A_45, %dma_start3A_79] : memref<40x128xi32, #tpu.memory_space<vmem>> -> memref<1x128xi32, #tpu.memory_space<vmem>>
      %dma_start3A_81 = tpu.memref_squeeze %dma_start3A_80 : memref<1x128xi32, #tpu.memory_space<vmem>> -> memref<128xi32, #tpu.memory_space<vmem>>
      %dma_start3A_82 = arith.constant 0 : i32
      %dma_start3A_83 = arith.constant 0 : i32
      %dma_start3A_84 = tpu.memref_slice %arg11[%dma_start3A_82, %dma_start3A_83] : memref<10112x128xf32, #tpu.memory_space<vmem_shared>> -> memref<10112x128xf32, #tpu.memory_space<vmem_shared>>
      tpu.enqueue_indirect_dma source(%arg10 : memref<128x128xf32, #tpu.memory_space<vmem>>) target(%dma_start3A_84 : memref<10112x128xf32, #tpu.memory_space<vmem_shared>>) offsets(%dma_start3A_81 : memref<128xi32, #tpu.memory_space<vmem>>) semaphore(%arg15 : memref<!tpu.dma_semaphore, #tpu.memory_space<semaphore_mem>>) {add = true}
      %dma_start3A_85 = arith.constant 0 : i32
      %dma_start3A_86 = tpu.memref_slice %arg7[%rem3A_48, %dma_start3A_85] : memref<40x128xi32, #tpu.memory_space<vmem>> -> memref<1x128xi32, #tpu.memory_space<vmem>>
      %dma_start3A_87 = tpu.memref_squeeze %dma_start3A_86 : memref<1x128xi32, #tpu.memory_space<vmem>> -> memref<128xi32, #tpu.memory_space<vmem>>
      %dma_start3A_88 = arith.constant 0 : i32
      %dma_start3A_89 = arith.constant 0 : i32
      %dma_start3A_90 = tpu.memref_slice %arg2[%dma_start3A_88, %dma_start3A_89] : memref<10016x128xf32, #tpu.memory_space<hbm>> -> memref<10016x128xf32, #tpu.memory_space<hbm>>
      tpu.enqueue_indirect_dma source(%dma_start3A_90 : memref<10016x128xf32, #tpu.memory_space<hbm>>) target(%arg9 : memref<128x128xf32, #tpu.memory_space<vmem>>) offsets(%dma_start3A_87 : memref<128xi32, #tpu.memory_space<vmem>>) semaphore(%arg12 : memref<!tpu.dma_semaphore, #tpu.memory_space<semaphore_mem>>)
      %dma_wait3A_91 = arith.constant 0 : i32
      %dma_wait3A_92 = tpu.memref_slice %arg8[%add3A_45, %dma_wait3A_91] : memref<40x128xi32, #tpu.memory_space<vmem>> -> memref<1x128xi32, #tpu.memory_space<vmem>>
      %dma_wait3A_93 = tpu.memref_squeeze %dma_wait3A_92 : memref<1x128xi32, #tpu.memory_space<vmem>> -> memref<128xi32, #tpu.memory_space<vmem>>
      %dma_wait3A_94 = arith.constant 0 : i32
      %dma_wait3A_95 = arith.constant 0 : i32
      %dma_wait3A_96 = tpu.memref_slice %arg11[%dma_wait3A_94, %dma_wait3A_95] : memref<10112x128xf32, #tpu.memory_space<vmem_shared>> -> memref<10112x128xf32, #tpu.memory_space<vmem_shared>>
      tpu.wait_indirect_dma semaphore(%arg15 : memref<!tpu.dma_semaphore, #tpu.memory_space<semaphore_mem>>) src(%arg10 : memref<128x128xf32, #tpu.memory_space<vmem>>) dst(%dma_wait3A_96 : memref<10112x128xf32, #tpu.memory_space<vmem_shared>>)
    }
    %scan3A_13 = arith.constant 20 : i32
    %dma_wait3A = arith.constant 0 : i32
    %dma_wait3A_14 = arith.constant 0 : i32
    %dma_wait3A_15 = tpu.memref_slice %arg7[%dma_wait3A, %dma_wait3A_14] : memref<40x128xi32, #tpu.memory_space<vmem>> -> memref<1x128xi32, #tpu.memory_space<vmem>>
    %dma_wait3A_16 = tpu.memref_squeeze %dma_wait3A_15 : memref<1x128xi32, #tpu.memory_space<vmem>> -> memref<128xi32, #tpu.memory_space<vmem>>
    %dma_wait3A_17 = arith.constant 0 : i32
    %dma_wait3A_18 = arith.constant 0 : i32
    %dma_wait3A_19 = tpu.memref_slice %arg2[%dma_wait3A_17, %dma_wait3A_18] : memref<10016x128xf32, #tpu.memory_space<hbm>> -> memref<10016x128xf32, #tpu.memory_space<hbm>>
    tpu.wait_indirect_dma semaphore(%arg12 : memref<!tpu.dma_semaphore, #tpu.memory_space<semaphore_mem>>) src(%dma_wait3A_19 : memref<10016x128xf32, #tpu.memory_space<hbm>>) dst(%arg9 : memref<128x128xf32, #tpu.memory_space<vmem>>)
    "tpu.region"() ({
      %run_scoped3A = tpu.sem_alloc : memref<!tpu.dma_semaphore, #tpu.memory_space<semaphore_mem>>
      %dma_start3A_41 = arith.constant 0 : i32
      %dma_start3A_42 = arith.constant 0 : i32
      %dma_start3A_43 = tpu.memref_slice %arg3[%add3A, %dma_start3A_41, %dma_start3A_42] : memref<32x80x128xi32, #tpu.memory_space<hbm>> -> memref<1x80x128xi32, #tpu.memory_space<hbm>>
      %dma_start3A_44 = tpu.memref_squeeze %dma_start3A_43 : memref<1x80x128xi32, #tpu.memory_space<hbm>> -> memref<80x128xi32, #tpu.memory_space<hbm>>
      %dma_start3A_45 = arith.constant 40 : i32
      %dma_start3A_46 = arith.constant 0 : i32
      %dma_start3A_47 = tpu.memref_slice %dma_start3A_44[%dma_start3A_45, %dma_start3A_46] : memref<80x128xi32, #tpu.memory_space<hbm>> -> memref<40x128xi32, #tpu.memory_space<hbm>>
      %dma_start3A_48 = arith.constant 0 : i32
      %dma_start3A_49 = arith.constant 0 : i32
      %dma_start3A_50 = tpu.memref_slice %arg3[%add3A, %dma_start3A_48, %dma_start3A_49] : memref<32x80x128xi32, #tpu.memory_space<hbm>> -> memref<1x80x128xi32, #tpu.memory_space<hbm>>
      %dma_start3A_51 = tpu.memref_squeeze %dma_start3A_50 : memref<1x80x128xi32, #tpu.memory_space<hbm>> -> memref<80x128xi32, #tpu.memory_space<hbm>>
      %dma_start3A_52 = arith.constant 40 : i32
      %dma_start3A_53 = arith.constant 0 : i32
      %dma_start3A_54 = tpu.memref_slice %dma_start3A_51[%dma_start3A_52, %dma_start3A_53] : memref<80x128xi32, #tpu.memory_space<hbm>> -> memref<40x128xi32, #tpu.memory_space<hbm>>
      tpu.enqueue_dma source(%dma_start3A_54 : memref<40x128xi32, #tpu.memory_space<hbm>>) target(%arg7 : memref<40x128xi32, #tpu.memory_space<vmem>>) target_semaphore(%run_scoped3A : memref<!tpu.dma_semaphore, #tpu.memory_space<semaphore_mem>>)
      %dma_wait3A_55 = arith.constant 0 : i32
      %dma_wait3A_56 = arith.constant 0 : i32
      %dma_wait3A_57 = tpu.memref_slice %arg3[%add3A, %dma_wait3A_55, %dma_wait3A_56] : memref<32x80x128xi32, #tpu.memory_space<hbm>> -> memref<1x80x128xi32, #tpu.memory_space<hbm>>
      %dma_wait3A_58 = tpu.memref_squeeze %dma_wait3A_57 : memref<1x80x128xi32, #tpu.memory_space<hbm>> -> memref<80x128xi32, #tpu.memory_space<hbm>>
      %dma_wait3A_59 = arith.constant 40 : i32
      %dma_wait3A_60 = arith.constant 0 : i32
      %dma_wait3A_61 = tpu.memref_slice %dma_wait3A_58[%dma_wait3A_59, %dma_wait3A_60] : memref<80x128xi32, #tpu.memory_space<hbm>> -> memref<40x128xi32, #tpu.memory_space<hbm>>
      %dma_wait3A_62 = arith.constant 0 : i32
      %dma_wait3A_63 = arith.constant 0 : i32
      %dma_wait3A_64 = tpu.memref_slice %arg3[%add3A, %dma_wait3A_62, %dma_wait3A_63] : memref<32x80x128xi32, #tpu.memory_space<hbm>> -> memref<1x80x128xi32, #tpu.memory_space<hbm>>
      %dma_wait3A_65 = tpu.memref_squeeze %dma_wait3A_64 : memref<1x80x128xi32, #tpu.memory_space<hbm>> -> memref<80x128xi32, #tpu.memory_space<hbm>>
      %dma_wait3A_66 = arith.constant 40 : i32
      %dma_wait3A_67 = arith.constant 0 : i32
      %dma_wait3A_68 = tpu.memref_slice %dma_wait3A_65[%dma_wait3A_66, %dma_wait3A_67] : memref<80x128xi32, #tpu.memory_space<hbm>> -> memref<40x128xi32, #tpu.memory_space<hbm>>
      tpu.wait_dma2 semaphore(%run_scoped3A : memref<!tpu.dma_semaphore, #tpu.memory_space<semaphore_mem>>) src(%dma_wait3A_68 : memref<40x128xi32, #tpu.memory_space<hbm>>) dst(%arg7 : memref<40x128xi32, #tpu.memory_space<vmem>>)
      tpu.yield
    }) : () -> ()
    "tpu.region"() ({
      %run_scoped3A = tpu.sem_alloc : memref<!tpu.dma_semaphore, #tpu.memory_space<semaphore_mem>>
      %dma_start3A_41 = arith.constant 0 : i32
      %dma_start3A_42 = arith.constant 0 : i32
      %dma_start3A_43 = tpu.memref_slice %arg4[%add3A, %dma_start3A_41, %dma_start3A_42] : memref<32x80x128xi32, #tpu.memory_space<hbm>> -> memref<1x80x128xi32, #tpu.memory_space<hbm>>
      %dma_start3A_44 = tpu.memref_squeeze %dma_start3A_43 : memref<1x80x128xi32, #tpu.memory_space<hbm>> -> memref<80x128xi32, #tpu.memory_space<hbm>>
      %dma_start3A_45 = arith.constant 40 : i32
      %dma_start3A_46 = arith.constant 0 : i32
      %dma_start3A_47 = tpu.memref_slice %dma_start3A_44[%dma_start3A_45, %dma_start3A_46] : memref<80x128xi32, #tpu.memory_space<hbm>> -> memref<40x128xi32, #tpu.memory_space<hbm>>
      %dma_start3A_48 = arith.constant 0 : i32
      %dma_start3A_49 = arith.constant 0 : i32
      %dma_start3A_50 = tpu.memref_slice %arg4[%add3A, %dma_start3A_48, %dma_start3A_49] : memref<32x80x128xi32, #tpu.memory_space<hbm>> -> memref<1x80x128xi32, #tpu.memory_space<hbm>>
      %dma_start3A_51 = tpu.memref_squeeze %dma_start3A_50 : memref<1x80x128xi32, #tpu.memory_space<hbm>> -> memref<80x128xi32, #tpu.memory_space<hbm>>
      %dma_start3A_52 = arith.constant 40 : i32
      %dma_start3A_53 = arith.constant 0 : i32
      %dma_start3A_54 = tpu.memref_slice %dma_start3A_51[%dma_start3A_52, %dma_start3A_53] : memref<80x128xi32, #tpu.memory_space<hbm>> -> memref<40x128xi32, #tpu.memory_space<hbm>>
      tpu.enqueue_dma source(%dma_start3A_54 : memref<40x128xi32, #tpu.memory_space<hbm>>) target(%arg8 : memref<40x128xi32, #tpu.memory_space<vmem>>) target_semaphore(%run_scoped3A : memref<!tpu.dma_semaphore, #tpu.memory_space<semaphore_mem>>)
      %dma_wait3A_55 = arith.constant 0 : i32
      %dma_wait3A_56 = arith.constant 0 : i32
      %dma_wait3A_57 = tpu.memref_slice %arg4[%add3A, %dma_wait3A_55, %dma_wait3A_56] : memref<32x80x128xi32, #tpu.memory_space<hbm>> -> memref<1x80x128xi32, #tpu.memory_space<hbm>>
      %dma_wait3A_58 = tpu.memref_squeeze %dma_wait3A_57 : memref<1x80x128xi32, #tpu.memory_space<hbm>> -> memref<80x128xi32, #tpu.memory_space<hbm>>
      %dma_wait3A_59 = arith.constant 40 : i32
      %dma_wait3A_60 = arith.constant 0 : i32
      %dma_wait3A_61 = tpu.memref_slice %dma_wait3A_58[%dma_wait3A_59, %dma_wait3A_60] : memref<80x128xi32, #tpu.memory_space<hbm>> -> memref<40x128xi32, #tpu.memory_space<hbm>>
      %dma_wait3A_62 = arith.constant 0 : i32
      %dma_wait3A_63 = arith.constant 0 : i32
      %dma_wait3A_64 = tpu.memref_slice %arg4[%add3A, %dma_wait3A_62, %dma_wait3A_63] : memref<32x80x128xi32, #tpu.memory_space<hbm>> -> memref<1x80x128xi32, #tpu.memory_space<hbm>>
      %dma_wait3A_65 = tpu.memref_squeeze %dma_wait3A_64 : memref<1x80x128xi32, #tpu.memory_space<hbm>> -> memref<80x128xi32, #tpu.memory_space<hbm>>
      %dma_wait3A_66 = arith.constant 40 : i32
      %dma_wait3A_67 = arith.constant 0 : i32
      %dma_wait3A_68 = tpu.memref_slice %dma_wait3A_65[%dma_wait3A_66, %dma_wait3A_67] : memref<80x128xi32, #tpu.memory_space<hbm>> -> memref<40x128xi32, #tpu.memory_space<hbm>>
      tpu.wait_dma2 semaphore(%run_scoped3A : memref<!tpu.dma_semaphore, #tpu.memory_space<semaphore_mem>>) src(%dma_wait3A_68 : memref<40x128xi32, #tpu.memory_space<hbm>>) dst(%arg8 : memref<40x128xi32, #tpu.memory_space<vmem>>)
      tpu.yield
    }) : () -> ()
    %dma_start3A_20 = arith.constant 0 : i32
    %dma_start3A_21 = arith.constant 0 : i32
    %dma_start3A_22 = tpu.memref_slice %arg7[%dma_start3A_20, %dma_start3A_21] : memref<40x128xi32, #tpu.memory_space<vmem>> -> memref<1x128xi32, #tpu.memory_space<vmem>>
    %dma_start3A_23 = tpu.memref_squeeze %dma_start3A_22 : memref<1x128xi32, #tpu.memory_space<vmem>> -> memref<128xi32, #tpu.memory_space<vmem>>
    %dma_start3A_24 = arith.constant 0 : i32
    %dma_start3A_25 = arith.constant 0 : i32
    %dma_start3A_26 = tpu.memref_slice %arg2[%dma_start3A_24, %dma_start3A_25] : memref<10016x128xf32, #tpu.memory_space<hbm>> -> memref<10016x128xf32, #tpu.memory_space<hbm>>
    tpu.enqueue_indirect_dma source(%dma_start3A_26 : memref<10016x128xf32, #tpu.memory_space<hbm>>) target(%arg9 : memref<128x128xf32, #tpu.memory_space<vmem>>) offsets(%dma_start3A_23 : memref<128xi32, #tpu.memory_space<vmem>>) semaphore(%arg12 : memref<!tpu.dma_semaphore, #tpu.memory_space<semaphore_mem>>)
    %scan3A_27 = arith.constant 0 : i32
    %scan3A_28 = arith.constant 0 : i32
    %scan3A_29 = arith.constant 20 : i32
    %scan3A_30 = arith.addi %scan3A_28, %scan3A_29 : i32
    %scan3A_31 = arith.constant 1 : i32
    scf.for %scan3A_41 = %scan3A_28 to %scan3A_30 step %scan3A_31  : i32 {
      %mul3A_42 = arith.constant 2 : i32
      %mul3A_43 = arith.muli %mul3A_42, %scan3A_41 : i32
      %add3A_44 = arith.constant 1 : i32
      %add3A_45 = arith.addi %mul3A_43, %add3A_44 : i32
      %add3A_46 = arith.constant 2 : i32
      %add3A_47 = arith.addi %mul3A_43, %add3A_46 : i32
      %rem3A = arith.constant 40 : i32
      %rem3A_48 = arith.remsi %add3A_47, %rem3A : i32
      %dma_wait3A_49 = arith.constant 0 : i32
      %dma_wait3A_50 = tpu.memref_slice %arg7[%mul3A_43, %dma_wait3A_49] : memref<40x128xi32, #tpu.memory_space<vmem>> -> memref<1x128xi32, #tpu.memory_space<vmem>>
      %dma_wait3A_51 = tpu.memref_squeeze %dma_wait3A_50 : memref<1x128xi32, #tpu.memory_space<vmem>> -> memref<128xi32, #tpu.memory_space<vmem>>
      %dma_wait3A_52 = arith.constant 0 : i32
      %dma_wait3A_53 = arith.constant 0 : i32
      %dma_wait3A_54 = tpu.memref_slice %arg2[%dma_wait3A_52, %dma_wait3A_53] : memref<10016x128xf32, #tpu.memory_space<hbm>> -> memref<10016x128xf32, #tpu.memory_space<hbm>>
      tpu.wait_indirect_dma semaphore(%arg12 : memref<!tpu.dma_semaphore, #tpu.memory_space<semaphore_mem>>) src(%dma_wait3A_54 : memref<10016x128xf32, #tpu.memory_space<hbm>>) dst(%arg9 : memref<128x128xf32, #tpu.memory_space<vmem>>)
      %dma_start3A_55 = arith.constant 0 : i32
      %dma_start3A_56 = tpu.memref_slice %arg7[%add3A_45, %dma_start3A_55] : memref<40x128xi32, #tpu.memory_space<vmem>> -> memref<1x128xi32, #tpu.memory_space<vmem>>
      %dma_start3A_57 = tpu.memref_squeeze %dma_start3A_56 : memref<1x128xi32, #tpu.memory_space<vmem>> -> memref<128xi32, #tpu.memory_space<vmem>>
      %dma_start3A_58 = arith.constant 0 : i32
      %dma_start3A_59 = arith.constant 0 : i32
      %dma_start3A_60 = tpu.memref_slice %arg2[%dma_start3A_58, %dma_start3A_59] : memref<10016x128xf32, #tpu.memory_space<hbm>> -> memref<10016x128xf32, #tpu.memory_space<hbm>>
      tpu.enqueue_indirect_dma source(%dma_start3A_60 : memref<10016x128xf32, #tpu.memory_space<hbm>>) target(%arg10 : memref<128x128xf32, #tpu.memory_space<vmem>>) offsets(%dma_start3A_57 : memref<128xi32, #tpu.memory_space<vmem>>) semaphore(%arg13 : memref<!tpu.dma_semaphore, #tpu.memory_space<semaphore_mem>>)
      %dma_start3A_61 = arith.constant 0 : i32
      %dma_start3A_62 = tpu.memref_slice %arg8[%mul3A_43, %dma_start3A_61] : memref<40x128xi32, #tpu.memory_space<vmem>> -> memref<1x128xi32, #tpu.memory_space<vmem>>
      %dma_start3A_63 = tpu.memref_squeeze %dma_start3A_62 : memref<1x128xi32, #tpu.memory_space<vmem>> -> memref<128xi32, #tpu.memory_space<vmem>>
      %dma_start3A_64 = arith.constant 0 : i32
      %dma_start3A_65 = arith.constant 0 : i32
      %dma_start3A_66 = tpu.memref_slice %arg11[%dma_start3A_64, %dma_start3A_65] : memref<10112x128xf32, #tpu.memory_space<vmem_shared>> -> memref<10112x128xf32, #tpu.memory_space<vmem_shared>>
      tpu.enqueue_indirect_dma source(%arg9 : memref<128x128xf32, #tpu.memory_space<vmem>>) target(%dma_start3A_66 : memref<10112x128xf32, #tpu.memory_space<vmem_shared>>) offsets(%dma_start3A_63 : memref<128xi32, #tpu.memory_space<vmem>>) semaphore(%arg14 : memref<!tpu.dma_semaphore, #tpu.memory_space<semaphore_mem>>) {add = true}
      %dma_wait3A_67 = arith.constant 0 : i32
      %dma_wait3A_68 = tpu.memref_slice %arg7[%add3A_45, %dma_wait3A_67] : memref<40x128xi32, #tpu.memory_space<vmem>> -> memref<1x128xi32, #tpu.memory_space<vmem>>
      %dma_wait3A_69 = tpu.memref_squeeze %dma_wait3A_68 : memref<1x128xi32, #tpu.memory_space<vmem>> -> memref<128xi32, #tpu.memory_space<vmem>>
      %dma_wait3A_70 = arith.constant 0 : i32
      %dma_wait3A_71 = arith.constant 0 : i32
      %dma_wait3A_72 = tpu.memref_slice %arg2[%dma_wait3A_70, %dma_wait3A_71] : memref<10016x128xf32, #tpu.memory_space<hbm>> -> memref<10016x128xf32, #tpu.memory_space<hbm>>
      tpu.wait_indirect_dma semaphore(%arg13 : memref<!tpu.dma_semaphore, #tpu.memory_space<semaphore_mem>>) src(%dma_wait3A_72 : memref<10016x128xf32, #tpu.memory_space<hbm>>) dst(%arg10 : memref<128x128xf32, #tpu.memory_space<vmem>>)
      %dma_wait3A_73 = arith.constant 0 : i32
      %dma_wait3A_74 = tpu.memref_slice %arg8[%mul3A_43, %dma_wait3A_73] : memref<40x128xi32, #tpu.memory_space<vmem>> -> memref<1x128xi32, #tpu.memory_space<vmem>>
      %dma_wait3A_75 = tpu.memref_squeeze %dma_wait3A_74 : memref<1x128xi32, #tpu.memory_space<vmem>> -> memref<128xi32, #tpu.memory_space<vmem>>
      %dma_wait3A_76 = arith.constant 0 : i32
      %dma_wait3A_77 = arith.constant 0 : i32
      %dma_wait3A_78 = tpu.memref_slice %arg11[%dma_wait3A_76, %dma_wait3A_77] : memref<10112x128xf32, #tpu.memory_space<vmem_shared>> -> memref<10112x128xf32, #tpu.memory_space<vmem_shared>>
      tpu.wait_indirect_dma semaphore(%arg14 : memref<!tpu.dma_semaphore, #tpu.memory_space<semaphore_mem>>) src(%arg9 : memref<128x128xf32, #tpu.memory_space<vmem>>) dst(%dma_wait3A_78 : memref<10112x128xf32, #tpu.memory_space<vmem_shared>>)
      %dma_start3A_79 = arith.constant 0 : i32
      %dma_start3A_80 = tpu.memref_slice %arg8[%add3A_45, %dma_start3A_79] : memref<40x128xi32, #tpu.memory_space<vmem>> -> memref<1x128xi32, #tpu.memory_space<vmem>>
      %dma_start3A_81 = tpu.memref_squeeze %dma_start3A_80 : memref<1x128xi32, #tpu.memory_space<vmem>> -> memref<128xi32, #tpu.memory_space<vmem>>
      %dma_start3A_82 = arith.constant 0 : i32
      %dma_start3A_83 = arith.constant 0 : i32
      %dma_start3A_84 = tpu.memref_slice %arg11[%dma_start3A_82, %dma_start3A_83] : memref<10112x128xf32, #tpu.memory_space<vmem_shared>> -> memref<10112x128xf32, #tpu.memory_space<vmem_shared>>
      tpu.enqueue_indirect_dma source(%arg10 : memref<128x128xf32, #tpu.memory_space<vmem>>) target(%dma_start3A_84 : memref<10112x128xf32, #tpu.memory_space<vmem_shared>>) offsets(%dma_start3A_81 : memref<128xi32, #tpu.memory_space<vmem>>) semaphore(%arg15 : memref<!tpu.dma_semaphore, #tpu.memory_space<semaphore_mem>>) {add = true}
      %dma_start3A_85 = arith.constant 0 : i32
      %dma_start3A_86 = tpu.memref_slice %arg7[%rem3A_48, %dma_start3A_85] : memref<40x128xi32, #tpu.memory_space<vmem>> -> memref<1x128xi32, #tpu.memory_space<vmem>>
      %dma_start3A_87 = tpu.memref_squeeze %dma_start3A_86 : memref<1x128xi32, #tpu.memory_space<vmem>> -> memref<128xi32, #tpu.memory_space<vmem>>
      %dma_start3A_88 = arith.constant 0 : i32
      %dma_start3A_89 = arith.constant 0 : i32
      %dma_start3A_90 = tpu.memref_slice %arg2[%dma_start3A_88, %dma_start3A_89] : memref<10016x128xf32, #tpu.memory_space<hbm>> -> memref<10016x128xf32, #tpu.memory_space<hbm>>
      tpu.enqueue_indirect_dma source(%dma_start3A_90 : memref<10016x128xf32, #tpu.memory_space<hbm>>) target(%arg9 : memref<128x128xf32, #tpu.memory_space<vmem>>) offsets(%dma_start3A_87 : memref<128xi32, #tpu.memory_space<vmem>>) semaphore(%arg12 : memref<!tpu.dma_semaphore, #tpu.memory_space<semaphore_mem>>)
      %dma_wait3A_91 = arith.constant 0 : i32
      %dma_wait3A_92 = tpu.memref_slice %arg8[%add3A_45, %dma_wait3A_91] : memref<40x128xi32, #tpu.memory_space<vmem>> -> memref<1x128xi32, #tpu.memory_space<vmem>>
      %dma_wait3A_93 = tpu.memref_squeeze %dma_wait3A_92 : memref<1x128xi32, #tpu.memory_space<vmem>> -> memref<128xi32, #tpu.memory_space<vmem>>
      %dma_wait3A_94 = arith.constant 0 : i32
      %dma_wait3A_95 = arith.constant 0 : i32
      %dma_wait3A_96 = tpu.memref_slice %arg11[%dma_wait3A_94, %dma_wait3A_95] : memref<10112x128xf32, #tpu.memory_space<vmem_shared>> -> memref<10112x128xf32, #tpu.memory_space<vmem_shared>>
      tpu.wait_indirect_dma semaphore(%arg15 : memref<!tpu.dma_semaphore, #tpu.memory_space<semaphore_mem>>) src(%arg10 : memref<128x128xf32, #tpu.memory_space<vmem>>) dst(%dma_wait3A_96 : memref<10112x128xf32, #tpu.memory_space<vmem_shared>>)
    }
    %scan3A_32 = arith.constant 20 : i32
    %dma_wait3A_33 = arith.constant 0 : i32
    %dma_wait3A_34 = arith.constant 0 : i32
    %dma_wait3A_35 = tpu.memref_slice %arg7[%dma_wait3A_33, %dma_wait3A_34] : memref<40x128xi32, #tpu.memory_space<vmem>> -> memref<1x128xi32, #tpu.memory_space<vmem>>
    %dma_wait3A_36 = tpu.memref_squeeze %dma_wait3A_35 : memref<1x128xi32, #tpu.memory_space<vmem>> -> memref<128xi32, #tpu.memory_space<vmem>>
    %dma_wait3A_37 = arith.constant 0 : i32
    %dma_wait3A_38 = arith.constant 0 : i32
    %dma_wait3A_39 = tpu.memref_slice %arg2[%dma_wait3A_37, %dma_wait3A_38] : memref<10016x128xf32, #tpu.memory_space<hbm>> -> memref<10016x128xf32, #tpu.memory_space<hbm>>
    tpu.wait_indirect_dma semaphore(%arg12 : memref<!tpu.dma_semaphore, #tpu.memory_space<semaphore_mem>>) src(%dma_wait3A_39 : memref<10016x128xf32, #tpu.memory_space<hbm>>) dst(%arg9 : memref<128x128xf32, #tpu.memory_space<vmem>>)
    %barrier3A_40 = arith.constant 0 : index
    tpu.barrier barrier_id(%barrier3A_40)
    "tpu.region"() ({
      %run_scoped3A = tpu.sem_alloc : memref<!tpu.dma_semaphore, #tpu.memory_space<semaphore_mem>>
      %dma_start3A_41 = arith.constant 0 : i32
      %dma_start3A_42 = arith.constant 0 : i32
      %dma_start3A_43 = tpu.memref_slice %arg6[%arg0, %dma_start3A_41, %dma_start3A_42] : memref<2x10112x128xf32, #tpu.memory_space<hbm>> -> memref<1x10112x128xf32, #tpu.memory_space<hbm>>
      %dma_start3A_44 = tpu.memref_squeeze %dma_start3A_43 : memref<1x10112x128xf32, #tpu.memory_space<hbm>> -> memref<10112x128xf32, #tpu.memory_space<hbm>>
      %dma_start3A_45 = arith.constant 0 : i32
      %dma_start3A_46 = tpu.memref_slice %dma_start3A_44[%mul3A_2, %dma_start3A_45] : memref<10112x128xf32, #tpu.memory_space<hbm>> -> memref<632x128xf32, #tpu.memory_space<hbm>>
      %dma_start3A_47 = arith.constant 0 : i32
      %dma_start3A_48 = tpu.memref_slice %arg11[%mul3A_2, %dma_start3A_47] : memref<10112x128xf32, #tpu.memory_space<vmem_shared>> -> memref<632x128xf32, #tpu.memory_space<vmem_shared>>
      tpu.enqueue_dma source(%dma_start3A_48 : memref<632x128xf32, #tpu.memory_space<vmem_shared>>) target(%dma_start3A_46 : memref<632x128xf32, #tpu.memory_space<hbm>>) target_semaphore(%run_scoped3A : memref<!tpu.dma_semaphore, #tpu.memory_space<semaphore_mem>>)
      %dma_wait3A_49 = arith.constant 0 : i32
      %dma_wait3A_50 = arith.constant 0 : i32
      %dma_wait3A_51 = tpu.memref_slice %arg6[%arg0, %dma_wait3A_49, %dma_wait3A_50] : memref<2x10112x128xf32, #tpu.memory_space<hbm>> -> memref<1x10112x128xf32, #tpu.memory_space<hbm>>
      %dma_wait3A_52 = tpu.memref_squeeze %dma_wait3A_51 : memref<1x10112x128xf32, #tpu.memory_space<hbm>> -> memref<10112x128xf32, #tpu.memory_space<hbm>>
      %dma_wait3A_53 = arith.constant 0 : i32
      %dma_wait3A_54 = tpu.memref_slice %dma_wait3A_52[%mul3A_2, %dma_wait3A_53] : memref<10112x128xf32, #tpu.memory_space<hbm>> -> memref<632x128xf32, #tpu.memory_space<hbm>>
      %dma_wait3A_55 = arith.constant 0 : i32
      %dma_wait3A_56 = tpu.memref_slice %arg11[%mul3A_2, %dma_wait3A_55] : memref<10112x128xf32, #tpu.memory_space<vmem_shared>> -> memref<632x128xf32, #tpu.memory_space<vmem_shared>>
      tpu.wait_dma2 semaphore(%run_scoped3A : memref<!tpu.dma_semaphore, #tpu.memory_space<semaphore_mem>>) src(%dma_wait3A_56 : memref<632x128xf32, #tpu.memory_space<vmem_shared>>) dst(%dma_wait3A_54 : memref<632x128xf32, #tpu.memory_space<hbm>>)
      tpu.yield
    }) : () -> ()
    return
  }
}

#map = affine_map<(d0, d1) -> (0, 0)>
#map1 = affine_map<(d0, d1) -> (0, 0, 0)>
module attributes {stable_mosaic.version = 14 : i64} {
  func.func @body(%arg0: i32, %arg1: i32, %arg2: memref<10016x128xf32, #tpu.memory_space<hbm>>, %arg3: memref<32x80x128xi32, #tpu.memory_space<hbm>>, %arg4: memref<32x80x128xi32, #tpu.memory_space<hbm>>, %arg5: memref<632x128xf32, #tpu.memory_space<hbm>>, %arg6: memref<2x10112x128xf32, #tpu.memory_space<hbm>>, %arg7: memref<40x128xi32, #tpu.memory_space<vmem>>, %arg8: memref<40x128xi32, #tpu.memory_space<vmem>>, %arg9: memref<128x128xf32, #tpu.memory_space<vmem>>, %arg10: memref<128x128xf32, #tpu.memory_space<vmem>>, %arg11: memref<10112x128xf32, #tpu.memory_space<vmem_shared>>, %arg12: memref<!tpu.dma_semaphore, #tpu.memory_space<semaphore_mem>>, %arg13: memref<!tpu.dma_semaphore, #tpu.memory_space<semaphore_mem>>, %arg14: memref<!tpu.dma_semaphore, #tpu.memory_space<semaphore_mem>>, %arg15: memref<!tpu.dma_semaphore, #tpu.memory_space<semaphore_mem>>) attributes {dimension_semantics = [#tpu.dimension_semantics<core_parallel>, #tpu.dimension_semantics<subcore_parallel>], iteration_bounds = array<i64: 2, 16>, scalar_prefetch = 0 : i64, scratch_operands = 9 : i64, tpu.core_type = #tpu.core_type<sc_vector_subcore>, window_params = [{transform_indices = #map}, {transform_indices = #map1}, {transform_indices = #map1}, {transform_indices = #map}, {transform_indices = #map1}]} {
    %mul3A = arith.constant 2 : i32
    %mul3A_0 = arith.muli %arg1, %mul3A : i32
    %add3A = arith.addi %mul3A_0, %arg0 : i32
    %mul3A_1 = arith.constant 632 : i32
    %mul3A_2 = arith.muli %arg1, %mul3A_1 : i32
    "tpu.region"() ({
      %run_scoped3A = tpu.sem_alloc : memref<!tpu.dma_semaphore, #tpu.memory_space<semaphore_mem>>
      %dma_start3A_41 = arith.constant 0 : i32
      %dma_start3A_42 = arith.constant 0 : i32
      %dma_start3A_43 = tpu.memref_slice %arg3[%add3A, %dma_start3A_41, %dma_start3A_42] : memref<32x80x128xi32, #tpu.memory_space<hbm>> -> memref<1x80x128xi32, #tpu.memory_space<hbm>>
      %dma_start3A_44 = tpu.memref_squeeze %dma_start3A_43 : memref<1x80x128xi32, #tpu.memory_space<hbm>> -> memref<80x128xi32, #tpu.memory_space<hbm>>
      %dma_start3A_45 = arith.constant 0 : i32
      %dma_start3A_46 = arith.constant 0 : i32
      %dma_start3A_47 = tpu.memref_slice %dma_start3A_44[%dma_start3A_45, %dma_start3A_46] : memref<80x128xi32, #tpu.memory_space<hbm>> -> memref<40x128xi32, #tpu.memory_space<hbm>>
      %dma_start3A_48 = arith.constant 0 : i32
      %dma_start3A_49 = arith.constant 0 : i32
      %dma_start3A_50 = tpu.memref_slice %arg3[%add3A, %dma_start3A_48, %dma_start3A_49] : memref<32x80x128xi32, #tpu.memory_space<hbm>> -> memref<1x80x128xi32, #tpu.memory_space<hbm>>
      %dma_start3A_51 = tpu.memref_squeeze %dma_start3A_50 : memref<1x80x128xi32, #tpu.memory_space<hbm>> -> memref<80x128xi32, #tpu.memory_space<hbm>>
      %dma_start3A_52 = arith.constant 0 : i32
      %dma_start3A_53 = arith.constant 0 : i32
      %dma_start3A_54 = tpu.memref_slice %dma_start3A_51[%dma_start3A_52, %dma_start3A_53] : memref<80x128xi32, #tpu.memory_space<hbm>> -> memref<40x128xi32, #tpu.memory_space<hbm>>
      tpu.enqueue_dma source(%dma_start3A_54 : memref<40x128xi32, #tpu.memory_space<hbm>>) target(%arg7 : memref<40x128xi32, #tpu.memory_space<vmem>>) target_semaphore(%run_scoped3A : memref<!tpu.dma_semaphore, #tpu.memory_space<semaphore_mem>>)
      %dma_wait3A_55 = arith.constant 0 : i32
      %dma_wait3A_56 = arith.constant 0 : i32
      %dma_wait3A_57 = tpu.memref_slice %arg3[%add3A, %dma_wait3A_55, %dma_wait3A_56] : memref<32x80x128xi32, #tpu.memory_space<hbm>> -> memref<1x80x128xi32, #tpu.memory_space<hbm>>
      %dma_wait3A_58 = tpu.memref_squeeze %dma_wait3A_57 : memref<1x80x128xi32, #tpu.memory_space<hbm>> -> memref<80x128xi32, #tpu.memory_space<hbm>>
      %dma_wait3A_59 = arith.constant 0 : i32
      %dma_wait3A_60 = arith.constant 0 : i32
      %dma_wait3A_61 = tpu.memref_slice %dma_wait3A_58[%dma_wait3A_59, %dma_wait3A_60] : memref<80x128xi32, #tpu.memory_space<hbm>> -> memref<40x128xi32, #tpu.memory_space<hbm>>
      %dma_wait3A_62 = arith.constant 0 : i32
      %dma_wait3A_63 = arith.constant 0 : i32
      %dma_wait3A_64 = tpu.memref_slice %arg3[%add3A, %dma_wait3A_62, %dma_wait3A_63] : memref<32x80x128xi32, #tpu.memory_space<hbm>> -> memref<1x80x128xi32, #tpu.memory_space<hbm>>
      %dma_wait3A_65 = tpu.memref_squeeze %dma_wait3A_64 : memref<1x80x128xi32, #tpu.memory_space<hbm>> -> memref<80x128xi32, #tpu.memory_space<hbm>>
      %dma_wait3A_66 = arith.constant 0 : i32
      %dma_wait3A_67 = arith.constant 0 : i32
      %dma_wait3A_68 = tpu.memref_slice %dma_wait3A_65[%dma_wait3A_66, %dma_wait3A_67] : memref<80x128xi32, #tpu.memory_space<hbm>> -> memref<40x128xi32, #tpu.memory_space<hbm>>
      tpu.wait_dma2 semaphore(%run_scoped3A : memref<!tpu.dma_semaphore, #tpu.memory_space<semaphore_mem>>) src(%dma_wait3A_68 : memref<40x128xi32, #tpu.memory_space<hbm>>) dst(%arg7 : memref<40x128xi32, #tpu.memory_space<vmem>>)
      tpu.yield
    }) : () -> ()
    "tpu.region"() ({
      %run_scoped3A = tpu.sem_alloc : memref<!tpu.dma_semaphore, #tpu.memory_space<semaphore_mem>>
      %dma_start3A_41 = arith.constant 0 : i32
      %dma_start3A_42 = arith.constant 0 : i32
      %dma_start3A_43 = tpu.memref_slice %arg4[%add3A, %dma_start3A_41, %dma_start3A_42] : memref<32x80x128xi32, #tpu.memory_space<hbm>> -> memref<1x80x128xi32, #tpu.memory_space<hbm>>
      %dma_start3A_44 = tpu.memref_squeeze %dma_start3A_43 : memref<1x80x128xi32, #tpu.memory_space<hbm>> -> memref<80x128xi32, #tpu.memory_space<hbm>>
      %dma_start3A_45 = arith.constant 0 : i32
      %dma_start3A_46 = arith.constant 0 : i32
      %dma_start3A_47 = tpu.memref_slice %dma_start3A_44[%dma_start3A_45, %dma_start3A_46] : memref<80x128xi32, #tpu.memory_space<hbm>> -> memref<40x128xi32, #tpu.memory_space<hbm>>
      %dma_start3A_48 = arith.constant 0 : i32
      %dma_start3A_49 = arith.constant 0 : i32
      %dma_start3A_50 = tpu.memref_slice %arg4[%add3A, %dma_start3A_48, %dma_start3A_49] : memref<32x80x128xi32, #tpu.memory_space<hbm>> -> memref<1x80x128xi32, #tpu.memory_space<hbm>>
      %dma_start3A_51 = tpu.memref_squeeze %dma_start3A_50 : memref<1x80x128xi32, #tpu.memory_space<hbm>> -> memref<80x128xi32, #tpu.memory_space<hbm>>
      %dma_start3A_52 = arith.constant 0 : i32
      %dma_start3A_53 = arith.constant 0 : i32
      %dma_start3A_54 = tpu.memref_slice %dma_start3A_51[%dma_start3A_52, %dma_start3A_53] : memref<80x128xi32, #tpu.memory_space<hbm>> -> memref<40x128xi32, #tpu.memory_space<hbm>>
      tpu.enqueue_dma source(%dma_start3A_54 : memref<40x128xi32, #tpu.memory_space<hbm>>) target(%arg8 : memref<40x128xi32, #tpu.memory_space<vmem>>) target_semaphore(%run_scoped3A : memref<!tpu.dma_semaphore, #tpu.memory_space<semaphore_mem>>)
      %dma_wait3A_55 = arith.constant 0 : i32
      %dma_wait3A_56 = arith.constant 0 : i32
      %dma_wait3A_57 = tpu.memref_slice %arg4[%add3A, %dma_wait3A_55, %dma_wait3A_56] : memref<32x80x128xi32, #tpu.memory_space<hbm>> -> memref<1x80x128xi32, #tpu.memory_space<hbm>>
      %dma_wait3A_58 = tpu.memref_squeeze %dma_wait3A_57 : memref<1x80x128xi32, #tpu.memory_space<hbm>> -> memref<80x128xi32, #tpu.memory_space<hbm>>
      %dma_wait3A_59 = arith.constant 0 : i32
      %dma_wait3A_60 = arith.constant 0 : i32
      %dma_wait3A_61 = tpu.memref_slice %dma_wait3A_58[%dma_wait3A_59, %dma_wait3A_60] : memref<80x128xi32, #tpu.memory_space<hbm>> -> memref<40x128xi32, #tpu.memory_space<hbm>>
      %dma_wait3A_62 = arith.constant 0 : i32
      %dma_wait3A_63 = arith.constant 0 : i32
      %dma_wait3A_64 = tpu.memref_slice %arg4[%add3A, %dma_wait3A_62, %dma_wait3A_63] : memref<32x80x128xi32, #tpu.memory_space<hbm>> -> memref<1x80x128xi32, #tpu.memory_space<hbm>>
      %dma_wait3A_65 = tpu.memref_squeeze %dma_wait3A_64 : memref<1x80x128xi32, #tpu.memory_space<hbm>> -> memref<80x128xi32, #tpu.memory_space<hbm>>
      %dma_wait3A_66 = arith.constant 0 : i32
      %dma_wait3A_67 = arith.constant 0 : i32
      %dma_wait3A_68 = tpu.memref_slice %dma_wait3A_65[%dma_wait3A_66, %dma_wait3A_67] : memref<80x128xi32, #tpu.memory_space<hbm>> -> memref<40x128xi32, #tpu.memory_space<hbm>>
      tpu.wait_dma2 semaphore(%run_scoped3A : memref<!tpu.dma_semaphore, #tpu.memory_space<semaphore_mem>>) src(%dma_wait3A_68 : memref<40x128xi32, #tpu.memory_space<hbm>>) dst(%arg8 : memref<40x128xi32, #tpu.memory_space<vmem>>)
      tpu.yield
    }) : () -> ()
    "tpu.region"() ({
      %run_scoped3A = tpu.sem_alloc : memref<!tpu.dma_semaphore, #tpu.memory_space<semaphore_mem>>
      %dma_start3A_41 = arith.constant 0 : i32
      %dma_start3A_42 = tpu.memref_slice %arg11[%mul3A_2, %dma_start3A_41] : memref<10112x128xf32, #tpu.memory_space<vmem_shared>> -> memref<632x128xf32, #tpu.memory_space<vmem_shared>>
      tpu.enqueue_dma source(%arg5 : memref<632x128xf32, #tpu.memory_space<hbm>>) target(%dma_start3A_42 : memref<632x128xf32, #tpu.memory_space<vmem_shared>>) target_semaphore(%run_scoped3A : memref<!tpu.dma_semaphore, #tpu.memory_space<semaphore_mem>>)
      %dma_wait3A_43 = arith.constant 0 : i32
      %dma_wait3A_44 = tpu.memref_slice %arg11[%mul3A_2, %dma_wait3A_43] : memref<10112x128xf32, #tpu.memory_space<vmem_shared>> -> memref<632x128xf32, #tpu.memory_space<vmem_shared>>
      tpu.wait_dma2 semaphore(%run_scoped3A : memref<!tpu.dma_semaphore, #tpu.memory_space<semaphore_mem>>) src(%arg5 : memref<632x128xf32, #tpu.memory_space<hbm>>) dst(%dma_wait3A_44 : memref<632x128xf32, #tpu.memory_space<vmem_shared>>)
      tpu.yield
    }) : () -> ()
    %dma_start3A = arith.constant 0 : i32
    %dma_start3A_3 = arith.constant 0 : i32
    %dma_start3A_4 = tpu.memref_slice %arg7[%dma_start3A, %dma_start3A_3] : memref<40x128xi32, #tpu.memory_space<vmem>> -> memref<1x128xi32, #tpu.memory_space<vmem>>
    %dma_start3A_5 = tpu.memref_squeeze %dma_start3A_4 : memref<1x128xi32, #tpu.memory_space<vmem>> -> memref<128xi32, #tpu.memory_space<vmem>>
    %dma_start3A_6 = arith.constant 0 : i32
    %dma_start3A_7 = arith.constant 0 : i32
    %dma_start3A_8 = tpu.memref_slice %arg2[%dma_start3A_6, %dma_start3A_7] : memref<10016x128xf32, #tpu.memory_space<hbm>> -> memref<10016x128xf32, #tpu.memory_space<hbm>>
    tpu.enqueue_indirect_dma source(%dma_start3A_8 : memref<10016x128xf32, #tpu.memory_space<hbm>>) target(%arg9 : memref<128x128xf32, #tpu.memory_space<vmem>>) offsets(%dma_start3A_5 : memref<128xi32, #tpu.memory_space<vmem>>) semaphore(%arg12 : memref<!tpu.dma_semaphore, #tpu.memory_space<semaphore_mem>>)
    %barrier3A = arith.constant 0 : index
    tpu.barrier barrier_id(%barrier3A)
    %scan3A = arith.constant 0 : i32
    %scan3A_9 = arith.constant 0 : i32
    %scan3A_10 = arith.constant 20 : i32
    %scan3A_11 = arith.addi %scan3A_9, %scan3A_10 : i32
    %scan3A_12 = arith.constant 1 : i32
    scf.for %scan3A_41 = %scan3A_9 to %scan3A_11 step %scan3A_12  : i32 {
      %mul3A_42 = arith.constant 2 : i32
      %mul3A_43 = arith.muli %mul3A_42, %scan3A_41 : i32
      %add3A_44 = arith.constant 1 : i32
      %add3A_45 = arith.addi %mul3A_43, %add3A_44 : i32
      %add3A_46 = arith.constant 2 : i32
      %add3A_47 = arith.addi %mul3A_43, %add3A_46 : i32
      %rem3A = arith.constant 40 : i32
      %rem3A_48 = arith.remsi %add3A_47, %rem3A : i32
      %dma_wait3A_49 = arith.constant 0 : i32
      %dma_wait3A_50 = tpu.memref_slice %arg7[%mul3A_43, %dma_wait3A_49] : memref<40x128xi32, #tpu.memory_space<vmem>> -> memref<1x128xi32, #tpu.memory_space<vmem>>
      %dma_wait3A_51 = tpu.memref_squeeze %dma_wait3A_50 : memref<1x128xi32, #tpu.memory_space<vmem>> -> memref<128xi32, #tpu.memory_space<vmem>>
      %dma_wait3A_52 = arith.constant 0 : i32
      %dma_wait3A_53 = arith.constant 0 : i32
      %dma_wait3A_54 = tpu.memref_slice %arg2[%dma_wait3A_52, %dma_wait3A_53] : memref<10016x128xf32, #tpu.memory_space<hbm>> -> memref<10016x128xf32, #tpu.memory_space<hbm>>
      tpu.wait_indirect_dma semaphore(%arg12 : memref<!tpu.dma_semaphore, #tpu.memory_space<semaphore_mem>>) src(%dma_wait3A_54 : memref<10016x128xf32, #tpu.memory_space<hbm>>) dst(%arg9 : memref<128x128xf32, #tpu.memory_space<vmem>>)
      %dma_start3A_55 = arith.constant 0 : i32
      %dma_start3A_56 = tpu.memref_slice %arg7[%add3A_45, %dma_start3A_55] : memref<40x128xi32, #tpu.memory_space<vmem>> -> memref<1x128xi32, #tpu.memory_space<vmem>>
      %dma_start3A_57 = tpu.memref_squeeze %dma_start3A_56 : memref<1x128xi32, #tpu.memory_space<vmem>> -> memref<128xi32, #tpu.memory_space<vmem>>
      %dma_start3A_58 = arith.constant 0 : i32
      %dma_start3A_59 = arith.constant 0 : i32
      %dma_start3A_60 = tpu.memref_slice %arg2[%dma_start3A_58, %dma_start3A_59] : memref<10016x128xf32, #tpu.memory_space<hbm>> -> memref<10016x128xf32, #tpu.memory_space<hbm>>
      tpu.enqueue_indirect_dma source(%dma_start3A_60 : memref<10016x128xf32, #tpu.memory_space<hbm>>) target(%arg10 : memref<128x128xf32, #tpu.memory_space<vmem>>) offsets(%dma_start3A_57 : memref<128xi32, #tpu.memory_space<vmem>>) semaphore(%arg13 : memref<!tpu.dma_semaphore, #tpu.memory_space<semaphore_mem>>)
      %dma_start3A_61 = arith.constant 0 : i32
      %dma_start3A_62 = tpu.memref_slice %arg8[%mul3A_43, %dma_start3A_61] : memref<40x128xi32, #tpu.memory_space<vmem>> -> memref<1x128xi32, #tpu.memory_space<vmem>>
      %dma_start3A_63 = tpu.memref_squeeze %dma_start3A_62 : memref<1x128xi32, #tpu.memory_space<vmem>> -> memref<128xi32, #tpu.memory_space<vmem>>
      %dma_start3A_64 = arith.constant 0 : i32
      %dma_start3A_65 = arith.constant 0 : i32
      %dma_start3A_66 = tpu.memref_slice %arg11[%dma_start3A_64, %dma_start3A_65] : memref<10112x128xf32, #tpu.memory_space<vmem_shared>> -> memref<10112x128xf32, #tpu.memory_space<vmem_shared>>
      tpu.enqueue_indirect_dma source(%arg9 : memref<128x128xf32, #tpu.memory_space<vmem>>) target(%dma_start3A_66 : memref<10112x128xf32, #tpu.memory_space<vmem_shared>>) offsets(%dma_start3A_63 : memref<128xi32, #tpu.memory_space<vmem>>) semaphore(%arg14 : memref<!tpu.dma_semaphore, #tpu.memory_space<semaphore_mem>>) {add = true}
      %dma_wait3A_67 = arith.constant 0 : i32
      %dma_wait3A_68 = tpu.memref_slice %arg7[%add3A_45, %dma_wait3A_67] : memref<40x128xi32, #tpu.memory_space<vmem>> -> memref<1x128xi32, #tpu.memory_space<vmem>>
      %dma_wait3A_69 = tpu.memref_squeeze %dma_wait3A_68 : memref<1x128xi32, #tpu.memory_space<vmem>> -> memref<128xi32, #tpu.memory_space<vmem>>
      %dma_wait3A_70 = arith.constant 0 : i32
      %dma_wait3A_71 = arith.constant 0 : i32
      %dma_wait3A_72 = tpu.memref_slice %arg2[%dma_wait3A_70, %dma_wait3A_71] : memref<10016x128xf32, #tpu.memory_space<hbm>> -> memref<10016x128xf32, #tpu.memory_space<hbm>>
      tpu.wait_indirect_dma semaphore(%arg13 : memref<!tpu.dma_semaphore, #tpu.memory_space<semaphore_mem>>) src(%dma_wait3A_72 : memref<10016x128xf32, #tpu.memory_space<hbm>>) dst(%arg10 : memref<128x128xf32, #tpu.memory_space<vmem>>)
      %dma_wait3A_73 = arith.constant 0 : i32
      %dma_wait3A_74 = tpu.memref_slice %arg8[%mul3A_43, %dma_wait3A_73] : memref<40x128xi32, #tpu.memory_space<vmem>> -> memref<1x128xi32, #tpu.memory_space<vmem>>
      %dma_wait3A_75 = tpu.memref_squeeze %dma_wait3A_74 : memref<1x128xi32, #tpu.memory_space<vmem>> -> memref<128xi32, #tpu.memory_space<vmem>>
      %dma_wait3A_76 = arith.constant 0 : i32
      %dma_wait3A_77 = arith.constant 0 : i32
      %dma_wait3A_78 = tpu.memref_slice %arg11[%dma_wait3A_76, %dma_wait3A_77] : memref<10112x128xf32, #tpu.memory_space<vmem_shared>> -> memref<10112x128xf32, #tpu.memory_space<vmem_shared>>
      tpu.wait_indirect_dma semaphore(%arg14 : memref<!tpu.dma_semaphore, #tpu.memory_space<semaphore_mem>>) src(%arg9 : memref<128x128xf32, #tpu.memory_space<vmem>>) dst(%dma_wait3A_78 : memref<10112x128xf32, #tpu.memory_space<vmem_shared>>)
      %dma_start3A_79 = arith.constant 0 : i32
      %dma_start3A_80 = tpu.memref_slice %arg8[%add3A_45, %dma_start3A_79] : memref<40x128xi32, #tpu.memory_space<vmem>> -> memref<1x128xi32, #tpu.memory_space<vmem>>
      %dma_start3A_81 = tpu.memref_squeeze %dma_start3A_80 : memref<1x128xi32, #tpu.memory_space<vmem>> -> memref<128xi32, #tpu.memory_space<vmem>>
      %dma_start3A_82 = arith.constant 0 : i32
      %dma_start3A_83 = arith.constant 0 : i32
      %dma_start3A_84 = tpu.memref_slice %arg11[%dma_start3A_82, %dma_start3A_83] : memref<10112x128xf32, #tpu.memory_space<vmem_shared>> -> memref<10112x128xf32, #tpu.memory_space<vmem_shared>>
      tpu.enqueue_indirect_dma source(%arg10 : memref<128x128xf32, #tpu.memory_space<vmem>>) target(%dma_start3A_84 : memref<10112x128xf32, #tpu.memory_space<vmem_shared>>) offsets(%dma_start3A_81 : memref<128xi32, #tpu.memory_space<vmem>>) semaphore(%arg15 : memref<!tpu.dma_semaphore, #tpu.memory_space<semaphore_mem>>) {add = true}
      %dma_start3A_85 = arith.constant 0 : i32
      %dma_start3A_86 = tpu.memref_slice %arg7[%rem3A_48, %dma_start3A_85] : memref<40x128xi32, #tpu.memory_space<vmem>> -> memref<1x128xi32, #tpu.memory_space<vmem>>
      %dma_start3A_87 = tpu.memref_squeeze %dma_start3A_86 : memref<1x128xi32, #tpu.memory_space<vmem>> -> memref<128xi32, #tpu.memory_space<vmem>>
      %dma_start3A_88 = arith.constant 0 : i32
      %dma_start3A_89 = arith.constant 0 : i32
      %dma_start3A_90 = tpu.memref_slice %arg2[%dma_start3A_88, %dma_start3A_89] : memref<10016x128xf32, #tpu.memory_space<hbm>> -> memref<10016x128xf32, #tpu.memory_space<hbm>>
      tpu.enqueue_indirect_dma source(%dma_start3A_90 : memref<10016x128xf32, #tpu.memory_space<hbm>>) target(%arg9 : memref<128x128xf32, #tpu.memory_space<vmem>>) offsets(%dma_start3A_87 : memref<128xi32, #tpu.memory_space<vmem>>) semaphore(%arg12 : memref<!tpu.dma_semaphore, #tpu.memory_space<semaphore_mem>>)
      %dma_wait3A_91 = arith.constant 0 : i32
      %dma_wait3A_92 = tpu.memref_slice %arg8[%add3A_45, %dma_wait3A_91] : memref<40x128xi32, #tpu.memory_space<vmem>> -> memref<1x128xi32, #tpu.memory_space<vmem>>
      %dma_wait3A_93 = tpu.memref_squeeze %dma_wait3A_92 : memref<1x128xi32, #tpu.memory_space<vmem>> -> memref<128xi32, #tpu.memory_space<vmem>>
      %dma_wait3A_94 = arith.constant 0 : i32
      %dma_wait3A_95 = arith.constant 0 : i32
      %dma_wait3A_96 = tpu.memref_slice %arg11[%dma_wait3A_94, %dma_wait3A_95] : memref<10112x128xf32, #tpu.memory_space<vmem_shared>> -> memref<10112x128xf32, #tpu.memory_space<vmem_shared>>
      tpu.wait_indirect_dma semaphore(%arg15 : memref<!tpu.dma_semaphore, #tpu.memory_space<semaphore_mem>>) src(%arg10 : memref<128x128xf32, #tpu.memory_space<vmem>>) dst(%dma_wait3A_96 : memref<10112x128xf32, #tpu.memory_space<vmem_shared>>)
    }
    %scan3A_13 = arith.constant 20 : i32
    %dma_wait3A = arith.constant 0 : i32
    %dma_wait3A_14 = arith.constant 0 : i32
    %dma_wait3A_15 = tpu.memref_slice %arg7[%dma_wait3A, %dma_wait3A_14] : memref<40x128xi32, #tpu.memory_space<vmem>> -> memref<1x128xi32, #tpu.memory_space<vmem>>
    %dma_wait3A_16 = tpu.memref_squeeze %dma_wait3A_15 : memref<1x128xi32, #tpu.memory_space<vmem>> -> memref<128xi32, #tpu.memory_space<vmem>>
    %dma_wait3A_17 = arith.constant 0 : i32
    %dma_wait3A_18 = arith.constant 0 : i32
    %dma_wait3A_19 = tpu.memref_slice %arg2[%dma_wait3A_17, %dma_wait3A_18] : memref<10016x128xf32, #tpu.memory_space<hbm>> -> memref<10016x128xf32, #tpu.memory_space<hbm>>
    tpu.wait_indirect_dma semaphore(%arg12 : memref<!tpu.dma_semaphore, #tpu.memory_space<semaphore_mem>>) src(%dma_wait3A_19 : memref<10016x128xf32, #tpu.memory_space<hbm>>) dst(%arg9 : memref<128x128xf32, #tpu.memory_space<vmem>>)
    "tpu.region"() ({
      %run_scoped3A = tpu.sem_alloc : memref<!tpu.dma_semaphore, #tpu.memory_space<semaphore_mem>>
      %dma_start3A_41 = arith.constant 0 : i32
      %dma_start3A_42 = arith.constant 0 : i32
      %dma_start3A_43 = tpu.memref_slice %arg3[%add3A, %dma_start3A_41, %dma_start3A_42] : memref<32x80x128xi32, #tpu.memory_space<hbm>> -> memref<1x80x128xi32, #tpu.memory_space<hbm>>
      %dma_start3A_44 = tpu.memref_squeeze %dma_start3A_43 : memref<1x80x128xi32, #tpu.memory_space<hbm>> -> memref<80x128xi32, #tpu.memory_space<hbm>>
      %dma_start3A_45 = arith.constant 40 : i32
      %dma_start3A_46 = arith.constant 0 : i32
      %dma_start3A_47 = tpu.memref_slice %dma_start3A_44[%dma_start3A_45, %dma_start3A_46] : memref<80x128xi32, #tpu.memory_space<hbm>> -> memref<40x128xi32, #tpu.memory_space<hbm>>
      %dma_start3A_48 = arith.constant 0 : i32
      %dma_start3A_49 = arith.constant 0 : i32
      %dma_start3A_50 = tpu.memref_slice %arg3[%add3A, %dma_start3A_48, %dma_start3A_49] : memref<32x80x128xi32, #tpu.memory_space<hbm>> -> memref<1x80x128xi32, #tpu.memory_space<hbm>>
      %dma_start3A_51 = tpu.memref_squeeze %dma_start3A_50 : memref<1x80x128xi32, #tpu.memory_space<hbm>> -> memref<80x128xi32, #tpu.memory_space<hbm>>
      %dma_start3A_52 = arith.constant 40 : i32
      %dma_start3A_53 = arith.constant 0 : i32
      %dma_start3A_54 = tpu.memref_slice %dma_start3A_51[%dma_start3A_52, %dma_start3A_53] : memref<80x128xi32, #tpu.memory_space<hbm>> -> memref<40x128xi32, #tpu.memory_space<hbm>>
      tpu.enqueue_dma source(%dma_start3A_54 : memref<40x128xi32, #tpu.memory_space<hbm>>) target(%arg7 : memref<40x128xi32, #tpu.memory_space<vmem>>) target_semaphore(%run_scoped3A : memref<!tpu.dma_semaphore, #tpu.memory_space<semaphore_mem>>)
      %dma_wait3A_55 = arith.constant 0 : i32
      %dma_wait3A_56 = arith.constant 0 : i32
      %dma_wait3A_57 = tpu.memref_slice %arg3[%add3A, %dma_wait3A_55, %dma_wait3A_56] : memref<32x80x128xi32, #tpu.memory_space<hbm>> -> memref<1x80x128xi32, #tpu.memory_space<hbm>>
      %dma_wait3A_58 = tpu.memref_squeeze %dma_wait3A_57 : memref<1x80x128xi32, #tpu.memory_space<hbm>> -> memref<80x128xi32, #tpu.memory_space<hbm>>
      %dma_wait3A_59 = arith.constant 40 : i32
      %dma_wait3A_60 = arith.constant 0 : i32
      %dma_wait3A_61 = tpu.memref_slice %dma_wait3A_58[%dma_wait3A_59, %dma_wait3A_60] : memref<80x128xi32, #tpu.memory_space<hbm>> -> memref<40x128xi32, #tpu.memory_space<hbm>>
      %dma_wait3A_62 = arith.constant 0 : i32
      %dma_wait3A_63 = arith.constant 0 : i32
      %dma_wait3A_64 = tpu.memref_slice %arg3[%add3A, %dma_wait3A_62, %dma_wait3A_63] : memref<32x80x128xi32, #tpu.memory_space<hbm>> -> memref<1x80x128xi32, #tpu.memory_space<hbm>>
      %dma_wait3A_65 = tpu.memref_squeeze %dma_wait3A_64 : memref<1x80x128xi32, #tpu.memory_space<hbm>> -> memref<80x128xi32, #tpu.memory_space<hbm>>
      %dma_wait3A_66 = arith.constant 40 : i32
      %dma_wait3A_67 = arith.constant 0 : i32
      %dma_wait3A_68 = tpu.memref_slice %dma_wait3A_65[%dma_wait3A_66, %dma_wait3A_67] : memref<80x128xi32, #tpu.memory_space<hbm>> -> memref<40x128xi32, #tpu.memory_space<hbm>>
      tpu.wait_dma2 semaphore(%run_scoped3A : memref<!tpu.dma_semaphore, #tpu.memory_space<semaphore_mem>>) src(%dma_wait3A_68 : memref<40x128xi32, #tpu.memory_space<hbm>>) dst(%arg7 : memref<40x128xi32, #tpu.memory_space<vmem>>)
      tpu.yield
    }) : () -> ()
    "tpu.region"() ({
      %run_scoped3A = tpu.sem_alloc : memref<!tpu.dma_semaphore, #tpu.memory_space<semaphore_mem>>
      %dma_start3A_41 = arith.constant 0 : i32
      %dma_start3A_42 = arith.constant 0 : i32
      %dma_start3A_43 = tpu.memref_slice %arg4[%add3A, %dma_start3A_41, %dma_start3A_42] : memref<32x80x128xi32, #tpu.memory_space<hbm>> -> memref<1x80x128xi32, #tpu.memory_space<hbm>>
      %dma_start3A_44 = tpu.memref_squeeze %dma_start3A_43 : memref<1x80x128xi32, #tpu.memory_space<hbm>> -> memref<80x128xi32, #tpu.memory_space<hbm>>
      %dma_start3A_45 = arith.constant 40 : i32
      %dma_start3A_46 = arith.constant 0 : i32
      %dma_start3A_47 = tpu.memref_slice %dma_start3A_44[%dma_start3A_45, %dma_start3A_46] : memref<80x128xi32, #tpu.memory_space<hbm>> -> memref<40x128xi32, #tpu.memory_space<hbm>>
      %dma_start3A_48 = arith.constant 0 : i32
      %dma_start3A_49 = arith.constant 0 : i32
      %dma_start3A_50 = tpu.memref_slice %arg4[%add3A, %dma_start3A_48, %dma_start3A_49] : memref<32x80x128xi32, #tpu.memory_space<hbm>> -> memref<1x80x128xi32, #tpu.memory_space<hbm>>
      %dma_start3A_51 = tpu.memref_squeeze %dma_start3A_50 : memref<1x80x128xi32, #tpu.memory_space<hbm>> -> memref<80x128xi32, #tpu.memory_space<hbm>>
      %dma_start3A_52 = arith.constant 40 : i32
      %dma_start3A_53 = arith.constant 0 : i32
      %dma_start3A_54 = tpu.memref_slice %dma_start3A_51[%dma_start3A_52, %dma_start3A_53] : memref<80x128xi32, #tpu.memory_space<hbm>> -> memref<40x128xi32, #tpu.memory_space<hbm>>
      tpu.enqueue_dma source(%dma_start3A_54 : memref<40x128xi32, #tpu.memory_space<hbm>>) target(%arg8 : memref<40x128xi32, #tpu.memory_space<vmem>>) target_semaphore(%run_scoped3A : memref<!tpu.dma_semaphore, #tpu.memory_space<semaphore_mem>>)
      %dma_wait3A_55 = arith.constant 0 : i32
      %dma_wait3A_56 = arith.constant 0 : i32
      %dma_wait3A_57 = tpu.memref_slice %arg4[%add3A, %dma_wait3A_55, %dma_wait3A_56] : memref<32x80x128xi32, #tpu.memory_space<hbm>> -> memref<1x80x128xi32, #tpu.memory_space<hbm>>
      %dma_wait3A_58 = tpu.memref_squeeze %dma_wait3A_57 : memref<1x80x128xi32, #tpu.memory_space<hbm>> -> memref<80x128xi32, #tpu.memory_space<hbm>>
      %dma_wait3A_59 = arith.constant 40 : i32
      %dma_wait3A_60 = arith.constant 0 : i32
      %dma_wait3A_61 = tpu.memref_slice %dma_wait3A_58[%dma_wait3A_59, %dma_wait3A_60] : memref<80x128xi32, #tpu.memory_space<hbm>> -> memref<40x128xi32, #tpu.memory_space<hbm>>
      %dma_wait3A_62 = arith.constant 0 : i32
      %dma_wait3A_63 = arith.constant 0 : i32
      %dma_wait3A_64 = tpu.memref_slice %arg4[%add3A, %dma_wait3A_62, %dma_wait3A_63] : memref<32x80x128xi32, #tpu.memory_space<hbm>> -> memref<1x80x128xi32, #tpu.memory_space<hbm>>
      %dma_wait3A_65 = tpu.memref_squeeze %dma_wait3A_64 : memref<1x80x128xi32, #tpu.memory_space<hbm>> -> memref<80x128xi32, #tpu.memory_space<hbm>>
      %dma_wait3A_66 = arith.constant 40 : i32
      %dma_wait3A_67 = arith.constant 0 : i32
      %dma_wait3A_68 = tpu.memref_slice %dma_wait3A_65[%dma_wait3A_66, %dma_wait3A_67] : memref<80x128xi32, #tpu.memory_space<hbm>> -> memref<40x128xi32, #tpu.memory_space<hbm>>
      tpu.wait_dma2 semaphore(%run_scoped3A : memref<!tpu.dma_semaphore, #tpu.memory_space<semaphore_mem>>) src(%dma_wait3A_68 : memref<40x128xi32, #tpu.memory_space<hbm>>) dst(%arg8 : memref<40x128xi32, #tpu.memory_space<vmem>>)
      tpu.yield
    }) : () -> ()
    %dma_start3A_20 = arith.constant 0 : i32
    %dma_start3A_21 = arith.constant 0 : i32
    %dma_start3A_22 = tpu.memref_slice %arg7[%dma_start3A_20, %dma_start3A_21] : memref<40x128xi32, #tpu.memory_space<vmem>> -> memref<1x128xi32, #tpu.memory_space<vmem>>
    %dma_start3A_23 = tpu.memref_squeeze %dma_start3A_22 : memref<1x128xi32, #tpu.memory_space<vmem>> -> memref<128xi32, #tpu.memory_space<vmem>>
    %dma_start3A_24 = arith.constant 0 : i32
    %dma_start3A_25 = arith.constant 0 : i32
    %dma_start3A_26 = tpu.memref_slice %arg2[%dma_start3A_24, %dma_start3A_25] : memref<10016x128xf32, #tpu.memory_space<hbm>> -> memref<10016x128xf32, #tpu.memory_space<hbm>>
    tpu.enqueue_indirect_dma source(%dma_start3A_26 : memref<10016x128xf32, #tpu.memory_space<hbm>>) target(%arg9 : memref<128x128xf32, #tpu.memory_space<vmem>>) offsets(%dma_start3A_23 : memref<128xi32, #tpu.memory_space<vmem>>) semaphore(%arg12 : memref<!tpu.dma_semaphore, #tpu.memory_space<semaphore_mem>>)
    %scan3A_27 = arith.constant 0 : i32
    %scan3A_28 = arith.constant 0 : i32
    %scan3A_29 = arith.constant 20 : i32
    %scan3A_30 = arith.addi %scan3A_28, %scan3A_29 : i32
    %scan3A_31 = arith.constant 1 : i32
    scf.for %scan3A_41 = %scan3A_28 to %scan3A_30 step %scan3A_31  : i32 {
      %mul3A_42 = arith.constant 2 : i32
      %mul3A_43 = arith.muli %mul3A_42, %scan3A_41 : i32
      %add3A_44 = arith.constant 1 : i32
      %add3A_45 = arith.addi %mul3A_43, %add3A_44 : i32
      %add3A_46 = arith.constant 2 : i32
      %add3A_47 = arith.addi %mul3A_43, %add3A_46 : i32
      %rem3A = arith.constant 40 : i32
      %rem3A_48 = arith.remsi %add3A_47, %rem3A : i32
      %dma_wait3A_49 = arith.constant 0 : i32
      %dma_wait3A_50 = tpu.memref_slice %arg7[%mul3A_43, %dma_wait3A_49] : memref<40x128xi32, #tpu.memory_space<vmem>> -> memref<1x128xi32, #tpu.memory_space<vmem>>
      %dma_wait3A_51 = tpu.memref_squeeze %dma_wait3A_50 : memref<1x128xi32, #tpu.memory_space<vmem>> -> memref<128xi32, #tpu.memory_space<vmem>>
      %dma_wait3A_52 = arith.constant 0 : i32
      %dma_wait3A_53 = arith.constant 0 : i32
      %dma_wait3A_54 = tpu.memref_slice %arg2[%dma_wait3A_52, %dma_wait3A_53] : memref<10016x128xf32, #tpu.memory_space<hbm>> -> memref<10016x128xf32, #tpu.memory_space<hbm>>
      tpu.wait_indirect_dma semaphore(%arg12 : memref<!tpu.dma_semaphore, #tpu.memory_space<semaphore_mem>>) src(%dma_wait3A_54 : memref<10016x128xf32, #tpu.memory_space<hbm>>) dst(%arg9 : memref<128x128xf32, #tpu.memory_space<vmem>>)
      %dma_start3A_55 = arith.constant 0 : i32
      %dma_start3A_56 = tpu.memref_slice %arg7[%add3A_45, %dma_start3A_55] : memref<40x128xi32, #tpu.memory_space<vmem>> -> memref<1x128xi32, #tpu.memory_space<vmem>>
      %dma_start3A_57 = tpu.memref_squeeze %dma_start3A_56 : memref<1x128xi32, #tpu.memory_space<vmem>> -> memref<128xi32, #tpu.memory_space<vmem>>
      %dma_start3A_58 = arith.constant 0 : i32
      %dma_start3A_59 = arith.constant 0 : i32
      %dma_start3A_60 = tpu.memref_slice %arg2[%dma_start3A_58, %dma_start3A_59] : memref<10016x128xf32, #tpu.memory_space<hbm>> -> memref<10016x128xf32, #tpu.memory_space<hbm>>
      tpu.enqueue_indirect_dma source(%dma_start3A_60 : memref<10016x128xf32, #tpu.memory_space<hbm>>) target(%arg10 : memref<128x128xf32, #tpu.memory_space<vmem>>) offsets(%dma_start3A_57 : memref<128xi32, #tpu.memory_space<vmem>>) semaphore(%arg13 : memref<!tpu.dma_semaphore, #tpu.memory_space<semaphore_mem>>)
      %dma_start3A_61 = arith.constant 0 : i32
      %dma_start3A_62 = tpu.memref_slice %arg8[%mul3A_43, %dma_start3A_61] : memref<40x128xi32, #tpu.memory_space<vmem>> -> memref<1x128xi32, #tpu.memory_space<vmem>>
      %dma_start3A_63 = tpu.memref_squeeze %dma_start3A_62 : memref<1x128xi32, #tpu.memory_space<vmem>> -> memref<128xi32, #tpu.memory_space<vmem>>
      %dma_start3A_64 = arith.constant 0 : i32
      %dma_start3A_65 = arith.constant 0 : i32
      %dma_start3A_66 = tpu.memref_slice %arg11[%dma_start3A_64, %dma_start3A_65] : memref<10112x128xf32, #tpu.memory_space<vmem_shared>> -> memref<10112x128xf32, #tpu.memory_space<vmem_shared>>
      tpu.enqueue_indirect_dma source(%arg9 : memref<128x128xf32, #tpu.memory_space<vmem>>) target(%dma_start3A_66 : memref<10112x128xf32, #tpu.memory_space<vmem_shared>>) offsets(%dma_start3A_63 : memref<128xi32, #tpu.memory_space<vmem>>) semaphore(%arg14 : memref<!tpu.dma_semaphore, #tpu.memory_space<semaphore_mem>>) {add = true}
      %dma_wait3A_67 = arith.constant 0 : i32
      %dma_wait3A_68 = tpu.memref_slice %arg7[%add3A_45, %dma_wait3A_67] : memref<40x128xi32, #tpu.memory_space<vmem>> -> memref<1x128xi32, #tpu.memory_space<vmem>>
      %dma_wait3A_69 = tpu.memref_squeeze %dma_wait3A_68 : memref<1x128xi32, #tpu.memory_space<vmem>> -> memref<128xi32, #tpu.memory_space<vmem>>
      %dma_wait3A_70 = arith.constant 0 : i32
      %dma_wait3A_71 = arith.constant 0 : i32
      %dma_wait3A_72 = tpu.memref_slice %arg2[%dma_wait3A_70, %dma_wait3A_71] : memref<10016x128xf32, #tpu.memory_space<hbm>> -> memref<10016x128xf32, #tpu.memory_space<hbm>>
      tpu.wait_indirect_dma semaphore(%arg13 : memref<!tpu.dma_semaphore, #tpu.memory_space<semaphore_mem>>) src(%dma_wait3A_72 : memref<10016x128xf32, #tpu.memory_space<hbm>>) dst(%arg10 : memref<128x128xf32, #tpu.memory_space<vmem>>)
      %dma_wait3A_73 = arith.constant 0 : i32
      %dma_wait3A_74 = tpu.memref_slice %arg8[%mul3A_43, %dma_wait3A_73] : memref<40x128xi32, #tpu.memory_space<vmem>> -> memref<1x128xi32, #tpu.memory_space<vmem>>
      %dma_wait3A_75 = tpu.memref_squeeze %dma_wait3A_74 : memref<1x128xi32, #tpu.memory_space<vmem>> -> memref<128xi32, #tpu.memory_space<vmem>>
      %dma_wait3A_76 = arith.constant 0 : i32
      %dma_wait3A_77 = arith.constant 0 : i32
      %dma_wait3A_78 = tpu.memref_slice %arg11[%dma_wait3A_76, %dma_wait3A_77] : memref<10112x128xf32, #tpu.memory_space<vmem_shared>> -> memref<10112x128xf32, #tpu.memory_space<vmem_shared>>
      tpu.wait_indirect_dma semaphore(%arg14 : memref<!tpu.dma_semaphore, #tpu.memory_space<semaphore_mem>>) src(%arg9 : memref<128x128xf32, #tpu.memory_space<vmem>>) dst(%dma_wait3A_78 : memref<10112x128xf32, #tpu.memory_space<vmem_shared>>)
      %dma_start3A_79 = arith.constant 0 : i32
      %dma_start3A_80 = tpu.memref_slice %arg8[%add3A_45, %dma_start3A_79] : memref<40x128xi32, #tpu.memory_space<vmem>> -> memref<1x128xi32, #tpu.memory_space<vmem>>
      %dma_start3A_81 = tpu.memref_squeeze %dma_start3A_80 : memref<1x128xi32, #tpu.memory_space<vmem>> -> memref<128xi32, #tpu.memory_space<vmem>>
      %dma_start3A_82 = arith.constant 0 : i32
      %dma_start3A_83 = arith.constant 0 : i32
      %dma_start3A_84 = tpu.memref_slice %arg11[%dma_start3A_82, %dma_start3A_83] : memref<10112x128xf32, #tpu.memory_space<vmem_shared>> -> memref<10112x128xf32, #tpu.memory_space<vmem_shared>>
      tpu.enqueue_indirect_dma source(%arg10 : memref<128x128xf32, #tpu.memory_space<vmem>>) target(%dma_start3A_84 : memref<10112x128xf32, #tpu.memory_space<vmem_shared>>) offsets(%dma_start3A_81 : memref<128xi32, #tpu.memory_space<vmem>>) semaphore(%arg15 : memref<!tpu.dma_semaphore, #tpu.memory_space<semaphore_mem>>) {add = true}
      %dma_start3A_85 = arith.constant 0 : i32
      %dma_start3A_86 = tpu.memref_slice %arg7[%rem3A_48, %dma_start3A_85] : memref<40x128xi32, #tpu.memory_space<vmem>> -> memref<1x128xi32, #tpu.memory_space<vmem>>
      %dma_start3A_87 = tpu.memref_squeeze %dma_start3A_86 : memref<1x128xi32, #tpu.memory_space<vmem>> -> memref<128xi32, #tpu.memory_space<vmem>>
      %dma_start3A_88 = arith.constant 0 : i32
      %dma_start3A_89 = arith.constant 0 : i32
      %dma_start3A_90 = tpu.memref_slice %arg2[%dma_start3A_88, %dma_start3A_89] : memref<10016x128xf32, #tpu.memory_space<hbm>> -> memref<10016x128xf32, #tpu.memory_space<hbm>>
      tpu.enqueue_indirect_dma source(%dma_start3A_90 : memref<10016x128xf32, #tpu.memory_space<hbm>>) target(%arg9 : memref<128x128xf32, #tpu.memory_space<vmem>>) offsets(%dma_start3A_87 : memref<128xi32, #tpu.memory_space<vmem>>) semaphore(%arg12 : memref<!tpu.dma_semaphore, #tpu.memory_space<semaphore_mem>>)
      %dma_wait3A_91 = arith.constant 0 : i32
      %dma_wait3A_92 = tpu.memref_slice %arg8[%add3A_45, %dma_wait3A_91] : memref<40x128xi32, #tpu.memory_space<vmem>> -> memref<1x128xi32, #tpu.memory_space<vmem>>
      %dma_wait3A_93 = tpu.memref_squeeze %dma_wait3A_92 : memref<1x128xi32, #tpu.memory_space<vmem>> -> memref<128xi32, #tpu.memory_space<vmem>>
      %dma_wait3A_94 = arith.constant 0 : i32
      %dma_wait3A_95 = arith.constant 0 : i32
      %dma_wait3A_96 = tpu.memref_slice %arg11[%dma_wait3A_94, %dma_wait3A_95] : memref<10112x128xf32, #tpu.memory_space<vmem_shared>> -> memref<10112x128xf32, #tpu.memory_space<vmem_shared>>
      tpu.wait_indirect_dma semaphore(%arg15 : memref<!tpu.dma_semaphore, #tpu.memory_space<semaphore_mem>>) src(%arg10 : memref<128x128xf32, #tpu.memory_space<vmem>>) dst(%dma_wait3A_96 : memref<10112x128xf32, #tpu.memory_space<vmem_shared>>)
    }
    %scan3A_32 = arith.constant 20 : i32
    %dma_wait3A_33 = arith.constant 0 : i32
    %dma_wait3A_34 = arith.constant 0 : i32
    %dma_wait3A_35 = tpu.memref_slice %arg7[%dma_wait3A_33, %dma_wait3A_34] : memref<40x128xi32, #tpu.memory_space<vmem>> -> memref<1x128xi32, #tpu.memory_space<vmem>>
    %dma_wait3A_36 = tpu.memref_squeeze %dma_wait3A_35 : memref<1x128xi32, #tpu.memory_space<vmem>> -> memref<128xi32, #tpu.memory_space<vmem>>
    %dma_wait3A_37 = arith.constant 0 : i32
    %dma_wait3A_38 = arith.constant 0 : i32
    %dma_wait3A_39 = tpu.memref_slice %arg2[%dma_wait3A_37, %dma_wait3A_38] : memref<10016x128xf32, #tpu.memory_space<hbm>> -> memref<10016x128xf32, #tpu.memory_space<hbm>>
    tpu.wait_indirect_dma semaphore(%arg12 : memref<!tpu.dma_semaphore, #tpu.memory_space<semaphore_mem>>) src(%dma_wait3A_39 : memref<10016x128xf32, #tpu.memory_space<hbm>>) dst(%arg9 : memref<128x128xf32, #tpu.memory_space<vmem>>)
    %barrier3A_40 = arith.constant 0 : index
    tpu.barrier barrier_id(%barrier3A_40)
    "tpu.region"() ({
      %run_scoped3A = tpu.sem_alloc : memref<!tpu.dma_semaphore, #tpu.memory_space<semaphore_mem>>
      %dma_start3A_41 = arith.constant 0 : i32
      %dma_start3A_42 = arith.constant 0 : i32
      %dma_start3A_43 = tpu.memref_slice %arg6[%arg0, %dma_start3A_41, %dma_start3A_42] : memref<2x10112x128xf32, #tpu.memory_space<hbm>> -> memref<1x10112x128xf32, #tpu.memory_space<hbm>>
      %dma_start3A_44 = tpu.memref_squeeze %dma_start3A_43 : memref<1x10112x128xf32, #tpu.memory_space<hbm>> -> memref<10112x128xf32, #tpu.memory_space<hbm>>
      %dma_start3A_45 = arith.constant 0 : i32
      %dma_start3A_46 = tpu.memref_slice %dma_start3A_44[%mul3A_2, %dma_start3A_45] : memref<10112x128xf32, #tpu.memory_space<hbm>> -> memref<632x128xf32, #tpu.memory_space<hbm>>
      %dma_start3A_47 = arith.constant 0 : i32
      %dma_start3A_48 = tpu.memref_slice %arg11[%mul3A_2, %dma_start3A_47] : memref<10112x128xf32, #tpu.memory_space<vmem_shared>> -> memref<632x128xf32, #tpu.memory_space<vmem_shared>>
      tpu.enqueue_dma source(%dma_start3A_48 : memref<632x128xf32, #tpu.memory_space<vmem_shared>>) target(%dma_start3A_46 : memref<632x128xf32, #tpu.memory_space<hbm>>) target_semaphore(%run_scoped3A : memref<!tpu.dma_semaphore, #tpu.memory_space<semaphore_mem>>)
      %dma_wait3A_49 = arith.constant 0 : i32
      %dma_wait3A_50 = arith.constant 0 : i32
      %dma_wait3A_51 = tpu.memref_slice %arg6[%arg0, %dma_wait3A_49, %dma_wait3A_50] : memref<2x10112x128xf32, #tpu.memory_space<hbm>> -> memref<1x10112x128xf32, #tpu.memory_space<hbm>>
      %dma_wait3A_52 = tpu.memref_squeeze %dma_wait3A_51 : memref<1x10112x128xf32, #tpu.memory_space<hbm>> -> memref<10112x128xf32, #tpu.memory_space<hbm>>
      %dma_wait3A_53 = arith.constant 0 : i32
      %dma_wait3A_54 = tpu.memref_slice %dma_wait3A_52[%mul3A_2, %dma_wait3A_53] : memref<10112x128xf32, #tpu.memory_space<hbm>> -> memref<632x128xf32, #tpu.memory_space<hbm>>
      %dma_wait3A_55 = arith.constant 0 : i32
      %dma_wait3A_56 = tpu.memref_slice %arg11[%mul3A_2, %dma_wait3A_55] : memref<10112x128xf32, #tpu.memory_space<vmem_shared>> -> memref<632x128xf32, #tpu.memory_space<vmem_shared>>
      tpu.wait_dma2 semaphore(%run_scoped3A : memref<!tpu.dma_semaphore, #tpu.memory_space<semaphore_mem>>) src(%dma_wait3A_56 : memref<632x128xf32, #tpu.memory_space<vmem_shared>>) dst(%dma_wait3A_54 : memref<632x128xf32, #tpu.memory_space<hbm>>)
      tpu.yield
    }) : () -> ()
    return
  }
}

#map = affine_map<(d0, d1) -> (0, 0)>
#map1 = affine_map<(d0, d1) -> (0, 0, 0)>
module attributes {stable_mosaic.version = 14 : i64} {
  func.func @body(%arg0: i32, %arg1: i32, %arg2: memref<10016x128xf32, #tpu.memory_space<hbm>>, %arg3: memref<32x80x128xi32, #tpu.memory_space<hbm>>, %arg4: memref<32x80x128xi32, #tpu.memory_space<hbm>>, %arg5: memref<632x128xf32, #tpu.memory_space<hbm>>, %arg6: memref<2x10112x128xf32, #tpu.memory_space<hbm>>, %arg7: memref<40x128xi32, #tpu.memory_space<vmem>>, %arg8: memref<40x128xi32, #tpu.memory_space<vmem>>, %arg9: memref<128x128xf32, #tpu.memory_space<vmem>>, %arg10: memref<128x128xf32, #tpu.memory_space<vmem>>, %arg11: memref<10112x128xf32, #tpu.memory_space<vmem_shared>>, %arg12: memref<!tpu.dma_semaphore, #tpu.memory_space<semaphore_mem>>, %arg13: memref<!tpu.dma_semaphore, #tpu.memory_space<semaphore_mem>>, %arg14: memref<!tpu.dma_semaphore, #tpu.memory_space<semaphore_mem>>, %arg15: memref<!tpu.dma_semaphore, #tpu.memory_space<semaphore_mem>>) attributes {dimension_semantics = [#tpu.dimension_semantics<core_parallel>, #tpu.dimension_semantics<subcore_parallel>], iteration_bounds = array<i64: 2, 16>, scalar_prefetch = 0 : i64, scratch_operands = 9 : i64, tpu.core_type = #tpu.core_type<sc_vector_subcore>, window_params = [{transform_indices = #map}, {transform_indices = #map1}, {transform_indices = #map1}, {transform_indices = #map}, {transform_indices = #map1}]} {
    %mul3A = arith.constant 2 : i32
    %mul3A_0 = arith.muli %arg1, %mul3A : i32
    %add3A = arith.addi %mul3A_0, %arg0 : i32
    %mul3A_1 = arith.constant 632 : i32
    %mul3A_2 = arith.muli %arg1, %mul3A_1 : i32
    "tpu.region"() ({
      %run_scoped3A = tpu.sem_alloc : memref<!tpu.dma_semaphore, #tpu.memory_space<semaphore_mem>>
      %dma_start3A_41 = arith.constant 0 : i32
      %dma_start3A_42 = arith.constant 0 : i32
      %dma_start3A_43 = tpu.memref_slice %arg3[%add3A, %dma_start3A_41, %dma_start3A_42] : memref<32x80x128xi32, #tpu.memory_space<hbm>> -> memref<1x80x128xi32, #tpu.memory_space<hbm>>
      %dma_start3A_44 = tpu.memref_squeeze %dma_start3A_43 : memref<1x80x128xi32, #tpu.memory_space<hbm>> -> memref<80x128xi32, #tpu.memory_space<hbm>>
      %dma_start3A_45 = arith.constant 0 : i32
      %dma_start3A_46 = arith.constant 0 : i32
      %dma_start3A_47 = tpu.memref_slice %dma_start3A_44[%dma_start3A_45, %dma_start3A_46] : memref<80x128xi32, #tpu.memory_space<hbm>> -> memref<40x128xi32, #tpu.memory_space<hbm>>
      %dma_start3A_48 = arith.constant 0 : i32
      %dma_start3A_49 = arith.constant 0 : i32
      %dma_start3A_50 = tpu.memref_slice %arg3[%add3A, %dma_start3A_48, %dma_start3A_49] : memref<32x80x128xi32, #tpu.memory_space<hbm>> -> memref<1x80x128xi32, #tpu.memory_space<hbm>>
      %dma_start3A_51 = tpu.memref_squeeze %dma_start3A_50 : memref<1x80x128xi32, #tpu.memory_space<hbm>> -> memref<80x128xi32, #tpu.memory_space<hbm>>
      %dma_start3A_52 = arith.constant 0 : i32
      %dma_start3A_53 = arith.constant 0 : i32
      %dma_start3A_54 = tpu.memref_slice %dma_start3A_51[%dma_start3A_52, %dma_start3A_53] : memref<80x128xi32, #tpu.memory_space<hbm>> -> memref<40x128xi32, #tpu.memory_space<hbm>>
      tpu.enqueue_dma source(%dma_start3A_54 : memref<40x128xi32, #tpu.memory_space<hbm>>) target(%arg7 : memref<40x128xi32, #tpu.memory_space<vmem>>) target_semaphore(%run_scoped3A : memref<!tpu.dma_semaphore, #tpu.memory_space<semaphore_mem>>)
      %dma_wait3A_55 = arith.constant 0 : i32
      %dma_wait3A_56 = arith.constant 0 : i32
      %dma_wait3A_57 = tpu.memref_slice %arg3[%add3A, %dma_wait3A_55, %dma_wait3A_56] : memref<32x80x128xi32, #tpu.memory_space<hbm>> -> memref<1x80x128xi32, #tpu.memory_space<hbm>>
      %dma_wait3A_58 = tpu.memref_squeeze %dma_wait3A_57 : memref<1x80x128xi32, #tpu.memory_space<hbm>> -> memref<80x128xi32, #tpu.memory_space<hbm>>
      %dma_wait3A_59 = arith.constant 0 : i32
      %dma_wait3A_60 = arith.constant 0 : i32
      %dma_wait3A_61 = tpu.memref_slice %dma_wait3A_58[%dma_wait3A_59, %dma_wait3A_60] : memref<80x128xi32, #tpu.memory_space<hbm>> -> memref<40x128xi32, #tpu.memory_space<hbm>>
      %dma_wait3A_62 = arith.constant 0 : i32
      %dma_wait3A_63 = arith.constant 0 : i32
      %dma_wait3A_64 = tpu.memref_slice %arg3[%add3A, %dma_wait3A_62, %dma_wait3A_63] : memref<32x80x128xi32, #tpu.memory_space<hbm>> -> memref<1x80x128xi32, #tpu.memory_space<hbm>>
      %dma_wait3A_65 = tpu.memref_squeeze %dma_wait3A_64 : memref<1x80x128xi32, #tpu.memory_space<hbm>> -> memref<80x128xi32, #tpu.memory_space<hbm>>
      %dma_wait3A_66 = arith.constant 0 : i32
      %dma_wait3A_67 = arith.constant 0 : i32
      %dma_wait3A_68 = tpu.memref_slice %dma_wait3A_65[%dma_wait3A_66, %dma_wait3A_67] : memref<80x128xi32, #tpu.memory_space<hbm>> -> memref<40x128xi32, #tpu.memory_space<hbm>>
      tpu.wait_dma2 semaphore(%run_scoped3A : memref<!tpu.dma_semaphore, #tpu.memory_space<semaphore_mem>>) src(%dma_wait3A_68 : memref<40x128xi32, #tpu.memory_space<hbm>>) dst(%arg7 : memref<40x128xi32, #tpu.memory_space<vmem>>)
      tpu.yield
    }) : () -> ()
    "tpu.region"() ({
      %run_scoped3A = tpu.sem_alloc : memref<!tpu.dma_semaphore, #tpu.memory_space<semaphore_mem>>
      %dma_start3A_41 = arith.constant 0 : i32
      %dma_start3A_42 = arith.constant 0 : i32
      %dma_start3A_43 = tpu.memref_slice %arg4[%add3A, %dma_start3A_41, %dma_start3A_42] : memref<32x80x128xi32, #tpu.memory_space<hbm>> -> memref<1x80x128xi32, #tpu.memory_space<hbm>>
      %dma_start3A_44 = tpu.memref_squeeze %dma_start3A_43 : memref<1x80x128xi32, #tpu.memory_space<hbm>> -> memref<80x128xi32, #tpu.memory_space<hbm>>
      %dma_start3A_45 = arith.constant 0 : i32
      %dma_start3A_46 = arith.constant 0 : i32
      %dma_start3A_47 = tpu.memref_slice %dma_start3A_44[%dma_start3A_45, %dma_start3A_46] : memref<80x128xi32, #tpu.memory_space<hbm>> -> memref<40x128xi32, #tpu.memory_space<hbm>>
      %dma_start3A_48 = arith.constant 0 : i32
      %dma_start3A_49 = arith.constant 0 : i32
      %dma_start3A_50 = tpu.memref_slice %arg4[%add3A, %dma_start3A_48, %dma_start3A_49] : memref<32x80x128xi32, #tpu.memory_space<hbm>> -> memref<1x80x128xi32, #tpu.memory_space<hbm>>
      %dma_start3A_51 = tpu.memref_squeeze %dma_start3A_50 : memref<1x80x128xi32, #tpu.memory_space<hbm>> -> memref<80x128xi32, #tpu.memory_space<hbm>>
      %dma_start3A_52 = arith.constant 0 : i32
      %dma_start3A_53 = arith.constant 0 : i32
      %dma_start3A_54 = tpu.memref_slice %dma_start3A_51[%dma_start3A_52, %dma_start3A_53] : memref<80x128xi32, #tpu.memory_space<hbm>> -> memref<40x128xi32, #tpu.memory_space<hbm>>
      tpu.enqueue_dma source(%dma_start3A_54 : memref<40x128xi32, #tpu.memory_space<hbm>>) target(%arg8 : memref<40x128xi32, #tpu.memory_space<vmem>>) target_semaphore(%run_scoped3A : memref<!tpu.dma_semaphore, #tpu.memory_space<semaphore_mem>>)
      %dma_wait3A_55 = arith.constant 0 : i32
      %dma_wait3A_56 = arith.constant 0 : i32
      %dma_wait3A_57 = tpu.memref_slice %arg4[%add3A, %dma_wait3A_55, %dma_wait3A_56] : memref<32x80x128xi32, #tpu.memory_space<hbm>> -> memref<1x80x128xi32, #tpu.memory_space<hbm>>
      %dma_wait3A_58 = tpu.memref_squeeze %dma_wait3A_57 : memref<1x80x128xi32, #tpu.memory_space<hbm>> -> memref<80x128xi32, #tpu.memory_space<hbm>>
      %dma_wait3A_59 = arith.constant 0 : i32
      %dma_wait3A_60 = arith.constant 0 : i32
      %dma_wait3A_61 = tpu.memref_slice %dma_wait3A_58[%dma_wait3A_59, %dma_wait3A_60] : memref<80x128xi32, #tpu.memory_space<hbm>> -> memref<40x128xi32, #tpu.memory_space<hbm>>
      %dma_wait3A_62 = arith.constant 0 : i32
      %dma_wait3A_63 = arith.constant 0 : i32
      %dma_wait3A_64 = tpu.memref_slice %arg4[%add3A, %dma_wait3A_62, %dma_wait3A_63] : memref<32x80x128xi32, #tpu.memory_space<hbm>> -> memref<1x80x128xi32, #tpu.memory_space<hbm>>
      %dma_wait3A_65 = tpu.memref_squeeze %dma_wait3A_64 : memref<1x80x128xi32, #tpu.memory_space<hbm>> -> memref<80x128xi32, #tpu.memory_space<hbm>>
      %dma_wait3A_66 = arith.constant 0 : i32
      %dma_wait3A_67 = arith.constant 0 : i32
      %dma_wait3A_68 = tpu.memref_slice %dma_wait3A_65[%dma_wait3A_66, %dma_wait3A_67] : memref<80x128xi32, #tpu.memory_space<hbm>> -> memref<40x128xi32, #tpu.memory_space<hbm>>
      tpu.wait_dma2 semaphore(%run_scoped3A : memref<!tpu.dma_semaphore, #tpu.memory_space<semaphore_mem>>) src(%dma_wait3A_68 : memref<40x128xi32, #tpu.memory_space<hbm>>) dst(%arg8 : memref<40x128xi32, #tpu.memory_space<vmem>>)
      tpu.yield
    }) : () -> ()
    "tpu.region"() ({
      %run_scoped3A = tpu.sem_alloc : memref<!tpu.dma_semaphore, #tpu.memory_space<semaphore_mem>>
      %dma_start3A_41 = arith.constant 0 : i32
      %dma_start3A_42 = tpu.memref_slice %arg11[%mul3A_2, %dma_start3A_41] : memref<10112x128xf32, #tpu.memory_space<vmem_shared>> -> memref<632x128xf32, #tpu.memory_space<vmem_shared>>
      tpu.enqueue_dma source(%arg5 : memref<632x128xf32, #tpu.memory_space<hbm>>) target(%dma_start3A_42 : memref<632x128xf32, #tpu.memory_space<vmem_shared>>) target_semaphore(%run_scoped3A : memref<!tpu.dma_semaphore, #tpu.memory_space<semaphore_mem>>)
      %dma_wait3A_43 = arith.constant 0 : i32
      %dma_wait3A_44 = tpu.memref_slice %arg11[%mul3A_2, %dma_wait3A_43] : memref<10112x128xf32, #tpu.memory_space<vmem_shared>> -> memref<632x128xf32, #tpu.memory_space<vmem_shared>>
      tpu.wait_dma2 semaphore(%run_scoped3A : memref<!tpu.dma_semaphore, #tpu.memory_space<semaphore_mem>>) src(%arg5 : memref<632x128xf32, #tpu.memory_space<hbm>>) dst(%dma_wait3A_44 : memref<632x128xf32, #tpu.memory_space<vmem_shared>>)
      tpu.yield
    }) : () -> ()
    %dma_start3A = arith.constant 0 : i32
    %dma_start3A_3 = arith.constant 0 : i32
    %dma_start3A_4 = tpu.memref_slice %arg7[%dma_start3A, %dma_start3A_3] : memref<40x128xi32, #tpu.memory_space<vmem>> -> memref<1x128xi32, #tpu.memory_space<vmem>>
    %dma_start3A_5 = tpu.memref_squeeze %dma_start3A_4 : memref<1x128xi32, #tpu.memory_space<vmem>> -> memref<128xi32, #tpu.memory_space<vmem>>
    %dma_start3A_6 = arith.constant 0 : i32
    %dma_start3A_7 = arith.constant 0 : i32
    %dma_start3A_8 = tpu.memref_slice %arg2[%dma_start3A_6, %dma_start3A_7] : memref<10016x128xf32, #tpu.memory_space<hbm>> -> memref<10016x128xf32, #tpu.memory_space<hbm>>
    tpu.enqueue_indirect_dma source(%dma_start3A_8 : memref<10016x128xf32, #tpu.memory_space<hbm>>) target(%arg9 : memref<128x128xf32, #tpu.memory_space<vmem>>) offsets(%dma_start3A_5 : memref<128xi32, #tpu.memory_space<vmem>>) semaphore(%arg12 : memref<!tpu.dma_semaphore, #tpu.memory_space<semaphore_mem>>)
    %barrier3A = arith.constant 0 : index
    tpu.barrier barrier_id(%barrier3A)
    %scan3A = arith.constant 0 : i32
    %scan3A_9 = arith.constant 0 : i32
    %scan3A_10 = arith.constant 20 : i32
    %scan3A_11 = arith.addi %scan3A_9, %scan3A_10 : i32
    %scan3A_12 = arith.constant 1 : i32
    scf.for %scan3A_41 = %scan3A_9 to %scan3A_11 step %scan3A_12  : i32 {
      %mul3A_42 = arith.constant 2 : i32
      %mul3A_43 = arith.muli %mul3A_42, %scan3A_41 : i32
      %add3A_44 = arith.constant 1 : i32
      %add3A_45 = arith.addi %mul3A_43, %add3A_44 : i32
      %add3A_46 = arith.constant 2 : i32
      %add3A_47 = arith.addi %mul3A_43, %add3A_46 : i32
      %rem3A = arith.constant 40 : i32
      %rem3A_48 = arith.remsi %add3A_47, %rem3A : i32
      %dma_wait3A_49 = arith.constant 0 : i32
      %dma_wait3A_50 = tpu.memref_slice %arg7[%mul3A_43, %dma_wait3A_49] : memref<40x128xi32, #tpu.memory_space<vmem>> -> memref<1x128xi32, #tpu.memory_space<vmem>>
      %dma_wait3A_51 = tpu.memref_squeeze %dma_wait3A_50 : memref<1x128xi32, #tpu.memory_space<vmem>> -> memref<128xi32, #tpu.memory_space<vmem>>
      %dma_wait3A_52 = arith.constant 0 : i32
      %dma_wait3A_53 = arith.constant 0 : i32
      %dma_wait3A_54 = tpu.memref_slice %arg2[%dma_wait3A_52, %dma_wait3A_53] : memref<10016x128xf32, #tpu.memory_space<hbm>> -> memref<10016x128xf32, #tpu.memory_space<hbm>>
      tpu.wait_indirect_dma semaphore(%arg12 : memref<!tpu.dma_semaphore, #tpu.memory_space<semaphore_mem>>) src(%dma_wait3A_54 : memref<10016x128xf32, #tpu.memory_space<hbm>>) dst(%arg9 : memref<128x128xf32, #tpu.memory_space<vmem>>)
      %dma_start3A_55 = arith.constant 0 : i32
      %dma_start3A_56 = tpu.memref_slice %arg7[%add3A_45, %dma_start3A_55] : memref<40x128xi32, #tpu.memory_space<vmem>> -> memref<1x128xi32, #tpu.memory_space<vmem>>
      %dma_start3A_57 = tpu.memref_squeeze %dma_start3A_56 : memref<1x128xi32, #tpu.memory_space<vmem>> -> memref<128xi32, #tpu.memory_space<vmem>>
      %dma_start3A_58 = arith.constant 0 : i32
      %dma_start3A_59 = arith.constant 0 : i32
      %dma_start3A_60 = tpu.memref_slice %arg2[%dma_start3A_58, %dma_start3A_59] : memref<10016x128xf32, #tpu.memory_space<hbm>> -> memref<10016x128xf32, #tpu.memory_space<hbm>>
      tpu.enqueue_indirect_dma source(%dma_start3A_60 : memref<10016x128xf32, #tpu.memory_space<hbm>>) target(%arg10 : memref<128x128xf32, #tpu.memory_space<vmem>>) offsets(%dma_start3A_57 : memref<128xi32, #tpu.memory_space<vmem>>) semaphore(%arg13 : memref<!tpu.dma_semaphore, #tpu.memory_space<semaphore_mem>>)
      %dma_start3A_61 = arith.constant 0 : i32
      %dma_start3A_62 = tpu.memref_slice %arg8[%mul3A_43, %dma_start3A_61] : memref<40x128xi32, #tpu.memory_space<vmem>> -> memref<1x128xi32, #tpu.memory_space<vmem>>
      %dma_start3A_63 = tpu.memref_squeeze %dma_start3A_62 : memref<1x128xi32, #tpu.memory_space<vmem>> -> memref<128xi32, #tpu.memory_space<vmem>>
      %dma_start3A_64 = arith.constant 0 : i32
      %dma_start3A_65 = arith.constant 0 : i32
      %dma_start3A_66 = tpu.memref_slice %arg11[%dma_start3A_64, %dma_start3A_65] : memref<10112x128xf32, #tpu.memory_space<vmem_shared>> -> memref<10112x128xf32, #tpu.memory_space<vmem_shared>>
      tpu.enqueue_indirect_dma source(%arg9 : memref<128x128xf32, #tpu.memory_space<vmem>>) target(%dma_start3A_66 : memref<10112x128xf32, #tpu.memory_space<vmem_shared>>) offsets(%dma_start3A_63 : memref<128xi32, #tpu.memory_space<vmem>>) semaphore(%arg14 : memref<!tpu.dma_semaphore, #tpu.memory_space<semaphore_mem>>) {add = true}
      %dma_wait3A_67 = arith.constant 0 : i32
      %dma_wait3A_68 = tpu.memref_slice %arg7[%add3A_45, %dma_wait3A_67] : memref<40x128xi32, #tpu.memory_space<vmem>> -> memref<1x128xi32, #tpu.memory_space<vmem>>
      %dma_wait3A_69 = tpu.memref_squeeze %dma_wait3A_68 : memref<1x128xi32, #tpu.memory_space<vmem>> -> memref<128xi32, #tpu.memory_space<vmem>>
      %dma_wait3A_70 = arith.constant 0 : i32
      %dma_wait3A_71 = arith.constant 0 : i32
      %dma_wait3A_72 = tpu.memref_slice %arg2[%dma_wait3A_70, %dma_wait3A_71] : memref<10016x128xf32, #tpu.memory_space<hbm>> -> memref<10016x128xf32, #tpu.memory_space<hbm>>
      tpu.wait_indirect_dma semaphore(%arg13 : memref<!tpu.dma_semaphore, #tpu.memory_space<semaphore_mem>>) src(%dma_wait3A_72 : memref<10016x128xf32, #tpu.memory_space<hbm>>) dst(%arg10 : memref<128x128xf32, #tpu.memory_space<vmem>>)
      %dma_wait3A_73 = arith.constant 0 : i32
      %dma_wait3A_74 = tpu.memref_slice %arg8[%mul3A_43, %dma_wait3A_73] : memref<40x128xi32, #tpu.memory_space<vmem>> -> memref<1x128xi32, #tpu.memory_space<vmem>>
      %dma_wait3A_75 = tpu.memref_squeeze %dma_wait3A_74 : memref<1x128xi32, #tpu.memory_space<vmem>> -> memref<128xi32, #tpu.memory_space<vmem>>
      %dma_wait3A_76 = arith.constant 0 : i32
      %dma_wait3A_77 = arith.constant 0 : i32
      %dma_wait3A_78 = tpu.memref_slice %arg11[%dma_wait3A_76, %dma_wait3A_77] : memref<10112x128xf32, #tpu.memory_space<vmem_shared>> -> memref<10112x128xf32, #tpu.memory_space<vmem_shared>>
      tpu.wait_indirect_dma semaphore(%arg14 : memref<!tpu.dma_semaphore, #tpu.memory_space<semaphore_mem>>) src(%arg9 : memref<128x128xf32, #tpu.memory_space<vmem>>) dst(%dma_wait3A_78 : memref<10112x128xf32, #tpu.memory_space<vmem_shared>>)
      %dma_start3A_79 = arith.constant 0 : i32
      %dma_start3A_80 = tpu.memref_slice %arg8[%add3A_45, %dma_start3A_79] : memref<40x128xi32, #tpu.memory_space<vmem>> -> memref<1x128xi32, #tpu.memory_space<vmem>>
      %dma_start3A_81 = tpu.memref_squeeze %dma_start3A_80 : memref<1x128xi32, #tpu.memory_space<vmem>> -> memref<128xi32, #tpu.memory_space<vmem>>
      %dma_start3A_82 = arith.constant 0 : i32
      %dma_start3A_83 = arith.constant 0 : i32
      %dma_start3A_84 = tpu.memref_slice %arg11[%dma_start3A_82, %dma_start3A_83] : memref<10112x128xf32, #tpu.memory_space<vmem_shared>> -> memref<10112x128xf32, #tpu.memory_space<vmem_shared>>
      tpu.enqueue_indirect_dma source(%arg10 : memref<128x128xf32, #tpu.memory_space<vmem>>) target(%dma_start3A_84 : memref<10112x128xf32, #tpu.memory_space<vmem_shared>>) offsets(%dma_start3A_81 : memref<128xi32, #tpu.memory_space<vmem>>) semaphore(%arg15 : memref<!tpu.dma_semaphore, #tpu.memory_space<semaphore_mem>>) {add = true}
      %dma_start3A_85 = arith.constant 0 : i32
      %dma_start3A_86 = tpu.memref_slice %arg7[%rem3A_48, %dma_start3A_85] : memref<40x128xi32, #tpu.memory_space<vmem>> -> memref<1x128xi32, #tpu.memory_space<vmem>>
      %dma_start3A_87 = tpu.memref_squeeze %dma_start3A_86 : memref<1x128xi32, #tpu.memory_space<vmem>> -> memref<128xi32, #tpu.memory_space<vmem>>
      %dma_start3A_88 = arith.constant 0 : i32
      %dma_start3A_89 = arith.constant 0 : i32
      %dma_start3A_90 = tpu.memref_slice %arg2[%dma_start3A_88, %dma_start3A_89] : memref<10016x128xf32, #tpu.memory_space<hbm>> -> memref<10016x128xf32, #tpu.memory_space<hbm>>
      tpu.enqueue_indirect_dma source(%dma_start3A_90 : memref<10016x128xf32, #tpu.memory_space<hbm>>) target(%arg9 : memref<128x128xf32, #tpu.memory_space<vmem>>) offsets(%dma_start3A_87 : memref<128xi32, #tpu.memory_space<vmem>>) semaphore(%arg12 : memref<!tpu.dma_semaphore, #tpu.memory_space<semaphore_mem>>)
      %dma_wait3A_91 = arith.constant 0 : i32
      %dma_wait3A_92 = tpu.memref_slice %arg8[%add3A_45, %dma_wait3A_91] : memref<40x128xi32, #tpu.memory_space<vmem>> -> memref<1x128xi32, #tpu.memory_space<vmem>>
      %dma_wait3A_93 = tpu.memref_squeeze %dma_wait3A_92 : memref<1x128xi32, #tpu.memory_space<vmem>> -> memref<128xi32, #tpu.memory_space<vmem>>
      %dma_wait3A_94 = arith.constant 0 : i32
      %dma_wait3A_95 = arith.constant 0 : i32
      %dma_wait3A_96 = tpu.memref_slice %arg11[%dma_wait3A_94, %dma_wait3A_95] : memref<10112x128xf32, #tpu.memory_space<vmem_shared>> -> memref<10112x128xf32, #tpu.memory_space<vmem_shared>>
      tpu.wait_indirect_dma semaphore(%arg15 : memref<!tpu.dma_semaphore, #tpu.memory_space<semaphore_mem>>) src(%arg10 : memref<128x128xf32, #tpu.memory_space<vmem>>) dst(%dma_wait3A_96 : memref<10112x128xf32, #tpu.memory_space<vmem_shared>>)
    }
    %scan3A_13 = arith.constant 20 : i32
    %dma_wait3A = arith.constant 0 : i32
    %dma_wait3A_14 = arith.constant 0 : i32
    %dma_wait3A_15 = tpu.memref_slice %arg7[%dma_wait3A, %dma_wait3A_14] : memref<40x128xi32, #tpu.memory_space<vmem>> -> memref<1x128xi32, #tpu.memory_space<vmem>>
    %dma_wait3A_16 = tpu.memref_squeeze %dma_wait3A_15 : memref<1x128xi32, #tpu.memory_space<vmem>> -> memref<128xi32, #tpu.memory_space<vmem>>
    %dma_wait3A_17 = arith.constant 0 : i32
    %dma_wait3A_18 = arith.constant 0 : i32
    %dma_wait3A_19 = tpu.memref_slice %arg2[%dma_wait3A_17, %dma_wait3A_18] : memref<10016x128xf32, #tpu.memory_space<hbm>> -> memref<10016x128xf32, #tpu.memory_space<hbm>>
    tpu.wait_indirect_dma semaphore(%arg12 : memref<!tpu.dma_semaphore, #tpu.memory_space<semaphore_mem>>) src(%dma_wait3A_19 : memref<10016x128xf32, #tpu.memory_space<hbm>>) dst(%arg9 : memref<128x128xf32, #tpu.memory_space<vmem>>)
    "tpu.region"() ({
      %run_scoped3A = tpu.sem_alloc : memref<!tpu.dma_semaphore, #tpu.memory_space<semaphore_mem>>
      %dma_start3A_41 = arith.constant 0 : i32
      %dma_start3A_42 = arith.constant 0 : i32
      %dma_start3A_43 = tpu.memref_slice %arg3[%add3A, %dma_start3A_41, %dma_start3A_42] : memref<32x80x128xi32, #tpu.memory_space<hbm>> -> memref<1x80x128xi32, #tpu.memory_space<hbm>>
      %dma_start3A_44 = tpu.memref_squeeze %dma_start3A_43 : memref<1x80x128xi32, #tpu.memory_space<hbm>> -> memref<80x128xi32, #tpu.memory_space<hbm>>
      %dma_start3A_45 = arith.constant 40 : i32
      %dma_start3A_46 = arith.constant 0 : i32
      %dma_start3A_47 = tpu.memref_slice %dma_start3A_44[%dma_start3A_45, %dma_start3A_46] : memref<80x128xi32, #tpu.memory_space<hbm>> -> memref<40x128xi32, #tpu.memory_space<hbm>>
      %dma_start3A_48 = arith.constant 0 : i32
      %dma_start3A_49 = arith.constant 0 : i32
      %dma_start3A_50 = tpu.memref_slice %arg3[%add3A, %dma_start3A_48, %dma_start3A_49] : memref<32x80x128xi32, #tpu.memory_space<hbm>> -> memref<1x80x128xi32, #tpu.memory_space<hbm>>
      %dma_start3A_51 = tpu.memref_squeeze %dma_start3A_50 : memref<1x80x128xi32, #tpu.memory_space<hbm>> -> memref<80x128xi32, #tpu.memory_space<hbm>>
      %dma_start3A_52 = arith.constant 40 : i32
      %dma_start3A_53 = arith.constant 0 : i32
      %dma_start3A_54 = tpu.memref_slice %dma_start3A_51[%dma_start3A_52, %dma_start3A_53] : memref<80x128xi32, #tpu.memory_space<hbm>> -> memref<40x128xi32, #tpu.memory_space<hbm>>
      tpu.enqueue_dma source(%dma_start3A_54 : memref<40x128xi32, #tpu.memory_space<hbm>>) target(%arg7 : memref<40x128xi32, #tpu.memory_space<vmem>>) target_semaphore(%run_scoped3A : memref<!tpu.dma_semaphore, #tpu.memory_space<semaphore_mem>>)
      %dma_wait3A_55 = arith.constant 0 : i32
      %dma_wait3A_56 = arith.constant 0 : i32
      %dma_wait3A_57 = tpu.memref_slice %arg3[%add3A, %dma_wait3A_55, %dma_wait3A_56] : memref<32x80x128xi32, #tpu.memory_space<hbm>> -> memref<1x80x128xi32, #tpu.memory_space<hbm>>
      %dma_wait3A_58 = tpu.memref_squeeze %dma_wait3A_57 : memref<1x80x128xi32, #tpu.memory_space<hbm>> -> memref<80x128xi32, #tpu.memory_space<hbm>>
      %dma_wait3A_59 = arith.constant 40 : i32
      %dma_wait3A_60 = arith.constant 0 : i32
      %dma_wait3A_61 = tpu.memref_slice %dma_wait3A_58[%dma_wait3A_59, %dma_wait3A_60] : memref<80x128xi32, #tpu.memory_space<hbm>> -> memref<40x128xi32, #tpu.memory_space<hbm>>
      %dma_wait3A_62 = arith.constant 0 : i32
      %dma_wait3A_63 = arith.constant 0 : i32
      %dma_wait3A_64 = tpu.memref_slice %arg3[%add3A, %dma_wait3A_62, %dma_wait3A_63] : memref<32x80x128xi32, #tpu.memory_space<hbm>> -> memref<1x80x128xi32, #tpu.memory_space<hbm>>
      %dma_wait3A_65 = tpu.memref_squeeze %dma_wait3A_64 : memref<1x80x128xi32, #tpu.memory_space<hbm>> -> memref<80x128xi32, #tpu.memory_space<hbm>>
      %dma_wait3A_66 = arith.constant 40 : i32
      %dma_wait3A_67 = arith.constant 0 : i32
      %dma_wait3A_68 = tpu.memref_slice %dma_wait3A_65[%dma_wait3A_66, %dma_wait3A_67] : memref<80x128xi32, #tpu.memory_space<hbm>> -> memref<40x128xi32, #tpu.memory_space<hbm>>
      tpu.wait_dma2 semaphore(%run_scoped3A : memref<!tpu.dma_semaphore, #tpu.memory_space<semaphore_mem>>) src(%dma_wait3A_68 : memref<40x128xi32, #tpu.memory_space<hbm>>) dst(%arg7 : memref<40x128xi32, #tpu.memory_space<vmem>>)
      tpu.yield
    }) : () -> ()
    "tpu.region"() ({
      %run_scoped3A = tpu.sem_alloc : memref<!tpu.dma_semaphore, #tpu.memory_space<semaphore_mem>>
      %dma_start3A_41 = arith.constant 0 : i32
      %dma_start3A_42 = arith.constant 0 : i32
      %dma_start3A_43 = tpu.memref_slice %arg4[%add3A, %dma_start3A_41, %dma_start3A_42] : memref<32x80x128xi32, #tpu.memory_space<hbm>> -> memref<1x80x128xi32, #tpu.memory_space<hbm>>
      %dma_start3A_44 = tpu.memref_squeeze %dma_start3A_43 : memref<1x80x128xi32, #tpu.memory_space<hbm>> -> memref<80x128xi32, #tpu.memory_space<hbm>>
      %dma_start3A_45 = arith.constant 40 : i32
      %dma_start3A_46 = arith.constant 0 : i32
      %dma_start3A_47 = tpu.memref_slice %dma_start3A_44[%dma_start3A_45, %dma_start3A_46] : memref<80x128xi32, #tpu.memory_space<hbm>> -> memref<40x128xi32, #tpu.memory_space<hbm>>
      %dma_start3A_48 = arith.constant 0 : i32
      %dma_start3A_49 = arith.constant 0 : i32
      %dma_start3A_50 = tpu.memref_slice %arg4[%add3A, %dma_start3A_48, %dma_start3A_49] : memref<32x80x128xi32, #tpu.memory_space<hbm>> -> memref<1x80x128xi32, #tpu.memory_space<hbm>>
      %dma_start3A_51 = tpu.memref_squeeze %dma_start3A_50 : memref<1x80x128xi32, #tpu.memory_space<hbm>> -> memref<80x128xi32, #tpu.memory_space<hbm>>
      %dma_start3A_52 = arith.constant 40 : i32
      %dma_start3A_53 = arith.constant 0 : i32
      %dma_start3A_54 = tpu.memref_slice %dma_start3A_51[%dma_start3A_52, %dma_start3A_53] : memref<80x128xi32, #tpu.memory_space<hbm>> -> memref<40x128xi32, #tpu.memory_space<hbm>>
      tpu.enqueue_dma source(%dma_start3A_54 : memref<40x128xi32, #tpu.memory_space<hbm>>) target(%arg8 : memref<40x128xi32, #tpu.memory_space<vmem>>) target_semaphore(%run_scoped3A : memref<!tpu.dma_semaphore, #tpu.memory_space<semaphore_mem>>)
      %dma_wait3A_55 = arith.constant 0 : i32
      %dma_wait3A_56 = arith.constant 0 : i32
      %dma_wait3A_57 = tpu.memref_slice %arg4[%add3A, %dma_wait3A_55, %dma_wait3A_56] : memref<32x80x128xi32, #tpu.memory_space<hbm>> -> memref<1x80x128xi32, #tpu.memory_space<hbm>>
      %dma_wait3A_58 = tpu.memref_squeeze %dma_wait3A_57 : memref<1x80x128xi32, #tpu.memory_space<hbm>> -> memref<80x128xi32, #tpu.memory_space<hbm>>
      %dma_wait3A_59 = arith.constant 40 : i32
      %dma_wait3A_60 = arith.constant 0 : i32
      %dma_wait3A_61 = tpu.memref_slice %dma_wait3A_58[%dma_wait3A_59, %dma_wait3A_60] : memref<80x128xi32, #tpu.memory_space<hbm>> -> memref<40x128xi32, #tpu.memory_space<hbm>>
      %dma_wait3A_62 = arith.constant 0 : i32
      %dma_wait3A_63 = arith.constant 0 : i32
      %dma_wait3A_64 = tpu.memref_slice %arg4[%add3A, %dma_wait3A_62, %dma_wait3A_63] : memref<32x80x128xi32, #tpu.memory_space<hbm>> -> memref<1x80x128xi32, #tpu.memory_space<hbm>>
      %dma_wait3A_65 = tpu.memref_squeeze %dma_wait3A_64 : memref<1x80x128xi32, #tpu.memory_space<hbm>> -> memref<80x128xi32, #tpu.memory_space<hbm>>
      %dma_wait3A_66 = arith.constant 40 : i32
      %dma_wait3A_67 = arith.constant 0 : i32
      %dma_wait3A_68 = tpu.memref_slice %dma_wait3A_65[%dma_wait3A_66, %dma_wait3A_67] : memref<80x128xi32, #tpu.memory_space<hbm>> -> memref<40x128xi32, #tpu.memory_space<hbm>>
      tpu.wait_dma2 semaphore(%run_scoped3A : memref<!tpu.dma_semaphore, #tpu.memory_space<semaphore_mem>>) src(%dma_wait3A_68 : memref<40x128xi32, #tpu.memory_space<hbm>>) dst(%arg8 : memref<40x128xi32, #tpu.memory_space<vmem>>)
      tpu.yield
    }) : () -> ()
    %dma_start3A_20 = arith.constant 0 : i32
    %dma_start3A_21 = arith.constant 0 : i32
    %dma_start3A_22 = tpu.memref_slice %arg7[%dma_start3A_20, %dma_start3A_21] : memref<40x128xi32, #tpu.memory_space<vmem>> -> memref<1x128xi32, #tpu.memory_space<vmem>>
    %dma_start3A_23 = tpu.memref_squeeze %dma_start3A_22 : memref<1x128xi32, #tpu.memory_space<vmem>> -> memref<128xi32, #tpu.memory_space<vmem>>
    %dma_start3A_24 = arith.constant 0 : i32
    %dma_start3A_25 = arith.constant 0 : i32
    %dma_start3A_26 = tpu.memref_slice %arg2[%dma_start3A_24, %dma_start3A_25] : memref<10016x128xf32, #tpu.memory_space<hbm>> -> memref<10016x128xf32, #tpu.memory_space<hbm>>
    tpu.enqueue_indirect_dma source(%dma_start3A_26 : memref<10016x128xf32, #tpu.memory_space<hbm>>) target(%arg9 : memref<128x128xf32, #tpu.memory_space<vmem>>) offsets(%dma_start3A_23 : memref<128xi32, #tpu.memory_space<vmem>>) semaphore(%arg12 : memref<!tpu.dma_semaphore, #tpu.memory_space<semaphore_mem>>)
    %scan3A_27 = arith.constant 0 : i32
    %scan3A_28 = arith.constant 0 : i32
    %scan3A_29 = arith.constant 20 : i32
    %scan3A_30 = arith.addi %scan3A_28, %scan3A_29 : i32
    %scan3A_31 = arith.constant 1 : i32
    scf.for %scan3A_41 = %scan3A_28 to %scan3A_30 step %scan3A_31  : i32 {
      %mul3A_42 = arith.constant 2 : i32
      %mul3A_43 = arith.muli %mul3A_42, %scan3A_41 : i32
      %add3A_44 = arith.constant 1 : i32
      %add3A_45 = arith.addi %mul3A_43, %add3A_44 : i32
      %add3A_46 = arith.constant 2 : i32
      %add3A_47 = arith.addi %mul3A_43, %add3A_46 : i32
      %rem3A = arith.constant 40 : i32
      %rem3A_48 = arith.remsi %add3A_47, %rem3A : i32
      %dma_wait3A_49 = arith.constant 0 : i32
      %dma_wait3A_50 = tpu.memref_slice %arg7[%mul3A_43, %dma_wait3A_49] : memref<40x128xi32, #tpu.memory_space<vmem>> -> memref<1x128xi32, #tpu.memory_space<vmem>>
      %dma_wait3A_51 = tpu.memref_squeeze %dma_wait3A_50 : memref<1x128xi32, #tpu.memory_space<vmem>> -> memref<128xi32, #tpu.memory_space<vmem>>
      %dma_wait3A_52 = arith.constant 0 : i32
      %dma_wait3A_53 = arith.constant 0 : i32
      %dma_wait3A_54 = tpu.memref_slice %arg2[%dma_wait3A_52, %dma_wait3A_53] : memref<10016x128xf32, #tpu.memory_space<hbm>> -> memref<10016x128xf32, #tpu.memory_space<hbm>>
      tpu.wait_indirect_dma semaphore(%arg12 : memref<!tpu.dma_semaphore, #tpu.memory_space<semaphore_mem>>) src(%dma_wait3A_54 : memref<10016x128xf32, #tpu.memory_space<hbm>>) dst(%arg9 : memref<128x128xf32, #tpu.memory_space<vmem>>)
      %dma_start3A_55 = arith.constant 0 : i32
      %dma_start3A_56 = tpu.memref_slice %arg7[%add3A_45, %dma_start3A_55] : memref<40x128xi32, #tpu.memory_space<vmem>> -> memref<1x128xi32, #tpu.memory_space<vmem>>
      %dma_start3A_57 = tpu.memref_squeeze %dma_start3A_56 : memref<1x128xi32, #tpu.memory_space<vmem>> -> memref<128xi32, #tpu.memory_space<vmem>>
      %dma_start3A_58 = arith.constant 0 : i32
      %dma_start3A_59 = arith.constant 0 : i32
      %dma_start3A_60 = tpu.memref_slice %arg2[%dma_start3A_58, %dma_start3A_59] : memref<10016x128xf32, #tpu.memory_space<hbm>> -> memref<10016x128xf32, #tpu.memory_space<hbm>>
      tpu.enqueue_indirect_dma source(%dma_start3A_60 : memref<10016x128xf32, #tpu.memory_space<hbm>>) target(%arg10 : memref<128x128xf32, #tpu.memory_space<vmem>>) offsets(%dma_start3A_57 : memref<128xi32, #tpu.memory_space<vmem>>) semaphore(%arg13 : memref<!tpu.dma_semaphore, #tpu.memory_space<semaphore_mem>>)
      %dma_start3A_61 = arith.constant 0 : i32
      %dma_start3A_62 = tpu.memref_slice %arg8[%mul3A_43, %dma_start3A_61] : memref<40x128xi32, #tpu.memory_space<vmem>> -> memref<1x128xi32, #tpu.memory_space<vmem>>
      %dma_start3A_63 = tpu.memref_squeeze %dma_start3A_62 : memref<1x128xi32, #tpu.memory_space<vmem>> -> memref<128xi32, #tpu.memory_space<vmem>>
      %dma_start3A_64 = arith.constant 0 : i32
      %dma_start3A_65 = arith.constant 0 : i32
      %dma_start3A_66 = tpu.memref_slice %arg11[%dma_start3A_64, %dma_start3A_65] : memref<10112x128xf32, #tpu.memory_space<vmem_shared>> -> memref<10112x128xf32, #tpu.memory_space<vmem_shared>>
      tpu.enqueue_indirect_dma source(%arg9 : memref<128x128xf32, #tpu.memory_space<vmem>>) target(%dma_start3A_66 : memref<10112x128xf32, #tpu.memory_space<vmem_shared>>) offsets(%dma_start3A_63 : memref<128xi32, #tpu.memory_space<vmem>>) semaphore(%arg14 : memref<!tpu.dma_semaphore, #tpu.memory_space<semaphore_mem>>) {add = true}
      %dma_wait3A_67 = arith.constant 0 : i32
      %dma_wait3A_68 = tpu.memref_slice %arg7[%add3A_45, %dma_wait3A_67] : memref<40x128xi32, #tpu.memory_space<vmem>> -> memref<1x128xi32, #tpu.memory_space<vmem>>
      %dma_wait3A_69 = tpu.memref_squeeze %dma_wait3A_68 : memref<1x128xi32, #tpu.memory_space<vmem>> -> memref<128xi32, #tpu.memory_space<vmem>>
      %dma_wait3A_70 = arith.constant 0 : i32
      %dma_wait3A_71 = arith.constant 0 : i32
      %dma_wait3A_72 = tpu.memref_slice %arg2[%dma_wait3A_70, %dma_wait3A_71] : memref<10016x128xf32, #tpu.memory_space<hbm>> -> memref<10016x128xf32, #tpu.memory_space<hbm>>
      tpu.wait_indirect_dma semaphore(%arg13 : memref<!tpu.dma_semaphore, #tpu.memory_space<semaphore_mem>>) src(%dma_wait3A_72 : memref<10016x128xf32, #tpu.memory_space<hbm>>) dst(%arg10 : memref<128x128xf32, #tpu.memory_space<vmem>>)
      %dma_wait3A_73 = arith.constant 0 : i32
      %dma_wait3A_74 = tpu.memref_slice %arg8[%mul3A_43, %dma_wait3A_73] : memref<40x128xi32, #tpu.memory_space<vmem>> -> memref<1x128xi32, #tpu.memory_space<vmem>>
      %dma_wait3A_75 = tpu.memref_squeeze %dma_wait3A_74 : memref<1x128xi32, #tpu.memory_space<vmem>> -> memref<128xi32, #tpu.memory_space<vmem>>
      %dma_wait3A_76 = arith.constant 0 : i32
      %dma_wait3A_77 = arith.constant 0 : i32
      %dma_wait3A_78 = tpu.memref_slice %arg11[%dma_wait3A_76, %dma_wait3A_77] : memref<10112x128xf32, #tpu.memory_space<vmem_shared>> -> memref<10112x128xf32, #tpu.memory_space<vmem_shared>>
      tpu.wait_indirect_dma semaphore(%arg14 : memref<!tpu.dma_semaphore, #tpu.memory_space<semaphore_mem>>) src(%arg9 : memref<128x128xf32, #tpu.memory_space<vmem>>) dst(%dma_wait3A_78 : memref<10112x128xf32, #tpu.memory_space<vmem_shared>>)
      %dma_start3A_79 = arith.constant 0 : i32
      %dma_start3A_80 = tpu.memref_slice %arg8[%add3A_45, %dma_start3A_79] : memref<40x128xi32, #tpu.memory_space<vmem>> -> memref<1x128xi32, #tpu.memory_space<vmem>>
      %dma_start3A_81 = tpu.memref_squeeze %dma_start3A_80 : memref<1x128xi32, #tpu.memory_space<vmem>> -> memref<128xi32, #tpu.memory_space<vmem>>
      %dma_start3A_82 = arith.constant 0 : i32
      %dma_start3A_83 = arith.constant 0 : i32
      %dma_start3A_84 = tpu.memref_slice %arg11[%dma_start3A_82, %dma_start3A_83] : memref<10112x128xf32, #tpu.memory_space<vmem_shared>> -> memref<10112x128xf32, #tpu.memory_space<vmem_shared>>
      tpu.enqueue_indirect_dma source(%arg10 : memref<128x128xf32, #tpu.memory_space<vmem>>) target(%dma_start3A_84 : memref<10112x128xf32, #tpu.memory_space<vmem_shared>>) offsets(%dma_start3A_81 : memref<128xi32, #tpu.memory_space<vmem>>) semaphore(%arg15 : memref<!tpu.dma_semaphore, #tpu.memory_space<semaphore_mem>>) {add = true}
      %dma_start3A_85 = arith.constant 0 : i32
      %dma_start3A_86 = tpu.memref_slice %arg7[%rem3A_48, %dma_start3A_85] : memref<40x128xi32, #tpu.memory_space<vmem>> -> memref<1x128xi32, #tpu.memory_space<vmem>>
      %dma_start3A_87 = tpu.memref_squeeze %dma_start3A_86 : memref<1x128xi32, #tpu.memory_space<vmem>> -> memref<128xi32, #tpu.memory_space<vmem>>
      %dma_start3A_88 = arith.constant 0 : i32
      %dma_start3A_89 = arith.constant 0 : i32
      %dma_start3A_90 = tpu.memref_slice %arg2[%dma_start3A_88, %dma_start3A_89] : memref<10016x128xf32, #tpu.memory_space<hbm>> -> memref<10016x128xf32, #tpu.memory_space<hbm>>
      tpu.enqueue_indirect_dma source(%dma_start3A_90 : memref<10016x128xf32, #tpu.memory_space<hbm>>) target(%arg9 : memref<128x128xf32, #tpu.memory_space<vmem>>) offsets(%dma_start3A_87 : memref<128xi32, #tpu.memory_space<vmem>>) semaphore(%arg12 : memref<!tpu.dma_semaphore, #tpu.memory_space<semaphore_mem>>)
      %dma_wait3A_91 = arith.constant 0 : i32
      %dma_wait3A_92 = tpu.memref_slice %arg8[%add3A_45, %dma_wait3A_91] : memref<40x128xi32, #tpu.memory_space<vmem>> -> memref<1x128xi32, #tpu.memory_space<vmem>>
      %dma_wait3A_93 = tpu.memref_squeeze %dma_wait3A_92 : memref<1x128xi32, #tpu.memory_space<vmem>> -> memref<128xi32, #tpu.memory_space<vmem>>
      %dma_wait3A_94 = arith.constant 0 : i32
      %dma_wait3A_95 = arith.constant 0 : i32
      %dma_wait3A_96 = tpu.memref_slice %arg11[%dma_wait3A_94, %dma_wait3A_95] : memref<10112x128xf32, #tpu.memory_space<vmem_shared>> -> memref<10112x128xf32, #tpu.memory_space<vmem_shared>>
      tpu.wait_indirect_dma semaphore(%arg15 : memref<!tpu.dma_semaphore, #tpu.memory_space<semaphore_mem>>) src(%arg10 : memref<128x128xf32, #tpu.memory_space<vmem>>) dst(%dma_wait3A_96 : memref<10112x128xf32, #tpu.memory_space<vmem_shared>>)
    }
    %scan3A_32 = arith.constant 20 : i32
    %dma_wait3A_33 = arith.constant 0 : i32
    %dma_wait3A_34 = arith.constant 0 : i32
    %dma_wait3A_35 = tpu.memref_slice %arg7[%dma_wait3A_33, %dma_wait3A_34] : memref<40x128xi32, #tpu.memory_space<vmem>> -> memref<1x128xi32, #tpu.memory_space<vmem>>
    %dma_wait3A_36 = tpu.memref_squeeze %dma_wait3A_35 : memref<1x128xi32, #tpu.memory_space<vmem>> -> memref<128xi32, #tpu.memory_space<vmem>>
    %dma_wait3A_37 = arith.constant 0 : i32
    %dma_wait3A_38 = arith.constant 0 : i32
    %dma_wait3A_39 = tpu.memref_slice %arg2[%dma_wait3A_37, %dma_wait3A_38] : memref<10016x128xf32, #tpu.memory_space<hbm>> -> memref<10016x128xf32, #tpu.memory_space<hbm>>
    tpu.wait_indirect_dma semaphore(%arg12 : memref<!tpu.dma_semaphore, #tpu.memory_space<semaphore_mem>>) src(%dma_wait3A_39 : memref<10016x128xf32, #tpu.memory_space<hbm>>) dst(%arg9 : memref<128x128xf32, #tpu.memory_space<vmem>>)
    %barrier3A_40 = arith.constant 0 : index
    tpu.barrier barrier_id(%barrier3A_40)
    "tpu.region"() ({
      %run_scoped3A = tpu.sem_alloc : memref<!tpu.dma_semaphore, #tpu.memory_space<semaphore_mem>>
      %dma_start3A_41 = arith.constant 0 : i32
      %dma_start3A_42 = arith.constant 0 : i32
      %dma_start3A_43 = tpu.memref_slice %arg6[%arg0, %dma_start3A_41, %dma_start3A_42] : memref<2x10112x128xf32, #tpu.memory_space<hbm>> -> memref<1x10112x128xf32, #tpu.memory_space<hbm>>
      %dma_start3A_44 = tpu.memref_squeeze %dma_start3A_43 : memref<1x10112x128xf32, #tpu.memory_space<hbm>> -> memref<10112x128xf32, #tpu.memory_space<hbm>>
      %dma_start3A_45 = arith.constant 0 : i32
      %dma_start3A_46 = tpu.memref_slice %dma_start3A_44[%mul3A_2, %dma_start3A_45] : memref<10112x128xf32, #tpu.memory_space<hbm>> -> memref<632x128xf32, #tpu.memory_space<hbm>>
      %dma_start3A_47 = arith.constant 0 : i32
      %dma_start3A_48 = tpu.memref_slice %arg11[%mul3A_2, %dma_start3A_47] : memref<10112x128xf32, #tpu.memory_space<vmem_shared>> -> memref<632x128xf32, #tpu.memory_space<vmem_shared>>
      tpu.enqueue_dma source(%dma_start3A_48 : memref<632x128xf32, #tpu.memory_space<vmem_shared>>) target(%dma_start3A_46 : memref<632x128xf32, #tpu.memory_space<hbm>>) target_semaphore(%run_scoped3A : memref<!tpu.dma_semaphore, #tpu.memory_space<semaphore_mem>>)
      %dma_wait3A_49 = arith.constant 0 : i32
      %dma_wait3A_50 = arith.constant 0 : i32
      %dma_wait3A_51 = tpu.memref_slice %arg6[%arg0, %dma_wait3A_49, %dma_wait3A_50] : memref<2x10112x128xf32, #tpu.memory_space<hbm>> -> memref<1x10112x128xf32, #tpu.memory_space<hbm>>
      %dma_wait3A_52 = tpu.memref_squeeze %dma_wait3A_51 : memref<1x10112x128xf32, #tpu.memory_space<hbm>> -> memref<10112x128xf32, #tpu.memory_space<hbm>>
      %dma_wait3A_53 = arith.constant 0 : i32
      %dma_wait3A_54 = tpu.memref_slice %dma_wait3A_52[%mul3A_2, %dma_wait3A_53] : memref<10112x128xf32, #tpu.memory_space<hbm>> -> memref<632x128xf32, #tpu.memory_space<hbm>>
      %dma_wait3A_55 = arith.constant 0 : i32
      %dma_wait3A_56 = tpu.memref_slice %arg11[%mul3A_2, %dma_wait3A_55] : memref<10112x128xf32, #tpu.memory_space<vmem_shared>> -> memref<632x128xf32, #tpu.memory_space<vmem_shared>>
      tpu.wait_dma2 semaphore(%run_scoped3A : memref<!tpu.dma_semaphore, #tpu.memory_space<semaphore_mem>>) src(%dma_wait3A_56 : memref<632x128xf32, #tpu.memory_space<vmem_shared>>) dst(%dma_wait3A_54 : memref<632x128xf32, #tpu.memory_space<hbm>>)
      tpu.yield
    }) : () -> ()
    return
  }
}

#map = affine_map<(d0, d1) -> (0, 0)>
#map1 = affine_map<(d0, d1) -> (0, 0, 0)>
module attributes {stable_mosaic.version = 14 : i64} {
  func.func @body(%arg0: i32, %arg1: i32, %arg2: memref<1024x128xf32, #tpu.memory_space<hbm>>, %arg3: memref<32x4x128xi32, #tpu.memory_space<hbm>>, %arg4: memref<32x4x128xi32, #tpu.memory_space<hbm>>, %arg5: memref<64x128xf32, #tpu.memory_space<hbm>>, %arg6: memref<2x1024x128xf32, #tpu.memory_space<hbm>>, %arg7: memref<2x128xi32, #tpu.memory_space<vmem>>, %arg8: memref<2x128xi32, #tpu.memory_space<vmem>>, %arg9: memref<128x128xf32, #tpu.memory_space<vmem>>, %arg10: memref<128x128xf32, #tpu.memory_space<vmem>>, %arg11: memref<1024x128xf32, #tpu.memory_space<vmem_shared>>, %arg12: memref<!tpu.dma_semaphore, #tpu.memory_space<semaphore_mem>>, %arg13: memref<!tpu.dma_semaphore, #tpu.memory_space<semaphore_mem>>, %arg14: memref<!tpu.dma_semaphore, #tpu.memory_space<semaphore_mem>>, %arg15: memref<!tpu.dma_semaphore, #tpu.memory_space<semaphore_mem>>) attributes {dimension_semantics = [#tpu.dimension_semantics<core_parallel>, #tpu.dimension_semantics<subcore_parallel>], iteration_bounds = array<i64: 2, 16>, scalar_prefetch = 0 : i64, scratch_operands = 9 : i64, tpu.core_type = #tpu.core_type<sc_vector_subcore>, window_params = [{transform_indices = #map}, {transform_indices = #map1}, {transform_indices = #map1}, {transform_indices = #map}, {transform_indices = #map1}]} {
    %mul3A = arith.constant 2 : i32
    %mul3A_0 = arith.muli %arg1, %mul3A : i32
    %add3A = arith.addi %mul3A_0, %arg0 : i32
    %mul3A_1 = arith.constant 64 : i32
    %mul3A_2 = arith.muli %arg1, %mul3A_1 : i32
    "tpu.region"() ({
      %run_scoped3A = tpu.sem_alloc : memref<!tpu.dma_semaphore, #tpu.memory_space<semaphore_mem>>
      %dma_start3A_146 = arith.constant 0 : i32
      %dma_start3A_147 = arith.constant 0 : i32
      %dma_start3A_148 = tpu.memref_slice %arg3[%add3A, %dma_start3A_146, %dma_start3A_147] : memref<32x4x128xi32, #tpu.memory_space<hbm>> -> memref<1x4x128xi32, #tpu.memory_space<hbm>>
      %dma_start3A_149 = tpu.memref_squeeze %dma_start3A_148 : memref<1x4x128xi32, #tpu.memory_space<hbm>> -> memref<4x128xi32, #tpu.memory_space<hbm>>
      %dma_start3A_150 = arith.constant 0 : i32
      %dma_start3A_151 = arith.constant 0 : i32
      %dma_start3A_152 = tpu.memref_slice %dma_start3A_149[%dma_start3A_150, %dma_start3A_151] : memref<4x128xi32, #tpu.memory_space<hbm>> -> memref<2x128xi32, #tpu.memory_space<hbm>>
      %dma_start3A_153 = arith.constant 0 : i32
      %dma_start3A_154 = arith.constant 0 : i32
      %dma_start3A_155 = tpu.memref_slice %arg3[%add3A, %dma_start3A_153, %dma_start3A_154] : memref<32x4x128xi32, #tpu.memory_space<hbm>> -> memref<1x4x128xi32, #tpu.memory_space<hbm>>
      %dma_start3A_156 = tpu.memref_squeeze %dma_start3A_155 : memref<1x4x128xi32, #tpu.memory_space<hbm>> -> memref<4x128xi32, #tpu.memory_space<hbm>>
      %dma_start3A_157 = arith.constant 0 : i32
      %dma_start3A_158 = arith.constant 0 : i32
      %dma_start3A_159 = tpu.memref_slice %dma_start3A_156[%dma_start3A_157, %dma_start3A_158] : memref<4x128xi32, #tpu.memory_space<hbm>> -> memref<2x128xi32, #tpu.memory_space<hbm>>
      tpu.enqueue_dma source(%dma_start3A_159 : memref<2x128xi32, #tpu.memory_space<hbm>>) target(%arg7 : memref<2x128xi32, #tpu.memory_space<vmem>>) target_semaphore(%run_scoped3A : memref<!tpu.dma_semaphore, #tpu.memory_space<semaphore_mem>>)
      %dma_wait3A_160 = arith.constant 0 : i32
      %dma_wait3A_161 = arith.constant 0 : i32
      %dma_wait3A_162 = tpu.memref_slice %arg3[%add3A, %dma_wait3A_160, %dma_wait3A_161] : memref<32x4x128xi32, #tpu.memory_space<hbm>> -> memref<1x4x128xi32, #tpu.memory_space<hbm>>
      %dma_wait3A_163 = tpu.memref_squeeze %dma_wait3A_162 : memref<1x4x128xi32, #tpu.memory_space<hbm>> -> memref<4x128xi32, #tpu.memory_space<hbm>>
      %dma_wait3A_164 = arith.constant 0 : i32
      %dma_wait3A_165 = arith.constant 0 : i32
      %dma_wait3A_166 = tpu.memref_slice %dma_wait3A_163[%dma_wait3A_164, %dma_wait3A_165] : memref<4x128xi32, #tpu.memory_space<hbm>> -> memref<2x128xi32, #tpu.memory_space<hbm>>
      %dma_wait3A_167 = arith.constant 0 : i32
      %dma_wait3A_168 = arith.constant 0 : i32
      %dma_wait3A_169 = tpu.memref_slice %arg3[%add3A, %dma_wait3A_167, %dma_wait3A_168] : memref<32x4x128xi32, #tpu.memory_space<hbm>> -> memref<1x4x128xi32, #tpu.memory_space<hbm>>
      %dma_wait3A_170 = tpu.memref_squeeze %dma_wait3A_169 : memref<1x4x128xi32, #tpu.memory_space<hbm>> -> memref<4x128xi32, #tpu.memory_space<hbm>>
      %dma_wait3A_171 = arith.constant 0 : i32
      %dma_wait3A_172 = arith.constant 0 : i32
      %dma_wait3A_173 = tpu.memref_slice %dma_wait3A_170[%dma_wait3A_171, %dma_wait3A_172] : memref<4x128xi32, #tpu.memory_space<hbm>> -> memref<2x128xi32, #tpu.memory_space<hbm>>
      tpu.wait_dma2 semaphore(%run_scoped3A : memref<!tpu.dma_semaphore, #tpu.memory_space<semaphore_mem>>) src(%dma_wait3A_173 : memref<2x128xi32, #tpu.memory_space<hbm>>) dst(%arg7 : memref<2x128xi32, #tpu.memory_space<vmem>>)
      tpu.yield
    }) : () -> ()
    "tpu.region"() ({
      %run_scoped3A = tpu.sem_alloc : memref<!tpu.dma_semaphore, #tpu.memory_space<semaphore_mem>>
      %dma_start3A_146 = arith.constant 0 : i32
      %dma_start3A_147 = arith.constant 0 : i32
      %dma_start3A_148 = tpu.memref_slice %arg4[%add3A, %dma_start3A_146, %dma_start3A_147] : memref<32x4x128xi32, #tpu.memory_space<hbm>> -> memref<1x4x128xi32, #tpu.memory_space<hbm>>
      %dma_start3A_149 = tpu.memref_squeeze %dma_start3A_148 : memref<1x4x128xi32, #tpu.memory_space<hbm>> -> memref<4x128xi32, #tpu.memory_space<hbm>>
      %dma_start3A_150 = arith.constant 0 : i32
      %dma_start3A_151 = arith.constant 0 : i32
      %dma_start3A_152 = tpu.memref_slice %dma_start3A_149[%dma_start3A_150, %dma_start3A_151] : memref<4x128xi32, #tpu.memory_space<hbm>> -> memref<2x128xi32, #tpu.memory_space<hbm>>
      %dma_start3A_153 = arith.constant 0 : i32
      %dma_start3A_154 = arith.constant 0 : i32
      %dma_start3A_155 = tpu.memref_slice %arg4[%add3A, %dma_start3A_153, %dma_start3A_154] : memref<32x4x128xi32, #tpu.memory_space<hbm>> -> memref<1x4x128xi32, #tpu.memory_space<hbm>>
      %dma_start3A_156 = tpu.memref_squeeze %dma_start3A_155 : memref<1x4x128xi32, #tpu.memory_space<hbm>> -> memref<4x128xi32, #tpu.memory_space<hbm>>
      %dma_start3A_157 = arith.constant 0 : i32
      %dma_start3A_158 = arith.constant 0 : i32
      %dma_start3A_159 = tpu.memref_slice %dma_start3A_156[%dma_start3A_157, %dma_start3A_158] : memref<4x128xi32, #tpu.memory_space<hbm>> -> memref<2x128xi32, #tpu.memory_space<hbm>>
      tpu.enqueue_dma source(%dma_start3A_159 : memref<2x128xi32, #tpu.memory_space<hbm>>) target(%arg8 : memref<2x128xi32, #tpu.memory_space<vmem>>) target_semaphore(%run_scoped3A : memref<!tpu.dma_semaphore, #tpu.memory_space<semaphore_mem>>)
      %dma_wait3A_160 = arith.constant 0 : i32
      %dma_wait3A_161 = arith.constant 0 : i32
      %dma_wait3A_162 = tpu.memref_slice %arg4[%add3A, %dma_wait3A_160, %dma_wait3A_161] : memref<32x4x128xi32, #tpu.memory_space<hbm>> -> memref<1x4x128xi32, #tpu.memory_space<hbm>>
      %dma_wait3A_163 = tpu.memref_squeeze %dma_wait3A_162 : memref<1x4x128xi32, #tpu.memory_space<hbm>> -> memref<4x128xi32, #tpu.memory_space<hbm>>
      %dma_wait3A_164 = arith.constant 0 : i32
      %dma_wait3A_165 = arith.constant 0 : i32
      %dma_wait3A_166 = tpu.memref_slice %dma_wait3A_163[%dma_wait3A_164, %dma_wait3A_165] : memref<4x128xi32, #tpu.memory_space<hbm>> -> memref<2x128xi32, #tpu.memory_space<hbm>>
      %dma_wait3A_167 = arith.constant 0 : i32
      %dma_wait3A_168 = arith.constant 0 : i32
      %dma_wait3A_169 = tpu.memref_slice %arg4[%add3A, %dma_wait3A_167, %dma_wait3A_168] : memref<32x4x128xi32, #tpu.memory_space<hbm>> -> memref<1x4x128xi32, #tpu.memory_space<hbm>>
      %dma_wait3A_170 = tpu.memref_squeeze %dma_wait3A_169 : memref<1x4x128xi32, #tpu.memory_space<hbm>> -> memref<4x128xi32, #tpu.memory_space<hbm>>
      %dma_wait3A_171 = arith.constant 0 : i32
      %dma_wait3A_172 = arith.constant 0 : i32
      %dma_wait3A_173 = tpu.memref_slice %dma_wait3A_170[%dma_wait3A_171, %dma_wait3A_172] : memref<4x128xi32, #tpu.memory_space<hbm>> -> memref<2x128xi32, #tpu.memory_space<hbm>>
      tpu.wait_dma2 semaphore(%run_scoped3A : memref<!tpu.dma_semaphore, #tpu.memory_space<semaphore_mem>>) src(%dma_wait3A_173 : memref<2x128xi32, #tpu.memory_space<hbm>>) dst(%arg8 : memref<2x128xi32, #tpu.memory_space<vmem>>)
      tpu.yield
    }) : () -> ()
    "tpu.region"() ({
      %run_scoped3A = tpu.sem_alloc : memref<!tpu.dma_semaphore, #tpu.memory_space<semaphore_mem>>
      %dma_start3A_146 = arith.constant 0 : i32
      %dma_start3A_147 = tpu.memref_slice %arg11[%mul3A_2, %dma_start3A_146] : memref<1024x128xf32, #tpu.memory_space<vmem_shared>> -> memref<64x128xf32, #tpu.memory_space<vmem_shared>>
      tpu.enqueue_dma source(%arg5 : memref<64x128xf32, #tpu.memory_space<hbm>>) target(%dma_start3A_147 : memref<64x128xf32, #tpu.memory_space<vmem_shared>>) target_semaphore(%run_scoped3A : memref<!tpu.dma_semaphore, #tpu.memory_space<semaphore_mem>>)
      %dma_wait3A_148 = arith.constant 0 : i32
      %dma_wait3A_149 = tpu.memref_slice %arg11[%mul3A_2, %dma_wait3A_148] : memref<1024x128xf32, #tpu.memory_space<vmem_shared>> -> memref<64x128xf32, #tpu.memory_space<vmem_shared>>
      tpu.wait_dma2 semaphore(%run_scoped3A : memref<!tpu.dma_semaphore, #tpu.memory_space<semaphore_mem>>) src(%arg5 : memref<64x128xf32, #tpu.memory_space<hbm>>) dst(%dma_wait3A_149 : memref<64x128xf32, #tpu.memory_space<vmem_shared>>)
      tpu.yield
    }) : () -> ()
    %dma_start3A = arith.constant 0 : i32
    %dma_start3A_3 = arith.constant 0 : i32
    %dma_start3A_4 = tpu.memref_slice %arg7[%dma_start3A, %dma_start3A_3] : memref<2x128xi32, #tpu.memory_space<vmem>> -> memref<1x128xi32, #tpu.memory_space<vmem>>
    %dma_start3A_5 = tpu.memref_squeeze %dma_start3A_4 : memref<1x128xi32, #tpu.memory_space<vmem>> -> memref<128xi32, #tpu.memory_space<vmem>>
    %dma_start3A_6 = arith.constant 0 : i32
    %dma_start3A_7 = arith.constant 0 : i32
    %dma_start3A_8 = tpu.memref_slice %arg2[%dma_start3A_6, %dma_start3A_7] : memref<1024x128xf32, #tpu.memory_space<hbm>> -> memref<1024x128xf32, #tpu.memory_space<hbm>>
    tpu.enqueue_indirect_dma source(%dma_start3A_8 : memref<1024x128xf32, #tpu.memory_space<hbm>>) target(%arg9 : memref<128x128xf32, #tpu.memory_space<vmem>>) offsets(%dma_start3A_5 : memref<128xi32, #tpu.memory_space<vmem>>) semaphore(%arg12 : memref<!tpu.dma_semaphore, #tpu.memory_space<semaphore_mem>>)
    %barrier3A = arith.constant 0 : index
    tpu.barrier barrier_id(%barrier3A)
    %scan3A = arith.constant 0 : i32
    %scan3A_9 = arith.constant 0 : i32
    %mul3A_10 = arith.constant 2 : i32
    %mul3A_11 = arith.muli %mul3A_10, %scan3A_9 : i32
    %add3A_12 = arith.constant 1 : i32
    %add3A_13 = arith.addi %mul3A_11, %add3A_12 : i32
    %add3A_14 = arith.constant 2 : i32
    %add3A_15 = arith.addi %mul3A_11, %add3A_14 : i32
    %rem3A = arith.constant 2 : i32
    %rem3A_16 = arith.remsi %add3A_15, %rem3A : i32
    %dma_wait3A = arith.constant 0 : i32
    %dma_wait3A_17 = tpu.memref_slice %arg7[%mul3A_11, %dma_wait3A] : memref<2x128xi32, #tpu.memory_space<vmem>> -> memref<1x128xi32, #tpu.memory_space<vmem>>
    %dma_wait3A_18 = tpu.memref_squeeze %dma_wait3A_17 : memref<1x128xi32, #tpu.memory_space<vmem>> -> memref<128xi32, #tpu.memory_space<vmem>>
    %dma_wait3A_19 = arith.constant 0 : i32
    %dma_wait3A_20 = arith.constant 0 : i32
    %dma_wait3A_21 = tpu.memref_slice %arg2[%dma_wait3A_19, %dma_wait3A_20] : memref<1024x128xf32, #tpu.memory_space<hbm>> -> memref<1024x128xf32, #tpu.memory_space<hbm>>
    tpu.wait_indirect_dma semaphore(%arg12 : memref<!tpu.dma_semaphore, #tpu.memory_space<semaphore_mem>>) src(%dma_wait3A_21 : memref<1024x128xf32, #tpu.memory_space<hbm>>) dst(%arg9 : memref<128x128xf32, #tpu.memory_space<vmem>>)
    %dma_start3A_22 = arith.constant 0 : i32
    %dma_start3A_23 = tpu.memref_slice %arg7[%add3A_13, %dma_start3A_22] : memref<2x128xi32, #tpu.memory_space<vmem>> -> memref<1x128xi32, #tpu.memory_space<vmem>>
    %dma_start3A_24 = tpu.memref_squeeze %dma_start3A_23 : memref<1x128xi32, #tpu.memory_space<vmem>> -> memref<128xi32, #tpu.memory_space<vmem>>
    %dma_start3A_25 = arith.constant 0 : i32
    %dma_start3A_26 = arith.constant 0 : i32
    %dma_start3A_27 = tpu.memref_slice %arg2[%dma_start3A_25, %dma_start3A_26] : memref<1024x128xf32, #tpu.memory_space<hbm>> -> memref<1024x128xf32, #tpu.memory_space<hbm>>
    tpu.enqueue_indirect_dma source(%dma_start3A_27 : memref<1024x128xf32, #tpu.memory_space<hbm>>) target(%arg10 : memref<128x128xf32, #tpu.memory_space<vmem>>) offsets(%dma_start3A_24 : memref<128xi32, #tpu.memory_space<vmem>>) semaphore(%arg13 : memref<!tpu.dma_semaphore, #tpu.memory_space<semaphore_mem>>)
    %dma_start3A_28 = arith.constant 0 : i32
    %dma_start3A_29 = tpu.memref_slice %arg8[%mul3A_11, %dma_start3A_28] : memref<2x128xi32, #tpu.memory_space<vmem>> -> memref<1x128xi32, #tpu.memory_space<vmem>>
    %dma_start3A_30 = tpu.memref_squeeze %dma_start3A_29 : memref<1x128xi32, #tpu.memory_space<vmem>> -> memref<128xi32, #tpu.memory_space<vmem>>
    %dma_start3A_31 = arith.constant 0 : i32
    %dma_start3A_32 = arith.constant 0 : i32
    %dma_start3A_33 = tpu.memref_slice %arg11[%dma_start3A_31, %dma_start3A_32] : memref<1024x128xf32, #tpu.memory_space<vmem_shared>> -> memref<1024x128xf32, #tpu.memory_space<vmem_shared>>
    tpu.enqueue_indirect_dma source(%arg9 : memref<128x128xf32, #tpu.memory_space<vmem>>) target(%dma_start3A_33 : memref<1024x128xf32, #tpu.memory_space<vmem_shared>>) offsets(%dma_start3A_30 : memref<128xi32, #tpu.memory_space<vmem>>) semaphore(%arg14 : memref<!tpu.dma_semaphore, #tpu.memory_space<semaphore_mem>>) {add = true}
    %dma_wait3A_34 = arith.constant 0 : i32
    %dma_wait3A_35 = tpu.memref_slice %arg7[%add3A_13, %dma_wait3A_34] : memref<2x128xi32, #tpu.memory_space<vmem>> -> memref<1x128xi32, #tpu.memory_space<vmem>>
    %dma_wait3A_36 = tpu.memref_squeeze %dma_wait3A_35 : memref<1x128xi32, #tpu.memory_space<vmem>> -> memref<128xi32, #tpu.memory_space<vmem>>
    %dma_wait3A_37 = arith.constant 0 : i32
    %dma_wait3A_38 = arith.constant 0 : i32
    %dma_wait3A_39 = tpu.memref_slice %arg2[%dma_wait3A_37, %dma_wait3A_38] : memref<1024x128xf32, #tpu.memory_space<hbm>> -> memref<1024x128xf32, #tpu.memory_space<hbm>>
    tpu.wait_indirect_dma semaphore(%arg13 : memref<!tpu.dma_semaphore, #tpu.memory_space<semaphore_mem>>) src(%dma_wait3A_39 : memref<1024x128xf32, #tpu.memory_space<hbm>>) dst(%arg10 : memref<128x128xf32, #tpu.memory_space<vmem>>)
    %dma_wait3A_40 = arith.constant 0 : i32
    %dma_wait3A_41 = tpu.memref_slice %arg8[%mul3A_11, %dma_wait3A_40] : memref<2x128xi32, #tpu.memory_space<vmem>> -> memref<1x128xi32, #tpu.memory_space<vmem>>
    %dma_wait3A_42 = tpu.memref_squeeze %dma_wait3A_41 : memref<1x128xi32, #tpu.memory_space<vmem>> -> memref<128xi32, #tpu.memory_space<vmem>>
    %dma_wait3A_43 = arith.constant 0 : i32
    %dma_wait3A_44 = arith.constant 0 : i32
    %dma_wait3A_45 = tpu.memref_slice %arg11[%dma_wait3A_43, %dma_wait3A_44] : memref<1024x128xf32, #tpu.memory_space<vmem_shared>> -> memref<1024x128xf32, #tpu.memory_space<vmem_shared>>
    tpu.wait_indirect_dma semaphore(%arg14 : memref<!tpu.dma_semaphore, #tpu.memory_space<semaphore_mem>>) src(%arg9 : memref<128x128xf32, #tpu.memory_space<vmem>>) dst(%dma_wait3A_45 : memref<1024x128xf32, #tpu.memory_space<vmem_shared>>)
    %dma_start3A_46 = arith.constant 0 : i32
    %dma_start3A_47 = tpu.memref_slice %arg8[%add3A_13, %dma_start3A_46] : memref<2x128xi32, #tpu.memory_space<vmem>> -> memref<1x128xi32, #tpu.memory_space<vmem>>
    %dma_start3A_48 = tpu.memref_squeeze %dma_start3A_47 : memref<1x128xi32, #tpu.memory_space<vmem>> -> memref<128xi32, #tpu.memory_space<vmem>>
    %dma_start3A_49 = arith.constant 0 : i32
    %dma_start3A_50 = arith.constant 0 : i32
    %dma_start3A_51 = tpu.memref_slice %arg11[%dma_start3A_49, %dma_start3A_50] : memref<1024x128xf32, #tpu.memory_space<vmem_shared>> -> memref<1024x128xf32, #tpu.memory_space<vmem_shared>>
    tpu.enqueue_indirect_dma source(%arg10 : memref<128x128xf32, #tpu.memory_space<vmem>>) target(%dma_start3A_51 : memref<1024x128xf32, #tpu.memory_space<vmem_shared>>) offsets(%dma_start3A_48 : memref<128xi32, #tpu.memory_space<vmem>>) semaphore(%arg15 : memref<!tpu.dma_semaphore, #tpu.memory_space<semaphore_mem>>) {add = true}
    %dma_start3A_52 = arith.constant 0 : i32
    %dma_start3A_53 = tpu.memref_slice %arg7[%rem3A_16, %dma_start3A_52] : memref<2x128xi32, #tpu.memory_space<vmem>> -> memref<1x128xi32, #tpu.memory_space<vmem>>
    %dma_start3A_54 = tpu.memref_squeeze %dma_start3A_53 : memref<1x128xi32, #tpu.memory_space<vmem>> -> memref<128xi32, #tpu.memory_space<vmem>>
    %dma_start3A_55 = arith.constant 0 : i32
    %dma_start3A_56 = arith.constant 0 : i32
    %dma_start3A_57 = tpu.memref_slice %arg2[%dma_start3A_55, %dma_start3A_56] : memref<1024x128xf32, #tpu.memory_space<hbm>> -> memref<1024x128xf32, #tpu.memory_space<hbm>>
    tpu.enqueue_indirect_dma source(%dma_start3A_57 : memref<1024x128xf32, #tpu.memory_space<hbm>>) target(%arg9 : memref<128x128xf32, #tpu.memory_space<vmem>>) offsets(%dma_start3A_54 : memref<128xi32, #tpu.memory_space<vmem>>) semaphore(%arg12 : memref<!tpu.dma_semaphore, #tpu.memory_space<semaphore_mem>>)
    %dma_wait3A_58 = arith.constant 0 : i32
    %dma_wait3A_59 = tpu.memref_slice %arg8[%add3A_13, %dma_wait3A_58] : memref<2x128xi32, #tpu.memory_space<vmem>> -> memref<1x128xi32, #tpu.memory_space<vmem>>
    %dma_wait3A_60 = tpu.memref_squeeze %dma_wait3A_59 : memref<1x128xi32, #tpu.memory_space<vmem>> -> memref<128xi32, #tpu.memory_space<vmem>>
    %dma_wait3A_61 = arith.constant 0 : i32
    %dma_wait3A_62 = arith.constant 0 : i32
    %dma_wait3A_63 = tpu.memref_slice %arg11[%dma_wait3A_61, %dma_wait3A_62] : memref<1024x128xf32, #tpu.memory_space<vmem_shared>> -> memref<1024x128xf32, #tpu.memory_space<vmem_shared>>
    tpu.wait_indirect_dma semaphore(%arg15 : memref<!tpu.dma_semaphore, #tpu.memory_space<semaphore_mem>>) src(%arg10 : memref<128x128xf32, #tpu.memory_space<vmem>>) dst(%dma_wait3A_63 : memref<1024x128xf32, #tpu.memory_space<vmem_shared>>)
    %scan3A_64 = arith.constant 1 : i32
    %dma_wait3A_65 = arith.constant 0 : i32
    %dma_wait3A_66 = arith.constant 0 : i32
    %dma_wait3A_67 = tpu.memref_slice %arg7[%dma_wait3A_65, %dma_wait3A_66] : memref<2x128xi32, #tpu.memory_space<vmem>> -> memref<1x128xi32, #tpu.memory_space<vmem>>
    %dma_wait3A_68 = tpu.memref_squeeze %dma_wait3A_67 : memref<1x128xi32, #tpu.memory_space<vmem>> -> memref<128xi32, #tpu.memory_space<vmem>>
    %dma_wait3A_69 = arith.constant 0 : i32
    %dma_wait3A_70 = arith.constant 0 : i32
    %dma_wait3A_71 = tpu.memref_slice %arg2[%dma_wait3A_69, %dma_wait3A_70] : memref<1024x128xf32, #tpu.memory_space<hbm>> -> memref<1024x128xf32, #tpu.memory_space<hbm>>
    tpu.wait_indirect_dma semaphore(%arg12 : memref<!tpu.dma_semaphore, #tpu.memory_space<semaphore_mem>>) src(%dma_wait3A_71 : memref<1024x128xf32, #tpu.memory_space<hbm>>) dst(%arg9 : memref<128x128xf32, #tpu.memory_space<vmem>>)
    "tpu.region"() ({
      %run_scoped3A = tpu.sem_alloc : memref<!tpu.dma_semaphore, #tpu.memory_space<semaphore_mem>>
      %dma_start3A_146 = arith.constant 0 : i32
      %dma_start3A_147 = arith.constant 0 : i32
      %dma_start3A_148 = tpu.memref_slice %arg3[%add3A, %dma_start3A_146, %dma_start3A_147] : memref<32x4x128xi32, #tpu.memory_space<hbm>> -> memref<1x4x128xi32, #tpu.memory_space<hbm>>
      %dma_start3A_149 = tpu.memref_squeeze %dma_start3A_148 : memref<1x4x128xi32, #tpu.memory_space<hbm>> -> memref<4x128xi32, #tpu.memory_space<hbm>>
      %dma_start3A_150 = arith.constant 2 : i32
      %dma_start3A_151 = arith.constant 0 : i32
      %dma_start3A_152 = tpu.memref_slice %dma_start3A_149[%dma_start3A_150, %dma_start3A_151] : memref<4x128xi32, #tpu.memory_space<hbm>> -> memref<2x128xi32, #tpu.memory_space<hbm>>
      %dma_start3A_153 = arith.constant 0 : i32
      %dma_start3A_154 = arith.constant 0 : i32
      %dma_start3A_155 = tpu.memref_slice %arg3[%add3A, %dma_start3A_153, %dma_start3A_154] : memref<32x4x128xi32, #tpu.memory_space<hbm>> -> memref<1x4x128xi32, #tpu.memory_space<hbm>>
      %dma_start3A_156 = tpu.memref_squeeze %dma_start3A_155 : memref<1x4x128xi32, #tpu.memory_space<hbm>> -> memref<4x128xi32, #tpu.memory_space<hbm>>
      %dma_start3A_157 = arith.constant 2 : i32
      %dma_start3A_158 = arith.constant 0 : i32
      %dma_start3A_159 = tpu.memref_slice %dma_start3A_156[%dma_start3A_157, %dma_start3A_158] : memref<4x128xi32, #tpu.memory_space<hbm>> -> memref<2x128xi32, #tpu.memory_space<hbm>>
      tpu.enqueue_dma source(%dma_start3A_159 : memref<2x128xi32, #tpu.memory_space<hbm>>) target(%arg7 : memref<2x128xi32, #tpu.memory_space<vmem>>) target_semaphore(%run_scoped3A : memref<!tpu.dma_semaphore, #tpu.memory_space<semaphore_mem>>)
      %dma_wait3A_160 = arith.constant 0 : i32
      %dma_wait3A_161 = arith.constant 0 : i32
      %dma_wait3A_162 = tpu.memref_slice %arg3[%add3A, %dma_wait3A_160, %dma_wait3A_161] : memref<32x4x128xi32, #tpu.memory_space<hbm>> -> memref<1x4x128xi32, #tpu.memory_space<hbm>>
      %dma_wait3A_163 = tpu.memref_squeeze %dma_wait3A_162 : memref<1x4x128xi32, #tpu.memory_space<hbm>> -> memref<4x128xi32, #tpu.memory_space<hbm>>
      %dma_wait3A_164 = arith.constant 2 : i32
      %dma_wait3A_165 = arith.constant 0 : i32
      %dma_wait3A_166 = tpu.memref_slice %dma_wait3A_163[%dma_wait3A_164, %dma_wait3A_165] : memref<4x128xi32, #tpu.memory_space<hbm>> -> memref<2x128xi32, #tpu.memory_space<hbm>>
      %dma_wait3A_167 = arith.constant 0 : i32
      %dma_wait3A_168 = arith.constant 0 : i32
      %dma_wait3A_169 = tpu.memref_slice %arg3[%add3A, %dma_wait3A_167, %dma_wait3A_168] : memref<32x4x128xi32, #tpu.memory_space<hbm>> -> memref<1x4x128xi32, #tpu.memory_space<hbm>>
      %dma_wait3A_170 = tpu.memref_squeeze %dma_wait3A_169 : memref<1x4x128xi32, #tpu.memory_space<hbm>> -> memref<4x128xi32, #tpu.memory_space<hbm>>
      %dma_wait3A_171 = arith.constant 2 : i32
      %dma_wait3A_172 = arith.constant 0 : i32
      %dma_wait3A_173 = tpu.memref_slice %dma_wait3A_170[%dma_wait3A_171, %dma_wait3A_172] : memref<4x128xi32, #tpu.memory_space<hbm>> -> memref<2x128xi32, #tpu.memory_space<hbm>>
      tpu.wait_dma2 semaphore(%run_scoped3A : memref<!tpu.dma_semaphore, #tpu.memory_space<semaphore_mem>>) src(%dma_wait3A_173 : memref<2x128xi32, #tpu.memory_space<hbm>>) dst(%arg7 : memref<2x128xi32, #tpu.memory_space<vmem>>)
      tpu.yield
    }) : () -> ()
    "tpu.region"() ({
      %run_scoped3A = tpu.sem_alloc : memref<!tpu.dma_semaphore, #tpu.memory_space<semaphore_mem>>
      %dma_start3A_146 = arith.constant 0 : i32
      %dma_start3A_147 = arith.constant 0 : i32
      %dma_start3A_148 = tpu.memref_slice %arg4[%add3A, %dma_start3A_146, %dma_start3A_147] : memref<32x4x128xi32, #tpu.memory_space<hbm>> -> memref<1x4x128xi32, #tpu.memory_space<hbm>>
      %dma_start3A_149 = tpu.memref_squeeze %dma_start3A_148 : memref<1x4x128xi32, #tpu.memory_space<hbm>> -> memref<4x128xi32, #tpu.memory_space<hbm>>
      %dma_start3A_150 = arith.constant 2 : i32
      %dma_start3A_151 = arith.constant 0 : i32
      %dma_start3A_152 = tpu.memref_slice %dma_start3A_149[%dma_start3A_150, %dma_start3A_151] : memref<4x128xi32, #tpu.memory_space<hbm>> -> memref<2x128xi32, #tpu.memory_space<hbm>>
      %dma_start3A_153 = arith.constant 0 : i32
      %dma_start3A_154 = arith.constant 0 : i32
      %dma_start3A_155 = tpu.memref_slice %arg4[%add3A, %dma_start3A_153, %dma_start3A_154] : memref<32x4x128xi32, #tpu.memory_space<hbm>> -> memref<1x4x128xi32, #tpu.memory_space<hbm>>
      %dma_start3A_156 = tpu.memref_squeeze %dma_start3A_155 : memref<1x4x128xi32, #tpu.memory_space<hbm>> -> memref<4x128xi32, #tpu.memory_space<hbm>>
      %dma_start3A_157 = arith.constant 2 : i32
      %dma_start3A_158 = arith.constant 0 : i32
      %dma_start3A_159 = tpu.memref_slice %dma_start3A_156[%dma_start3A_157, %dma_start3A_158] : memref<4x128xi32, #tpu.memory_space<hbm>> -> memref<2x128xi32, #tpu.memory_space<hbm>>
      tpu.enqueue_dma source(%dma_start3A_159 : memref<2x128xi32, #tpu.memory_space<hbm>>) target(%arg8 : memref<2x128xi32, #tpu.memory_space<vmem>>) target_semaphore(%run_scoped3A : memref<!tpu.dma_semaphore, #tpu.memory_space<semaphore_mem>>)
      %dma_wait3A_160 = arith.constant 0 : i32
      %dma_wait3A_161 = arith.constant 0 : i32
      %dma_wait3A_162 = tpu.memref_slice %arg4[%add3A, %dma_wait3A_160, %dma_wait3A_161] : memref<32x4x128xi32, #tpu.memory_space<hbm>> -> memref<1x4x128xi32, #tpu.memory_space<hbm>>
      %dma_wait3A_163 = tpu.memref_squeeze %dma_wait3A_162 : memref<1x4x128xi32, #tpu.memory_space<hbm>> -> memref<4x128xi32, #tpu.memory_space<hbm>>
      %dma_wait3A_164 = arith.constant 2 : i32
      %dma_wait3A_165 = arith.constant 0 : i32
      %dma_wait3A_166 = tpu.memref_slice %dma_wait3A_163[%dma_wait3A_164, %dma_wait3A_165] : memref<4x128xi32, #tpu.memory_space<hbm>> -> memref<2x128xi32, #tpu.memory_space<hbm>>
      %dma_wait3A_167 = arith.constant 0 : i32
      %dma_wait3A_168 = arith.constant 0 : i32
      %dma_wait3A_169 = tpu.memref_slice %arg4[%add3A, %dma_wait3A_167, %dma_wait3A_168] : memref<32x4x128xi32, #tpu.memory_space<hbm>> -> memref<1x4x128xi32, #tpu.memory_space<hbm>>
      %dma_wait3A_170 = tpu.memref_squeeze %dma_wait3A_169 : memref<1x4x128xi32, #tpu.memory_space<hbm>> -> memref<4x128xi32, #tpu.memory_space<hbm>>
      %dma_wait3A_171 = arith.constant 2 : i32
      %dma_wait3A_172 = arith.constant 0 : i32
      %dma_wait3A_173 = tpu.memref_slice %dma_wait3A_170[%dma_wait3A_171, %dma_wait3A_172] : memref<4x128xi32, #tpu.memory_space<hbm>> -> memref<2x128xi32, #tpu.memory_space<hbm>>
      tpu.wait_dma2 semaphore(%run_scoped3A : memref<!tpu.dma_semaphore, #tpu.memory_space<semaphore_mem>>) src(%dma_wait3A_173 : memref<2x128xi32, #tpu.memory_space<hbm>>) dst(%arg8 : memref<2x128xi32, #tpu.memory_space<vmem>>)
      tpu.yield
    }) : () -> ()
    %dma_start3A_72 = arith.constant 0 : i32
    %dma_start3A_73 = arith.constant 0 : i32
    %dma_start3A_74 = tpu.memref_slice %arg7[%dma_start3A_72, %dma_start3A_73] : memref<2x128xi32, #tpu.memory_space<vmem>> -> memref<1x128xi32, #tpu.memory_space<vmem>>
    %dma_start3A_75 = tpu.memref_squeeze %dma_start3A_74 : memref<1x128xi32, #tpu.memory_space<vmem>> -> memref<128xi32, #tpu.memory_space<vmem>>
    %dma_start3A_76 = arith.constant 0 : i32
    %dma_start3A_77 = arith.constant 0 : i32
    %dma_start3A_78 = tpu.memref_slice %arg2[%dma_start3A_76, %dma_start3A_77] : memref<1024x128xf32, #tpu.memory_space<hbm>> -> memref<1024x128xf32, #tpu.memory_space<hbm>>
    tpu.enqueue_indirect_dma source(%dma_start3A_78 : memref<1024x128xf32, #tpu.memory_space<hbm>>) target(%arg9 : memref<128x128xf32, #tpu.memory_space<vmem>>) offsets(%dma_start3A_75 : memref<128xi32, #tpu.memory_space<vmem>>) semaphore(%arg12 : memref<!tpu.dma_semaphore, #tpu.memory_space<semaphore_mem>>)
    %scan3A_79 = arith.constant 0 : i32
    %scan3A_80 = arith.constant 0 : i32
    %mul3A_81 = arith.constant 2 : i32
    %mul3A_82 = arith.muli %mul3A_81, %scan3A_80 : i32
    %add3A_83 = arith.constant 1 : i32
    %add3A_84 = arith.addi %mul3A_82, %add3A_83 : i32
    %add3A_85 = arith.constant 2 : i32
    %add3A_86 = arith.addi %mul3A_82, %add3A_85 : i32
    %rem3A_87 = arith.constant 2 : i32
    %rem3A_88 = arith.remsi %add3A_86, %rem3A_87 : i32
    %dma_wait3A_89 = arith.constant 0 : i32
    %dma_wait3A_90 = tpu.memref_slice %arg7[%mul3A_82, %dma_wait3A_89] : memref<2x128xi32, #tpu.memory_space<vmem>> -> memref<1x128xi32, #tpu.memory_space<vmem>>
    %dma_wait3A_91 = tpu.memref_squeeze %dma_wait3A_90 : memref<1x128xi32, #tpu.memory_space<vmem>> -> memref<128xi32, #tpu.memory_space<vmem>>
    %dma_wait3A_92 = arith.constant 0 : i32
    %dma_wait3A_93 = arith.constant 0 : i32
    %dma_wait3A_94 = tpu.memref_slice %arg2[%dma_wait3A_92, %dma_wait3A_93] : memref<1024x128xf32, #tpu.memory_space<hbm>> -> memref<1024x128xf32, #tpu.memory_space<hbm>>
    tpu.wait_indirect_dma semaphore(%arg12 : memref<!tpu.dma_semaphore, #tpu.memory_space<semaphore_mem>>) src(%dma_wait3A_94 : memref<1024x128xf32, #tpu.memory_space<hbm>>) dst(%arg9 : memref<128x128xf32, #tpu.memory_space<vmem>>)
    %dma_start3A_95 = arith.constant 0 : i32
    %dma_start3A_96 = tpu.memref_slice %arg7[%add3A_84, %dma_start3A_95] : memref<2x128xi32, #tpu.memory_space<vmem>> -> memref<1x128xi32, #tpu.memory_space<vmem>>
    %dma_start3A_97 = tpu.memref_squeeze %dma_start3A_96 : memref<1x128xi32, #tpu.memory_space<vmem>> -> memref<128xi32, #tpu.memory_space<vmem>>
    %dma_start3A_98 = arith.constant 0 : i32
    %dma_start3A_99 = arith.constant 0 : i32
    %dma_start3A_100 = tpu.memref_slice %arg2[%dma_start3A_98, %dma_start3A_99] : memref<1024x128xf32, #tpu.memory_space<hbm>> -> memref<1024x128xf32, #tpu.memory_space<hbm>>
    tpu.enqueue_indirect_dma source(%dma_start3A_100 : memref<1024x128xf32, #tpu.memory_space<hbm>>) target(%arg10 : memref<128x128xf32, #tpu.memory_space<vmem>>) offsets(%dma_start3A_97 : memref<128xi32, #tpu.memory_space<vmem>>) semaphore(%arg13 : memref<!tpu.dma_semaphore, #tpu.memory_space<semaphore_mem>>)
    %dma_start3A_101 = arith.constant 0 : i32
    %dma_start3A_102 = tpu.memref_slice %arg8[%mul3A_82, %dma_start3A_101] : memref<2x128xi32, #tpu.memory_space<vmem>> -> memref<1x128xi32, #tpu.memory_space<vmem>>
    %dma_start3A_103 = tpu.memref_squeeze %dma_start3A_102 : memref<1x128xi32, #tpu.memory_space<vmem>> -> memref<128xi32, #tpu.memory_space<vmem>>
    %dma_start3A_104 = arith.constant 0 : i32
    %dma_start3A_105 = arith.constant 0 : i32
    %dma_start3A_106 = tpu.memref_slice %arg11[%dma_start3A_104, %dma_start3A_105] : memref<1024x128xf32, #tpu.memory_space<vmem_shared>> -> memref<1024x128xf32, #tpu.memory_space<vmem_shared>>
    tpu.enqueue_indirect_dma source(%arg9 : memref<128x128xf32, #tpu.memory_space<vmem>>) target(%dma_start3A_106 : memref<1024x128xf32, #tpu.memory_space<vmem_shared>>) offsets(%dma_start3A_103 : memref<128xi32, #tpu.memory_space<vmem>>) semaphore(%arg14 : memref<!tpu.dma_semaphore, #tpu.memory_space<semaphore_mem>>) {add = true}
    %dma_wait3A_107 = arith.constant 0 : i32
    %dma_wait3A_108 = tpu.memref_slice %arg7[%add3A_84, %dma_wait3A_107] : memref<2x128xi32, #tpu.memory_space<vmem>> -> memref<1x128xi32, #tpu.memory_space<vmem>>
    %dma_wait3A_109 = tpu.memref_squeeze %dma_wait3A_108 : memref<1x128xi32, #tpu.memory_space<vmem>> -> memref<128xi32, #tpu.memory_space<vmem>>
    %dma_wait3A_110 = arith.constant 0 : i32
    %dma_wait3A_111 = arith.constant 0 : i32
    %dma_wait3A_112 = tpu.memref_slice %arg2[%dma_wait3A_110, %dma_wait3A_111] : memref<1024x128xf32, #tpu.memory_space<hbm>> -> memref<1024x128xf32, #tpu.memory_space<hbm>>
    tpu.wait_indirect_dma semaphore(%arg13 : memref<!tpu.dma_semaphore, #tpu.memory_space<semaphore_mem>>) src(%dma_wait3A_112 : memref<1024x128xf32, #tpu.memory_space<hbm>>) dst(%arg10 : memref<128x128xf32, #tpu.memory_space<vmem>>)
    %dma_wait3A_113 = arith.constant 0 : i32
    %dma_wait3A_114 = tpu.memref_slice %arg8[%mul3A_82, %dma_wait3A_113] : memref<2x128xi32, #tpu.memory_space<vmem>> -> memref<1x128xi32, #tpu.memory_space<vmem>>
    %dma_wait3A_115 = tpu.memref_squeeze %dma_wait3A_114 : memref<1x128xi32, #tpu.memory_space<vmem>> -> memref<128xi32, #tpu.memory_space<vmem>>
    %dma_wait3A_116 = arith.constant 0 : i32
    %dma_wait3A_117 = arith.constant 0 : i32
    %dma_wait3A_118 = tpu.memref_slice %arg11[%dma_wait3A_116, %dma_wait3A_117] : memref<1024x128xf32, #tpu.memory_space<vmem_shared>> -> memref<1024x128xf32, #tpu.memory_space<vmem_shared>>
    tpu.wait_indirect_dma semaphore(%arg14 : memref<!tpu.dma_semaphore, #tpu.memory_space<semaphore_mem>>) src(%arg9 : memref<128x128xf32, #tpu.memory_space<vmem>>) dst(%dma_wait3A_118 : memref<1024x128xf32, #tpu.memory_space<vmem_shared>>)
    %dma_start3A_119 = arith.constant 0 : i32
    %dma_start3A_120 = tpu.memref_slice %arg8[%add3A_84, %dma_start3A_119] : memref<2x128xi32, #tpu.memory_space<vmem>> -> memref<1x128xi32, #tpu.memory_space<vmem>>
    %dma_start3A_121 = tpu.memref_squeeze %dma_start3A_120 : memref<1x128xi32, #tpu.memory_space<vmem>> -> memref<128xi32, #tpu.memory_space<vmem>>
    %dma_start3A_122 = arith.constant 0 : i32
    %dma_start3A_123 = arith.constant 0 : i32
    %dma_start3A_124 = tpu.memref_slice %arg11[%dma_start3A_122, %dma_start3A_123] : memref<1024x128xf32, #tpu.memory_space<vmem_shared>> -> memref<1024x128xf32, #tpu.memory_space<vmem_shared>>
    tpu.enqueue_indirect_dma source(%arg10 : memref<128x128xf32, #tpu.memory_space<vmem>>) target(%dma_start3A_124 : memref<1024x128xf32, #tpu.memory_space<vmem_shared>>) offsets(%dma_start3A_121 : memref<128xi32, #tpu.memory_space<vmem>>) semaphore(%arg15 : memref<!tpu.dma_semaphore, #tpu.memory_space<semaphore_mem>>) {add = true}
    %dma_start3A_125 = arith.constant 0 : i32
    %dma_start3A_126 = tpu.memref_slice %arg7[%rem3A_88, %dma_start3A_125] : memref<2x128xi32, #tpu.memory_space<vmem>> -> memref<1x128xi32, #tpu.memory_space<vmem>>
    %dma_start3A_127 = tpu.memref_squeeze %dma_start3A_126 : memref<1x128xi32, #tpu.memory_space<vmem>> -> memref<128xi32, #tpu.memory_space<vmem>>
    %dma_start3A_128 = arith.constant 0 : i32
    %dma_start3A_129 = arith.constant 0 : i32
    %dma_start3A_130 = tpu.memref_slice %arg2[%dma_start3A_128, %dma_start3A_129] : memref<1024x128xf32, #tpu.memory_space<hbm>> -> memref<1024x128xf32, #tpu.memory_space<hbm>>
    tpu.enqueue_indirect_dma source(%dma_start3A_130 : memref<1024x128xf32, #tpu.memory_space<hbm>>) target(%arg9 : memref<128x128xf32, #tpu.memory_space<vmem>>) offsets(%dma_start3A_127 : memref<128xi32, #tpu.memory_space<vmem>>) semaphore(%arg12 : memref<!tpu.dma_semaphore, #tpu.memory_space<semaphore_mem>>)
    %dma_wait3A_131 = arith.constant 0 : i32
    %dma_wait3A_132 = tpu.memref_slice %arg8[%add3A_84, %dma_wait3A_131] : memref<2x128xi32, #tpu.memory_space<vmem>> -> memref<1x128xi32, #tpu.memory_space<vmem>>
    %dma_wait3A_133 = tpu.memref_squeeze %dma_wait3A_132 : memref<1x128xi32, #tpu.memory_space<vmem>> -> memref<128xi32, #tpu.memory_space<vmem>>
    %dma_wait3A_134 = arith.constant 0 : i32
    %dma_wait3A_135 = arith.constant 0 : i32
    %dma_wait3A_136 = tpu.memref_slice %arg11[%dma_wait3A_134, %dma_wait3A_135] : memref<1024x128xf32, #tpu.memory_space<vmem_shared>> -> memref<1024x128xf32, #tpu.memory_space<vmem_shared>>
    tpu.wait_indirect_dma semaphore(%arg15 : memref<!tpu.dma_semaphore, #tpu.memory_space<semaphore_mem>>) src(%arg10 : memref<128x128xf32, #tpu.memory_space<vmem>>) dst(%dma_wait3A_136 : memref<1024x128xf32, #tpu.memory_space<vmem_shared>>)
    %scan3A_137 = arith.constant 1 : i32
    %dma_wait3A_138 = arith.constant 0 : i32
    %dma_wait3A_139 = arith.constant 0 : i32
    %dma_wait3A_140 = tpu.memref_slice %arg7[%dma_wait3A_138, %dma_wait3A_139] : memref<2x128xi32, #tpu.memory_space<vmem>> -> memref<1x128xi32, #tpu.memory_space<vmem>>
    %dma_wait3A_141 = tpu.memref_squeeze %dma_wait3A_140 : memref<1x128xi32, #tpu.memory_space<vmem>> -> memref<128xi32, #tpu.memory_space<vmem>>
    %dma_wait3A_142 = arith.constant 0 : i32
    %dma_wait3A_143 = arith.constant 0 : i32
    %dma_wait3A_144 = tpu.memref_slice %arg2[%dma_wait3A_142, %dma_wait3A_143] : memref<1024x128xf32, #tpu.memory_space<hbm>> -> memref<1024x128xf32, #tpu.memory_space<hbm>>
    tpu.wait_indirect_dma semaphore(%arg12 : memref<!tpu.dma_semaphore, #tpu.memory_space<semaphore_mem>>) src(%dma_wait3A_144 : memref<1024x128xf32, #tpu.memory_space<hbm>>) dst(%arg9 : memref<128x128xf32, #tpu.memory_space<vmem>>)
    %barrier3A_145 = arith.constant 0 : index
    tpu.barrier barrier_id(%barrier3A_145)
    "tpu.region"() ({
      %run_scoped3A = tpu.sem_alloc : memref<!tpu.dma_semaphore, #tpu.memory_space<semaphore_mem>>
      %dma_start3A_146 = arith.constant 0 : i32
      %dma_start3A_147 = arith.constant 0 : i32
      %dma_start3A_148 = tpu.memref_slice %arg6[%arg0, %dma_start3A_146, %dma_start3A_147] : memref<2x1024x128xf32, #tpu.memory_space<hbm>> -> memref<1x1024x128xf32, #tpu.memory_space<hbm>>
      %dma_start3A_149 = tpu.memref_squeeze %dma_start3A_148 : memref<1x1024x128xf32, #tpu.memory_space<hbm>> -> memref<1024x128xf32, #tpu.memory_space<hbm>>
      %dma_start3A_150 = arith.constant 0 : i32
      %dma_start3A_151 = tpu.memref_slice %dma_start3A_149[%mul3A_2, %dma_start3A_150] : memref<1024x128xf32, #tpu.memory_space<hbm>> -> memref<64x128xf32, #tpu.memory_space<hbm>>
      %dma_start3A_152 = arith.constant 0 : i32
      %dma_start3A_153 = tpu.memref_slice %arg11[%mul3A_2, %dma_start3A_152] : memref<1024x128xf32, #tpu.memory_space<vmem_shared>> -> memref<64x128xf32, #tpu.memory_space<vmem_shared>>
      tpu.enqueue_dma source(%dma_start3A_153 : memref<64x128xf32, #tpu.memory_space<vmem_shared>>) target(%dma_start3A_151 : memref<64x128xf32, #tpu.memory_space<hbm>>) target_semaphore(%run_scoped3A : memref<!tpu.dma_semaphore, #tpu.memory_space<semaphore_mem>>)
      %dma_wait3A_154 = arith.constant 0 : i32
      %dma_wait3A_155 = arith.constant 0 : i32
      %dma_wait3A_156 = tpu.memref_slice %arg6[%arg0, %dma_wait3A_154, %dma_wait3A_155] : memref<2x1024x128xf32, #tpu.memory_space<hbm>> -> memref<1x1024x128xf32, #tpu.memory_space<hbm>>
      %dma_wait3A_157 = tpu.memref_squeeze %dma_wait3A_156 : memref<1x1024x128xf32, #tpu.memory_space<hbm>> -> memref<1024x128xf32, #tpu.memory_space<hbm>>
      %dma_wait3A_158 = arith.constant 0 : i32
      %dma_wait3A_159 = tpu.memref_slice %dma_wait3A_157[%mul3A_2, %dma_wait3A_158] : memref<1024x128xf32, #tpu.memory_space<hbm>> -> memref<64x128xf32, #tpu.memory_space<hbm>>
      %dma_wait3A_160 = arith.constant 0 : i32
      %dma_wait3A_161 = tpu.memref_slice %arg11[%mul3A_2, %dma_wait3A_160] : memref<1024x128xf32, #tpu.memory_space<vmem_shared>> -> memref<64x128xf32, #tpu.memory_space<vmem_shared>>
      tpu.wait_dma2 semaphore(%run_scoped3A : memref<!tpu.dma_semaphore, #tpu.memory_space<semaphore_mem>>) src(%dma_wait3A_161 : memref<64x128xf32, #tpu.memory_space<vmem_shared>>) dst(%dma_wait3A_159 : memref<64x128xf32, #tpu.memory_space<hbm>>)
      tpu.yield
    }) : () -> ()
    return
  }
}

#map = affine_map<(d0, d1) -> (0, 0)>
#map1 = affine_map<(d0, d1) -> (0, 0, 0)>
module attributes {stable_mosaic.version = 14 : i64} {
  func.func @body(%arg0: i32, %arg1: i32, %arg2: memref<1024x128xf32, #tpu.memory_space<hbm>>, %arg3: memref<32x4x128xi32, #tpu.memory_space<hbm>>, %arg4: memref<32x4x128xi32, #tpu.memory_space<hbm>>, %arg5: memref<64x128xf32, #tpu.memory_space<hbm>>, %arg6: memref<2x1024x128xf32, #tpu.memory_space<hbm>>, %arg7: memref<2x128xi32, #tpu.memory_space<vmem>>, %arg8: memref<2x128xi32, #tpu.memory_space<vmem>>, %arg9: memref<128x128xf32, #tpu.memory_space<vmem>>, %arg10: memref<128x128xf32, #tpu.memory_space<vmem>>, %arg11: memref<1024x128xf32, #tpu.memory_space<vmem_shared>>, %arg12: memref<!tpu.dma_semaphore, #tpu.memory_space<semaphore_mem>>, %arg13: memref<!tpu.dma_semaphore, #tpu.memory_space<semaphore_mem>>, %arg14: memref<!tpu.dma_semaphore, #tpu.memory_space<semaphore_mem>>, %arg15: memref<!tpu.dma_semaphore, #tpu.memory_space<semaphore_mem>>) attributes {dimension_semantics = [#tpu.dimension_semantics<core_parallel>, #tpu.dimension_semantics<subcore_parallel>], iteration_bounds = array<i64: 2, 16>, scalar_prefetch = 0 : i64, scratch_operands = 9 : i64, tpu.core_type = #tpu.core_type<sc_vector_subcore>, window_params = [{transform_indices = #map}, {transform_indices = #map1}, {transform_indices = #map1}, {transform_indices = #map}, {transform_indices = #map1}]} {
    %mul3A = arith.constant 2 : i32
    %mul3A_0 = arith.muli %arg1, %mul3A : i32
    %add3A = arith.addi %mul3A_0, %arg0 : i32
    %mul3A_1 = arith.constant 64 : i32
    %mul3A_2 = arith.muli %arg1, %mul3A_1 : i32
    "tpu.region"() ({
      %run_scoped3A = tpu.sem_alloc : memref<!tpu.dma_semaphore, #tpu.memory_space<semaphore_mem>>
      %dma_start3A_146 = arith.constant 0 : i32
      %dma_start3A_147 = arith.constant 0 : i32
      %dma_start3A_148 = tpu.memref_slice %arg3[%add3A, %dma_start3A_146, %dma_start3A_147] : memref<32x4x128xi32, #tpu.memory_space<hbm>> -> memref<1x4x128xi32, #tpu.memory_space<hbm>>
      %dma_start3A_149 = tpu.memref_squeeze %dma_start3A_148 : memref<1x4x128xi32, #tpu.memory_space<hbm>> -> memref<4x128xi32, #tpu.memory_space<hbm>>
      %dma_start3A_150 = arith.constant 0 : i32
      %dma_start3A_151 = arith.constant 0 : i32
      %dma_start3A_152 = tpu.memref_slice %dma_start3A_149[%dma_start3A_150, %dma_start3A_151] : memref<4x128xi32, #tpu.memory_space<hbm>> -> memref<2x128xi32, #tpu.memory_space<hbm>>
      %dma_start3A_153 = arith.constant 0 : i32
      %dma_start3A_154 = arith.constant 0 : i32
      %dma_start3A_155 = tpu.memref_slice %arg3[%add3A, %dma_start3A_153, %dma_start3A_154] : memref<32x4x128xi32, #tpu.memory_space<hbm>> -> memref<1x4x128xi32, #tpu.memory_space<hbm>>
      %dma_start3A_156 = tpu.memref_squeeze %dma_start3A_155 : memref<1x4x128xi32, #tpu.memory_space<hbm>> -> memref<4x128xi32, #tpu.memory_space<hbm>>
      %dma_start3A_157 = arith.constant 0 : i32
      %dma_start3A_158 = arith.constant 0 : i32
      %dma_start3A_159 = tpu.memref_slice %dma_start3A_156[%dma_start3A_157, %dma_start3A_158] : memref<4x128xi32, #tpu.memory_space<hbm>> -> memref<2x128xi32, #tpu.memory_space<hbm>>
      tpu.enqueue_dma source(%dma_start3A_159 : memref<2x128xi32, #tpu.memory_space<hbm>>) target(%arg7 : memref<2x128xi32, #tpu.memory_space<vmem>>) target_semaphore(%run_scoped3A : memref<!tpu.dma_semaphore, #tpu.memory_space<semaphore_mem>>)
      %dma_wait3A_160 = arith.constant 0 : i32
      %dma_wait3A_161 = arith.constant 0 : i32
      %dma_wait3A_162 = tpu.memref_slice %arg3[%add3A, %dma_wait3A_160, %dma_wait3A_161] : memref<32x4x128xi32, #tpu.memory_space<hbm>> -> memref<1x4x128xi32, #tpu.memory_space<hbm>>
      %dma_wait3A_163 = tpu.memref_squeeze %dma_wait3A_162 : memref<1x4x128xi32, #tpu.memory_space<hbm>> -> memref<4x128xi32, #tpu.memory_space<hbm>>
      %dma_wait3A_164 = arith.constant 0 : i32
      %dma_wait3A_165 = arith.constant 0 : i32
      %dma_wait3A_166 = tpu.memref_slice %dma_wait3A_163[%dma_wait3A_164, %dma_wait3A_165] : memref<4x128xi32, #tpu.memory_space<hbm>> -> memref<2x128xi32, #tpu.memory_space<hbm>>
      %dma_wait3A_167 = arith.constant 0 : i32
      %dma_wait3A_168 = arith.constant 0 : i32
      %dma_wait3A_169 = tpu.memref_slice %arg3[%add3A, %dma_wait3A_167, %dma_wait3A_168] : memref<32x4x128xi32, #tpu.memory_space<hbm>> -> memref<1x4x128xi32, #tpu.memory_space<hbm>>
      %dma_wait3A_170 = tpu.memref_squeeze %dma_wait3A_169 : memref<1x4x128xi32, #tpu.memory_space<hbm>> -> memref<4x128xi32, #tpu.memory_space<hbm>>
      %dma_wait3A_171 = arith.constant 0 : i32
      %dma_wait3A_172 = arith.constant 0 : i32
      %dma_wait3A_173 = tpu.memref_slice %dma_wait3A_170[%dma_wait3A_171, %dma_wait3A_172] : memref<4x128xi32, #tpu.memory_space<hbm>> -> memref<2x128xi32, #tpu.memory_space<hbm>>
      tpu.wait_dma2 semaphore(%run_scoped3A : memref<!tpu.dma_semaphore, #tpu.memory_space<semaphore_mem>>) src(%dma_wait3A_173 : memref<2x128xi32, #tpu.memory_space<hbm>>) dst(%arg7 : memref<2x128xi32, #tpu.memory_space<vmem>>)
      tpu.yield
    }) : () -> ()
    "tpu.region"() ({
      %run_scoped3A = tpu.sem_alloc : memref<!tpu.dma_semaphore, #tpu.memory_space<semaphore_mem>>
      %dma_start3A_146 = arith.constant 0 : i32
      %dma_start3A_147 = arith.constant 0 : i32
      %dma_start3A_148 = tpu.memref_slice %arg4[%add3A, %dma_start3A_146, %dma_start3A_147] : memref<32x4x128xi32, #tpu.memory_space<hbm>> -> memref<1x4x128xi32, #tpu.memory_space<hbm>>
      %dma_start3A_149 = tpu.memref_squeeze %dma_start3A_148 : memref<1x4x128xi32, #tpu.memory_space<hbm>> -> memref<4x128xi32, #tpu.memory_space<hbm>>
      %dma_start3A_150 = arith.constant 0 : i32
      %dma_start3A_151 = arith.constant 0 : i32
      %dma_start3A_152 = tpu.memref_slice %dma_start3A_149[%dma_start3A_150, %dma_start3A_151] : memref<4x128xi32, #tpu.memory_space<hbm>> -> memref<2x128xi32, #tpu.memory_space<hbm>>
      %dma_start3A_153 = arith.constant 0 : i32
      %dma_start3A_154 = arith.constant 0 : i32
      %dma_start3A_155 = tpu.memref_slice %arg4[%add3A, %dma_start3A_153, %dma_start3A_154] : memref<32x4x128xi32, #tpu.memory_space<hbm>> -> memref<1x4x128xi32, #tpu.memory_space<hbm>>
      %dma_start3A_156 = tpu.memref_squeeze %dma_start3A_155 : memref<1x4x128xi32, #tpu.memory_space<hbm>> -> memref<4x128xi32, #tpu.memory_space<hbm>>
      %dma_start3A_157 = arith.constant 0 : i32
      %dma_start3A_158 = arith.constant 0 : i32
      %dma_start3A_159 = tpu.memref_slice %dma_start3A_156[%dma_start3A_157, %dma_start3A_158] : memref<4x128xi32, #tpu.memory_space<hbm>> -> memref<2x128xi32, #tpu.memory_space<hbm>>
      tpu.enqueue_dma source(%dma_start3A_159 : memref<2x128xi32, #tpu.memory_space<hbm>>) target(%arg8 : memref<2x128xi32, #tpu.memory_space<vmem>>) target_semaphore(%run_scoped3A : memref<!tpu.dma_semaphore, #tpu.memory_space<semaphore_mem>>)
      %dma_wait3A_160 = arith.constant 0 : i32
      %dma_wait3A_161 = arith.constant 0 : i32
      %dma_wait3A_162 = tpu.memref_slice %arg4[%add3A, %dma_wait3A_160, %dma_wait3A_161] : memref<32x4x128xi32, #tpu.memory_space<hbm>> -> memref<1x4x128xi32, #tpu.memory_space<hbm>>
      %dma_wait3A_163 = tpu.memref_squeeze %dma_wait3A_162 : memref<1x4x128xi32, #tpu.memory_space<hbm>> -> memref<4x128xi32, #tpu.memory_space<hbm>>
      %dma_wait3A_164 = arith.constant 0 : i32
      %dma_wait3A_165 = arith.constant 0 : i32
      %dma_wait3A_166 = tpu.memref_slice %dma_wait3A_163[%dma_wait3A_164, %dma_wait3A_165] : memref<4x128xi32, #tpu.memory_space<hbm>> -> memref<2x128xi32, #tpu.memory_space<hbm>>
      %dma_wait3A_167 = arith.constant 0 : i32
      %dma_wait3A_168 = arith.constant 0 : i32
      %dma_wait3A_169 = tpu.memref_slice %arg4[%add3A, %dma_wait3A_167, %dma_wait3A_168] : memref<32x4x128xi32, #tpu.memory_space<hbm>> -> memref<1x4x128xi32, #tpu.memory_space<hbm>>
      %dma_wait3A_170 = tpu.memref_squeeze %dma_wait3A_169 : memref<1x4x128xi32, #tpu.memory_space<hbm>> -> memref<4x128xi32, #tpu.memory_space<hbm>>
      %dma_wait3A_171 = arith.constant 0 : i32
      %dma_wait3A_172 = arith.constant 0 : i32
      %dma_wait3A_173 = tpu.memref_slice %dma_wait3A_170[%dma_wait3A_171, %dma_wait3A_172] : memref<4x128xi32, #tpu.memory_space<hbm>> -> memref<2x128xi32, #tpu.memory_space<hbm>>
      tpu.wait_dma2 semaphore(%run_scoped3A : memref<!tpu.dma_semaphore, #tpu.memory_space<semaphore_mem>>) src(%dma_wait3A_173 : memref<2x128xi32, #tpu.memory_space<hbm>>) dst(%arg8 : memref<2x128xi32, #tpu.memory_space<vmem>>)
      tpu.yield
    }) : () -> ()
    "tpu.region"() ({
      %run_scoped3A = tpu.sem_alloc : memref<!tpu.dma_semaphore, #tpu.memory_space<semaphore_mem>>
      %dma_start3A_146 = arith.constant 0 : i32
      %dma_start3A_147 = tpu.memref_slice %arg11[%mul3A_2, %dma_start3A_146] : memref<1024x128xf32, #tpu.memory_space<vmem_shared>> -> memref<64x128xf32, #tpu.memory_space<vmem_shared>>
      tpu.enqueue_dma source(%arg5 : memref<64x128xf32, #tpu.memory_space<hbm>>) target(%dma_start3A_147 : memref<64x128xf32, #tpu.memory_space<vmem_shared>>) target_semaphore(%run_scoped3A : memref<!tpu.dma_semaphore, #tpu.memory_space<semaphore_mem>>)
      %dma_wait3A_148 = arith.constant 0 : i32
      %dma_wait3A_149 = tpu.memref_slice %arg11[%mul3A_2, %dma_wait3A_148] : memref<1024x128xf32, #tpu.memory_space<vmem_shared>> -> memref<64x128xf32, #tpu.memory_space<vmem_shared>>
      tpu.wait_dma2 semaphore(%run_scoped3A : memref<!tpu.dma_semaphore, #tpu.memory_space<semaphore_mem>>) src(%arg5 : memref<64x128xf32, #tpu.memory_space<hbm>>) dst(%dma_wait3A_149 : memref<64x128xf32, #tpu.memory_space<vmem_shared>>)
      tpu.yield
    }) : () -> ()
    %dma_start3A = arith.constant 0 : i32
    %dma_start3A_3 = arith.constant 0 : i32
    %dma_start3A_4 = tpu.memref_slice %arg7[%dma_start3A, %dma_start3A_3] : memref<2x128xi32, #tpu.memory_space<vmem>> -> memref<1x128xi32, #tpu.memory_space<vmem>>
    %dma_start3A_5 = tpu.memref_squeeze %dma_start3A_4 : memref<1x128xi32, #tpu.memory_space<vmem>> -> memref<128xi32, #tpu.memory_space<vmem>>
    %dma_start3A_6 = arith.constant 0 : i32
    %dma_start3A_7 = arith.constant 0 : i32
    %dma_start3A_8 = tpu.memref_slice %arg2[%dma_start3A_6, %dma_start3A_7] : memref<1024x128xf32, #tpu.memory_space<hbm>> -> memref<1024x128xf32, #tpu.memory_space<hbm>>
    tpu.enqueue_indirect_dma source(%dma_start3A_8 : memref<1024x128xf32, #tpu.memory_space<hbm>>) target(%arg9 : memref<128x128xf32, #tpu.memory_space<vmem>>) offsets(%dma_start3A_5 : memref<128xi32, #tpu.memory_space<vmem>>) semaphore(%arg12 : memref<!tpu.dma_semaphore, #tpu.memory_space<semaphore_mem>>)
    %barrier3A = arith.constant 0 : index
    tpu.barrier barrier_id(%barrier3A)
    %scan3A = arith.constant 0 : i32
    %scan3A_9 = arith.constant 0 : i32
    %mul3A_10 = arith.constant 2 : i32
    %mul3A_11 = arith.muli %mul3A_10, %scan3A_9 : i32
    %add3A_12 = arith.constant 1 : i32
    %add3A_13 = arith.addi %mul3A_11, %add3A_12 : i32
    %add3A_14 = arith.constant 2 : i32
    %add3A_15 = arith.addi %mul3A_11, %add3A_14 : i32
    %rem3A = arith.constant 2 : i32
    %rem3A_16 = arith.remsi %add3A_15, %rem3A : i32
    %dma_wait3A = arith.constant 0 : i32
    %dma_wait3A_17 = tpu.memref_slice %arg7[%mul3A_11, %dma_wait3A] : memref<2x128xi32, #tpu.memory_space<vmem>> -> memref<1x128xi32, #tpu.memory_space<vmem>>
    %dma_wait3A_18 = tpu.memref_squeeze %dma_wait3A_17 : memref<1x128xi32, #tpu.memory_space<vmem>> -> memref<128xi32, #tpu.memory_space<vmem>>
    %dma_wait3A_19 = arith.constant 0 : i32
    %dma_wait3A_20 = arith.constant 0 : i32
    %dma_wait3A_21 = tpu.memref_slice %arg2[%dma_wait3A_19, %dma_wait3A_20] : memref<1024x128xf32, #tpu.memory_space<hbm>> -> memref<1024x128xf32, #tpu.memory_space<hbm>>
    tpu.wait_indirect_dma semaphore(%arg12 : memref<!tpu.dma_semaphore, #tpu.memory_space<semaphore_mem>>) src(%dma_wait3A_21 : memref<1024x128xf32, #tpu.memory_space<hbm>>) dst(%arg9 : memref<128x128xf32, #tpu.memory_space<vmem>>)
    %dma_start3A_22 = arith.constant 0 : i32
    %dma_start3A_23 = tpu.memref_slice %arg7[%add3A_13, %dma_start3A_22] : memref<2x128xi32, #tpu.memory_space<vmem>> -> memref<1x128xi32, #tpu.memory_space<vmem>>
    %dma_start3A_24 = tpu.memref_squeeze %dma_start3A_23 : memref<1x128xi32, #tpu.memory_space<vmem>> -> memref<128xi32, #tpu.memory_space<vmem>>
    %dma_start3A_25 = arith.constant 0 : i32
    %dma_start3A_26 = arith.constant 0 : i32
    %dma_start3A_27 = tpu.memref_slice %arg2[%dma_start3A_25, %dma_start3A_26] : memref<1024x128xf32, #tpu.memory_space<hbm>> -> memref<1024x128xf32, #tpu.memory_space<hbm>>
    tpu.enqueue_indirect_dma source(%dma_start3A_27 : memref<1024x128xf32, #tpu.memory_space<hbm>>) target(%arg10 : memref<128x128xf32, #tpu.memory_space<vmem>>) offsets(%dma_start3A_24 : memref<128xi32, #tpu.memory_space<vmem>>) semaphore(%arg13 : memref<!tpu.dma_semaphore, #tpu.memory_space<semaphore_mem>>)
    %dma_start3A_28 = arith.constant 0 : i32
    %dma_start3A_29 = tpu.memref_slice %arg8[%mul3A_11, %dma_start3A_28] : memref<2x128xi32, #tpu.memory_space<vmem>> -> memref<1x128xi32, #tpu.memory_space<vmem>>
    %dma_start3A_30 = tpu.memref_squeeze %dma_start3A_29 : memref<1x128xi32, #tpu.memory_space<vmem>> -> memref<128xi32, #tpu.memory_space<vmem>>
    %dma_start3A_31 = arith.constant 0 : i32
    %dma_start3A_32 = arith.constant 0 : i32
    %dma_start3A_33 = tpu.memref_slice %arg11[%dma_start3A_31, %dma_start3A_32] : memref<1024x128xf32, #tpu.memory_space<vmem_shared>> -> memref<1024x128xf32, #tpu.memory_space<vmem_shared>>
    tpu.enqueue_indirect_dma source(%arg9 : memref<128x128xf32, #tpu.memory_space<vmem>>) target(%dma_start3A_33 : memref<1024x128xf32, #tpu.memory_space<vmem_shared>>) offsets(%dma_start3A_30 : memref<128xi32, #tpu.memory_space<vmem>>) semaphore(%arg14 : memref<!tpu.dma_semaphore, #tpu.memory_space<semaphore_mem>>) {add = true}
    %dma_wait3A_34 = arith.constant 0 : i32
    %dma_wait3A_35 = tpu.memref_slice %arg7[%add3A_13, %dma_wait3A_34] : memref<2x128xi32, #tpu.memory_space<vmem>> -> memref<1x128xi32, #tpu.memory_space<vmem>>
    %dma_wait3A_36 = tpu.memref_squeeze %dma_wait3A_35 : memref<1x128xi32, #tpu.memory_space<vmem>> -> memref<128xi32, #tpu.memory_space<vmem>>
    %dma_wait3A_37 = arith.constant 0 : i32
    %dma_wait3A_38 = arith.constant 0 : i32
    %dma_wait3A_39 = tpu.memref_slice %arg2[%dma_wait3A_37, %dma_wait3A_38] : memref<1024x128xf32, #tpu.memory_space<hbm>> -> memref<1024x128xf32, #tpu.memory_space<hbm>>
    tpu.wait_indirect_dma semaphore(%arg13 : memref<!tpu.dma_semaphore, #tpu.memory_space<semaphore_mem>>) src(%dma_wait3A_39 : memref<1024x128xf32, #tpu.memory_space<hbm>>) dst(%arg10 : memref<128x128xf32, #tpu.memory_space<vmem>>)
    %dma_wait3A_40 = arith.constant 0 : i32
    %dma_wait3A_41 = tpu.memref_slice %arg8[%mul3A_11, %dma_wait3A_40] : memref<2x128xi32, #tpu.memory_space<vmem>> -> memref<1x128xi32, #tpu.memory_space<vmem>>
    %dma_wait3A_42 = tpu.memref_squeeze %dma_wait3A_41 : memref<1x128xi32, #tpu.memory_space<vmem>> -> memref<128xi32, #tpu.memory_space<vmem>>
    %dma_wait3A_43 = arith.constant 0 : i32
    %dma_wait3A_44 = arith.constant 0 : i32
    %dma_wait3A_45 = tpu.memref_slice %arg11[%dma_wait3A_43, %dma_wait3A_44] : memref<1024x128xf32, #tpu.memory_space<vmem_shared>> -> memref<1024x128xf32, #tpu.memory_space<vmem_shared>>
    tpu.wait_indirect_dma semaphore(%arg14 : memref<!tpu.dma_semaphore, #tpu.memory_space<semaphore_mem>>) src(%arg9 : memref<128x128xf32, #tpu.memory_space<vmem>>) dst(%dma_wait3A_45 : memref<1024x128xf32, #tpu.memory_space<vmem_shared>>)
    %dma_start3A_46 = arith.constant 0 : i32
    %dma_start3A_47 = tpu.memref_slice %arg8[%add3A_13, %dma_start3A_46] : memref<2x128xi32, #tpu.memory_space<vmem>> -> memref<1x128xi32, #tpu.memory_space<vmem>>
    %dma_start3A_48 = tpu.memref_squeeze %dma_start3A_47 : memref<1x128xi32, #tpu.memory_space<vmem>> -> memref<128xi32, #tpu.memory_space<vmem>>
    %dma_start3A_49 = arith.constant 0 : i32
    %dma_start3A_50 = arith.constant 0 : i32
    %dma_start3A_51 = tpu.memref_slice %arg11[%dma_start3A_49, %dma_start3A_50] : memref<1024x128xf32, #tpu.memory_space<vmem_shared>> -> memref<1024x128xf32, #tpu.memory_space<vmem_shared>>
    tpu.enqueue_indirect_dma source(%arg10 : memref<128x128xf32, #tpu.memory_space<vmem>>) target(%dma_start3A_51 : memref<1024x128xf32, #tpu.memory_space<vmem_shared>>) offsets(%dma_start3A_48 : memref<128xi32, #tpu.memory_space<vmem>>) semaphore(%arg15 : memref<!tpu.dma_semaphore, #tpu.memory_space<semaphore_mem>>) {add = true}
    %dma_start3A_52 = arith.constant 0 : i32
    %dma_start3A_53 = tpu.memref_slice %arg7[%rem3A_16, %dma_start3A_52] : memref<2x128xi32, #tpu.memory_space<vmem>> -> memref<1x128xi32, #tpu.memory_space<vmem>>
    %dma_start3A_54 = tpu.memref_squeeze %dma_start3A_53 : memref<1x128xi32, #tpu.memory_space<vmem>> -> memref<128xi32, #tpu.memory_space<vmem>>
    %dma_start3A_55 = arith.constant 0 : i32
    %dma_start3A_56 = arith.constant 0 : i32
    %dma_start3A_57 = tpu.memref_slice %arg2[%dma_start3A_55, %dma_start3A_56] : memref<1024x128xf32, #tpu.memory_space<hbm>> -> memref<1024x128xf32, #tpu.memory_space<hbm>>
    tpu.enqueue_indirect_dma source(%dma_start3A_57 : memref<1024x128xf32, #tpu.memory_space<hbm>>) target(%arg9 : memref<128x128xf32, #tpu.memory_space<vmem>>) offsets(%dma_start3A_54 : memref<128xi32, #tpu.memory_space<vmem>>) semaphore(%arg12 : memref<!tpu.dma_semaphore, #tpu.memory_space<semaphore_mem>>)
    %dma_wait3A_58 = arith.constant 0 : i32
    %dma_wait3A_59 = tpu.memref_slice %arg8[%add3A_13, %dma_wait3A_58] : memref<2x128xi32, #tpu.memory_space<vmem>> -> memref<1x128xi32, #tpu.memory_space<vmem>>
    %dma_wait3A_60 = tpu.memref_squeeze %dma_wait3A_59 : memref<1x128xi32, #tpu.memory_space<vmem>> -> memref<128xi32, #tpu.memory_space<vmem>>
    %dma_wait3A_61 = arith.constant 0 : i32
    %dma_wait3A_62 = arith.constant 0 : i32
    %dma_wait3A_63 = tpu.memref_slice %arg11[%dma_wait3A_61, %dma_wait3A_62] : memref<1024x128xf32, #tpu.memory_space<vmem_shared>> -> memref<1024x128xf32, #tpu.memory_space<vmem_shared>>
    tpu.wait_indirect_dma semaphore(%arg15 : memref<!tpu.dma_semaphore, #tpu.memory_space<semaphore_mem>>) src(%arg10 : memref<128x128xf32, #tpu.memory_space<vmem>>) dst(%dma_wait3A_63 : memref<1024x128xf32, #tpu.memory_space<vmem_shared>>)
    %scan3A_64 = arith.constant 1 : i32
    %dma_wait3A_65 = arith.constant 0 : i32
    %dma_wait3A_66 = arith.constant 0 : i32
    %dma_wait3A_67 = tpu.memref_slice %arg7[%dma_wait3A_65, %dma_wait3A_66] : memref<2x128xi32, #tpu.memory_space<vmem>> -> memref<1x128xi32, #tpu.memory_space<vmem>>
    %dma_wait3A_68 = tpu.memref_squeeze %dma_wait3A_67 : memref<1x128xi32, #tpu.memory_space<vmem>> -> memref<128xi32, #tpu.memory_space<vmem>>
    %dma_wait3A_69 = arith.constant 0 : i32
    %dma_wait3A_70 = arith.constant 0 : i32
    %dma_wait3A_71 = tpu.memref_slice %arg2[%dma_wait3A_69, %dma_wait3A_70] : memref<1024x128xf32, #tpu.memory_space<hbm>> -> memref<1024x128xf32, #tpu.memory_space<hbm>>
    tpu.wait_indirect_dma semaphore(%arg12 : memref<!tpu.dma_semaphore, #tpu.memory_space<semaphore_mem>>) src(%dma_wait3A_71 : memref<1024x128xf32, #tpu.memory_space<hbm>>) dst(%arg9 : memref<128x128xf32, #tpu.memory_space<vmem>>)
    "tpu.region"() ({
      %run_scoped3A = tpu.sem_alloc : memref<!tpu.dma_semaphore, #tpu.memory_space<semaphore_mem>>
      %dma_start3A_146 = arith.constant 0 : i32
      %dma_start3A_147 = arith.constant 0 : i32
      %dma_start3A_148 = tpu.memref_slice %arg3[%add3A, %dma_start3A_146, %dma_start3A_147] : memref<32x4x128xi32, #tpu.memory_space<hbm>> -> memref<1x4x128xi32, #tpu.memory_space<hbm>>
      %dma_start3A_149 = tpu.memref_squeeze %dma_start3A_148 : memref<1x4x128xi32, #tpu.memory_space<hbm>> -> memref<4x128xi32, #tpu.memory_space<hbm>>
      %dma_start3A_150 = arith.constant 2 : i32
      %dma_start3A_151 = arith.constant 0 : i32
      %dma_start3A_152 = tpu.memref_slice %dma_start3A_149[%dma_start3A_150, %dma_start3A_151] : memref<4x128xi32, #tpu.memory_space<hbm>> -> memref<2x128xi32, #tpu.memory_space<hbm>>
      %dma_start3A_153 = arith.constant 0 : i32
      %dma_start3A_154 = arith.constant 0 : i32
      %dma_start3A_155 = tpu.memref_slice %arg3[%add3A, %dma_start3A_153, %dma_start3A_154] : memref<32x4x128xi32, #tpu.memory_space<hbm>> -> memref<1x4x128xi32, #tpu.memory_space<hbm>>
      %dma_start3A_156 = tpu.memref_squeeze %dma_start3A_155 : memref<1x4x128xi32, #tpu.memory_space<hbm>> -> memref<4x128xi32, #tpu.memory_space<hbm>>
      %dma_start3A_157 = arith.constant 2 : i32
      %dma_start3A_158 = arith.constant 0 : i32
      %dma_start3A_159 = tpu.memref_slice %dma_start3A_156[%dma_start3A_157, %dma_start3A_158] : memref<4x128xi32, #tpu.memory_space<hbm>> -> memref<2x128xi32, #tpu.memory_space<hbm>>
      tpu.enqueue_dma source(%dma_start3A_159 : memref<2x128xi32, #tpu.memory_space<hbm>>) target(%arg7 : memref<2x128xi32, #tpu.memory_space<vmem>>) target_semaphore(%run_scoped3A : memref<!tpu.dma_semaphore, #tpu.memory_space<semaphore_mem>>)
      %dma_wait3A_160 = arith.constant 0 : i32
      %dma_wait3A_161 = arith.constant 0 : i32
      %dma_wait3A_162 = tpu.memref_slice %arg3[%add3A, %dma_wait3A_160, %dma_wait3A_161] : memref<32x4x128xi32, #tpu.memory_space<hbm>> -> memref<1x4x128xi32, #tpu.memory_space<hbm>>
      %dma_wait3A_163 = tpu.memref_squeeze %dma_wait3A_162 : memref<1x4x128xi32, #tpu.memory_space<hbm>> -> memref<4x128xi32, #tpu.memory_space<hbm>>
      %dma_wait3A_164 = arith.constant 2 : i32
      %dma_wait3A_165 = arith.constant 0 : i32
      %dma_wait3A_166 = tpu.memref_slice %dma_wait3A_163[%dma_wait3A_164, %dma_wait3A_165] : memref<4x128xi32, #tpu.memory_space<hbm>> -> memref<2x128xi32, #tpu.memory_space<hbm>>
      %dma_wait3A_167 = arith.constant 0 : i32
      %dma_wait3A_168 = arith.constant 0 : i32
      %dma_wait3A_169 = tpu.memref_slice %arg3[%add3A, %dma_wait3A_167, %dma_wait3A_168] : memref<32x4x128xi32, #tpu.memory_space<hbm>> -> memref<1x4x128xi32, #tpu.memory_space<hbm>>
      %dma_wait3A_170 = tpu.memref_squeeze %dma_wait3A_169 : memref<1x4x128xi32, #tpu.memory_space<hbm>> -> memref<4x128xi32, #tpu.memory_space<hbm>>
      %dma_wait3A_171 = arith.constant 2 : i32
      %dma_wait3A_172 = arith.constant 0 : i32
      %dma_wait3A_173 = tpu.memref_slice %dma_wait3A_170[%dma_wait3A_171, %dma_wait3A_172] : memref<4x128xi32, #tpu.memory_space<hbm>> -> memref<2x128xi32, #tpu.memory_space<hbm>>
      tpu.wait_dma2 semaphore(%run_scoped3A : memref<!tpu.dma_semaphore, #tpu.memory_space<semaphore_mem>>) src(%dma_wait3A_173 : memref<2x128xi32, #tpu.memory_space<hbm>>) dst(%arg7 : memref<2x128xi32, #tpu.memory_space<vmem>>)
      tpu.yield
    }) : () -> ()
    "tpu.region"() ({
      %run_scoped3A = tpu.sem_alloc : memref<!tpu.dma_semaphore, #tpu.memory_space<semaphore_mem>>
      %dma_start3A_146 = arith.constant 0 : i32
      %dma_start3A_147 = arith.constant 0 : i32
      %dma_start3A_148 = tpu.memref_slice %arg4[%add3A, %dma_start3A_146, %dma_start3A_147] : memref<32x4x128xi32, #tpu.memory_space<hbm>> -> memref<1x4x128xi32, #tpu.memory_space<hbm>>
      %dma_start3A_149 = tpu.memref_squeeze %dma_start3A_148 : memref<1x4x128xi32, #tpu.memory_space<hbm>> -> memref<4x128xi32, #tpu.memory_space<hbm>>
      %dma_start3A_150 = arith.constant 2 : i32
      %dma_start3A_151 = arith.constant 0 : i32
      %dma_start3A_152 = tpu.memref_slice %dma_start3A_149[%dma_start3A_150, %dma_start3A_151] : memref<4x128xi32, #tpu.memory_space<hbm>> -> memref<2x128xi32, #tpu.memory_space<hbm>>
      %dma_start3A_153 = arith.constant 0 : i32
      %dma_start3A_154 = arith.constant 0 : i32
      %dma_start3A_155 = tpu.memref_slice %arg4[%add3A, %dma_start3A_153, %dma_start3A_154] : memref<32x4x128xi32, #tpu.memory_space<hbm>> -> memref<1x4x128xi32, #tpu.memory_space<hbm>>
      %dma_start3A_156 = tpu.memref_squeeze %dma_start3A_155 : memref<1x4x128xi32, #tpu.memory_space<hbm>> -> memref<4x128xi32, #tpu.memory_space<hbm>>
      %dma_start3A_157 = arith.constant 2 : i32
      %dma_start3A_158 = arith.constant 0 : i32
      %dma_start3A_159 = tpu.memref_slice %dma_start3A_156[%dma_start3A_157, %dma_start3A_158] : memref<4x128xi32, #tpu.memory_space<hbm>> -> memref<2x128xi32, #tpu.memory_space<hbm>>
      tpu.enqueue_dma source(%dma_start3A_159 : memref<2x128xi32, #tpu.memory_space<hbm>>) target(%arg8 : memref<2x128xi32, #tpu.memory_space<vmem>>) target_semaphore(%run_scoped3A : memref<!tpu.dma_semaphore, #tpu.memory_space<semaphore_mem>>)
      %dma_wait3A_160 = arith.constant 0 : i32
      %dma_wait3A_161 = arith.constant 0 : i32
      %dma_wait3A_162 = tpu.memref_slice %arg4[%add3A, %dma_wait3A_160, %dma_wait3A_161] : memref<32x4x128xi32, #tpu.memory_space<hbm>> -> memref<1x4x128xi32, #tpu.memory_space<hbm>>
      %dma_wait3A_163 = tpu.memref_squeeze %dma_wait3A_162 : memref<1x4x128xi32, #tpu.memory_space<hbm>> -> memref<4x128xi32, #tpu.memory_space<hbm>>
      %dma_wait3A_164 = arith.constant 2 : i32
      %dma_wait3A_165 = arith.constant 0 : i32
      %dma_wait3A_166 = tpu.memref_slice %dma_wait3A_163[%dma_wait3A_164, %dma_wait3A_165] : memref<4x128xi32, #tpu.memory_space<hbm>> -> memref<2x128xi32, #tpu.memory_space<hbm>>
      %dma_wait3A_167 = arith.constant 0 : i32
      %dma_wait3A_168 = arith.constant 0 : i32
      %dma_wait3A_169 = tpu.memref_slice %arg4[%add3A, %dma_wait3A_167, %dma_wait3A_168] : memref<32x4x128xi32, #tpu.memory_space<hbm>> -> memref<1x4x128xi32, #tpu.memory_space<hbm>>
      %dma_wait3A_170 = tpu.memref_squeeze %dma_wait3A_169 : memref<1x4x128xi32, #tpu.memory_space<hbm>> -> memref<4x128xi32, #tpu.memory_space<hbm>>
      %dma_wait3A_171 = arith.constant 2 : i32
      %dma_wait3A_172 = arith.constant 0 : i32
      %dma_wait3A_173 = tpu.memref_slice %dma_wait3A_170[%dma_wait3A_171, %dma_wait3A_172] : memref<4x128xi32, #tpu.memory_space<hbm>> -> memref<2x128xi32, #tpu.memory_space<hbm>>
      tpu.wait_dma2 semaphore(%run_scoped3A : memref<!tpu.dma_semaphore, #tpu.memory_space<semaphore_mem>>) src(%dma_wait3A_173 : memref<2x128xi32, #tpu.memory_space<hbm>>) dst(%arg8 : memref<2x128xi32, #tpu.memory_space<vmem>>)
      tpu.yield
    }) : () -> ()
    %dma_start3A_72 = arith.constant 0 : i32
    %dma_start3A_73 = arith.constant 0 : i32
    %dma_start3A_74 = tpu.memref_slice %arg7[%dma_start3A_72, %dma_start3A_73] : memref<2x128xi32, #tpu.memory_space<vmem>> -> memref<1x128xi32, #tpu.memory_space<vmem>>
    %dma_start3A_75 = tpu.memref_squeeze %dma_start3A_74 : memref<1x128xi32, #tpu.memory_space<vmem>> -> memref<128xi32, #tpu.memory_space<vmem>>
    %dma_start3A_76 = arith.constant 0 : i32
    %dma_start3A_77 = arith.constant 0 : i32
    %dma_start3A_78 = tpu.memref_slice %arg2[%dma_start3A_76, %dma_start3A_77] : memref<1024x128xf32, #tpu.memory_space<hbm>> -> memref<1024x128xf32, #tpu.memory_space<hbm>>
    tpu.enqueue_indirect_dma source(%dma_start3A_78 : memref<1024x128xf32, #tpu.memory_space<hbm>>) target(%arg9 : memref<128x128xf32, #tpu.memory_space<vmem>>) offsets(%dma_start3A_75 : memref<128xi32, #tpu.memory_space<vmem>>) semaphore(%arg12 : memref<!tpu.dma_semaphore, #tpu.memory_space<semaphore_mem>>)
    %scan3A_79 = arith.constant 0 : i32
    %scan3A_80 = arith.constant 0 : i32
    %mul3A_81 = arith.constant 2 : i32
    %mul3A_82 = arith.muli %mul3A_81, %scan3A_80 : i32
    %add3A_83 = arith.constant 1 : i32
    %add3A_84 = arith.addi %mul3A_82, %add3A_83 : i32
    %add3A_85 = arith.constant 2 : i32
    %add3A_86 = arith.addi %mul3A_82, %add3A_85 : i32
    %rem3A_87 = arith.constant 2 : i32
    %rem3A_88 = arith.remsi %add3A_86, %rem3A_87 : i32
    %dma_wait3A_89 = arith.constant 0 : i32
    %dma_wait3A_90 = tpu.memref_slice %arg7[%mul3A_82, %dma_wait3A_89] : memref<2x128xi32, #tpu.memory_space<vmem>> -> memref<1x128xi32, #tpu.memory_space<vmem>>
    %dma_wait3A_91 = tpu.memref_squeeze %dma_wait3A_90 : memref<1x128xi32, #tpu.memory_space<vmem>> -> memref<128xi32, #tpu.memory_space<vmem>>
    %dma_wait3A_92 = arith.constant 0 : i32
    %dma_wait3A_93 = arith.constant 0 : i32
    %dma_wait3A_94 = tpu.memref_slice %arg2[%dma_wait3A_92, %dma_wait3A_93] : memref<1024x128xf32, #tpu.memory_space<hbm>> -> memref<1024x128xf32, #tpu.memory_space<hbm>>
    tpu.wait_indirect_dma semaphore(%arg12 : memref<!tpu.dma_semaphore, #tpu.memory_space<semaphore_mem>>) src(%dma_wait3A_94 : memref<1024x128xf32, #tpu.memory_space<hbm>>) dst(%arg9 : memref<128x128xf32, #tpu.memory_space<vmem>>)
    %dma_start3A_95 = arith.constant 0 : i32
    %dma_start3A_96 = tpu.memref_slice %arg7[%add3A_84, %dma_start3A_95] : memref<2x128xi32, #tpu.memory_space<vmem>> -> memref<1x128xi32, #tpu.memory_space<vmem>>
    %dma_start3A_97 = tpu.memref_squeeze %dma_start3A_96 : memref<1x128xi32, #tpu.memory_space<vmem>> -> memref<128xi32, #tpu.memory_space<vmem>>
    %dma_start3A_98 = arith.constant 0 : i32
    %dma_start3A_99 = arith.constant 0 : i32
    %dma_start3A_100 = tpu.memref_slice %arg2[%dma_start3A_98, %dma_start3A_99] : memref<1024x128xf32, #tpu.memory_space<hbm>> -> memref<1024x128xf32, #tpu.memory_space<hbm>>
    tpu.enqueue_indirect_dma source(%dma_start3A_100 : memref<1024x128xf32, #tpu.memory_space<hbm>>) target(%arg10 : memref<128x128xf32, #tpu.memory_space<vmem>>) offsets(%dma_start3A_97 : memref<128xi32, #tpu.memory_space<vmem>>) semaphore(%arg13 : memref<!tpu.dma_semaphore, #tpu.memory_space<semaphore_mem>>)
    %dma_start3A_101 = arith.constant 0 : i32
    %dma_start3A_102 = tpu.memref_slice %arg8[%mul3A_82, %dma_start3A_101] : memref<2x128xi32, #tpu.memory_space<vmem>> -> memref<1x128xi32, #tpu.memory_space<vmem>>
    %dma_start3A_103 = tpu.memref_squeeze %dma_start3A_102 : memref<1x128xi32, #tpu.memory_space<vmem>> -> memref<128xi32, #tpu.memory_space<vmem>>
    %dma_start3A_104 = arith.constant 0 : i32
    %dma_start3A_105 = arith.constant 0 : i32
    %dma_start3A_106 = tpu.memref_slice %arg11[%dma_start3A_104, %dma_start3A_105] : memref<1024x128xf32, #tpu.memory_space<vmem_shared>> -> memref<1024x128xf32, #tpu.memory_space<vmem_shared>>
    tpu.enqueue_indirect_dma source(%arg9 : memref<128x128xf32, #tpu.memory_space<vmem>>) target(%dma_start3A_106 : memref<1024x128xf32, #tpu.memory_space<vmem_shared>>) offsets(%dma_start3A_103 : memref<128xi32, #tpu.memory_space<vmem>>) semaphore(%arg14 : memref<!tpu.dma_semaphore, #tpu.memory_space<semaphore_mem>>) {add = true}
    %dma_wait3A_107 = arith.constant 0 : i32
    %dma_wait3A_108 = tpu.memref_slice %arg7[%add3A_84, %dma_wait3A_107] : memref<2x128xi32, #tpu.memory_space<vmem>> -> memref<1x128xi32, #tpu.memory_space<vmem>>
    %dma_wait3A_109 = tpu.memref_squeeze %dma_wait3A_108 : memref<1x128xi32, #tpu.memory_space<vmem>> -> memref<128xi32, #tpu.memory_space<vmem>>
    %dma_wait3A_110 = arith.constant 0 : i32
    %dma_wait3A_111 = arith.constant 0 : i32
    %dma_wait3A_112 = tpu.memref_slice %arg2[%dma_wait3A_110, %dma_wait3A_111] : memref<1024x128xf32, #tpu.memory_space<hbm>> -> memref<1024x128xf32, #tpu.memory_space<hbm>>
    tpu.wait_indirect_dma semaphore(%arg13 : memref<!tpu.dma_semaphore, #tpu.memory_space<semaphore_mem>>) src(%dma_wait3A_112 : memref<1024x128xf32, #tpu.memory_space<hbm>>) dst(%arg10 : memref<128x128xf32, #tpu.memory_space<vmem>>)
    %dma_wait3A_113 = arith.constant 0 : i32
    %dma_wait3A_114 = tpu.memref_slice %arg8[%mul3A_82, %dma_wait3A_113] : memref<2x128xi32, #tpu.memory_space<vmem>> -> memref<1x128xi32, #tpu.memory_space<vmem>>
    %dma_wait3A_115 = tpu.memref_squeeze %dma_wait3A_114 : memref<1x128xi32, #tpu.memory_space<vmem>> -> memref<128xi32, #tpu.memory_space<vmem>>
    %dma_wait3A_116 = arith.constant 0 : i32
    %dma_wait3A_117 = arith.constant 0 : i32
    %dma_wait3A_118 = tpu.memref_slice %arg11[%dma_wait3A_116, %dma_wait3A_117] : memref<1024x128xf32, #tpu.memory_space<vmem_shared>> -> memref<1024x128xf32, #tpu.memory_space<vmem_shared>>
    tpu.wait_indirect_dma semaphore(%arg14 : memref<!tpu.dma_semaphore, #tpu.memory_space<semaphore_mem>>) src(%arg9 : memref<128x128xf32, #tpu.memory_space<vmem>>) dst(%dma_wait3A_118 : memref<1024x128xf32, #tpu.memory_space<vmem_shared>>)
    %dma_start3A_119 = arith.constant 0 : i32
    %dma_start3A_120 = tpu.memref_slice %arg8[%add3A_84, %dma_start3A_119] : memref<2x128xi32, #tpu.memory_space<vmem>> -> memref<1x128xi32, #tpu.memory_space<vmem>>
    %dma_start3A_121 = tpu.memref_squeeze %dma_start3A_120 : memref<1x128xi32, #tpu.memory_space<vmem>> -> memref<128xi32, #tpu.memory_space<vmem>>
    %dma_start3A_122 = arith.constant 0 : i32
    %dma_start3A_123 = arith.constant 0 : i32
    %dma_start3A_124 = tpu.memref_slice %arg11[%dma_start3A_122, %dma_start3A_123] : memref<1024x128xf32, #tpu.memory_space<vmem_shared>> -> memref<1024x128xf32, #tpu.memory_space<vmem_shared>>
    tpu.enqueue_indirect_dma source(%arg10 : memref<128x128xf32, #tpu.memory_space<vmem>>) target(%dma_start3A_124 : memref<1024x128xf32, #tpu.memory_space<vmem_shared>>) offsets(%dma_start3A_121 : memref<128xi32, #tpu.memory_space<vmem>>) semaphore(%arg15 : memref<!tpu.dma_semaphore, #tpu.memory_space<semaphore_mem>>) {add = true}
    %dma_start3A_125 = arith.constant 0 : i32
    %dma_start3A_126 = tpu.memref_slice %arg7[%rem3A_88, %dma_start3A_125] : memref<2x128xi32, #tpu.memory_space<vmem>> -> memref<1x128xi32, #tpu.memory_space<vmem>>
    %dma_start3A_127 = tpu.memref_squeeze %dma_start3A_126 : memref<1x128xi32, #tpu.memory_space<vmem>> -> memref<128xi32, #tpu.memory_space<vmem>>
    %dma_start3A_128 = arith.constant 0 : i32
    %dma_start3A_129 = arith.constant 0 : i32
    %dma_start3A_130 = tpu.memref_slice %arg2[%dma_start3A_128, %dma_start3A_129] : memref<1024x128xf32, #tpu.memory_space<hbm>> -> memref<1024x128xf32, #tpu.memory_space<hbm>>
    tpu.enqueue_indirect_dma source(%dma_start3A_130 : memref<1024x128xf32, #tpu.memory_space<hbm>>) target(%arg9 : memref<128x128xf32, #tpu.memory_space<vmem>>) offsets(%dma_start3A_127 : memref<128xi32, #tpu.memory_space<vmem>>) semaphore(%arg12 : memref<!tpu.dma_semaphore, #tpu.memory_space<semaphore_mem>>)
    %dma_wait3A_131 = arith.constant 0 : i32
    %dma_wait3A_132 = tpu.memref_slice %arg8[%add3A_84, %dma_wait3A_131] : memref<2x128xi32, #tpu.memory_space<vmem>> -> memref<1x128xi32, #tpu.memory_space<vmem>>
    %dma_wait3A_133 = tpu.memref_squeeze %dma_wait3A_132 : memref<1x128xi32, #tpu.memory_space<vmem>> -> memref<128xi32, #tpu.memory_space<vmem>>
    %dma_wait3A_134 = arith.constant 0 : i32
    %dma_wait3A_135 = arith.constant 0 : i32
    %dma_wait3A_136 = tpu.memref_slice %arg11[%dma_wait3A_134, %dma_wait3A_135] : memref<1024x128xf32, #tpu.memory_space<vmem_shared>> -> memref<1024x128xf32, #tpu.memory_space<vmem_shared>>
    tpu.wait_indirect_dma semaphore(%arg15 : memref<!tpu.dma_semaphore, #tpu.memory_space<semaphore_mem>>) src(%arg10 : memref<128x128xf32, #tpu.memory_space<vmem>>) dst(%dma_wait3A_136 : memref<1024x128xf32, #tpu.memory_space<vmem_shared>>)
    %scan3A_137 = arith.constant 1 : i32
    %dma_wait3A_138 = arith.constant 0 : i32
    %dma_wait3A_139 = arith.constant 0 : i32
    %dma_wait3A_140 = tpu.memref_slice %arg7[%dma_wait3A_138, %dma_wait3A_139] : memref<2x128xi32, #tpu.memory_space<vmem>> -> memref<1x128xi32, #tpu.memory_space<vmem>>
    %dma_wait3A_141 = tpu.memref_squeeze %dma_wait3A_140 : memref<1x128xi32, #tpu.memory_space<vmem>> -> memref<128xi32, #tpu.memory_space<vmem>>
    %dma_wait3A_142 = arith.constant 0 : i32
    %dma_wait3A_143 = arith.constant 0 : i32
    %dma_wait3A_144 = tpu.memref_slice %arg2[%dma_wait3A_142, %dma_wait3A_143] : memref<1024x128xf32, #tpu.memory_space<hbm>> -> memref<1024x128xf32, #tpu.memory_space<hbm>>
    tpu.wait_indirect_dma semaphore(%arg12 : memref<!tpu.dma_semaphore, #tpu.memory_space<semaphore_mem>>) src(%dma_wait3A_144 : memref<1024x128xf32, #tpu.memory_space<hbm>>) dst(%arg9 : memref<128x128xf32, #tpu.memory_space<vmem>>)
    %barrier3A_145 = arith.constant 0 : index
    tpu.barrier barrier_id(%barrier3A_145)
    "tpu.region"() ({
      %run_scoped3A = tpu.sem_alloc : memref<!tpu.dma_semaphore, #tpu.memory_space<semaphore_mem>>
      %dma_start3A_146 = arith.constant 0 : i32
      %dma_start3A_147 = arith.constant 0 : i32
      %dma_start3A_148 = tpu.memref_slice %arg6[%arg0, %dma_start3A_146, %dma_start3A_147] : memref<2x1024x128xf32, #tpu.memory_space<hbm>> -> memref<1x1024x128xf32, #tpu.memory_space<hbm>>
      %dma_start3A_149 = tpu.memref_squeeze %dma_start3A_148 : memref<1x1024x128xf32, #tpu.memory_space<hbm>> -> memref<1024x128xf32, #tpu.memory_space<hbm>>
      %dma_start3A_150 = arith.constant 0 : i32
      %dma_start3A_151 = tpu.memref_slice %dma_start3A_149[%mul3A_2, %dma_start3A_150] : memref<1024x128xf32, #tpu.memory_space<hbm>> -> memref<64x128xf32, #tpu.memory_space<hbm>>
      %dma_start3A_152 = arith.constant 0 : i32
      %dma_start3A_153 = tpu.memref_slice %arg11[%mul3A_2, %dma_start3A_152] : memref<1024x128xf32, #tpu.memory_space<vmem_shared>> -> memref<64x128xf32, #tpu.memory_space<vmem_shared>>
      tpu.enqueue_dma source(%dma_start3A_153 : memref<64x128xf32, #tpu.memory_space<vmem_shared>>) target(%dma_start3A_151 : memref<64x128xf32, #tpu.memory_space<hbm>>) target_semaphore(%run_scoped3A : memref<!tpu.dma_semaphore, #tpu.memory_space<semaphore_mem>>)
      %dma_wait3A_154 = arith.constant 0 : i32
      %dma_wait3A_155 = arith.constant 0 : i32
      %dma_wait3A_156 = tpu.memref_slice %arg6[%arg0, %dma_wait3A_154, %dma_wait3A_155] : memref<2x1024x128xf32, #tpu.memory_space<hbm>> -> memref<1x1024x128xf32, #tpu.memory_space<hbm>>
      %dma_wait3A_157 = tpu.memref_squeeze %dma_wait3A_156 : memref<1x1024x128xf32, #tpu.memory_space<hbm>> -> memref<1024x128xf32, #tpu.memory_space<hbm>>
      %dma_wait3A_158 = arith.constant 0 : i32
      %dma_wait3A_159 = tpu.memref_slice %dma_wait3A_157[%mul3A_2, %dma_wait3A_158] : memref<1024x128xf32, #tpu.memory_space<hbm>> -> memref<64x128xf32, #tpu.memory_space<hbm>>
      %dma_wait3A_160 = arith.constant 0 : i32
      %dma_wait3A_161 = tpu.memref_slice %arg11[%mul3A_2, %dma_wait3A_160] : memref<1024x128xf32, #tpu.memory_space<vmem_shared>> -> memref<64x128xf32, #tpu.memory_space<vmem_shared>>
      tpu.wait_dma2 semaphore(%run_scoped3A : memref<!tpu.dma_semaphore, #tpu.memory_space<semaphore_mem>>) src(%dma_wait3A_161 : memref<64x128xf32, #tpu.memory_space<vmem_shared>>) dst(%dma_wait3A_159 : memref<64x128xf32, #tpu.memory_space<hbm>>)
      tpu.yield
    }) : () -> ()
    return
  }
}

#map = affine_map<(d0, d1) -> (0, 0)>
#map1 = affine_map<(d0, d1) -> (0, 0, 0)>
module attributes {stable_mosaic.version = 14 : i64} {
  func.func @body(%arg0: i32, %arg1: i32, %arg2: memref<1024x128xf32, #tpu.memory_space<hbm>>, %arg3: memref<32x4x128xi32, #tpu.memory_space<hbm>>, %arg4: memref<32x4x128xi32, #tpu.memory_space<hbm>>, %arg5: memref<64x128xf32, #tpu.memory_space<hbm>>, %arg6: memref<2x1024x128xf32, #tpu.memory_space<hbm>>, %arg7: memref<2x128xi32, #tpu.memory_space<vmem>>, %arg8: memref<2x128xi32, #tpu.memory_space<vmem>>, %arg9: memref<128x128xf32, #tpu.memory_space<vmem>>, %arg10: memref<128x128xf32, #tpu.memory_space<vmem>>, %arg11: memref<1024x128xf32, #tpu.memory_space<vmem_shared>>, %arg12: memref<!tpu.dma_semaphore, #tpu.memory_space<semaphore_mem>>, %arg13: memref<!tpu.dma_semaphore, #tpu.memory_space<semaphore_mem>>, %arg14: memref<!tpu.dma_semaphore, #tpu.memory_space<semaphore_mem>>, %arg15: memref<!tpu.dma_semaphore, #tpu.memory_space<semaphore_mem>>) attributes {dimension_semantics = [#tpu.dimension_semantics<core_parallel>, #tpu.dimension_semantics<subcore_parallel>], iteration_bounds = array<i64: 2, 16>, scalar_prefetch = 0 : i64, scratch_operands = 9 : i64, tpu.core_type = #tpu.core_type<sc_vector_subcore>, window_params = [{transform_indices = #map}, {transform_indices = #map1}, {transform_indices = #map1}, {transform_indices = #map}, {transform_indices = #map1}]} {
    %mul3A = arith.constant 2 : i32
    %mul3A_0 = arith.muli %arg1, %mul3A : i32
    %add3A = arith.addi %mul3A_0, %arg0 : i32
    %mul3A_1 = arith.constant 64 : i32
    %mul3A_2 = arith.muli %arg1, %mul3A_1 : i32
    "tpu.region"() ({
      %run_scoped3A = tpu.sem_alloc : memref<!tpu.dma_semaphore, #tpu.memory_space<semaphore_mem>>
      %dma_start3A_146 = arith.constant 0 : i32
      %dma_start3A_147 = arith.constant 0 : i32
      %dma_start3A_148 = tpu.memref_slice %arg3[%add3A, %dma_start3A_146, %dma_start3A_147] : memref<32x4x128xi32, #tpu.memory_space<hbm>> -> memref<1x4x128xi32, #tpu.memory_space<hbm>>
      %dma_start3A_149 = tpu.memref_squeeze %dma_start3A_148 : memref<1x4x128xi32, #tpu.memory_space<hbm>> -> memref<4x128xi32, #tpu.memory_space<hbm>>
      %dma_start3A_150 = arith.constant 0 : i32
      %dma_start3A_151 = arith.constant 0 : i32
      %dma_start3A_152 = tpu.memref_slice %dma_start3A_149[%dma_start3A_150, %dma_start3A_151] : memref<4x128xi32, #tpu.memory_space<hbm>> -> memref<2x128xi32, #tpu.memory_space<hbm>>
      %dma_start3A_153 = arith.constant 0 : i32
      %dma_start3A_154 = arith.constant 0 : i32
      %dma_start3A_155 = tpu.memref_slice %arg3[%add3A, %dma_start3A_153, %dma_start3A_154] : memref<32x4x128xi32, #tpu.memory_space<hbm>> -> memref<1x4x128xi32, #tpu.memory_space<hbm>>
      %dma_start3A_156 = tpu.memref_squeeze %dma_start3A_155 : memref<1x4x128xi32, #tpu.memory_space<hbm>> -> memref<4x128xi32, #tpu.memory_space<hbm>>
      %dma_start3A_157 = arith.constant 0 : i32
      %dma_start3A_158 = arith.constant 0 : i32
      %dma_start3A_159 = tpu.memref_slice %dma_start3A_156[%dma_start3A_157, %dma_start3A_158] : memref<4x128xi32, #tpu.memory_space<hbm>> -> memref<2x128xi32, #tpu.memory_space<hbm>>
      tpu.enqueue_dma source(%dma_start3A_159 : memref<2x128xi32, #tpu.memory_space<hbm>>) target(%arg7 : memref<2x128xi32, #tpu.memory_space<vmem>>) target_semaphore(%run_scoped3A : memref<!tpu.dma_semaphore, #tpu.memory_space<semaphore_mem>>)
      %dma_wait3A_160 = arith.constant 0 : i32
      %dma_wait3A_161 = arith.constant 0 : i32
      %dma_wait3A_162 = tpu.memref_slice %arg3[%add3A, %dma_wait3A_160, %dma_wait3A_161] : memref<32x4x128xi32, #tpu.memory_space<hbm>> -> memref<1x4x128xi32, #tpu.memory_space<hbm>>
      %dma_wait3A_163 = tpu.memref_squeeze %dma_wait3A_162 : memref<1x4x128xi32, #tpu.memory_space<hbm>> -> memref<4x128xi32, #tpu.memory_space<hbm>>
      %dma_wait3A_164 = arith.constant 0 : i32
      %dma_wait3A_165 = arith.constant 0 : i32
      %dma_wait3A_166 = tpu.memref_slice %dma_wait3A_163[%dma_wait3A_164, %dma_wait3A_165] : memref<4x128xi32, #tpu.memory_space<hbm>> -> memref<2x128xi32, #tpu.memory_space<hbm>>
      %dma_wait3A_167 = arith.constant 0 : i32
      %dma_wait3A_168 = arith.constant 0 : i32
      %dma_wait3A_169 = tpu.memref_slice %arg3[%add3A, %dma_wait3A_167, %dma_wait3A_168] : memref<32x4x128xi32, #tpu.memory_space<hbm>> -> memref<1x4x128xi32, #tpu.memory_space<hbm>>
      %dma_wait3A_170 = tpu.memref_squeeze %dma_wait3A_169 : memref<1x4x128xi32, #tpu.memory_space<hbm>> -> memref<4x128xi32, #tpu.memory_space<hbm>>
      %dma_wait3A_171 = arith.constant 0 : i32
      %dma_wait3A_172 = arith.constant 0 : i32
      %dma_wait3A_173 = tpu.memref_slice %dma_wait3A_170[%dma_wait3A_171, %dma_wait3A_172] : memref<4x128xi32, #tpu.memory_space<hbm>> -> memref<2x128xi32, #tpu.memory_space<hbm>>
      tpu.wait_dma2 semaphore(%run_scoped3A : memref<!tpu.dma_semaphore, #tpu.memory_space<semaphore_mem>>) src(%dma_wait3A_173 : memref<2x128xi32, #tpu.memory_space<hbm>>) dst(%arg7 : memref<2x128xi32, #tpu.memory_space<vmem>>)
      tpu.yield
    }) : () -> ()
    "tpu.region"() ({
      %run_scoped3A = tpu.sem_alloc : memref<!tpu.dma_semaphore, #tpu.memory_space<semaphore_mem>>
      %dma_start3A_146 = arith.constant 0 : i32
      %dma_start3A_147 = arith.constant 0 : i32
      %dma_start3A_148 = tpu.memref_slice %arg4[%add3A, %dma_start3A_146, %dma_start3A_147] : memref<32x4x128xi32, #tpu.memory_space<hbm>> -> memref<1x4x128xi32, #tpu.memory_space<hbm>>
      %dma_start3A_149 = tpu.memref_squeeze %dma_start3A_148 : memref<1x4x128xi32, #tpu.memory_space<hbm>> -> memref<4x128xi32, #tpu.memory_space<hbm>>
      %dma_start3A_150 = arith.constant 0 : i32
      %dma_start3A_151 = arith.constant 0 : i32
      %dma_start3A_152 = tpu.memref_slice %dma_start3A_149[%dma_start3A_150, %dma_start3A_151] : memref<4x128xi32, #tpu.memory_space<hbm>> -> memref<2x128xi32, #tpu.memory_space<hbm>>
      %dma_start3A_153 = arith.constant 0 : i32
      %dma_start3A_154 = arith.constant 0 : i32
      %dma_start3A_155 = tpu.memref_slice %arg4[%add3A, %dma_start3A_153, %dma_start3A_154] : memref<32x4x128xi32, #tpu.memory_space<hbm>> -> memref<1x4x128xi32, #tpu.memory_space<hbm>>
      %dma_start3A_156 = tpu.memref_squeeze %dma_start3A_155 : memref<1x4x128xi32, #tpu.memory_space<hbm>> -> memref<4x128xi32, #tpu.memory_space<hbm>>
      %dma_start3A_157 = arith.constant 0 : i32
      %dma_start3A_158 = arith.constant 0 : i32
      %dma_start3A_159 = tpu.memref_slice %dma_start3A_156[%dma_start3A_157, %dma_start3A_158] : memref<4x128xi32, #tpu.memory_space<hbm>> -> memref<2x128xi32, #tpu.memory_space<hbm>>
      tpu.enqueue_dma source(%dma_start3A_159 : memref<2x128xi32, #tpu.memory_space<hbm>>) target(%arg8 : memref<2x128xi32, #tpu.memory_space<vmem>>) target_semaphore(%run_scoped3A : memref<!tpu.dma_semaphore, #tpu.memory_space<semaphore_mem>>)
      %dma_wait3A_160 = arith.constant 0 : i32
      %dma_wait3A_161 = arith.constant 0 : i32
      %dma_wait3A_162 = tpu.memref_slice %arg4[%add3A, %dma_wait3A_160, %dma_wait3A_161] : memref<32x4x128xi32, #tpu.memory_space<hbm>> -> memref<1x4x128xi32, #tpu.memory_space<hbm>>
      %dma_wait3A_163 = tpu.memref_squeeze %dma_wait3A_162 : memref<1x4x128xi32, #tpu.memory_space<hbm>> -> memref<4x128xi32, #tpu.memory_space<hbm>>
      %dma_wait3A_164 = arith.constant 0 : i32
      %dma_wait3A_165 = arith.constant 0 : i32
      %dma_wait3A_166 = tpu.memref_slice %dma_wait3A_163[%dma_wait3A_164, %dma_wait3A_165] : memref<4x128xi32, #tpu.memory_space<hbm>> -> memref<2x128xi32, #tpu.memory_space<hbm>>
      %dma_wait3A_167 = arith.constant 0 : i32
      %dma_wait3A_168 = arith.constant 0 : i32
      %dma_wait3A_169 = tpu.memref_slice %arg4[%add3A, %dma_wait3A_167, %dma_wait3A_168] : memref<32x4x128xi32, #tpu.memory_space<hbm>> -> memref<1x4x128xi32, #tpu.memory_space<hbm>>
      %dma_wait3A_170 = tpu.memref_squeeze %dma_wait3A_169 : memref<1x4x128xi32, #tpu.memory_space<hbm>> -> memref<4x128xi32, #tpu.memory_space<hbm>>
      %dma_wait3A_171 = arith.constant 0 : i32
      %dma_wait3A_172 = arith.constant 0 : i32
      %dma_wait3A_173 = tpu.memref_slice %dma_wait3A_170[%dma_wait3A_171, %dma_wait3A_172] : memref<4x128xi32, #tpu.memory_space<hbm>> -> memref<2x128xi32, #tpu.memory_space<hbm>>
      tpu.wait_dma2 semaphore(%run_scoped3A : memref<!tpu.dma_semaphore, #tpu.memory_space<semaphore_mem>>) src(%dma_wait3A_173 : memref<2x128xi32, #tpu.memory_space<hbm>>) dst(%arg8 : memref<2x128xi32, #tpu.memory_space<vmem>>)
      tpu.yield
    }) : () -> ()
    "tpu.region"() ({
      %run_scoped3A = tpu.sem_alloc : memref<!tpu.dma_semaphore, #tpu.memory_space<semaphore_mem>>
      %dma_start3A_146 = arith.constant 0 : i32
      %dma_start3A_147 = tpu.memref_slice %arg11[%mul3A_2, %dma_start3A_146] : memref<1024x128xf32, #tpu.memory_space<vmem_shared>> -> memref<64x128xf32, #tpu.memory_space<vmem_shared>>
      tpu.enqueue_dma source(%arg5 : memref<64x128xf32, #tpu.memory_space<hbm>>) target(%dma_start3A_147 : memref<64x128xf32, #tpu.memory_space<vmem_shared>>) target_semaphore(%run_scoped3A : memref<!tpu.dma_semaphore, #tpu.memory_space<semaphore_mem>>)
      %dma_wait3A_148 = arith.constant 0 : i32
      %dma_wait3A_149 = tpu.memref_slice %arg11[%mul3A_2, %dma_wait3A_148] : memref<1024x128xf32, #tpu.memory_space<vmem_shared>> -> memref<64x128xf32, #tpu.memory_space<vmem_shared>>
      tpu.wait_dma2 semaphore(%run_scoped3A : memref<!tpu.dma_semaphore, #tpu.memory_space<semaphore_mem>>) src(%arg5 : memref<64x128xf32, #tpu.memory_space<hbm>>) dst(%dma_wait3A_149 : memref<64x128xf32, #tpu.memory_space<vmem_shared>>)
      tpu.yield
    }) : () -> ()
    %dma_start3A = arith.constant 0 : i32
    %dma_start3A_3 = arith.constant 0 : i32
    %dma_start3A_4 = tpu.memref_slice %arg7[%dma_start3A, %dma_start3A_3] : memref<2x128xi32, #tpu.memory_space<vmem>> -> memref<1x128xi32, #tpu.memory_space<vmem>>
    %dma_start3A_5 = tpu.memref_squeeze %dma_start3A_4 : memref<1x128xi32, #tpu.memory_space<vmem>> -> memref<128xi32, #tpu.memory_space<vmem>>
    %dma_start3A_6 = arith.constant 0 : i32
    %dma_start3A_7 = arith.constant 0 : i32
    %dma_start3A_8 = tpu.memref_slice %arg2[%dma_start3A_6, %dma_start3A_7] : memref<1024x128xf32, #tpu.memory_space<hbm>> -> memref<1024x128xf32, #tpu.memory_space<hbm>>
    tpu.enqueue_indirect_dma source(%dma_start3A_8 : memref<1024x128xf32, #tpu.memory_space<hbm>>) target(%arg9 : memref<128x128xf32, #tpu.memory_space<vmem>>) offsets(%dma_start3A_5 : memref<128xi32, #tpu.memory_space<vmem>>) semaphore(%arg12 : memref<!tpu.dma_semaphore, #tpu.memory_space<semaphore_mem>>)
    %barrier3A = arith.constant 0 : index
    tpu.barrier barrier_id(%barrier3A)
    %scan3A = arith.constant 0 : i32
    %scan3A_9 = arith.constant 0 : i32
    %mul3A_10 = arith.constant 2 : i32
    %mul3A_11 = arith.muli %mul3A_10, %scan3A_9 : i32
    %add3A_12 = arith.constant 1 : i32
    %add3A_13 = arith.addi %mul3A_11, %add3A_12 : i32
    %add3A_14 = arith.constant 2 : i32
    %add3A_15 = arith.addi %mul3A_11, %add3A_14 : i32
    %rem3A = arith.constant 2 : i32
    %rem3A_16 = arith.remsi %add3A_15, %rem3A : i32
    %dma_wait3A = arith.constant 0 : i32
    %dma_wait3A_17 = tpu.memref_slice %arg7[%mul3A_11, %dma_wait3A] : memref<2x128xi32, #tpu.memory_space<vmem>> -> memref<1x128xi32, #tpu.memory_space<vmem>>
    %dma_wait3A_18 = tpu.memref_squeeze %dma_wait3A_17 : memref<1x128xi32, #tpu.memory_space<vmem>> -> memref<128xi32, #tpu.memory_space<vmem>>
    %dma_wait3A_19 = arith.constant 0 : i32
    %dma_wait3A_20 = arith.constant 0 : i32
    %dma_wait3A_21 = tpu.memref_slice %arg2[%dma_wait3A_19, %dma_wait3A_20] : memref<1024x128xf32, #tpu.memory_space<hbm>> -> memref<1024x128xf32, #tpu.memory_space<hbm>>
    tpu.wait_indirect_dma semaphore(%arg12 : memref<!tpu.dma_semaphore, #tpu.memory_space<semaphore_mem>>) src(%dma_wait3A_21 : memref<1024x128xf32, #tpu.memory_space<hbm>>) dst(%arg9 : memref<128x128xf32, #tpu.memory_space<vmem>>)
    %dma_start3A_22 = arith.constant 0 : i32
    %dma_start3A_23 = tpu.memref_slice %arg7[%add3A_13, %dma_start3A_22] : memref<2x128xi32, #tpu.memory_space<vmem>> -> memref<1x128xi32, #tpu.memory_space<vmem>>
    %dma_start3A_24 = tpu.memref_squeeze %dma_start3A_23 : memref<1x128xi32, #tpu.memory_space<vmem>> -> memref<128xi32, #tpu.memory_space<vmem>>
    %dma_start3A_25 = arith.constant 0 : i32
    %dma_start3A_26 = arith.constant 0 : i32
    %dma_start3A_27 = tpu.memref_slice %arg2[%dma_start3A_25, %dma_start3A_26] : memref<1024x128xf32, #tpu.memory_space<hbm>> -> memref<1024x128xf32, #tpu.memory_space<hbm>>
    tpu.enqueue_indirect_dma source(%dma_start3A_27 : memref<1024x128xf32, #tpu.memory_space<hbm>>) target(%arg10 : memref<128x128xf32, #tpu.memory_space<vmem>>) offsets(%dma_start3A_24 : memref<128xi32, #tpu.memory_space<vmem>>) semaphore(%arg13 : memref<!tpu.dma_semaphore, #tpu.memory_space<semaphore_mem>>)
    %dma_start3A_28 = arith.constant 0 : i32
    %dma_start3A_29 = tpu.memref_slice %arg8[%mul3A_11, %dma_start3A_28] : memref<2x128xi32, #tpu.memory_space<vmem>> -> memref<1x128xi32, #tpu.memory_space<vmem>>
    %dma_start3A_30 = tpu.memref_squeeze %dma_start3A_29 : memref<1x128xi32, #tpu.memory_space<vmem>> -> memref<128xi32, #tpu.memory_space<vmem>>
    %dma_start3A_31 = arith.constant 0 : i32
    %dma_start3A_32 = arith.constant 0 : i32
    %dma_start3A_33 = tpu.memref_slice %arg11[%dma_start3A_31, %dma_start3A_32] : memref<1024x128xf32, #tpu.memory_space<vmem_shared>> -> memref<1024x128xf32, #tpu.memory_space<vmem_shared>>
    tpu.enqueue_indirect_dma source(%arg9 : memref<128x128xf32, #tpu.memory_space<vmem>>) target(%dma_start3A_33 : memref<1024x128xf32, #tpu.memory_space<vmem_shared>>) offsets(%dma_start3A_30 : memref<128xi32, #tpu.memory_space<vmem>>) semaphore(%arg14 : memref<!tpu.dma_semaphore, #tpu.memory_space<semaphore_mem>>) {add = true}
    %dma_wait3A_34 = arith.constant 0 : i32
    %dma_wait3A_35 = tpu.memref_slice %arg7[%add3A_13, %dma_wait3A_34] : memref<2x128xi32, #tpu.memory_space<vmem>> -> memref<1x128xi32, #tpu.memory_space<vmem>>
    %dma_wait3A_36 = tpu.memref_squeeze %dma_wait3A_35 : memref<1x128xi32, #tpu.memory_space<vmem>> -> memref<128xi32, #tpu.memory_space<vmem>>
    %dma_wait3A_37 = arith.constant 0 : i32
    %dma_wait3A_38 = arith.constant 0 : i32
    %dma_wait3A_39 = tpu.memref_slice %arg2[%dma_wait3A_37, %dma_wait3A_38] : memref<1024x128xf32, #tpu.memory_space<hbm>> -> memref<1024x128xf32, #tpu.memory_space<hbm>>
    tpu.wait_indirect_dma semaphore(%arg13 : memref<!tpu.dma_semaphore, #tpu.memory_space<semaphore_mem>>) src(%dma_wait3A_39 : memref<1024x128xf32, #tpu.memory_space<hbm>>) dst(%arg10 : memref<128x128xf32, #tpu.memory_space<vmem>>)
    %dma_wait3A_40 = arith.constant 0 : i32
    %dma_wait3A_41 = tpu.memref_slice %arg8[%mul3A_11, %dma_wait3A_40] : memref<2x128xi32, #tpu.memory_space<vmem>> -> memref<1x128xi32, #tpu.memory_space<vmem>>
    %dma_wait3A_42 = tpu.memref_squeeze %dma_wait3A_41 : memref<1x128xi32, #tpu.memory_space<vmem>> -> memref<128xi32, #tpu.memory_space<vmem>>
    %dma_wait3A_43 = arith.constant 0 : i32
    %dma_wait3A_44 = arith.constant 0 : i32
    %dma_wait3A_45 = tpu.memref_slice %arg11[%dma_wait3A_43, %dma_wait3A_44] : memref<1024x128xf32, #tpu.memory_space<vmem_shared>> -> memref<1024x128xf32, #tpu.memory_space<vmem_shared>>
    tpu.wait_indirect_dma semaphore(%arg14 : memref<!tpu.dma_semaphore, #tpu.memory_space<semaphore_mem>>) src(%arg9 : memref<128x128xf32, #tpu.memory_space<vmem>>) dst(%dma_wait3A_45 : memref<1024x128xf32, #tpu.memory_space<vmem_shared>>)
    %dma_start3A_46 = arith.constant 0 : i32
    %dma_start3A_47 = tpu.memref_slice %arg8[%add3A_13, %dma_start3A_46] : memref<2x128xi32, #tpu.memory_space<vmem>> -> memref<1x128xi32, #tpu.memory_space<vmem>>
    %dma_start3A_48 = tpu.memref_squeeze %dma_start3A_47 : memref<1x128xi32, #tpu.memory_space<vmem>> -> memref<128xi32, #tpu.memory_space<vmem>>
    %dma_start3A_49 = arith.constant 0 : i32
    %dma_start3A_50 = arith.constant 0 : i32
    %dma_start3A_51 = tpu.memref_slice %arg11[%dma_start3A_49, %dma_start3A_50] : memref<1024x128xf32, #tpu.memory_space<vmem_shared>> -> memref<1024x128xf32, #tpu.memory_space<vmem_shared>>
    tpu.enqueue_indirect_dma source(%arg10 : memref<128x128xf32, #tpu.memory_space<vmem>>) target(%dma_start3A_51 : memref<1024x128xf32, #tpu.memory_space<vmem_shared>>) offsets(%dma_start3A_48 : memref<128xi32, #tpu.memory_space<vmem>>) semaphore(%arg15 : memref<!tpu.dma_semaphore, #tpu.memory_space<semaphore_mem>>) {add = true}
    %dma_start3A_52 = arith.constant 0 : i32
    %dma_start3A_53 = tpu.memref_slice %arg7[%rem3A_16, %dma_start3A_52] : memref<2x128xi32, #tpu.memory_space<vmem>> -> memref<1x128xi32, #tpu.memory_space<vmem>>
    %dma_start3A_54 = tpu.memref_squeeze %dma_start3A_53 : memref<1x128xi32, #tpu.memory_space<vmem>> -> memref<128xi32, #tpu.memory_space<vmem>>
    %dma_start3A_55 = arith.constant 0 : i32
    %dma_start3A_56 = arith.constant 0 : i32
    %dma_start3A_57 = tpu.memref_slice %arg2[%dma_start3A_55, %dma_start3A_56] : memref<1024x128xf32, #tpu.memory_space<hbm>> -> memref<1024x128xf32, #tpu.memory_space<hbm>>
    tpu.enqueue_indirect_dma source(%dma_start3A_57 : memref<1024x128xf32, #tpu.memory_space<hbm>>) target(%arg9 : memref<128x128xf32, #tpu.memory_space<vmem>>) offsets(%dma_start3A_54 : memref<128xi32, #tpu.memory_space<vmem>>) semaphore(%arg12 : memref<!tpu.dma_semaphore, #tpu.memory_space<semaphore_mem>>)
    %dma_wait3A_58 = arith.constant 0 : i32
    %dma_wait3A_59 = tpu.memref_slice %arg8[%add3A_13, %dma_wait3A_58] : memref<2x128xi32, #tpu.memory_space<vmem>> -> memref<1x128xi32, #tpu.memory_space<vmem>>
    %dma_wait3A_60 = tpu.memref_squeeze %dma_wait3A_59 : memref<1x128xi32, #tpu.memory_space<vmem>> -> memref<128xi32, #tpu.memory_space<vmem>>
    %dma_wait3A_61 = arith.constant 0 : i32
    %dma_wait3A_62 = arith.constant 0 : i32
    %dma_wait3A_63 = tpu.memref_slice %arg11[%dma_wait3A_61, %dma_wait3A_62] : memref<1024x128xf32, #tpu.memory_space<vmem_shared>> -> memref<1024x128xf32, #tpu.memory_space<vmem_shared>>
    tpu.wait_indirect_dma semaphore(%arg15 : memref<!tpu.dma_semaphore, #tpu.memory_space<semaphore_mem>>) src(%arg10 : memref<128x128xf32, #tpu.memory_space<vmem>>) dst(%dma_wait3A_63 : memref<1024x128xf32, #tpu.memory_space<vmem_shared>>)
    %scan3A_64 = arith.constant 1 : i32
    %dma_wait3A_65 = arith.constant 0 : i32
    %dma_wait3A_66 = arith.constant 0 : i32
    %dma_wait3A_67 = tpu.memref_slice %arg7[%dma_wait3A_65, %dma_wait3A_66] : memref<2x128xi32, #tpu.memory_space<vmem>> -> memref<1x128xi32, #tpu.memory_space<vmem>>
    %dma_wait3A_68 = tpu.memref_squeeze %dma_wait3A_67 : memref<1x128xi32, #tpu.memory_space<vmem>> -> memref<128xi32, #tpu.memory_space<vmem>>
    %dma_wait3A_69 = arith.constant 0 : i32
    %dma_wait3A_70 = arith.constant 0 : i32
    %dma_wait3A_71 = tpu.memref_slice %arg2[%dma_wait3A_69, %dma_wait3A_70] : memref<1024x128xf32, #tpu.memory_space<hbm>> -> memref<1024x128xf32, #tpu.memory_space<hbm>>
    tpu.wait_indirect_dma semaphore(%arg12 : memref<!tpu.dma_semaphore, #tpu.memory_space<semaphore_mem>>) src(%dma_wait3A_71 : memref<1024x128xf32, #tpu.memory_space<hbm>>) dst(%arg9 : memref<128x128xf32, #tpu.memory_space<vmem>>)
    "tpu.region"() ({
      %run_scoped3A = tpu.sem_alloc : memref<!tpu.dma_semaphore, #tpu.memory_space<semaphore_mem>>
      %dma_start3A_146 = arith.constant 0 : i32
      %dma_start3A_147 = arith.constant 0 : i32
      %dma_start3A_148 = tpu.memref_slice %arg3[%add3A, %dma_start3A_146, %dma_start3A_147] : memref<32x4x128xi32, #tpu.memory_space<hbm>> -> memref<1x4x128xi32, #tpu.memory_space<hbm>>
      %dma_start3A_149 = tpu.memref_squeeze %dma_start3A_148 : memref<1x4x128xi32, #tpu.memory_space<hbm>> -> memref<4x128xi32, #tpu.memory_space<hbm>>
      %dma_start3A_150 = arith.constant 2 : i32
      %dma_start3A_151 = arith.constant 0 : i32
      %dma_start3A_152 = tpu.memref_slice %dma_start3A_149[%dma_start3A_150, %dma_start3A_151] : memref<4x128xi32, #tpu.memory_space<hbm>> -> memref<2x128xi32, #tpu.memory_space<hbm>>
      %dma_start3A_153 = arith.constant 0 : i32
      %dma_start3A_154 = arith.constant 0 : i32
      %dma_start3A_155 = tpu.memref_slice %arg3[%add3A, %dma_start3A_153, %dma_start3A_154] : memref<32x4x128xi32, #tpu.memory_space<hbm>> -> memref<1x4x128xi32, #tpu.memory_space<hbm>>
      %dma_start3A_156 = tpu.memref_squeeze %dma_start3A_155 : memref<1x4x128xi32, #tpu.memory_space<hbm>> -> memref<4x128xi32, #tpu.memory_space<hbm>>
      %dma_start3A_157 = arith.constant 2 : i32
      %dma_start3A_158 = arith.constant 0 : i32
      %dma_start3A_159 = tpu.memref_slice %dma_start3A_156[%dma_start3A_157, %dma_start3A_158] : memref<4x128xi32, #tpu.memory_space<hbm>> -> memref<2x128xi32, #tpu.memory_space<hbm>>
      tpu.enqueue_dma source(%dma_start3A_159 : memref<2x128xi32, #tpu.memory_space<hbm>>) target(%arg7 : memref<2x128xi32, #tpu.memory_space<vmem>>) target_semaphore(%run_scoped3A : memref<!tpu.dma_semaphore, #tpu.memory_space<semaphore_mem>>)
      %dma_wait3A_160 = arith.constant 0 : i32
      %dma_wait3A_161 = arith.constant 0 : i32
      %dma_wait3A_162 = tpu.memref_slice %arg3[%add3A, %dma_wait3A_160, %dma_wait3A_161] : memref<32x4x128xi32, #tpu.memory_space<hbm>> -> memref<1x4x128xi32, #tpu.memory_space<hbm>>
      %dma_wait3A_163 = tpu.memref_squeeze %dma_wait3A_162 : memref<1x4x128xi32, #tpu.memory_space<hbm>> -> memref<4x128xi32, #tpu.memory_space<hbm>>
      %dma_wait3A_164 = arith.constant 2 : i32
      %dma_wait3A_165 = arith.constant 0 : i32
      %dma_wait3A_166 = tpu.memref_slice %dma_wait3A_163[%dma_wait3A_164, %dma_wait3A_165] : memref<4x128xi32, #tpu.memory_space<hbm>> -> memref<2x128xi32, #tpu.memory_space<hbm>>
      %dma_wait3A_167 = arith.constant 0 : i32
      %dma_wait3A_168 = arith.constant 0 : i32
      %dma_wait3A_169 = tpu.memref_slice %arg3[%add3A, %dma_wait3A_167, %dma_wait3A_168] : memref<32x4x128xi32, #tpu.memory_space<hbm>> -> memref<1x4x128xi32, #tpu.memory_space<hbm>>
      %dma_wait3A_170 = tpu.memref_squeeze %dma_wait3A_169 : memref<1x4x128xi32, #tpu.memory_space<hbm>> -> memref<4x128xi32, #tpu.memory_space<hbm>>
      %dma_wait3A_171 = arith.constant 2 : i32
      %dma_wait3A_172 = arith.constant 0 : i32
      %dma_wait3A_173 = tpu.memref_slice %dma_wait3A_170[%dma_wait3A_171, %dma_wait3A_172] : memref<4x128xi32, #tpu.memory_space<hbm>> -> memref<2x128xi32, #tpu.memory_space<hbm>>
      tpu.wait_dma2 semaphore(%run_scoped3A : memref<!tpu.dma_semaphore, #tpu.memory_space<semaphore_mem>>) src(%dma_wait3A_173 : memref<2x128xi32, #tpu.memory_space<hbm>>) dst(%arg7 : memref<2x128xi32, #tpu.memory_space<vmem>>)
      tpu.yield
    }) : () -> ()
    "tpu.region"() ({
      %run_scoped3A = tpu.sem_alloc : memref<!tpu.dma_semaphore, #tpu.memory_space<semaphore_mem>>
      %dma_start3A_146 = arith.constant 0 : i32
      %dma_start3A_147 = arith.constant 0 : i32
      %dma_start3A_148 = tpu.memref_slice %arg4[%add3A, %dma_start3A_146, %dma_start3A_147] : memref<32x4x128xi32, #tpu.memory_space<hbm>> -> memref<1x4x128xi32, #tpu.memory_space<hbm>>
      %dma_start3A_149 = tpu.memref_squeeze %dma_start3A_148 : memref<1x4x128xi32, #tpu.memory_space<hbm>> -> memref<4x128xi32, #tpu.memory_space<hbm>>
      %dma_start3A_150 = arith.constant 2 : i32
      %dma_start3A_151 = arith.constant 0 : i32
      %dma_start3A_152 = tpu.memref_slice %dma_start3A_149[%dma_start3A_150, %dma_start3A_151] : memref<4x128xi32, #tpu.memory_space<hbm>> -> memref<2x128xi32, #tpu.memory_space<hbm>>
      %dma_start3A_153 = arith.constant 0 : i32
      %dma_start3A_154 = arith.constant 0 : i32
      %dma_start3A_155 = tpu.memref_slice %arg4[%add3A, %dma_start3A_153, %dma_start3A_154] : memref<32x4x128xi32, #tpu.memory_space<hbm>> -> memref<1x4x128xi32, #tpu.memory_space<hbm>>
      %dma_start3A_156 = tpu.memref_squeeze %dma_start3A_155 : memref<1x4x128xi32, #tpu.memory_space<hbm>> -> memref<4x128xi32, #tpu.memory_space<hbm>>
      %dma_start3A_157 = arith.constant 2 : i32
      %dma_start3A_158 = arith.constant 0 : i32
      %dma_start3A_159 = tpu.memref_slice %dma_start3A_156[%dma_start3A_157, %dma_start3A_158] : memref<4x128xi32, #tpu.memory_space<hbm>> -> memref<2x128xi32, #tpu.memory_space<hbm>>
      tpu.enqueue_dma source(%dma_start3A_159 : memref<2x128xi32, #tpu.memory_space<hbm>>) target(%arg8 : memref<2x128xi32, #tpu.memory_space<vmem>>) target_semaphore(%run_scoped3A : memref<!tpu.dma_semaphore, #tpu.memory_space<semaphore_mem>>)
      %dma_wait3A_160 = arith.constant 0 : i32
      %dma_wait3A_161 = arith.constant 0 : i32
      %dma_wait3A_162 = tpu.memref_slice %arg4[%add3A, %dma_wait3A_160, %dma_wait3A_161] : memref<32x4x128xi32, #tpu.memory_space<hbm>> -> memref<1x4x128xi32, #tpu.memory_space<hbm>>
      %dma_wait3A_163 = tpu.memref_squeeze %dma_wait3A_162 : memref<1x4x128xi32, #tpu.memory_space<hbm>> -> memref<4x128xi32, #tpu.memory_space<hbm>>
      %dma_wait3A_164 = arith.constant 2 : i32
      %dma_wait3A_165 = arith.constant 0 : i32
      %dma_wait3A_166 = tpu.memref_slice %dma_wait3A_163[%dma_wait3A_164, %dma_wait3A_165] : memref<4x128xi32, #tpu.memory_space<hbm>> -> memref<2x128xi32, #tpu.memory_space<hbm>>
      %dma_wait3A_167 = arith.constant 0 : i32
      %dma_wait3A_168 = arith.constant 0 : i32
      %dma_wait3A_169 = tpu.memref_slice %arg4[%add3A, %dma_wait3A_167, %dma_wait3A_168] : memref<32x4x128xi32, #tpu.memory_space<hbm>> -> memref<1x4x128xi32, #tpu.memory_space<hbm>>
      %dma_wait3A_170 = tpu.memref_squeeze %dma_wait3A_169 : memref<1x4x128xi32, #tpu.memory_space<hbm>> -> memref<4x128xi32, #tpu.memory_space<hbm>>
      %dma_wait3A_171 = arith.constant 2 : i32
      %dma_wait3A_172 = arith.constant 0 : i32
      %dma_wait3A_173 = tpu.memref_slice %dma_wait3A_170[%dma_wait3A_171, %dma_wait3A_172] : memref<4x128xi32, #tpu.memory_space<hbm>> -> memref<2x128xi32, #tpu.memory_space<hbm>>
      tpu.wait_dma2 semaphore(%run_scoped3A : memref<!tpu.dma_semaphore, #tpu.memory_space<semaphore_mem>>) src(%dma_wait3A_173 : memref<2x128xi32, #tpu.memory_space<hbm>>) dst(%arg8 : memref<2x128xi32, #tpu.memory_space<vmem>>)
      tpu.yield
    }) : () -> ()
    %dma_start3A_72 = arith.constant 0 : i32
    %dma_start3A_73 = arith.constant 0 : i32
    %dma_start3A_74 = tpu.memref_slice %arg7[%dma_start3A_72, %dma_start3A_73] : memref<2x128xi32, #tpu.memory_space<vmem>> -> memref<1x128xi32, #tpu.memory_space<vmem>>
    %dma_start3A_75 = tpu.memref_squeeze %dma_start3A_74 : memref<1x128xi32, #tpu.memory_space<vmem>> -> memref<128xi32, #tpu.memory_space<vmem>>
    %dma_start3A_76 = arith.constant 0 : i32
    %dma_start3A_77 = arith.constant 0 : i32
    %dma_start3A_78 = tpu.memref_slice %arg2[%dma_start3A_76, %dma_start3A_77] : memref<1024x128xf32, #tpu.memory_space<hbm>> -> memref<1024x128xf32, #tpu.memory_space<hbm>>
    tpu.enqueue_indirect_dma source(%dma_start3A_78 : memref<1024x128xf32, #tpu.memory_space<hbm>>) target(%arg9 : memref<128x128xf32, #tpu.memory_space<vmem>>) offsets(%dma_start3A_75 : memref<128xi32, #tpu.memory_space<vmem>>) semaphore(%arg12 : memref<!tpu.dma_semaphore, #tpu.memory_space<semaphore_mem>>)
    %scan3A_79 = arith.constant 0 : i32
    %scan3A_80 = arith.constant 0 : i32
    %mul3A_81 = arith.constant 2 : i32
    %mul3A_82 = arith.muli %mul3A_81, %scan3A_80 : i32
    %add3A_83 = arith.constant 1 : i32
    %add3A_84 = arith.addi %mul3A_82, %add3A_83 : i32
    %add3A_85 = arith.constant 2 : i32
    %add3A_86 = arith.addi %mul3A_82, %add3A_85 : i32
    %rem3A_87 = arith.constant 2 : i32
    %rem3A_88 = arith.remsi %add3A_86, %rem3A_87 : i32
    %dma_wait3A_89 = arith.constant 0 : i32
    %dma_wait3A_90 = tpu.memref_slice %arg7[%mul3A_82, %dma_wait3A_89] : memref<2x128xi32, #tpu.memory_space<vmem>> -> memref<1x128xi32, #tpu.memory_space<vmem>>
    %dma_wait3A_91 = tpu.memref_squeeze %dma_wait3A_90 : memref<1x128xi32, #tpu.memory_space<vmem>> -> memref<128xi32, #tpu.memory_space<vmem>>
    %dma_wait3A_92 = arith.constant 0 : i32
    %dma_wait3A_93 = arith.constant 0 : i32
    %dma_wait3A_94 = tpu.memref_slice %arg2[%dma_wait3A_92, %dma_wait3A_93] : memref<1024x128xf32, #tpu.memory_space<hbm>> -> memref<1024x128xf32, #tpu.memory_space<hbm>>
    tpu.wait_indirect_dma semaphore(%arg12 : memref<!tpu.dma_semaphore, #tpu.memory_space<semaphore_mem>>) src(%dma_wait3A_94 : memref<1024x128xf32, #tpu.memory_space<hbm>>) dst(%arg9 : memref<128x128xf32, #tpu.memory_space<vmem>>)
    %dma_start3A_95 = arith.constant 0 : i32
    %dma_start3A_96 = tpu.memref_slice %arg7[%add3A_84, %dma_start3A_95] : memref<2x128xi32, #tpu.memory_space<vmem>> -> memref<1x128xi32, #tpu.memory_space<vmem>>
    %dma_start3A_97 = tpu.memref_squeeze %dma_start3A_96 : memref<1x128xi32, #tpu.memory_space<vmem>> -> memref<128xi32, #tpu.memory_space<vmem>>
    %dma_start3A_98 = arith.constant 0 : i32
    %dma_start3A_99 = arith.constant 0 : i32
    %dma_start3A_100 = tpu.memref_slice %arg2[%dma_start3A_98, %dma_start3A_99] : memref<1024x128xf32, #tpu.memory_space<hbm>> -> memref<1024x128xf32, #tpu.memory_space<hbm>>
    tpu.enqueue_indirect_dma source(%dma_start3A_100 : memref<1024x128xf32, #tpu.memory_space<hbm>>) target(%arg10 : memref<128x128xf32, #tpu.memory_space<vmem>>) offsets(%dma_start3A_97 : memref<128xi32, #tpu.memory_space<vmem>>) semaphore(%arg13 : memref<!tpu.dma_semaphore, #tpu.memory_space<semaphore_mem>>)
    %dma_start3A_101 = arith.constant 0 : i32
    %dma_start3A_102 = tpu.memref_slice %arg8[%mul3A_82, %dma_start3A_101] : memref<2x128xi32, #tpu.memory_space<vmem>> -> memref<1x128xi32, #tpu.memory_space<vmem>>
    %dma_start3A_103 = tpu.memref_squeeze %dma_start3A_102 : memref<1x128xi32, #tpu.memory_space<vmem>> -> memref<128xi32, #tpu.memory_space<vmem>>
    %dma_start3A_104 = arith.constant 0 : i32
    %dma_start3A_105 = arith.constant 0 : i32
    %dma_start3A_106 = tpu.memref_slice %arg11[%dma_start3A_104, %dma_start3A_105] : memref<1024x128xf32, #tpu.memory_space<vmem_shared>> -> memref<1024x128xf32, #tpu.memory_space<vmem_shared>>
    tpu.enqueue_indirect_dma source(%arg9 : memref<128x128xf32, #tpu.memory_space<vmem>>) target(%dma_start3A_106 : memref<1024x128xf32, #tpu.memory_space<vmem_shared>>) offsets(%dma_start3A_103 : memref<128xi32, #tpu.memory_space<vmem>>) semaphore(%arg14 : memref<!tpu.dma_semaphore, #tpu.memory_space<semaphore_mem>>) {add = true}
    %dma_wait3A_107 = arith.constant 0 : i32
    %dma_wait3A_108 = tpu.memref_slice %arg7[%add3A_84, %dma_wait3A_107] : memref<2x128xi32, #tpu.memory_space<vmem>> -> memref<1x128xi32, #tpu.memory_space<vmem>>
    %dma_wait3A_109 = tpu.memref_squeeze %dma_wait3A_108 : memref<1x128xi32, #tpu.memory_space<vmem>> -> memref<128xi32, #tpu.memory_space<vmem>>
    %dma_wait3A_110 = arith.constant 0 : i32
    %dma_wait3A_111 = arith.constant 0 : i32
    %dma_wait3A_112 = tpu.memref_slice %arg2[%dma_wait3A_110, %dma_wait3A_111] : memref<1024x128xf32, #tpu.memory_space<hbm>> -> memref<1024x128xf32, #tpu.memory_space<hbm>>
    tpu.wait_indirect_dma semaphore(%arg13 : memref<!tpu.dma_semaphore, #tpu.memory_space<semaphore_mem>>) src(%dma_wait3A_112 : memref<1024x128xf32, #tpu.memory_space<hbm>>) dst(%arg10 : memref<128x128xf32, #tpu.memory_space<vmem>>)
    %dma_wait3A_113 = arith.constant 0 : i32
    %dma_wait3A_114 = tpu.memref_slice %arg8[%mul3A_82, %dma_wait3A_113] : memref<2x128xi32, #tpu.memory_space<vmem>> -> memref<1x128xi32, #tpu.memory_space<vmem>>
    %dma_wait3A_115 = tpu.memref_squeeze %dma_wait3A_114 : memref<1x128xi32, #tpu.memory_space<vmem>> -> memref<128xi32, #tpu.memory_space<vmem>>
    %dma_wait3A_116 = arith.constant 0 : i32
    %dma_wait3A_117 = arith.constant 0 : i32
    %dma_wait3A_118 = tpu.memref_slice %arg11[%dma_wait3A_116, %dma_wait3A_117] : memref<1024x128xf32, #tpu.memory_space<vmem_shared>> -> memref<1024x128xf32, #tpu.memory_space<vmem_shared>>
    tpu.wait_indirect_dma semaphore(%arg14 : memref<!tpu.dma_semaphore, #tpu.memory_space<semaphore_mem>>) src(%arg9 : memref<128x128xf32, #tpu.memory_space<vmem>>) dst(%dma_wait3A_118 : memref<1024x128xf32, #tpu.memory_space<vmem_shared>>)
    %dma_start3A_119 = arith.constant 0 : i32
    %dma_start3A_120 = tpu.memref_slice %arg8[%add3A_84, %dma_start3A_119] : memref<2x128xi32, #tpu.memory_space<vmem>> -> memref<1x128xi32, #tpu.memory_space<vmem>>
    %dma_start3A_121 = tpu.memref_squeeze %dma_start3A_120 : memref<1x128xi32, #tpu.memory_space<vmem>> -> memref<128xi32, #tpu.memory_space<vmem>>
    %dma_start3A_122 = arith.constant 0 : i32
    %dma_start3A_123 = arith.constant 0 : i32
    %dma_start3A_124 = tpu.memref_slice %arg11[%dma_start3A_122, %dma_start3A_123] : memref<1024x128xf32, #tpu.memory_space<vmem_shared>> -> memref<1024x128xf32, #tpu.memory_space<vmem_shared>>
    tpu.enqueue_indirect_dma source(%arg10 : memref<128x128xf32, #tpu.memory_space<vmem>>) target(%dma_start3A_124 : memref<1024x128xf32, #tpu.memory_space<vmem_shared>>) offsets(%dma_start3A_121 : memref<128xi32, #tpu.memory_space<vmem>>) semaphore(%arg15 : memref<!tpu.dma_semaphore, #tpu.memory_space<semaphore_mem>>) {add = true}
    %dma_start3A_125 = arith.constant 0 : i32
    %dma_start3A_126 = tpu.memref_slice %arg7[%rem3A_88, %dma_start3A_125] : memref<2x128xi32, #tpu.memory_space<vmem>> -> memref<1x128xi32, #tpu.memory_space<vmem>>
    %dma_start3A_127 = tpu.memref_squeeze %dma_start3A_126 : memref<1x128xi32, #tpu.memory_space<vmem>> -> memref<128xi32, #tpu.memory_space<vmem>>
    %dma_start3A_128 = arith.constant 0 : i32
    %dma_start3A_129 = arith.constant 0 : i32
    %dma_start3A_130 = tpu.memref_slice %arg2[%dma_start3A_128, %dma_start3A_129] : memref<1024x128xf32, #tpu.memory_space<hbm>> -> memref<1024x128xf32, #tpu.memory_space<hbm>>
    tpu.enqueue_indirect_dma source(%dma_start3A_130 : memref<1024x128xf32, #tpu.memory_space<hbm>>) target(%arg9 : memref<128x128xf32, #tpu.memory_space<vmem>>) offsets(%dma_start3A_127 : memref<128xi32, #tpu.memory_space<vmem>>) semaphore(%arg12 : memref<!tpu.dma_semaphore, #tpu.memory_space<semaphore_mem>>)
    %dma_wait3A_131 = arith.constant 0 : i32
    %dma_wait3A_132 = tpu.memref_slice %arg8[%add3A_84, %dma_wait3A_131] : memref<2x128xi32, #tpu.memory_space<vmem>> -> memref<1x128xi32, #tpu.memory_space<vmem>>
    %dma_wait3A_133 = tpu.memref_squeeze %dma_wait3A_132 : memref<1x128xi32, #tpu.memory_space<vmem>> -> memref<128xi32, #tpu.memory_space<vmem>>
    %dma_wait3A_134 = arith.constant 0 : i32
    %dma_wait3A_135 = arith.constant 0 : i32
    %dma_wait3A_136 = tpu.memref_slice %arg11[%dma_wait3A_134, %dma_wait3A_135] : memref<1024x128xf32, #tpu.memory_space<vmem_shared>> -> memref<1024x128xf32, #tpu.memory_space<vmem_shared>>
    tpu.wait_indirect_dma semaphore(%arg15 : memref<!tpu.dma_semaphore, #tpu.memory_space<semaphore_mem>>) src(%arg10 : memref<128x128xf32, #tpu.memory_space<vmem>>) dst(%dma_wait3A_136 : memref<1024x128xf32, #tpu.memory_space<vmem_shared>>)
    %scan3A_137 = arith.constant 1 : i32
    %dma_wait3A_138 = arith.constant 0 : i32
    %dma_wait3A_139 = arith.constant 0 : i32
    %dma_wait3A_140 = tpu.memref_slice %arg7[%dma_wait3A_138, %dma_wait3A_139] : memref<2x128xi32, #tpu.memory_space<vmem>> -> memref<1x128xi32, #tpu.memory_space<vmem>>
    %dma_wait3A_141 = tpu.memref_squeeze %dma_wait3A_140 : memref<1x128xi32, #tpu.memory_space<vmem>> -> memref<128xi32, #tpu.memory_space<vmem>>
    %dma_wait3A_142 = arith.constant 0 : i32
    %dma_wait3A_143 = arith.constant 0 : i32
    %dma_wait3A_144 = tpu.memref_slice %arg2[%dma_wait3A_142, %dma_wait3A_143] : memref<1024x128xf32, #tpu.memory_space<hbm>> -> memref<1024x128xf32, #tpu.memory_space<hbm>>
    tpu.wait_indirect_dma semaphore(%arg12 : memref<!tpu.dma_semaphore, #tpu.memory_space<semaphore_mem>>) src(%dma_wait3A_144 : memref<1024x128xf32, #tpu.memory_space<hbm>>) dst(%arg9 : memref<128x128xf32, #tpu.memory_space<vmem>>)
    %barrier3A_145 = arith.constant 0 : index
    tpu.barrier barrier_id(%barrier3A_145)
    "tpu.region"() ({
      %run_scoped3A = tpu.sem_alloc : memref<!tpu.dma_semaphore, #tpu.memory_space<semaphore_mem>>
      %dma_start3A_146 = arith.constant 0 : i32
      %dma_start3A_147 = arith.constant 0 : i32
      %dma_start3A_148 = tpu.memref_slice %arg6[%arg0, %dma_start3A_146, %dma_start3A_147] : memref<2x1024x128xf32, #tpu.memory_space<hbm>> -> memref<1x1024x128xf32, #tpu.memory_space<hbm>>
      %dma_start3A_149 = tpu.memref_squeeze %dma_start3A_148 : memref<1x1024x128xf32, #tpu.memory_space<hbm>> -> memref<1024x128xf32, #tpu.memory_space<hbm>>
      %dma_start3A_150 = arith.constant 0 : i32
      %dma_start3A_151 = tpu.memref_slice %dma_start3A_149[%mul3A_2, %dma_start3A_150] : memref<1024x128xf32, #tpu.memory_space<hbm>> -> memref<64x128xf32, #tpu.memory_space<hbm>>
      %dma_start3A_152 = arith.constant 0 : i32
      %dma_start3A_153 = tpu.memref_slice %arg11[%mul3A_2, %dma_start3A_152] : memref<1024x128xf32, #tpu.memory_space<vmem_shared>> -> memref<64x128xf32, #tpu.memory_space<vmem_shared>>
      tpu.enqueue_dma source(%dma_start3A_153 : memref<64x128xf32, #tpu.memory_space<vmem_shared>>) target(%dma_start3A_151 : memref<64x128xf32, #tpu.memory_space<hbm>>) target_semaphore(%run_scoped3A : memref<!tpu.dma_semaphore, #tpu.memory_space<semaphore_mem>>)
      %dma_wait3A_154 = arith.constant 0 : i32
      %dma_wait3A_155 = arith.constant 0 : i32
      %dma_wait3A_156 = tpu.memref_slice %arg6[%arg0, %dma_wait3A_154, %dma_wait3A_155] : memref<2x1024x128xf32, #tpu.memory_space<hbm>> -> memref<1x1024x128xf32, #tpu.memory_space<hbm>>
      %dma_wait3A_157 = tpu.memref_squeeze %dma_wait3A_156 : memref<1x1024x128xf32, #tpu.memory_space<hbm>> -> memref<1024x128xf32, #tpu.memory_space<hbm>>
      %dma_wait3A_158 = arith.constant 0 : i32
      %dma_wait3A_159 = tpu.memref_slice %dma_wait3A_157[%mul3A_2, %dma_wait3A_158] : memref<1024x128xf32, #tpu.memory_space<hbm>> -> memref<64x128xf32, #tpu.memory_space<hbm>>
      %dma_wait3A_160 = arith.constant 0 : i32
      %dma_wait3A_161 = tpu.memref_slice %arg11[%mul3A_2, %dma_wait3A_160] : memref<1024x128xf32, #tpu.memory_space<vmem_shared>> -> memref<64x128xf32, #tpu.memory_space<vmem_shared>>
      tpu.wait_dma2 semaphore(%run_scoped3A : memref<!tpu.dma_semaphore, #tpu.memory_space<semaphore_mem>>) src(%dma_wait3A_161 : memref<64x128xf32, #tpu.memory_space<vmem_shared>>) dst(%dma_wait3A_159 : memref<64x128xf32, #tpu.memory_space<hbm>>)
      tpu.yield
    }) : () -> ()
    return
  }
}

module attributes {stable_mosaic.version = 14 : i64} {
  func.func @body(%arg0: i32, %arg1: memref<2x512x128xf32, #tpu.memory_space<vmem>>, %arg2: memref<512x128xf32, #tpu.memory_space<vmem>>, %arg3: memref<128x128xf32, #tpu.memory_space<vmem>>, %arg4: memref<128x128xf32, #tpu.memory_space<vmem>>, %arg5: memref<1x128xf32, #tpu.memory_space<vmem>>, %arg6: memref<512x128xf32, #tpu.memory_space<vmem>>) attributes {dimension_semantics = [#tpu.dimension_semantics<arbitrary>], iteration_bounds = array<i64: 20>, scalar_prefetch = 0 : i64, scratch_operands = 0 : i64, tpu.core_type = #tpu.core_type<tc>, window_params = [{transform_indices = @transform_0, window_bounds = array<i64: 2, 512, 128>}, {transform_indices = @transform_1, window_bounds = array<i64: 512, 128>}, {pipeline_mode = #tpu.pipeline_mode<synchronous>, transform_indices = @transform_2, window_bounds = array<i64: 128, 128>}, {pipeline_mode = #tpu.pipeline_mode<synchronous>, transform_indices = @transform_3, window_bounds = array<i64: 128, 128>}, {pipeline_mode = #tpu.pipeline_mode<synchronous>, transform_indices = @transform_4, window_bounds = array<i64: 1, 128>}, {transform_indices = @transform_5, window_bounds = array<i64: 512, 128>}]} {
    %get3A = arith.constant 0 : index
    %get3A_0 = arith.constant 0 : index
    %get3A_1 = arith.constant 0 : index
    %get3A_2 = vector.load %arg1[%get3A, %get3A_0, %get3A_1] : memref<2x512x128xf32, #tpu.memory_space<vmem>>, vector<1x512x128xf32>
    %get3A_3 = vector.shape_cast %get3A_2 : vector<1x512x128xf32> to vector<512x128xf32>
    %get3A_4 = arith.constant 1 : index
    %get3A_5 = arith.constant 0 : index
    %get3A_6 = arith.constant 0 : index
    %get3A_7 = vector.load %arg1[%get3A_4, %get3A_5, %get3A_6] : memref<2x512x128xf32, #tpu.memory_space<vmem>>, vector<1x512x128xf32>
    %get3A_8 = vector.shape_cast %get3A_7 : vector<1x512x128xf32> to vector<512x128xf32>
    %add3A = arith.addf %get3A_3, %get3A_8 : vector<512x128xf32>
    %get3A_9 = arith.constant 0 : index
    %get3A_10 = arith.constant 0 : index
    %get3A_11 = vector.load %arg3[%get3A_9, %get3A_10] : memref<128x128xf32, #tpu.memory_space<vmem>>, vector<128x128xf32>
    %dot_general3A = arith.constant dense<0.000000e+00> : vector<512x128xf32>
    %dot_general3A_12 = tpu.matmul %add3A, %get3A_11, %dot_general3A {dimension_numbers = #tpu.dot_dimension_numbers<[1], [0], [0], [1], [0, 0, 1, 1], [], []>, transpose_lhs_hint = false} : vector<512x128xf32>, vector<128x128xf32>, vector<512x128xf32> -> vector<512x128xf32>
    %get3A_13 = arith.constant 0 : index
    %get3A_14 = arith.constant 0 : index
    %get3A_15 = vector.load %arg2[%get3A_13, %get3A_14] : memref<512x128xf32, #tpu.memory_space<vmem>>, vector<512x128xf32>
    %get3A_16 = arith.constant 0 : index
    %get3A_17 = arith.constant 0 : index
    %get3A_18 = vector.load %arg4[%get3A_16, %get3A_17] : memref<128x128xf32, #tpu.memory_space<vmem>>, vector<128x128xf32>
    %dot_general3A_19 = arith.constant dense<0.000000e+00> : vector<512x128xf32>
    %dot_general3A_20 = tpu.matmul %get3A_15, %get3A_18, %dot_general3A_19 {dimension_numbers = #tpu.dot_dimension_numbers<[1], [0], [0], [1], [0, 0, 1, 1], [], []>, transpose_lhs_hint = false} : vector<512x128xf32>, vector<128x128xf32>, vector<512x128xf32> -> vector<512x128xf32>
    %add3A_21 = arith.addf %dot_general3A_12, %dot_general3A_20 : vector<512x128xf32>
    %get3A_22 = arith.constant 0 : index
    %get3A_23 = arith.constant 0 : index
    %get3A_24 = vector.load %arg5[%get3A_22, %get3A_23] : memref<1x128xf32, #tpu.memory_space<vmem>>, vector<1x128xf32>
    %add3A_25 = vector.broadcast %get3A_24 : vector<1x128xf32> to vector<512x128xf32>
    %add3A_26 = arith.addf %add3A_21, %add3A_25 : vector<512x128xf32>
    %max3A = arith.constant 0.000000e+00 : f32
    %max3A_27 = vector.broadcast %max3A : f32 to vector<512x128xf32>
    %max3A_28 = arith.maximumf %add3A_26, %max3A_27 : vector<512x128xf32>
    %mul3A = arith.constant 512 : i32
    %mul3A_29 = arith.muli %arg0, %mul3A : i32
    %iota3A = tpu.iota {dimensions = array<i32: 0>} : vector<512x128xi32>
    %add3A_30 = vector.broadcast %mul3A_29 : i32 to vector<512x128xi32>
    %add3A_31 = arith.addi %add3A_30, %iota3A : vector<512x128xi32>
    %lt3A = arith.constant 10000 : i32
    %lt3A_32 = vector.broadcast %lt3A : i32 to vector<512x128xi32>
    %lt3A_33 = arith.cmpi slt, %add3A_31, %lt3A_32 : vector<512x128xi32>
    %jit3A = arith.constant 0.000000e+00 : f32
    %broadcast_in_dim3A = vector.broadcast %jit3A : f32 to vector<512x128xf32>
    %select_n3A = arith.select %lt3A_33, %max3A_28, %broadcast_in_dim3A : vector<512x128xi1>, vector<512x128xf32>
    %swap3A = arith.constant 0 : index
    %swap3A_34 = arith.constant 0 : index
    %swap3A_35 = vector.load %arg6[%swap3A, %swap3A_34] : memref<512x128xf32, #tpu.memory_space<vmem>>, vector<512x128xf32>
    tpu.vector_store %arg6[%swap3A, %swap3A_34], %select_n3A {strides = array<i32>} : memref<512x128xf32, #tpu.memory_space<vmem>>, vector<512x128xf32>,
    return
  }
  func.func @transform_0(%arg0: i32) -> (i32, i32, i32) {
    %c0_i32 = arith.constant 0 : i32
    %c0_i32_0 = arith.constant 0 : i32
    %c0_i32_1 = arith.constant 0 : i32
    return %c0_i32, %arg0, %c0_i32_0 : i32, i32, i32
  }
  func.func @transform_1(%arg0: i32) -> (i32, i32) {
    %c0_i32 = arith.constant 0 : i32
    %c0_i32_0 = arith.constant 0 : i32
    return %arg0, %c0_i32 : i32, i32
  }
  func.func @transform_2(%arg0: i32) -> (i32, i32) {
    %c0_i32 = arith.constant 0 : i32
    %c0_i32_0 = arith.constant 0 : i32
    %c0_i32_1 = arith.constant 0 : i32
    return %c0_i32, %c0_i32_0 : i32, i32
  }
  func.func @transform_3(%arg0: i32) -> (i32, i32) {
    %c0_i32 = arith.constant 0 : i32
    %c0_i32_0 = arith.constant 0 : i32
    %c0_i32_1 = arith.constant 0 : i32
    return %c0_i32, %c0_i32_0 : i32, i32
  }
  func.func @transform_4(%arg0: i32) -> (i32, i32) {
    %c0_i32 = arith.constant 0 : i32
    %c0_i32_0 = arith.constant 0 : i32
    %c0_i32_1 = arith.constant 0 : i32
    return %c0_i32, %c0_i32_0 : i32, i32
  }
  func.func @transform_5(%arg0: i32) -> (i32, i32) {
    %c0_i32 = arith.constant 0 : i32
    %c0_i32_0 = arith.constant 0 : i32
    return %arg0, %c0_i32 : i32, i32
  }
}

module attributes {stable_mosaic.version = 14 : i64} {
  func.func @body(%arg0: memref<2x1024x128xf32, #tpu.memory_space<vmem>>, %arg1: memref<1024x128xf32, #tpu.memory_space<vmem>>) attributes {dimension_semantics = [], scalar_prefetch = 0 : i64, scratch_operands = 0 : i64, tpu.core_type = #tpu.core_type<tc>} {
    %get3A = arith.constant 0 : index
    %get3A_0 = arith.constant 0 : index
    %get3A_1 = arith.constant 0 : index
    %get3A_2 = vector.load %arg0[%get3A, %get3A_0, %get3A_1] : memref<2x1024x128xf32, #tpu.memory_space<vmem>>, vector<1x1024x128xf32>
    %get3A_3 = vector.shape_cast %get3A_2 : vector<1x1024x128xf32> to vector<1024x128xf32>
    %get3A_4 = arith.constant 1 : index
    %get3A_5 = arith.constant 0 : index
    %get3A_6 = arith.constant 0 : index
    %get3A_7 = vector.load %arg0[%get3A_4, %get3A_5, %get3A_6] : memref<2x1024x128xf32, #tpu.memory_space<vmem>>, vector<1x1024x128xf32>
    %get3A_8 = vector.shape_cast %get3A_7 : vector<1x1024x128xf32> to vector<1024x128xf32>
    %add3A = arith.addf %get3A_3, %get3A_8 : vector<1024x128xf32>
    %iota3A = tpu.iota {dimensions = array<i32: 0>} : vector<1024x128xi32>
    %lt3A = arith.constant 1000 : i32
    %lt3A_9 = vector.broadcast %lt3A : i32 to vector<1024x128xi32>
    %lt3A_10 = arith.cmpi slt, %iota3A, %lt3A_9 : vector<1024x128xi32>
    %jit3A = arith.constant 0.000000e+00 : f32
    %broadcast_in_dim3A = vector.broadcast %jit3A : f32 to vector<1024x128xf32>
    %select_n3A = arith.select %lt3A_10, %add3A, %broadcast_in_dim3A : vector<1024x128xi1>, vector<1024x128xf32>
    %swap3A = arith.constant 0 : index
    %swap3A_11 = arith.constant 0 : index
    %swap3A_12 = vector.load %arg1[%swap3A, %swap3A_11] : memref<1024x128xf32, #tpu.memory_space<vmem>>, vector<1024x128xf32>
    tpu.vector_store %arg1[%swap3A, %swap3A_11], %select_n3A {strides = array<i32>} : memref<1024x128xf32, #tpu.memory_space<vmem>>, vector<1024x128xf32>,
    return
  }
}

module attributes {stable_mosaic.version = 14 : i64} {
  func.func @body(%arg0: memref<2x1024x128xf32, #tpu.memory_space<vmem>>, %arg1: memref<2x1024x128xf32, #tpu.memory_space<vmem>>, %arg2: memref<1024x128xf32, #tpu.memory_space<vmem>>, %arg3: memref<1024x128xf32, #tpu.memory_space<vmem>>, %arg4: memref<128x128xf32, #tpu.memory_space<vmem>>, %arg5: memref<128x128xf32, #tpu.memory_space<vmem>>, %arg6: memref<128x128xf32, #tpu.memory_space<vmem>>, %arg7: memref<128x128xf32, #tpu.memory_space<vmem>>, %arg8: memref<1x128xf32, #tpu.memory_space<vmem>>, %arg9: memref<1024x128xf32, #tpu.memory_space<vmem>>) attributes {dimension_semantics = [], scalar_prefetch = 0 : i64, scratch_operands = 0 : i64, tpu.core_type = #tpu.core_type<tc>} {
    %get3A = arith.constant 0 : index
    %get3A_0 = arith.constant 0 : index
    %get3A_1 = arith.constant 0 : index
    %get3A_2 = vector.load %arg0[%get3A, %get3A_0, %get3A_1] : memref<2x1024x128xf32, #tpu.memory_space<vmem>>, vector<1x1024x128xf32>
    %get3A_3 = vector.shape_cast %get3A_2 : vector<1x1024x128xf32> to vector<1024x128xf32>
    %get3A_4 = arith.constant 1 : index
    %get3A_5 = arith.constant 0 : index
    %get3A_6 = arith.constant 0 : index
    %get3A_7 = vector.load %arg0[%get3A_4, %get3A_5, %get3A_6] : memref<2x1024x128xf32, #tpu.memory_space<vmem>>, vector<1x1024x128xf32>
    %get3A_8 = vector.shape_cast %get3A_7 : vector<1x1024x128xf32> to vector<1024x128xf32>
    %add3A = arith.addf %get3A_3, %get3A_8 : vector<1024x128xf32>
    %get3A_9 = arith.constant 0 : index
    %get3A_10 = arith.constant 0 : index
    %get3A_11 = vector.load %arg4[%get3A_9, %get3A_10] : memref<128x128xf32, #tpu.memory_space<vmem>>, vector<128x128xf32>
    %dot_general3A = arith.constant dense<0.000000e+00> : vector<1024x128xf32>
    %dot_general3A_12 = tpu.matmul %add3A, %get3A_11, %dot_general3A {dimension_numbers = #tpu.dot_dimension_numbers<[1], [0], [0], [1], [0, 0, 1, 1], [], []>, transpose_lhs_hint = false} : vector<1024x128xf32>, vector<128x128xf32>, vector<1024x128xf32> -> vector<1024x128xf32>
    %get3A_13 = arith.constant 0 : index
    %get3A_14 = arith.constant 0 : index
    %get3A_15 = arith.constant 0 : index
    %get3A_16 = vector.load %arg1[%get3A_13, %get3A_14, %get3A_15] : memref<2x1024x128xf32, #tpu.memory_space<vmem>>, vector<1x1024x128xf32>
    %get3A_17 = vector.shape_cast %get3A_16 : vector<1x1024x128xf32> to vector<1024x128xf32>
    %get3A_18 = arith.constant 1 : index
    %get3A_19 = arith.constant 0 : index
    %get3A_20 = arith.constant 0 : index
    %get3A_21 = vector.load %arg1[%get3A_18, %get3A_19, %get3A_20] : memref<2x1024x128xf32, #tpu.memory_space<vmem>>, vector<1x1024x128xf32>
    %get3A_22 = vector.shape_cast %get3A_21 : vector<1x1024x128xf32> to vector<1024x128xf32>
    %add3A_23 = arith.addf %get3A_17, %get3A_22 : vector<1024x128xf32>
    %get3A_24 = arith.constant 0 : index
    %get3A_25 = arith.constant 0 : index
    %get3A_26 = vector.load %arg5[%get3A_24, %get3A_25] : memref<128x128xf32, #tpu.memory_space<vmem>>, vector<128x128xf32>
    %dot_general3A_27 = arith.constant dense<0.000000e+00> : vector<1024x128xf32>
    %dot_general3A_28 = tpu.matmul %add3A_23, %get3A_26, %dot_general3A_27 {dimension_numbers = #tpu.dot_dimension_numbers<[1], [0], [0], [1], [0, 0, 1, 1], [], []>, transpose_lhs_hint = false} : vector<1024x128xf32>, vector<128x128xf32>, vector<1024x128xf32> -> vector<1024x128xf32>
    %add3A_29 = arith.addf %dot_general3A_12, %dot_general3A_28 : vector<1024x128xf32>
    %get3A_30 = arith.constant 0 : index
    %get3A_31 = arith.constant 0 : index
    %get3A_32 = vector.load %arg2[%get3A_30, %get3A_31] : memref<1024x128xf32, #tpu.memory_space<vmem>>, vector<1024x128xf32>
    %get3A_33 = arith.constant 0 : index
    %get3A_34 = arith.constant 0 : index
    %get3A_35 = vector.load %arg6[%get3A_33, %get3A_34] : memref<128x128xf32, #tpu.memory_space<vmem>>, vector<128x128xf32>
    %dot_general3A_36 = arith.constant dense<0.000000e+00> : vector<1024x128xf32>
    %dot_general3A_37 = tpu.matmul %get3A_32, %get3A_35, %dot_general3A_36 {dimension_numbers = #tpu.dot_dimension_numbers<[1], [0], [0], [1], [0, 0, 1, 1], [], []>, transpose_lhs_hint = false} : vector<1024x128xf32>, vector<128x128xf32>, vector<1024x128xf32> -> vector<1024x128xf32>
    %add3A_38 = arith.addf %add3A_29, %dot_general3A_37 : vector<1024x128xf32>
    %get3A_39 = arith.constant 0 : index
    %get3A_40 = arith.constant 0 : index
    %get3A_41 = vector.load %arg3[%get3A_39, %get3A_40] : memref<1024x128xf32, #tpu.memory_space<vmem>>, vector<1024x128xf32>
    %get3A_42 = arith.constant 0 : index
    %get3A_43 = arith.constant 0 : index
    %get3A_44 = vector.load %arg7[%get3A_42, %get3A_43] : memref<128x128xf32, #tpu.memory_space<vmem>>, vector<128x128xf32>
    %dot_general3A_45 = arith.constant dense<0.000000e+00> : vector<1024x128xf32>
    %dot_general3A_46 = tpu.matmul %get3A_41, %get3A_44, %dot_general3A_45 {dimension_numbers = #tpu.dot_dimension_numbers<[1], [0], [0], [1], [0, 0, 1, 1], [], []>, transpose_lhs_hint = false} : vector<1024x128xf32>, vector<128x128xf32>, vector<1024x128xf32> -> vector<1024x128xf32>
    %add3A_47 = arith.addf %add3A_38, %dot_general3A_46 : vector<1024x128xf32>
    %get3A_48 = arith.constant 0 : index
    %get3A_49 = arith.constant 0 : index
    %get3A_50 = vector.load %arg8[%get3A_48, %get3A_49] : memref<1x128xf32, #tpu.memory_space<vmem>>, vector<1x128xf32>
    %add3A_51 = vector.broadcast %get3A_50 : vector<1x128xf32> to vector<1024x128xf32>
    %add3A_52 = arith.addf %add3A_47, %add3A_51 : vector<1024x128xf32>
    %max3A = arith.constant 0.000000e+00 : f32
    %max3A_53 = vector.broadcast %max3A : f32 to vector<1024x128xf32>
    %max3A_54 = arith.maximumf %add3A_52, %max3A_53 : vector<1024x128xf32>
    %iota3A = tpu.iota {dimensions = array<i32: 0>} : vector<1024x128xi32>
    %lt3A = arith.constant 1000 : i32
    %lt3A_55 = vector.broadcast %lt3A : i32 to vector<1024x128xi32>
    %lt3A_56 = arith.cmpi slt, %iota3A, %lt3A_55 : vector<1024x128xi32>
    %jit3A = arith.constant 0.000000e+00 : f32
    %broadcast_in_dim3A = vector.broadcast %jit3A : f32 to vector<1024x128xf32>
    %select_n3A = arith.select %lt3A_56, %max3A_54, %broadcast_in_dim3A : vector<1024x128xi1>, vector<1024x128xf32>
    %swap3A = arith.constant 0 : index
    %swap3A_57 = arith.constant 0 : index
    %swap3A_58 = vector.load %arg9[%swap3A, %swap3A_57] : memref<1024x128xf32, #tpu.memory_space<vmem>>, vector<1024x128xf32>
    tpu.vector_store %arg9[%swap3A, %swap3A_57], %select_n3A {strides = array<i32>} : memref<1024x128xf32, #tpu.memory_space<vmem>>, vector<1024x128xf32>,
    return
  }
}

module attributes {stable_mosaic.version = 14 : i64} {
  func.func @body(%arg0: memref<2x1024x128xf32, #tpu.memory_space<vmem>>, %arg1: memref<1024x128xf32, #tpu.memory_space<vmem>>, %arg2: memref<128x128xf32, #tpu.memory_space<vmem>>, %arg3: memref<128x128xf32, #tpu.memory_space<vmem>>, %arg4: memref<1x128xf32, #tpu.memory_space<vmem>>, %arg5: memref<1x1024xi32, #tpu.memory_space<vmem>>, %arg6: memref<128x128xf32, #tpu.memory_space<vmem>>, %arg7: memref<1x128xf32, #tpu.memory_space<vmem>>, %arg8: memref<128x10xf32, #tpu.memory_space<vmem>>, %arg9: memref<1x10xf32, #tpu.memory_space<vmem>>, %arg10: memref<8x10xf32, #tpu.memory_space<vmem>>) attributes {dimension_semantics = [], scalar_prefetch = 0 : i64, scratch_operands = 0 : i64, tpu.core_type = #tpu.core_type<tc>} {
    %get3A = arith.constant 0 : index
    %get3A_0 = arith.constant 0 : index
    %get3A_1 = arith.constant 0 : index
    %get3A_2 = vector.load %arg0[%get3A, %get3A_0, %get3A_1] : memref<2x1024x128xf32, #tpu.memory_space<vmem>>, vector<1x1024x128xf32>
    %get3A_3 = vector.shape_cast %get3A_2 : vector<1x1024x128xf32> to vector<1024x128xf32>
    %get3A_4 = arith.constant 1 : index
    %get3A_5 = arith.constant 0 : index
    %get3A_6 = arith.constant 0 : index
    %get3A_7 = vector.load %arg0[%get3A_4, %get3A_5, %get3A_6] : memref<2x1024x128xf32, #tpu.memory_space<vmem>>, vector<1x1024x128xf32>
    %get3A_8 = vector.shape_cast %get3A_7 : vector<1x1024x128xf32> to vector<1024x128xf32>
    %add3A = arith.addf %get3A_3, %get3A_8 : vector<1024x128xf32>
    %get3A_9 = arith.constant 0 : index
    %get3A_10 = arith.constant 0 : index
    %get3A_11 = vector.load %arg2[%get3A_9, %get3A_10] : memref<128x128xf32, #tpu.memory_space<vmem>>, vector<128x128xf32>
    %dot_general3A = arith.constant dense<0.000000e+00> : vector<1024x128xf32>
    %dot_general3A_12 = tpu.matmul %add3A, %get3A_11, %dot_general3A {dimension_numbers = #tpu.dot_dimension_numbers<[1], [0], [0], [1], [0, 0, 1, 1], [], []>, transpose_lhs_hint = false} : vector<1024x128xf32>, vector<128x128xf32>, vector<1024x128xf32> -> vector<1024x128xf32>
    %get3A_13 = arith.constant 0 : index
    %get3A_14 = arith.constant 0 : index
    %get3A_15 = vector.load %arg1[%get3A_13, %get3A_14] : memref<1024x128xf32, #tpu.memory_space<vmem>>, vector<1024x128xf32>
    %get3A_16 = arith.constant 0 : index
    %get3A_17 = arith.constant 0 : index
    %get3A_18 = vector.load %arg3[%get3A_16, %get3A_17] : memref<128x128xf32, #tpu.memory_space<vmem>>, vector<128x128xf32>
    %dot_general3A_19 = arith.constant dense<0.000000e+00> : vector<1024x128xf32>
    %dot_general3A_20 = tpu.matmul %get3A_15, %get3A_18, %dot_general3A_19 {dimension_numbers = #tpu.dot_dimension_numbers<[1], [0], [0], [1], [0, 0, 1, 1], [], []>, transpose_lhs_hint = false} : vector<1024x128xf32>, vector<128x128xf32>, vector<1024x128xf32> -> vector<1024x128xf32>
    %add3A_21 = arith.addf %dot_general3A_12, %dot_general3A_20 : vector<1024x128xf32>
    %get3A_22 = arith.constant 0 : index
    %get3A_23 = arith.constant 0 : index
    %get3A_24 = vector.load %arg4[%get3A_22, %get3A_23] : memref<1x128xf32, #tpu.memory_space<vmem>>, vector<1x128xf32>
    %add3A_25 = vector.broadcast %get3A_24 : vector<1x128xf32> to vector<1024x128xf32>
    %add3A_26 = arith.addf %add3A_21, %add3A_25 : vector<1024x128xf32>
    %max3A = arith.constant 0.000000e+00 : f32
    %max3A_27 = vector.broadcast %max3A : f32 to vector<1024x128xf32>
    %max3A_28 = arith.maximumf %add3A_26, %max3A_27 : vector<1024x128xf32>
    %iota3A = tpu.iota {dimensions = array<i32: 0>} : vector<8x1024xi32>
    %get3A_29 = arith.constant 0 : index
    %get3A_30 = arith.constant 0 : index
    %get3A_31 = vector.load %arg5[%get3A_29, %get3A_30] : memref<1x1024xi32, #tpu.memory_space<vmem>>, vector<1x1024xi32>
    %eq3A = vector.broadcast %get3A_31 : vector<1x1024xi32> to vector<8x1024xi32>
    %eq3A_32 = arith.cmpi eq, %iota3A, %eq3A : vector<8x1024xi32>
    %convert_element_type3A = arith.extui %eq3A_32 : vector<8x1024xi1> to vector<8x1024xi32>
    %convert_element_type3A_33 = arith.sitofp %convert_element_type3A : vector<8x1024xi32> to vector<8x1024xf32>
    %dot_general3A_34 = arith.constant dense<0.000000e+00> : vector<8x128xf32>
    %dot_general3A_35 = tpu.matmul %convert_element_type3A_33, %max3A_28, %dot_general3A_34 {dimension_numbers = #tpu.dot_dimension_numbers<[1], [0], [0], [1], [0, 0, 1, 1], [], []>, transpose_lhs_hint = false} : vector<8x1024xf32>, vector<1024x128xf32>, vector<8x128xf32> -> vector<8x128xf32>
    %reduce_sum3A = arith.constant dense<0.000000e+00> : vector<8xf32>
    %reduce_sum3A_36 = vector.multi_reduction <add>, %convert_element_type3A_33, %reduce_sum3A [1] : vector<8x1024xf32> to vector<8xf32>
    %broadcast_in_dim3A = vector.shape_cast %reduce_sum3A_36 : vector<8xf32> to vector<8x1xf32>
    %max3A_37 = arith.constant 1.000000e+00 : f32
    %max3A_38 = vector.broadcast %max3A_37 : f32 to vector<8x1xf32>
    %max3A_39 = arith.maximumf %broadcast_in_dim3A, %max3A_38 : vector<8x1xf32>
    %div3A = vector.broadcast %max3A_39 : vector<8x1xf32> to vector<8x128xf32>
    %div3A_40 = arith.divf %dot_general3A_35, %div3A : vector<8x128xf32>
    %get3A_41 = arith.constant 0 : index
    %get3A_42 = arith.constant 0 : index
    %get3A_43 = vector.load %arg6[%get3A_41, %get3A_42] : memref<128x128xf32, #tpu.memory_space<vmem>>, vector<128x128xf32>
    %dot_general3A_44 = arith.constant dense<0.000000e+00> : vector<8x128xf32>
    %dot_general3A_45 = tpu.matmul %div3A_40, %get3A_43, %dot_general3A_44 {dimension_numbers = #tpu.dot_dimension_numbers<[1], [0], [0], [1], [0, 0, 1, 1], [], []>, transpose_lhs_hint = false} : vector<8x128xf32>, vector<128x128xf32>, vector<8x128xf32> -> vector<8x128xf32>
    %get3A_46 = arith.constant 0 : index
    %get3A_47 = arith.constant 0 : index
    %get3A_48 = vector.load %arg7[%get3A_46, %get3A_47] : memref<1x128xf32, #tpu.memory_space<vmem>>, vector<1x128xf32>
    %add3A_49 = vector.broadcast %get3A_48 : vector<1x128xf32> to vector<8x128xf32>
    %add3A_50 = arith.addf %dot_general3A_45, %add3A_49 : vector<8x128xf32>
    %max3A_51 = arith.constant 0.000000e+00 : f32
    %max3A_52 = vector.broadcast %max3A_51 : f32 to vector<8x128xf32>
    %max3A_53 = arith.maximumf %add3A_50, %max3A_52 : vector<8x128xf32>
    %get3A_54 = arith.constant 0 : index
    %get3A_55 = arith.constant 0 : index
    %get3A_56 = vector.load %arg8[%get3A_54, %get3A_55] : memref<128x10xf32, #tpu.memory_space<vmem>>, vector<128x10xf32>
    %dot_general3A_57 = arith.constant dense<0.000000e+00> : vector<8x10xf32>
    %dot_general3A_58 = tpu.matmul %max3A_53, %get3A_56, %dot_general3A_57 {dimension_numbers = #tpu.dot_dimension_numbers<[1], [0], [0], [1], [0, 0, 1, 1], [], []>, transpose_lhs_hint = false} : vector<8x128xf32>, vector<128x10xf32>, vector<8x10xf32> -> vector<8x10xf32>
    %get3A_59 = arith.constant 0 : index
    %get3A_60 = arith.constant 0 : index
    %get3A_61 = vector.load %arg9[%get3A_59, %get3A_60] : memref<1x10xf32, #tpu.memory_space<vmem>>, vector<1x10xf32>
    %add3A_62 = vector.broadcast %get3A_61 : vector<1x10xf32> to vector<8x10xf32>
    %add3A_63 = arith.addf %dot_general3A_58, %add3A_62 : vector<8x10xf32>
    %swap3A = arith.constant 0 : index
    %swap3A_64 = arith.constant 0 : index
    %swap3A_65 = vector.load %arg10[%swap3A, %swap3A_64] : memref<8x10xf32, #tpu.memory_space<vmem>>, vector<8x10xf32>
    tpu.vector_store %arg10[%swap3A, %swap3A_64], %add3A_63 {strides = array<i32>} : memref<8x10xf32, #tpu.memory_space<vmem>>, vector<8x10xf32>,
    return
  }
}

</mosaic_0001>

<sc_bundles>
// kernel: kernel.15.cloned.1.call-start
scs
__scs_entry_jumppad:
0x0: {  	(pc) =	sbr.rel $0x88, $3  }
0x1: {  	(tag) =	ssettag $0x0;
	lr =	simm.s32 $0x1  }
0x2: {  	[smem:$0x3F88] =	sst lr;
	_ =	strace $0xD0000000  }
0x3: {  	_ = 	snop  }
0x4: {  	_ = 	snop  }
0x5: {  	_ = 	snop  }
0x6: {  	_ = 	snop  }
0x7: {  	_ = 	snop  }
__scs_overlays_trampoline_lowered:
0x8: {  	[smem:$0x3F97] =	sst s0  }
0x9: {  	[smem:$0x3F98] =	sst s1  }
0xa: {  	[smem:$0x3F99] =	sst s2  }
0xb: {  	[smem:$0x3F9A] =	sst s3  }
0xc: {  	[smem:$0x3F9B] =	sst s4  }
0xd: {  	[smem:$0x3F9C] =	sst s5  }
0xe: {  	[smem:$0x3F9D] =	sst s6  }
0xf: {  	[smem:$0x3F9E] =	sst s7  }
0x10: {  	[smem:$0x3F9F] =	sst s8  }
0x11: {  	[smem:$0x3FA0] =	sst s9;
	s0 =	simm.s32 @!p0 $0x0  }
0x12: {  	s1 =	sld [smem:$0x3F86];
	s0 =	simm.s32 @p0 $0x1  }
0x13: {  	[smem:$0x3FA1] =	sst s0;
	s0 =	simm.s32 @!p1 $0x0  }
0x14: {  	s2 =	sld [smem:$0x3F85];
	s0 =	simm.s32 @p1 $0x1  }
0x15: {  	[smem:$0x3FA2] =	sst s0;
	s0 =	simm.s32 @!p2 $0x0  }
0x16: {  	s3 =	sld [smem:$0x3FDB];
	s0 =	simm.s32 @p2 $0x1  }
0x17: {  	s4 =	simm.s32 $0x1BF5;
	[smem:$0x3FA4] =	sst s0  }
0x18: {  	s0 =	sld [smem:$0x3F87];
	_ =	swait.ge [sflag:s4], $0x0  }
0x19: {  	s7 =	sld [smem:$0x3F88]  }
0x1a: {  	s8 =	sadd.s32 $0xFFFFE003, lr  }
0x1b: {  	s9 =	sadd.s32 $0xFFFFFEF7, lr;
	s5 =	simm.s32 $0xFFFFFFFF;
	p2 =	slt.u32 s8, $0xFFFFF086  }
0x1c: {  	p1 =	slt.u32 s9, $0xF7A;
	s5 =	simm.s32 @!p2 $0x0  }
0x1d: {  	s5 =	simm.s32 @p1 $0x1;
	p0 =	seq.s32 s7, s2  }
0x1e: {  	s7 =	smul.u32 @!p0 $0xF7A, s2;
	p2 =	seq.s32 @!p0 s5, $0x0  }
0x1f: {  	s9 =	smul.u32 $0xF7A, s1;
	s8 =	simm.s32 @!p0 $0x1BF5;
	p2 =	por !p2, p0  }
0x20: {  	[sflag:s8] =	ssyncset.s32 @!p0 $0xFFFFF086;
	s6 =	sadd.s32 @!p0 s3, s7;
	s7 =	simm.s32 @!p0 $0x108  }
0x21: {  	s3 =	sadd.s32 s3, s9;
	s6 =	sadd.s32 @!p0 $0x88, s6;
	s7 =	simm.s32 @p2 $0x1082  }
0x22: {  	[simem:s7], [sflag:s8] =	dma.local @!p0 [hbm:s6], $0xF7A  }
0x23: {  	s9 =	sor.u32 $0xD0000000, s2;
	s6 =	simm.s32 $0x108;
	_ =	swait.ge @!p0 [sflag:s8], $0x0  }
0x24: {  	s3 =	sadd.s32 $0x88, s3;
	s6 =	simm.s32 @!p1 $0x1082;
	[sflag:s4] =	ssyncset.s32 $0xFFFFF086  }
0x25: {  	[simem:s6], [sflag:s4] =	dma.local [hbm:s3], $0xF7A  }
0x26: {  	[smem:$0x3F88] =	sst s1;
	(tag) =	ssettag s2;
	_ =	strace s9  }
0x27: {  	s1 =	sld [smem:$0x3F98]  }
0x28: {  	s2 =	sld [smem:$0x3F99]  }
0x29: {  	s4 =	sld [smem:$0x3F9B]  }
0x2a: {  	p0 =	seq.s32 s5, $0x0;
	s5 =	sld [smem:$0x3F9C]  }
0x2b: {  	s6 =	sld [smem:$0x3F9D]  }
0x2c: {  	s7 =	sld [smem:$0x3F9E]  }
0x2d: {  	s3 =	simm.s32 $0x108;
	s8 =	sld [smem:$0x3F9F]  }
0x2e: {  	s3 =	simm.s32 @!p0 $0x1082;
	s9 =	sld [smem:$0x3FA0]  }
0x2f: {  	lr =	sadd.s32 s0, s3;
	s0 =	sld [smem:$0x3F97]  }
0x30: {  	s3 =	sld [smem:$0x3F9A]  }
0x31: {  	[smem:$0x3FA3] =	sst s10  }
0x32: {  	s10 =	sld [smem:$0x3FA1];
	_ =	sdelay $0x3  }
0x33: {  	p0 =	seq.s32 s10, $0x1;
	s10 =	sld [smem:$0x3FA3];
	_ =	sdelay $0x3  }
0x34: {  	[smem:$0x3FA3] =	sst s10  }
0x35: {  	s10 =	sld [smem:$0x3FA2];
	_ =	sdelay $0x3  }
0x36: {  	p1 =	seq.s32 s10, $0x1;
	s10 =	sld [smem:$0x3FA3];
	_ =	sdelay $0x3  }
0x37: {  	[smem:$0x3FA3] =	sst s10  }
0x38: {  	s10 =	sld [smem:$0x3FA4]  }
0x39: {  	_ = 	snop;
	(pc) =	sbr.ind lr, $3  }
0x3a: {  	_ = 	snop  }
0x3b: {  	_ = 	snop  }
0x3c: {  	p2 =	seq.s32 s10, $0x1;
	s10 =	sld [smem:$0x3FA3]  }
0x3d: {  	_ =	shalt  }
0x3e: {  	_ =	shalt  }
0x3f: {  	_ =	shalt  }
0x40: {  	_ =	shalt  }
0x41: {  	_ =	shalt  }
0x42: {  	_ =	shalt  }
0x43: {  	_ =	shalt  }
0x44: {  	_ =	shalt  }
0x45: {  	_ =	shalt  }
0x46: {  	_ =	shalt  }
0x47: {  	_ =	shalt  }
0x48: {  	_ =	shalt  }
0x49: {  	_ =	shalt  }
0x4a: {  	_ =	shalt  }
0x4b: {  	_ =	shalt  }
0x4c: {  	_ =	shalt  }
0x4d: {  	_ =	shalt  }
0x4e: {  	_ =	shalt  }
0x4f: {  	_ =	shalt  }
0x50: {  	_ =	shalt  }
0x51: {  	_ =	shalt  }
0x52: {  	_ =	shalt  }
0x53: {  	_ =	shalt  }
0x54: {  	_ =	shalt  }
0x55: {  	_ =	shalt  }
0x56: {  	_ =	shalt  }
0x57: {  	_ =	shalt  }
0x58: {  	_ =	shalt  }
0x59: {  	_ =	shalt  }
0x5a: {  	_ =	shalt  }
0x5b: {  	_ =	shalt  }
0x5c: {  	_ =	shalt  }
0x5d: {  	_ =	shalt  }
0x5e: {  	_ =	shalt  }
0x5f: {  	_ =	shalt  }
0x60: {  	_ =	shalt  }
0x61: {  	_ =	shalt  }
0x62: {  	_ =	shalt  }
0x63: {  	_ =	shalt  }
0x64: {  	_ =	shalt  }
0x65: {  	_ =	shalt  }
0x66: {  	_ =	shalt  }
0x67: {  	_ =	shalt  }
0x68: {  	_ =	shalt  }
0x69: {  	_ =	shalt  }
0x6a: {  	_ =	shalt  }
0x6b: {  	_ =	shalt  }
0x6c: {  	_ =	shalt  }
0x6d: {  	_ =	shalt  }
0x6e: {  	_ =	shalt  }
0x6f: {  	_ =	shalt  }
0x70: {  	_ =	shalt  }
0x71: {  	_ =	shalt  }
0x72: {  	_ =	shalt  }
0x73: {  	_ =	shalt  }
0x74: {  	_ =	shalt  }
0x75: {  	_ =	shalt  }
0x76: {  	_ =	shalt  }
0x77: {  	_ =	shalt  }
0x78: {  	_ =	shalt  }
0x79: {  	_ =	shalt  }
0x7a: {  	_ =	shalt  }
0x7b: {  	_ =	shalt  }
0x7c: {  	_ =	shalt  }
0x7d: {  	_ =	shalt  }
0x7e: {  	_ =	shalt  }
0x7f: {  	_ =	shalt  }
0x80: {  	_ =	shalt  }
0x81: {  	_ =	shalt  }
0x82: {  	_ =	shalt  }
0x83: {  	_ =	shalt  }
0x84: {  	_ =	shalt  }
0x85: {  	_ =	shalt  }
0x86: {  	_ =	shalt  }
0x87: {  	_ =	shalt  }
.Lfunc_end0:
.L_simem_size_0:
called_computation_lowered:
.L_overlay_start_0:
0x88: {  	s2 =	sld [smem:$0x3FD9]  }
0x89: {  	s3 =	sld [smem:$0x3FFE];
	_ =	sdelay $0x1  }
0x8a: {  	s1 =	srdreg.scid  }
0x8b: {  	s0 =	sand.u32 $0x1, s1  }
0x8c: {  	s16 =	sshll.u32 s0, $0xA;
	s2 =	sadd.s32 s3, s2  }
0x8d: {  	s2 =	sadd.s32 s2, s16  }
0x8e: {  	[smem:$0x3FAF] =	sst s2  }
0x8f: {  	_ = 	snop  }
0x90: {  	(tm) =	ssettm $0x1  }
0x91: {  	s17 =	sld [smem:$0x3FFB];
	_ =	sdelay $0x3  }
0x92: {  	_ =	strace s17  }
0x93: {  	s2 =	sld [smem:$0x3FFC];
	_ =	sdelay $0x3  }
0x94: {  	_ =	strace s2  }
0x95: {  	s2 =	sld [smem:$0x3FFD];
	_ =	sdelay $0x3  }
0x96: {  	_ =	strace s2  }
0x97: {  	_ =	strace $0x8FFFFFFF  }
0x98: {  	s18 =	sld [smem:$0x3FDB];
	_ =	sdelay $0x1  }
0x99: {  	s19 =	simm.s32 $_scs_section_size  }
0x9a: {  	s4 =	simm.s32 $_size__tile_overlayer_lowered;
	s5 =	simm.s32 $_tile_overlayer_lowered  }
0x9b: {  	s22 =	simm.s32 $0x1BFF;
	s21 =	sshll.u32 s5, $0x1;
	s2 =	sadd.s32 s19, s18  }
0x9c: {  	s6 =	simm.s32 $0x0;
	s20 =	sshll.u32 s4, $0x1;
	s4 =	sadd.s32 s21, s2  }
0x9d: {  	[timem:s6], [sflag:s22] =	dma.local [hbm:s4], s20  }
0x9e: {  	_ =	swait.ge [sflag:s22], s20  }
0x9f: {  	s3 =	ssub.s32 $0x0, s20;
	[sflag:s22] =	ssyncset.done $0x0  }
0xa0: {  	[sflag:s22] =	ssyncadd.s32 s3;
	_ =	sdelay $0x1  }
0xa1: {  	s23 =	simm.s32 $0x1B8B  }
0xa2: {  	_ =	swait.ge [sflag:s23], $0x1  }
0xa3: {  	[sflag:s23] =	ssyncset.done $0x0  }
0xa4: {  	s25 =	simm.s32 $0x1B8E;
	s24 =	sld [smem:$0x3FFE];
	[sflag:s23] =	ssyncadd.s32 $0xFFFFFFFF  }
0xa5: {  	s26 =	simm.s32 $execute0_lowered;
	[smem:$0x3FD2] =	sst s25  }
0xa6: {  	s4 =	sshll.u32 s26, $0x1;
	_ =	strace $0x80000046;
	[dreg:$0x1] =	wrdreg $0xFFFFFFFF  }
0xa7: {  	s28 =	simm.s32 $_size_execute0_lowered;
	s2 =	sadd.s32 s2, s4;
	[dreg:$0x0] =	wrdreg $0x0  }
0xa8: {  	s4 =	sshll.u32 s28, $0x1;
	[dreg:$0x2] =	wrdreg s2  }
0xa9: {  	[dreg:$0x3] =	wrdreg s4  }
0xaa: {  	[dreg:$0x4] =	wrdreg $0xC0  }
0xab: {  	_ =	task [dreg:s6], $0x5FFFF  }
0xac: {  	[dreg:$0x1] =	wrdreg $0xFFFFFFFF  }
0xad: {  	[dreg:$0x0] =	wrdreg $0x60  }
0xae: {  	[dreg:$0x2] =	wrdreg s24  }
0xaf: {  	[dreg:$0x3] =	wrdreg $0xA8000  }
0xb0: {  	[dreg:$0x4] =	wrdreg $0x9  }
0xb1: {  	_ =	task.clear_ibuf [dreg:s6], $0x5FFFF;
	_ =	strace $0x90000046  }
0xb2: {  	s29 =	simm.s32 $0x9;
	_ =	strace $0x80000048  }
0xb3: {  	_ =	swait.ge [sflag:s29], $0x1  }
0xb4: {  	[sflag:s29] =	ssyncadd.s32 $0xFFFFFFFF  }
0xb5: {  	_ =	strace $0x90000048  }
0xb6: {  	_ =	sfence  }
0xb7: {  	s30 =	sld [smem:$0x0];
	_ =	sdelay $0x2  }
0xb8: {  	s31 =	sshll.u32 s1, $0xD;
	s1 =	sshrl.u32 s1, $0x2  }
0xb9: {  	s3 =	sand.u32 $0x4000, s31;
	s1 =	sadd.s32 s1, s30  }
0xba: {  	s0 =	sor.u32 s3, s0;
	s1 =	sshll.u32 s1, $0x11  }
0xbb: {  	s0 =	sor.u32 s1, s0  }
0xbc: {  	s0 =	sadd.s32 $0x8F2B, s0  }
0xbd: {  	[sflag:s0] =	ssyncadd.remote.s32 $0x1  }
0xbe: {  	_ =	sfence.sel $0xFFFF  }
0xbf: {  	[dreg:$0x0] =	wrdreg $0xFFFFFFFF;
	(pc) =	sbr.abs _section_cstart, $3  }
0xc0: {  	[dreg:$0x1] =	wrdreg $0xFFFFFFFF  }
0xc1: {  	_ =	task.clear_ibuf [dreg:s6], $0x2FFFF;
	_ =	strace $0x9FFFFFFF  }
0xc2: {  	(tm) =	ssettm $0x7FFFFFFF  }
0xc3: {  	_ =	shalt  }
tec
execute0_lowered:
.L_overlay_start_1:
0x0: {  	(tag) =	ssettag $0x1  }
0x1: {  	s6 =	rddreg [dreg:$0x0];
	s1 =	srdreg.scid  }
0x2: {  	s0 =	stileid.u32;
	s2 =	rddreg [dreg:$0x1]  }
0x3: {  	s3 =	simm.s32 $0x0;
	s14 =	simm.s32 $0x80;
	s15 =	simm.s32 $0x2800  }
0x4: {  	s16 =	simm.s32 $0x1;
	s17 =	simm.s32 $0x6800;
	s18 =	simm.s32 $0x2  }
0x5: {  	s19 =	simm.s32 $0x3;
	s20 =	simm.s32 $0x4;
	s21 =	simm.s32 $0x1380  }
0x6: {  	s22 =	simm.s32 $0x2700;
	s23 =	simm.s32 $0x2780;
	s5 =	sand.u32 $0x1, s1  }
0x7: {  	s4 =	sshll.u32 s0, $0x1;
	s1 =	rddreg [dreg:$0x2];
	s10 =	smul.u32 $0x4F000, s0  }
0x8: {  	[smem:$0x7FF] =	sst s3;
	s25 =	smul.u32 $0x2780, s0;
	s31 =	sshll.u32 s0, $0x6  }
0x9: {  	s4 =	sor.u32 s5, s4;
	_ =	strace $0x80000047;
	s8 =	smul.u32 $0x27800, s5  }
0xa: {  	s9 =	ssub.s32 $0x2, s5;
	s5 =	sadd.s32 $0x41600, s6;
	s7 =	smul.u32 $0x500, s4  }
0xb: {  	s4 =	sadd.s32 $0x6400, s6;
	s29 =	sshrl.u32 s9, $0x1;
	s30 =	sshrl.u32 s10, $0x2  }
0xc: {  	s10 =	simm.s32 $0x5;
	s12 =	sadd.s32 s8, s6;
	s9 =	ssub.s32 s9, s29  }
0xd: {  	s13 =	sadd.s32 s30, s2;
	s11 =	sadd.s32 s7, s6;
	s24 =	sadd.s32 $0x43E00, s12  }
0xe: {  	s9 =	smax.u32 s9, $0x1;
	s12 =	sor.u32 $0x1C05, s31;
	s13 =	sshrl.u32 s13, $0x3  }
0xf: {  	s6 =	sadd.s32 $0x2D600, s11;
	s7 =	sadd.s32 $0x37600, s11;
	s8 =	sadd.s32 $0x2D880, s11  }
0x10: {  	s11 =	simm.s32 $0x1400;
	s24 =	sadd.s32 s25, s24;
	s25 =	simm.s32 $0x0  }
.LBB2_1:
0x11: {  	[tilespmem:s3], [sflag:$0x5] =	stream.linear.gather [hbm4b:s6+s3], $0x1400, $0x38;
	[tilespmem:$0x1E400] =	vst v63  }
0x12: {  	_ =	swait.ge [sflag:s10], $0x1400  }
0x13: {  	[sflag:s10] =	ssyncset.done $0x0  }
0x14: {  	[sflag:s10] =	ssyncadd.s32 $0xFFFFEC00  }
0x15: {  	[tilespmem:s11], [sflag:$0x5] =	stream.linear.gather [hbm4b:s7+s3], $0x1400, $0x38;
	[tilespmem:$0x1E400] =	vst v63  }
0x16: {  	_ =	swait.ge [sflag:s10], $0x1400  }
0x17: {  	[sflag:s10] =	ssyncset.done $0x0  }
0x18: {  	[sflag:s10] =	ssyncadd.s32 $0xFFFFEC00  }
0x19: {  	[spmem:s13], [sflag:s12] =	dma.local [hbm:s5], $0x2780  }
0x1a: {  	_ =	swait.ge [sflag:s10], $0x2780  }
0x1b: {  	[sflag:s10] =	ssyncset.done $0x0  }
0x1c: {  	[sflag:s10] =	ssyncadd.s32 $0xFFFFD880  }
0x1d: {  	[tilespmem:s15], [sflag:$0x1] =	stream.indirect.gather [hbm4b:s4+s14], $0x80, s3, s14, $0xb8;
	[tilespmem:$0x1E400] =	vst v63  }
0x1e: {  	[bflag:$0x0] =	sbarrier.arrive $0xFFFF  }
0x1f: {  	_ =	swait.ge [sflag:s16], $0x4000  }
0x20: {  	[sflag:s16] =	ssyncset.done $0x0  }
0x21: {  	s26 =	simm.s32 $0x80;
	[sflag:s16] =	ssyncadd.s32 $0xFFFFC000  }
0x22: {  	[tilespmem:s17], [sflag:$0x2] =	stream.indirect.gather [hbm4b:s4+s14], $0x80, s26, s14, $0xb8;
	[tilespmem:$0x1E400] =	vst v63  }
0x23: {  	s29 =	simm.s32 $0x1400  }
0x24: {  	[spmem:s2] =	stream.indirect.scatter.add.f32 [tilespmem:s15], [sflag:$0x3], $0x80, s29, s14, $0xb8;
	[tilespmem:$0x1E400] =	vst v63  }
0x25: {  	_ =	swait.ge [sflag:s18], $0x4000  }
0x26: {  	[sflag:s18] =	ssyncset.done $0x0  }
0x27: {  	[sflag:s18] =	ssyncadd.s32 $0xFFFFC000  }
0x28: {  	_ =	swait.ge [sflag:s19], $0x4000  }
0x29: {  	[sflag:s19] =	ssyncset.done $0x0  }
0x2a: {  	s30 =	simm.s32 $0x1480;
	[sflag:s19] =	ssyncadd.s32 $0xFFFFC000  }
0x2b: {  	[spmem:s2] =	stream.indirect.scatter.add.f32 [tilespmem:s17], [sflag:$0x4], $0x80, s30, s14, $0xb8;
	[tilespmem:$0x1E400] =	vst v63  }
0x2c: {  	s31 =	simm.s32 $0x100  }
0x2d: {  	[tilespmem:s15], [sflag:$0x1] =	stream.indirect.gather [hbm4b:s4+s14], $0x80, s31, s14, $0xb8;
	[tilespmem:$0x1E400] =	vst v63  }
0x2e: {  	_ =	swait.ge [sflag:s20], $0x4000  }
0x2f: {  	s26 =	simm.s32 $0x400;
	[sflag:s20] =	ssyncset.done $0x0  }
.LBB2_2:
0x30: {  	p0 =	sne.s32 s26, $0x4800  }
0x31: {  	[sflag:s20] =	ssyncadd.s32 $0xFFFFC000;
	s28 =	smov.u32 s26;
	s26 =	sadd.s32 $0x400, s26  }
0x32: {  	_ = 	snop  }
0x33: {  	_ =	swait.ge [sflag:s16], $0x4000  }
0x34: {  	s28 =	sshra.s32 s28, $0x2;
	[sflag:s16] =	ssyncset.done $0x0  }
0x35: {  	s29 =	sadd.s32 $0x80, s28;
	[sflag:s16] =	ssyncadd.s32 $0xFFFFC000  }
0x36: {  	[tilespmem:s17], [sflag:$0x2] =	stream.indirect.gather [hbm4b:s4+s14], $0x80, s29, s14, $0xb8;
	[tilespmem:$0x1E400] =	vst v63  }
0x37: {  	s29 =	sadd.s32 $0x1400, s28  }
0x38: {  	[spmem:s2] =	stream.indirect.scatter.add.f32 [tilespmem:s15], [sflag:$0x3], $0x80, s29, s14, $0xb8;
	[tilespmem:$0x1E400] =	vst v63  }
0x39: {  	_ =	swait.ge [sflag:s18], $0x4000  }
0x3a: {  	[sflag:s18] =	ssyncset.done $0x0  }
0x3b: {  	[sflag:s18] =	ssyncadd.s32 $0xFFFFC000  }
0x3c: {  	_ =	swait.ge [sflag:s19], $0x4000  }
0x3d: {  	[sflag:s19] =	ssyncset.done $0x0  }
0x3e: {  	s29 =	sadd.s32 $0x1480, s28;
	[sflag:s19] =	ssyncadd.s32 $0xFFFFC000  }
0x3f: {  	[spmem:s2] =	stream.indirect.scatter.add.f32 [tilespmem:s17], [sflag:$0x4], $0x80, s29, s14, $0xb8;
	[tilespmem:$0x1E400] =	vst v63  }
.Ltmp0:
0x40: {  	_ = 	snop;
	(pc) =	sbr.rel @p0 .LBB2_2-.Ltmp0, $4  }
0x41: {  	s28 =	sadd.s32 $0x100, s28  }
0x42: {  	[tilespmem:s15], [sflag:$0x1] =	stream.indirect.gather [hbm4b:s4+s14], $0x80, s28, s14, $0xb8;
	[tilespmem:$0x1E400] =	vst v63  }
0x43: {  	_ =	swait.ge [sflag:s20], $0x4000  }
0x44: {  	[sflag:s20] =	ssyncset.done $0x0  }
0x45: {  	[sflag:s20] =	ssyncadd.s32 $0xFFFFC000  }
0x46: {  	_ =	swait.ge [sflag:s16], $0x4000  }
0x47: {  	[sflag:s16] =	ssyncset.done $0x0  }
0x48: {  	[sflag:s16] =	ssyncadd.s32 $0xFFFFC000  }
0x49: {  	[tilespmem:s17], [sflag:$0x2] =	stream.indirect.gather [hbm4b:s4+s14], $0x80, s21, s14, $0xb8;
	[tilespmem:$0x1E400] =	vst v63  }
0x4a: {  	_ = 	snop  }
0x4b: {  	[spmem:s2] =	stream.indirect.scatter.add.f32 [tilespmem:s15], [sflag:$0x3], $0x80, s22, s14, $0xb8;
	[tilespmem:$0x1E400] =	vst v63  }
0x4c: {  	_ =	swait.ge [sflag:s18], $0x4000  }
0x4d: {  	[sflag:s18] =	ssyncset.done $0x0  }
0x4e: {  	[sflag:s18] =	ssyncadd.s32 $0xFFFFC000  }
0x4f: {  	_ =	swait.ge [sflag:s19], $0x4000  }
0x50: {  	[sflag:s19] =	ssyncset.done $0x0  }
0x51: {  	[sflag:s19] =	ssyncadd.s32 $0xFFFFC000  }
0x52: {  	[spmem:s2] =	stream.indirect.scatter.add.f32 [tilespmem:s17], [sflag:$0x4], $0x80, s23, s14, $0xb8;
	[tilespmem:$0x1E400] =	vst v63  }
0x53: {  	s26 =	simm.s32 $0x0  }
0x54: {  	[tilespmem:s15], [sflag:$0x1] =	stream.indirect.gather [hbm4b:s4+s14], $0x80, s26, s14, $0xb8;
	[tilespmem:$0x1E400] =	vst v63  }
0x55: {  	_ =	swait.ge [sflag:s20], $0x4000  }
0x56: {  	[sflag:s20] =	ssyncset.done $0x0  }
0x57: {  	[sflag:s20] =	ssyncadd.s32 $0xFFFFC000  }
0x58: {  	_ =	swait.ge [sflag:s16], $0x4000  }
0x59: {  	[sflag:s16] =	ssyncset.done $0x0  }
0x5a: {  	[sflag:s16] =	ssyncadd.s32 $0xFFFFC000  }
0x5b: {  	[tilespmem:s26], [sflag:$0x5] =	stream.linear.gather [hbm4b:s8+s26], $0x1400, $0x38;
	[tilespmem:$0x1E400] =	vst v63  }
0x5c: {  	_ =	swait.ge [sflag:s10], $0x1400  }
0x5d: {  	[sflag:s10] =	ssyncset.done $0x0  }
0x5e: {  	s28 =	sadd.s32 $0x280, s7;
	[sflag:s10] =	ssyncadd.s32 $0xFFFFEC00  }
0x5f: {  	[tilespmem:s11], [sflag:$0x5] =	stream.linear.gather [hbm4b:s28+s26], $0x1400, $0x38;
	[tilespmem:$0x1E400] =	vst v63  }
0x60: {  	_ =	swait.ge [sflag:s10], $0x1400  }
0x61: {  	[sflag:s10] =	ssyncset.done $0x0  }
0x62: {  	[sflag:s10] =	ssyncadd.s32 $0xFFFFEC00  }
0x63: {  	[tilespmem:s15], [sflag:$0x1] =	stream.indirect.gather [hbm4b:s4+s14], $0x80, s26, s14, $0xb8;
	[tilespmem:$0x1E400] =	vst v63  }
0x64: {  	_ =	swait.ge [sflag:s16], $0x4000  }
0x65: {  	[sflag:s16] =	ssyncset.done $0x0  }
0x66: {  	s28 =	simm.s32 $0x80;
	[sflag:s16] =	ssyncadd.s32 $0xFFFFC000  }
0x67: {  	[tilespmem:s17], [sflag:$0x2] =	stream.indirect.gather [hbm4b:s4+s14], $0x80, s28, s14, $0xb8;
	[tilespmem:$0x1E400] =	vst v63  }
0x68: {  	s29 =	simm.s32 $0x1400  }
0x69: {  	[spmem:s2] =	stream.indirect.scatter.add.f32 [tilespmem:s15], [sflag:$0x3], $0x80, s29, s14, $0xb8;
	[tilespmem:$0x1E400] =	vst v63  }
0x6a: {  	_ =	swait.ge [sflag:s18], $0x4000  }
0x6b: {  	[sflag:s18] =	ssyncset.done $0x0  }
0x6c: {  	[sflag:s18] =	ssyncadd.s32 $0xFFFFC000  }
0x6d: {  	_ =	swait.ge [sflag:s19], $0x4000  }
0x6e: {  	[sflag:s19] =	ssyncset.done $0x0  }
0x6f: {  	s30 =	simm.s32 $0x1480;
	[sflag:s19] =	ssyncadd.s32 $0xFFFFC000  }
0x70: {  	[spmem:s2] =	stream.indirect.scatter.add.f32 [tilespmem:s17], [sflag:$0x4], $0x80, s30, s14, $0xb8;
	[tilespmem:$0x1E400] =	vst v63  }
0x71: {  	s31 =	simm.s32 $0x100  }
0x72: {  	[tilespmem:s15], [sflag:$0x1] =	stream.indirect.gather [hbm4b:s4+s14], $0x80, s31, s14, $0xb8;
	[tilespmem:$0x1E400] =	vst v63  }
0x73: {  	_ =	swait.ge [sflag:s20], $0x4000  }
0x74: {  	s26 =	simm.s32 $0x400;
	[sflag:s20] =	ssyncset.done $0x0  }
.LBB2_4:
0x75: {  	p0 =	sne.s32 s26, $0x4800  }
0x76: {  	[sflag:s20] =	ssyncadd.s32 $0xFFFFC000;
	s28 =	smov.u32 s26;
	s26 =	sadd.s32 $0x400, s26  }
0x77: {  	_ = 	snop  }
0x78: {  	_ =	swait.ge [sflag:s16], $0x4000  }
0x79: {  	s28 =	sshra.s32 s28, $0x2;
	[sflag:s16] =	ssyncset.done $0x0  }
0x7a: {  	s29 =	sadd.s32 $0x80, s28;
	[sflag:s16] =	ssyncadd.s32 $0xFFFFC000  }
0x7b: {  	[tilespmem:s17], [sflag:$0x2] =	stream.indirect.gather [hbm4b:s4+s14], $0x80, s29, s14, $0xb8;
	[tilespmem:$0x1E400] =	vst v63  }
0x7c: {  	s29 =	sadd.s32 $0x1400, s28  }
0x7d: {  	[spmem:s2] =	stream.indirect.scatter.add.f32 [tilespmem:s15], [sflag:$0x3], $0x80, s29, s14, $0xb8;
	[tilespmem:$0x1E400] =	vst v63  }
0x7e: {  	_ =	swait.ge [sflag:s18], $0x4000  }
0x7f: {  	[sflag:s18] =	ssyncset.done $0x0  }
0x80: {  	[sflag:s18] =	ssyncadd.s32 $0xFFFFC000  }
0x81: {  	_ =	swait.ge [sflag:s19], $0x4000  }
0x82: {  	[sflag:s19] =	ssyncset.done $0x0  }
0x83: {  	s29 =	sadd.s32 $0x1480, s28;
	[sflag:s19] =	ssyncadd.s32 $0xFFFFC000  }
0x84: {  	[spmem:s2] =	stream.indirect.scatter.add.f32 [tilespmem:s17], [sflag:$0x4], $0x80, s29, s14, $0xb8;
	[tilespmem:$0x1E400] =	vst v63  }
.Ltmp1:
0x85: {  	_ = 	snop;
	(pc) =	sbr.rel @p0 .LBB2_4-.Ltmp1, $4  }
0x86: {  	s28 =	sadd.s32 $0x100, s28  }
0x87: {  	[tilespmem:s15], [sflag:$0x1] =	stream.indirect.gather [hbm4b:s4+s14], $0x80, s28, s14, $0xb8;
	[tilespmem:$0x1E400] =	vst v63  }
0x88: {  	_ =	swait.ge [sflag:s20], $0x4000  }
0x89: {  	[sflag:s20] =	ssyncset.done $0x0  }
0x8a: {  	[sflag:s20] =	ssyncadd.s32 $0xFFFFC000  }
0x8b: {  	_ =	swait.ge [sflag:s16], $0x4000  }
0x8c: {  	[sflag:s16] =	ssyncset.done $0x0  }
0x8d: {  	[sflag:s16] =	ssyncadd.s32 $0xFFFFC000  }
0x8e: {  	[tilespmem:s17], [sflag:$0x2] =	stream.indirect.gather [hbm4b:s4+s14], $0x80, s21, s14, $0xb8;
	[tilespmem:$0x1E400] =	vst v63  }
0x8f: {  	_ = 	snop  }
0x90: {  	[spmem:s2] =	stream.indirect.scatter.add.f32 [tilespmem:s15], [sflag:$0x3], $0x80, s22, s14, $0xb8;
	[tilespmem:$0x1E400] =	vst v63  }
0x91: {  	_ =	swait.ge [sflag:s18], $0x4000  }
0x92: {  	[sflag:s18] =	ssyncset.done $0x0  }
0x93: {  	[sflag:s18] =	ssyncadd.s32 $0xFFFFC000  }
0x94: {  	_ =	swait.ge [sflag:s19], $0x4000  }
0x95: {  	[sflag:s19] =	ssyncset.done $0x0  }
0x96: {  	[sflag:s19] =	ssyncadd.s32 $0xFFFFC000  }
0x97: {  	[spmem:s2] =	stream.indirect.scatter.add.f32 [tilespmem:s17], [sflag:$0x4], $0x80, s23, s14, $0xb8;
	[tilespmem:$0x1E400] =	vst v63  }
0x98: {  	_ = 	snop  }
0x99: {  	[tilespmem:s15], [sflag:$0x1] =	stream.indirect.gather [hbm4b:s4+s14], $0x80, s3, s14, $0xb8;
	[tilespmem:$0x1E400] =	vst v63  }
0x9a: {  	_ =	swait.ge [sflag:s20], $0x4000  }
0x9b: {  	[sflag:s20] =	ssyncset.done $0x0  }
0x9c: {  	[sflag:s20] =	ssyncadd.s32 $0xFFFFC000  }
0x9d: {  	_ =	swait.ge [sflag:s16], $0x4000  }
0x9e: {  	s25 =	sadd.s32 $0x1, s25;
	[sflag:s16] =	ssyncset.done $0x0  }
0x9f: {  	p0 =	sne.s32 s25, s9;
	[sflag:s16] =	ssyncadd.s32 $0xFFFFC000  }
.Ltmp2:
0xa0: {  	[bflag:$0x0] =	sbarrier.arrive $0xFFFF;
	(pc) =	sbr.rel @p0 .LBB2_1-.Ltmp2, $4  }
0xa1: {  	[hbm:s24], [sflag:s12] =	dma.local [spmem:s13], $0x2780  }
0xa2: {  	_ =	swait.ge [sflag:s10], $0x2780  }
0xa3: {  	[sflag:s10] =	ssyncset.done $0x0  }
0xa4: {  	[sflag:s10] =	ssyncadd.s32 $0xFFFFD880  }
0xa5: {  	_ =	sfence.sel $0x180000  }
0xa6: {  	[bflag:$0x0] =	sbarrier.arrive $0xFFFF  }
0xa7: {  	p0 =	sne.s32 s0, $0x0;
	_ =	strace $0x90000047  }
0xa8: {  	s0 =	sadd.s32 @!p0 $0x100000, s1;
	[bflag:$0x2] =	sbarrier.arrive $0xFFFF  }
0xa9: {  	[sflag:s0] =	ssyncadd.tile.s32 @!p0 $0x1;
	_ =	shalt  }
.Lfunc_end2:
_tile_overlayer_lowered:
.L_overlay_start_2:
0xaa: {  	(tag) =	ssettag $0x2  }
0xab: {  	s0 =	rddreg [dreg:$0x0];
	s2 =	stileid.u32  }
0xac: {  	s1 =	rddreg [dreg:$0x1];
	p0 =	sne.s32 s2, $0x0  }
0xad: {  	s3 =	rddreg [dreg:$0x2];
	[bflag:$0x3] =	sbarrier.arrive $0xFFFF;
	s2 =	simm.s32 @!p0 $0x1C05  }
0xae: {  	[timem:s3], [sflag:s2] =	dma.local @!p0 [hbm:s0], s1  }
0xaf: {  	s0 =	simm.s32 @!p0 $0x5  }
0xb0: {  	_ =	swait.ge @!p0 [sflag:s0], s1  }
0xb1: {  	s1 =	ssub.s32 @!p0 $0x0, s1;
	[sflag:s0] =	ssyncset.done @!p0 $0x0  }
0xb2: {  	[sflag:s0] =	ssyncadd.s32 @!p0 s1  }
0xb3: {  	[bflag:$0x3] =	sbarrier.arrive $0xFFFF  }
0xb4: {  	_ =	shalt  }

// kernel: kernel.18.cloned.1.call-start
scs
__scs_entry_jumppad:
0x0: {  	(pc) =	sbr.rel $0x88, $3  }
0x1: {  	(tag) =	ssettag $0x0;
	lr =	simm.s32 $0x1  }
0x2: {  	[smem:$0x3F88] =	sst lr;
	_ =	strace $0xD0000000  }
0x3: {  	_ = 	snop  }
0x4: {  	_ = 	snop  }
0x5: {  	_ = 	snop  }
0x6: {  	_ = 	snop  }
0x7: {  	_ = 	snop  }
__scs_overlays_trampoline_lowered:
0x8: {  	[smem:$0x3F97] =	sst s0  }
0x9: {  	[smem:$0x3F98] =	sst s1  }
0xa: {  	[smem:$0x3F99] =	sst s2  }
0xb: {  	[smem:$0x3F9A] =	sst s3  }
0xc: {  	[smem:$0x3F9B] =	sst s4  }
0xd: {  	[smem:$0x3F9C] =	sst s5  }
0xe: {  	[smem:$0x3F9D] =	sst s6  }
0xf: {  	[smem:$0x3F9E] =	sst s7  }
0x10: {  	[smem:$0x3F9F] =	sst s8  }
0x11: {  	[smem:$0x3FA0] =	sst s9;
	s0 =	simm.s32 @!p0 $0x0  }
0x12: {  	s1 =	sld [smem:$0x3F86];
	s0 =	simm.s32 @p0 $0x1  }
0x13: {  	[smem:$0x3FA1] =	sst s0;
	s0 =	simm.s32 @!p1 $0x0  }
0x14: {  	s2 =	sld [smem:$0x3F85];
	s0 =	simm.s32 @p1 $0x1  }
0x15: {  	[smem:$0x3FA2] =	sst s0;
	s0 =	simm.s32 @!p2 $0x0  }
0x16: {  	s3 =	sld [smem:$0x3FDB];
	s0 =	simm.s32 @p2 $0x1  }
0x17: {  	s4 =	simm.s32 $0x1BF5;
	[smem:$0x3FA4] =	sst s0  }
0x18: {  	s0 =	sld [smem:$0x3F87];
	_ =	swait.ge [sflag:s4], $0x0  }
0x19: {  	s7 =	sld [smem:$0x3F88]  }
0x1a: {  	s8 =	sadd.s32 $0xFFFFE003, lr  }
0x1b: {  	s9 =	sadd.s32 $0xFFFFFEF7, lr;
	s5 =	simm.s32 $0xFFFFFFFF;
	p2 =	slt.u32 s8, $0xFFFFF086  }
0x1c: {  	p1 =	slt.u32 s9, $0xF7A;
	s5 =	simm.s32 @!p2 $0x0  }
0x1d: {  	s5 =	simm.s32 @p1 $0x1;
	p0 =	seq.s32 s7, s2  }
0x1e: {  	s7 =	smul.u32 @!p0 $0xF7A, s2;
	p2 =	seq.s32 @!p0 s5, $0x0  }
0x1f: {  	s9 =	smul.u32 $0xF7A, s1;
	s8 =	simm.s32 @!p0 $0x1BF5;
	p2 =	por !p2, p0  }
0x20: {  	[sflag:s8] =	ssyncset.s32 @!p0 $0xFFFFF086;
	s6 =	sadd.s32 @!p0 s3, s7;
	s7 =	simm.s32 @!p0 $0x108  }
0x21: {  	s3 =	sadd.s32 s3, s9;
	s6 =	sadd.s32 @!p0 $0x88, s6;
	s7 =	simm.s32 @p2 $0x1082  }
0x22: {  	[simem:s7], [sflag:s8] =	dma.local @!p0 [hbm:s6], $0xF7A  }
0x23: {  	s9 =	sor.u32 $0xD0000000, s2;
	s6 =	simm.s32 $0x108;
	_ =	swait.ge @!p0 [sflag:s8], $0x0  }
0x24: {  	s3 =	sadd.s32 $0x88, s3;
	s6 =	simm.s32 @!p1 $0x1082;
	[sflag:s4] =	ssyncset.s32 $0xFFFFF086  }
0x25: {  	[simem:s6], [sflag:s4] =	dma.local [hbm:s3], $0xF7A  }
0x26: {  	[smem:$0x3F88] =	sst s1;
	(tag) =	ssettag s2;
	_ =	strace s9  }
0x27: {  	s1 =	sld [smem:$0x3F98]  }
0x28: {  	s2 =	sld [smem:$0x3F99]  }
0x29: {  	s4 =	sld [smem:$0x3F9B]  }
0x2a: {  	p0 =	seq.s32 s5, $0x0;
	s5 =	sld [smem:$0x3F9C]  }
0x2b: {  	s6 =	sld [smem:$0x3F9D]  }
0x2c: {  	s7 =	sld [smem:$0x3F9E]  }
0x2d: {  	s3 =	simm.s32 $0x108;
	s8 =	sld [smem:$0x3F9F]  }
0x2e: {  	s3 =	simm.s32 @!p0 $0x1082;
	s9 =	sld [smem:$0x3FA0]  }
0x2f: {  	lr =	sadd.s32 s0, s3;
	s0 =	sld [smem:$0x3F97]  }
0x30: {  	s3 =	sld [smem:$0x3F9A]  }
0x31: {  	[smem:$0x3FA3] =	sst s10  }
0x32: {  	s10 =	sld [smem:$0x3FA1];
	_ =	sdelay $0x3  }
0x33: {  	p0 =	seq.s32 s10, $0x1;
	s10 =	sld [smem:$0x3FA3];
	_ =	sdelay $0x3  }
0x34: {  	[smem:$0x3FA3] =	sst s10  }
0x35: {  	s10 =	sld [smem:$0x3FA2];
	_ =	sdelay $0x3  }
0x36: {  	p1 =	seq.s32 s10, $0x1;
	s10 =	sld [smem:$0x3FA3];
	_ =	sdelay $0x3  }
0x37: {  	[smem:$0x3FA3] =	sst s10  }
0x38: {  	s10 =	sld [smem:$0x3FA4]  }
0x39: {  	_ = 	snop;
	(pc) =	sbr.ind lr, $3  }
0x3a: {  	_ = 	snop  }
0x3b: {  	_ = 	snop  }
0x3c: {  	p2 =	seq.s32 s10, $0x1;
	s10 =	sld [smem:$0x3FA3]  }
0x3d: {  	_ =	shalt  }
0x3e: {  	_ =	shalt  }
0x3f: {  	_ =	shalt  }
0x40: {  	_ =	shalt  }
0x41: {  	_ =	shalt  }
0x42: {  	_ =	shalt  }
0x43: {  	_ =	shalt  }
0x44: {  	_ =	shalt  }
0x45: {  	_ =	shalt  }
0x46: {  	_ =	shalt  }
0x47: {  	_ =	shalt  }
0x48: {  	_ =	shalt  }
0x49: {  	_ =	shalt  }
0x4a: {  	_ =	shalt  }
0x4b: {  	_ =	shalt  }
0x4c: {  	_ =	shalt  }
0x4d: {  	_ =	shalt  }
0x4e: {  	_ =	shalt  }
0x4f: {  	_ =	shalt  }
0x50: {  	_ =	shalt  }
0x51: {  	_ =	shalt  }
0x52: {  	_ =	shalt  }
0x53: {  	_ =	shalt  }
0x54: {  	_ =	shalt  }
0x55: {  	_ =	shalt  }
0x56: {  	_ =	shalt  }
0x57: {  	_ =	shalt  }
0x58: {  	_ =	shalt  }
0x59: {  	_ =	shalt  }
0x5a: {  	_ =	shalt  }
0x5b: {  	_ =	shalt  }
0x5c: {  	_ =	shalt  }
0x5d: {  	_ =	shalt  }
0x5e: {  	_ =	shalt  }
0x5f: {  	_ =	shalt  }
0x60: {  	_ =	shalt  }
0x61: {  	_ =	shalt  }
0x62: {  	_ =	shalt  }
0x63: {  	_ =	shalt  }
0x64: {  	_ =	shalt  }
0x65: {  	_ =	shalt  }
0x66: {  	_ =	shalt  }
0x67: {  	_ =	shalt  }
0x68: {  	_ =	shalt  }
0x69: {  	_ =	shalt  }
0x6a: {  	_ =	shalt  }
0x6b: {  	_ =	shalt  }
0x6c: {  	_ =	shalt  }
0x6d: {  	_ =	shalt  }
0x6e: {  	_ =	shalt  }
0x6f: {  	_ =	shalt  }
0x70: {  	_ =	shalt  }
0x71: {  	_ =	shalt  }
0x72: {  	_ =	shalt  }
0x73: {  	_ =	shalt  }
0x74: {  	_ =	shalt  }
0x75: {  	_ =	shalt  }
0x76: {  	_ =	shalt  }
0x77: {  	_ =	shalt  }
0x78: {  	_ =	shalt  }
0x79: {  	_ =	shalt  }
0x7a: {  	_ =	shalt  }
0x7b: {  	_ =	shalt  }
0x7c: {  	_ =	shalt  }
0x7d: {  	_ =	shalt  }
0x7e: {  	_ =	shalt  }
0x7f: {  	_ =	shalt  }
0x80: {  	_ =	shalt  }
0x81: {  	_ =	shalt  }
0x82: {  	_ =	shalt  }
0x83: {  	_ =	shalt  }
0x84: {  	_ =	shalt  }
0x85: {  	_ =	shalt  }
0x86: {  	_ =	shalt  }
0x87: {  	_ =	shalt  }
.Lfunc_end0:
.L_simem_size_0:
called_computation.1_lowered:
.L_overlay_start_0:
0x88: {  	s2 =	sld [smem:$0x3FD9]  }
0x89: {  	s3 =	sld [smem:$0x3FFE];
	_ =	sdelay $0x1  }
0x8a: {  	s1 =	srdreg.scid  }
0x8b: {  	s0 =	sand.u32 $0x1, s1  }
0x8c: {  	s16 =	sshll.u32 s0, $0xA;
	s2 =	sadd.s32 s3, s2  }
0x8d: {  	s2 =	sadd.s32 s2, s16  }
0x8e: {  	[smem:$0x3FAF] =	sst s2  }
0x8f: {  	_ = 	snop  }
0x90: {  	(tm) =	ssettm $0x1  }
0x91: {  	s17 =	sld [smem:$0x3FFB];
	_ =	sdelay $0x3  }
0x92: {  	_ =	strace s17  }
0x93: {  	s2 =	sld [smem:$0x3FFC];
	_ =	sdelay $0x3  }
0x94: {  	_ =	strace s2  }
0x95: {  	s2 =	sld [smem:$0x3FFD];
	_ =	sdelay $0x3  }
0x96: {  	_ =	strace s2  }
0x97: {  	_ =	strace $0x8FFFFFFF  }
0x98: {  	s18 =	sld [smem:$0x3FDB];
	_ =	sdelay $0x1  }
0x99: {  	s19 =	simm.s32 $_scs_section_size  }
0x9a: {  	s4 =	simm.s32 $_size__tile_overlayer_lowered;
	s5 =	simm.s32 $_tile_overlayer_lowered  }
0x9b: {  	s22 =	simm.s32 $0x1BFF;
	s21 =	sshll.u32 s5, $0x1;
	s2 =	sadd.s32 s19, s18  }
0x9c: {  	s6 =	simm.s32 $0x0;
	s20 =	sshll.u32 s4, $0x1;
	s4 =	sadd.s32 s21, s2  }
0x9d: {  	[timem:s6], [sflag:s22] =	dma.local [hbm:s4], s20  }
0x9e: {  	_ =	swait.ge [sflag:s22], s20  }
0x9f: {  	s3 =	ssub.s32 $0x0, s20;
	[sflag:s22] =	ssyncset.done $0x0  }
0xa0: {  	[sflag:s22] =	ssyncadd.s32 s3;
	_ =	sdelay $0x1  }
0xa1: {  	s23 =	simm.s32 $0x1B8B  }
0xa2: {  	_ =	swait.ge [sflag:s23], $0x1  }
0xa3: {  	[sflag:s23] =	ssyncset.done $0x0  }
0xa4: {  	s25 =	simm.s32 $0x1B8E;
	s24 =	sld [smem:$0x3FFE];
	[sflag:s23] =	ssyncadd.s32 $0xFFFFFFFF  }
0xa5: {  	s26 =	simm.s32 $execute0_lowered;
	[smem:$0x3FD2] =	sst s25  }
0xa6: {  	s4 =	sshll.u32 s26, $0x1;
	_ =	strace $0x80000049;
	[dreg:$0x1] =	wrdreg $0xFFFFFFFF  }
0xa7: {  	s28 =	simm.s32 $_size_execute0_lowered;
	s2 =	sadd.s32 s2, s4;
	[dreg:$0x0] =	wrdreg $0x0  }
0xa8: {  	s4 =	sshll.u32 s28, $0x1;
	[dreg:$0x2] =	wrdreg s2  }
0xa9: {  	[dreg:$0x3] =	wrdreg s4  }
0xaa: {  	[dreg:$0x4] =	wrdreg $0xC0  }
0xab: {  	_ =	task [dreg:s6], $0x5FFFF  }
0xac: {  	[dreg:$0x1] =	wrdreg $0xFFFFFFFF  }
0xad: {  	[dreg:$0x0] =	wrdreg $0x60  }
0xae: {  	[dreg:$0x2] =	wrdreg s24  }
0xaf: {  	[dreg:$0x3] =	wrdreg $0xA8000  }
0xb0: {  	[dreg:$0x4] =	wrdreg $0x9  }
0xb1: {  	_ =	task.clear_ibuf [dreg:s6], $0x5FFFF;
	_ =	strace $0x90000049  }
0xb2: {  	s29 =	simm.s32 $0x9;
	_ =	strace $0x8000004B  }
0xb3: {  	_ =	swait.ge [sflag:s29], $0x1  }
0xb4: {  	[sflag:s29] =	ssyncadd.s32 $0xFFFFFFFF  }
0xb5: {  	_ =	strace $0x9000004B  }
0xb6: {  	_ =	sfence  }
0xb7: {  	s30 =	sld [smem:$0x0];
	_ =	sdelay $0x2  }
0xb8: {  	s31 =	sshll.u32 s1, $0xD;
	s1 =	sshrl.u32 s1, $0x2  }
0xb9: {  	s3 =	sand.u32 $0x4000, s31;
	s1 =	sadd.s32 s1, s30  }
0xba: {  	s0 =	sor.u32 s3, s0;
	s1 =	sshll.u32 s1, $0x11  }
0xbb: {  	s0 =	sor.u32 s1, s0  }
0xbc: {  	s0 =	sadd.s32 $0x8F2B, s0  }
0xbd: {  	[sflag:s0] =	ssyncadd.remote.s32 $0x1  }
0xbe: {  	_ =	sfence.sel $0xFFFF  }
0xbf: {  	[dreg:$0x0] =	wrdreg $0xFFFFFFFF;
	(pc) =	sbr.abs _section_cstart, $3  }
0xc0: {  	[dreg:$0x1] =	wrdreg $0xFFFFFFFF  }
0xc1: {  	_ =	task.clear_ibuf [dreg:s6], $0x2FFFF;
	_ =	strace $0x9FFFFFFF  }
0xc2: {  	(tm) =	ssettm $0x7FFFFFFF  }
0xc3: {  	_ =	shalt  }
tec
execute0_lowered:
.L_overlay_start_1:
0x0: {  	(tag) =	ssettag $0x1  }
0x1: {  	s6 =	rddreg [dreg:$0x0];
	s1 =	srdreg.scid  }
0x2: {  	s0 =	stileid.u32;
	s2 =	rddreg [dreg:$0x1]  }
0x3: {  	s3 =	simm.s32 $0x0;
	s14 =	simm.s32 $0x80;
	s15 =	simm.s32 $0x2800  }
0x4: {  	s16 =	simm.s32 $0x1;
	s17 =	simm.s32 $0x6800;
	s18 =	simm.s32 $0x2  }
0x5: {  	s19 =	simm.s32 $0x3;
	s20 =	simm.s32 $0x4;
	s21 =	simm.s32 $0x1380  }
0x6: {  	s22 =	simm.s32 $0x2700;
	s23 =	simm.s32 $0x2780;
	s5 =	sand.u32 $0x1, s1  }
0x7: {  	s4 =	sshll.u32 s0, $0x1;
	s1 =	rddreg [dreg:$0x2];
	s10 =	smul.u32 $0x4F000, s0  }
0x8: {  	[smem:$0x7FF] =	sst s3;
	s25 =	smul.u32 $0x2780, s0;
	s31 =	sshll.u32 s0, $0x6  }
0x9: {  	s4 =	sor.u32 s5, s4;
	_ =	strace $0x8000004A;
	s8 =	smul.u32 $0x27800, s5  }
0xa: {  	s9 =	ssub.s32 $0x2, s5;
	s5 =	sadd.s32 $0x41600, s6;
	s7 =	smul.u32 $0x500, s4  }
0xb: {  	s4 =	sadd.s32 $0x6400, s6;
	s29 =	sshrl.u32 s9, $0x1;
	s30 =	sshrl.u32 s10, $0x2  }
0xc: {  	s10 =	simm.s32 $0x5;
	s12 =	sadd.s32 s8, s6;
	s9 =	ssub.s32 s9, s29  }
0xd: {  	s13 =	sadd.s32 s30, s2;
	s11 =	sadd.s32 s7, s6;
	s24 =	sadd.s32 $0x43E00, s12  }
0xe: {  	s9 =	smax.u32 s9, $0x1;
	s12 =	sor.u32 $0x1C05, s31;
	s13 =	sshrl.u32 s13, $0x3  }
0xf: {  	s6 =	sadd.s32 $0x2D600, s11;
	s7 =	sadd.s32 $0x37600, s11;
	s8 =	sadd.s32 $0x2D880, s11  }
0x10: {  	s11 =	simm.s32 $0x1400;
	s24 =	sadd.s32 s25, s24;
	s25 =	simm.s32 $0x0  }
.LBB2_1:
0x11: {  	[tilespmem:s3], [sflag:$0x5] =	stream.linear.gather [hbm4b:s6+s3], $0x1400, $0x38;
	[tilespmem:$0x1E400] =	vst v63  }
0x12: {  	_ =	swait.ge [sflag:s10], $0x1400  }
0x13: {  	[sflag:s10] =	ssyncset.done $0x0  }
0x14: {  	[sflag:s10] =	ssyncadd.s32 $0xFFFFEC00  }
0x15: {  	[tilespmem:s11], [sflag:$0x5] =	stream.linear.gather [hbm4b:s7+s3], $0x1400, $0x38;
	[tilespmem:$0x1E400] =	vst v63  }
0x16: {  	_ =	swait.ge [sflag:s10], $0x1400  }
0x17: {  	[sflag:s10] =	ssyncset.done $0x0  }
0x18: {  	[sflag:s10] =	ssyncadd.s32 $0xFFFFEC00  }
0x19: {  	[spmem:s13], [sflag:s12] =	dma.local [hbm:s5], $0x2780  }
0x1a: {  	_ =	swait.ge [sflag:s10], $0x2780  }
0x1b: {  	[sflag:s10] =	ssyncset.done $0x0  }
0x1c: {  	[sflag:s10] =	ssyncadd.s32 $0xFFFFD880  }
0x1d: {  	[tilespmem:s15], [sflag:$0x1] =	stream.indirect.gather [hbm4b:s4+s14], $0x80, s3, s14, $0xb8;
	[tilespmem:$0x1E400] =	vst v63  }
0x1e: {  	[bflag:$0x0] =	sbarrier.arrive $0xFFFF  }
0x1f: {  	_ =	swait.ge [sflag:s16], $0x4000  }
0x20: {  	[sflag:s16] =	ssyncset.done $0x0  }
0x21: {  	s26 =	simm.s32 $0x80;
	[sflag:s16] =	ssyncadd.s32 $0xFFFFC000  }
0x22: {  	[tilespmem:s17], [sflag:$0x2] =	stream.indirect.gather [hbm4b:s4+s14], $0x80, s26, s14, $0xb8;
	[tilespmem:$0x1E400] =	vst v63  }
0x23: {  	s29 =	simm.s32 $0x1400  }
0x24: {  	[spmem:s2] =	stream.indirect.scatter.add.f32 [tilespmem:s15], [sflag:$0x3], $0x80, s29, s14, $0xb8;
	[tilespmem:$0x1E400] =	vst v63  }
0x25: {  	_ =	swait.ge [sflag:s18], $0x4000  }
0x26: {  	[sflag:s18] =	ssyncset.done $0x0  }
0x27: {  	[sflag:s18] =	ssyncadd.s32 $0xFFFFC000  }
0x28: {  	_ =	swait.ge [sflag:s19], $0x4000  }
0x29: {  	[sflag:s19] =	ssyncset.done $0x0  }
0x2a: {  	s30 =	simm.s32 $0x1480;
	[sflag:s19] =	ssyncadd.s32 $0xFFFFC000  }
0x2b: {  	[spmem:s2] =	stream.indirect.scatter.add.f32 [tilespmem:s17], [sflag:$0x4], $0x80, s30, s14, $0xb8;
	[tilespmem:$0x1E400] =	vst v63  }
0x2c: {  	s31 =	simm.s32 $0x100  }
0x2d: {  	[tilespmem:s15], [sflag:$0x1] =	stream.indirect.gather [hbm4b:s4+s14], $0x80, s31, s14, $0xb8;
	[tilespmem:$0x1E400] =	vst v63  }
0x2e: {  	_ =	swait.ge [sflag:s20], $0x4000  }
0x2f: {  	s26 =	simm.s32 $0x400;
	[sflag:s20] =	ssyncset.done $0x0  }
.LBB2_2:
0x30: {  	p0 =	sne.s32 s26, $0x4800  }
0x31: {  	[sflag:s20] =	ssyncadd.s32 $0xFFFFC000;
	s28 =	smov.u32 s26;
	s26 =	sadd.s32 $0x400, s26  }
0x32: {  	_ = 	snop  }
0x33: {  	_ =	swait.ge [sflag:s16], $0x4000  }
0x34: {  	s28 =	sshra.s32 s28, $0x2;
	[sflag:s16] =	ssyncset.done $0x0  }
0x35: {  	s29 =	sadd.s32 $0x80, s28;
	[sflag:s16] =	ssyncadd.s32 $0xFFFFC000  }
0x36: {  	[tilespmem:s17], [sflag:$0x2] =	stream.indirect.gather [hbm4b:s4+s14], $0x80, s29, s14, $0xb8;
	[tilespmem:$0x1E400] =	vst v63  }
0x37: {  	s29 =	sadd.s32 $0x1400, s28  }
0x38: {  	[spmem:s2] =	stream.indirect.scatter.add.f32 [tilespmem:s15], [sflag:$0x3], $0x80, s29, s14, $0xb8;
	[tilespmem:$0x1E400] =	vst v63  }
0x39: {  	_ =	swait.ge [sflag:s18], $0x4000  }
0x3a: {  	[sflag:s18] =	ssyncset.done $0x0  }
0x3b: {  	[sflag:s18] =	ssyncadd.s32 $0xFFFFC000  }
0x3c: {  	_ =	swait.ge [sflag:s19], $0x4000  }
0x3d: {  	[sflag:s19] =	ssyncset.done $0x0  }
0x3e: {  	s29 =	sadd.s32 $0x1480, s28;
	[sflag:s19] =	ssyncadd.s32 $0xFFFFC000  }
0x3f: {  	[spmem:s2] =	stream.indirect.scatter.add.f32 [tilespmem:s17], [sflag:$0x4], $0x80, s29, s14, $0xb8;
	[tilespmem:$0x1E400] =	vst v63  }
.Ltmp0:
0x40: {  	_ = 	snop;
	(pc) =	sbr.rel @p0 .LBB2_2-.Ltmp0, $4  }
0x41: {  	s28 =	sadd.s32 $0x100, s28  }
0x42: {  	[tilespmem:s15], [sflag:$0x1] =	stream.indirect.gather [hbm4b:s4+s14], $0x80, s28, s14, $0xb8;
	[tilespmem:$0x1E400] =	vst v63  }
0x43: {  	_ =	swait.ge [sflag:s20], $0x4000  }
0x44: {  	[sflag:s20] =	ssyncset.done $0x0  }
0x45: {  	[sflag:s20] =	ssyncadd.s32 $0xFFFFC000  }
0x46: {  	_ =	swait.ge [sflag:s16], $0x4000  }
0x47: {  	[sflag:s16] =	ssyncset.done $0x0  }
0x48: {  	[sflag:s16] =	ssyncadd.s32 $0xFFFFC000  }
0x49: {  	[tilespmem:s17], [sflag:$0x2] =	stream.indirect.gather [hbm4b:s4+s14], $0x80, s21, s14, $0xb8;
	[tilespmem:$0x1E400] =	vst v63  }
0x4a: {  	_ = 	snop  }
0x4b: {  	[spmem:s2] =	stream.indirect.scatter.add.f32 [tilespmem:s15], [sflag:$0x3], $0x80, s22, s14, $0xb8;
	[tilespmem:$0x1E400] =	vst v63  }
0x4c: {  	_ =	swait.ge [sflag:s18], $0x4000  }
0x4d: {  	[sflag:s18] =	ssyncset.done $0x0  }
0x4e: {  	[sflag:s18] =	ssyncadd.s32 $0xFFFFC000  }
0x4f: {  	_ =	swait.ge [sflag:s19], $0x4000  }
0x50: {  	[sflag:s19] =	ssyncset.done $0x0  }
0x51: {  	[sflag:s19] =	ssyncadd.s32 $0xFFFFC000  }
0x52: {  	[spmem:s2] =	stream.indirect.scatter.add.f32 [tilespmem:s17], [sflag:$0x4], $0x80, s23, s14, $0xb8;
	[tilespmem:$0x1E400] =	vst v63  }
0x53: {  	s26 =	simm.s32 $0x0  }
0x54: {  	[tilespmem:s15], [sflag:$0x1] =	stream.indirect.gather [hbm4b:s4+s14], $0x80, s26, s14, $0xb8;
	[tilespmem:$0x1E400] =	vst v63  }
0x55: {  	_ =	swait.ge [sflag:s20], $0x4000  }
0x56: {  	[sflag:s20] =	ssyncset.done $0x0  }
0x57: {  	[sflag:s20] =	ssyncadd.s32 $0xFFFFC000  }
0x58: {  	_ =	swait.ge [sflag:s16], $0x4000  }
0x59: {  	[sflag:s16] =	ssyncset.done $0x0  }
0x5a: {  	[sflag:s16] =	ssyncadd.s32 $0xFFFFC000  }
0x5b: {  	[tilespmem:s26], [sflag:$0x5] =	stream.linear.gather [hbm4b:s8+s26], $0x1400, $0x38;
	[tilespmem:$0x1E400] =	vst v63  }
0x5c: {  	_ =	swait.ge [sflag:s10], $0x1400  }
0x5d: {  	[sflag:s10] =	ssyncset.done $0x0  }
0x5e: {  	s28 =	sadd.s32 $0x280, s7;
	[sflag:s10] =	ssyncadd.s32 $0xFFFFEC00  }
0x5f: {  	[tilespmem:s11], [sflag:$0x5] =	stream.linear.gather [hbm4b:s28+s26], $0x1400, $0x38;
	[tilespmem:$0x1E400] =	vst v63  }
0x60: {  	_ =	swait.ge [sflag:s10], $0x1400  }
0x61: {  	[sflag:s10] =	ssyncset.done $0x0  }
0x62: {  	[sflag:s10] =	ssyncadd.s32 $0xFFFFEC00  }
0x63: {  	[tilespmem:s15], [sflag:$0x1] =	stream.indirect.gather [hbm4b:s4+s14], $0x80, s26, s14, $0xb8;
	[tilespmem:$0x1E400] =	vst v63  }
0x64: {  	_ =	swait.ge [sflag:s16], $0x4000  }
0x65: {  	[sflag:s16] =	ssyncset.done $0x0  }
0x66: {  	s28 =	simm.s32 $0x80;
	[sflag:s16] =	ssyncadd.s32 $0xFFFFC000  }
0x67: {  	[tilespmem:s17], [sflag:$0x2] =	stream.indirect.gather [hbm4b:s4+s14], $0x80, s28, s14, $0xb8;
	[tilespmem:$0x1E400] =	vst v63  }
0x68: {  	s29 =	simm.s32 $0x1400  }
0x69: {  	[spmem:s2] =	stream.indirect.scatter.add.f32 [tilespmem:s15], [sflag:$0x3], $0x80, s29, s14, $0xb8;
	[tilespmem:$0x1E400] =	vst v63  }
0x6a: {  	_ =	swait.ge [sflag:s18], $0x4000  }
0x6b: {  	[sflag:s18] =	ssyncset.done $0x0  }
0x6c: {  	[sflag:s18] =	ssyncadd.s32 $0xFFFFC000  }
0x6d: {  	_ =	swait.ge [sflag:s19], $0x4000  }
0x6e: {  	[sflag:s19] =	ssyncset.done $0x0  }
0x6f: {  	s30 =	simm.s32 $0x1480;
	[sflag:s19] =	ssyncadd.s32 $0xFFFFC000  }
0x70: {  	[spmem:s2] =	stream.indirect.scatter.add.f32 [tilespmem:s17], [sflag:$0x4], $0x80, s30, s14, $0xb8;
	[tilespmem:$0x1E400] =	vst v63  }
0x71: {  	s31 =	simm.s32 $0x100  }
0x72: {  	[tilespmem:s15], [sflag:$0x1] =	stream.indirect.gather [hbm4b:s4+s14], $0x80, s31, s14, $0xb8;
	[tilespmem:$0x1E400] =	vst v63  }
0x73: {  	_ =	swait.ge [sflag:s20], $0x4000  }
0x74: {  	s26 =	simm.s32 $0x400;
	[sflag:s20] =	ssyncset.done $0x0  }
.LBB2_4:
0x75: {  	p0 =	sne.s32 s26, $0x4800  }
0x76: {  	[sflag:s20] =	ssyncadd.s32 $0xFFFFC000;
	s28 =	smov.u32 s26;
	s26 =	sadd.s32 $0x400, s26  }
0x77: {  	_ = 	snop  }
0x78: {  	_ =	swait.ge [sflag:s16], $0x4000  }
0x79: {  	s28 =	sshra.s32 s28, $0x2;
	[sflag:s16] =	ssyncset.done $0x0  }
0x7a: {  	s29 =	sadd.s32 $0x80, s28;
	[sflag:s16] =	ssyncadd.s32 $0xFFFFC000  }
0x7b: {  	[tilespmem:s17], [sflag:$0x2] =	stream.indirect.gather [hbm4b:s4+s14], $0x80, s29, s14, $0xb8;
	[tilespmem:$0x1E400] =	vst v63  }
0x7c: {  	s29 =	sadd.s32 $0x1400, s28  }
0x7d: {  	[spmem:s2] =	stream.indirect.scatter.add.f32 [tilespmem:s15], [sflag:$0x3], $0x80, s29, s14, $0xb8;
	[tilespmem:$0x1E400] =	vst v63  }
0x7e: {  	_ =	swait.ge [sflag:s18], $0x4000  }
0x7f: {  	[sflag:s18] =	ssyncset.done $0x0  }
0x80: {  	[sflag:s18] =	ssyncadd.s32 $0xFFFFC000  }
0x81: {  	_ =	swait.ge [sflag:s19], $0x4000  }
0x82: {  	[sflag:s19] =	ssyncset.done $0x0  }
0x83: {  	s29 =	sadd.s32 $0x1480, s28;
	[sflag:s19] =	ssyncadd.s32 $0xFFFFC000  }
0x84: {  	[spmem:s2] =	stream.indirect.scatter.add.f32 [tilespmem:s17], [sflag:$0x4], $0x80, s29, s14, $0xb8;
	[tilespmem:$0x1E400] =	vst v63  }
.Ltmp1:
0x85: {  	_ = 	snop;
	(pc) =	sbr.rel @p0 .LBB2_4-.Ltmp1, $4  }
0x86: {  	s28 =	sadd.s32 $0x100, s28  }
0x87: {  	[tilespmem:s15], [sflag:$0x1] =	stream.indirect.gather [hbm4b:s4+s14], $0x80, s28, s14, $0xb8;
	[tilespmem:$0x1E400] =	vst v63  }
0x88: {  	_ =	swait.ge [sflag:s20], $0x4000  }
0x89: {  	[sflag:s20] =	ssyncset.done $0x0  }
0x8a: {  	[sflag:s20] =	ssyncadd.s32 $0xFFFFC000  }
0x8b: {  	_ =	swait.ge [sflag:s16], $0x4000  }
0x8c: {  	[sflag:s16] =	ssyncset.done $0x0  }
0x8d: {  	[sflag:s16] =	ssyncadd.s32 $0xFFFFC000  }
0x8e: {  	[tilespmem:s17], [sflag:$0x2] =	stream.indirect.gather [hbm4b:s4+s14], $0x80, s21, s14, $0xb8;
	[tilespmem:$0x1E400] =	vst v63  }
0x8f: {  	_ = 	snop  }
0x90: {  	[spmem:s2] =	stream.indirect.scatter.add.f32 [tilespmem:s15], [sflag:$0x3], $0x80, s22, s14, $0xb8;
	[tilespmem:$0x1E400] =	vst v63  }
0x91: {  	_ =	swait.ge [sflag:s18], $0x4000  }
0x92: {  	[sflag:s18] =	ssyncset.done $0x0  }
0x93: {  	[sflag:s18] =	ssyncadd.s32 $0xFFFFC000  }
0x94: {  	_ =	swait.ge [sflag:s19], $0x4000  }
0x95: {  	[sflag:s19] =	ssyncset.done $0x0  }
0x96: {  	[sflag:s19] =	ssyncadd.s32 $0xFFFFC000  }
0x97: {  	[spmem:s2] =	stream.indirect.scatter.add.f32 [tilespmem:s17], [sflag:$0x4], $0x80, s23, s14, $0xb8;
	[tilespmem:$0x1E400] =	vst v63  }
0x98: {  	_ = 	snop  }
0x99: {  	[tilespmem:s15], [sflag:$0x1] =	stream.indirect.gather [hbm4b:s4+s14], $0x80, s3, s14, $0xb8;
	[tilespmem:$0x1E400] =	vst v63  }
0x9a: {  	_ =	swait.ge [sflag:s20], $0x4000  }
0x9b: {  	[sflag:s20] =	ssyncset.done $0x0  }
0x9c: {  	[sflag:s20] =	ssyncadd.s32 $0xFFFFC000  }
0x9d: {  	_ =	swait.ge [sflag:s16], $0x4000  }
0x9e: {  	s25 =	sadd.s32 $0x1, s25;
	[sflag:s16] =	ssyncset.done $0x0  }
0x9f: {  	p0 =	sne.s32 s25, s9;
	[sflag:s16] =	ssyncadd.s32 $0xFFFFC000  }
.Ltmp2:
0xa0: {  	[bflag:$0x0] =	sbarrier.arrive $0xFFFF;
	(pc) =	sbr.rel @p0 .LBB2_1-.Ltmp2, $4  }
0xa1: {  	[hbm:s24], [sflag:s12] =	dma.local [spmem:s13], $0x2780  }
0xa2: {  	_ =	swait.ge [sflag:s10], $0x2780  }
0xa3: {  	[sflag:s10] =	ssyncset.done $0x0  }
0xa4: {  	[sflag:s10] =	ssyncadd.s32 $0xFFFFD880  }
0xa5: {  	_ =	sfence.sel $0x180000  }
0xa6: {  	[bflag:$0x0] =	sbarrier.arrive $0xFFFF  }
0xa7: {  	p0 =	sne.s32 s0, $0x0;
	_ =	strace $0x9000004A  }
0xa8: {  	s0 =	sadd.s32 @!p0 $0x100000, s1;
	[bflag:$0x2] =	sbarrier.arrive $0xFFFF  }
0xa9: {  	[sflag:s0] =	ssyncadd.tile.s32 @!p0 $0x1;
	_ =	shalt  }
.Lfunc_end2:
_tile_overlayer_lowered:
.L_overlay_start_2:
0xaa: {  	(tag) =	ssettag $0x2  }
0xab: {  	s0 =	rddreg [dreg:$0x0];
	s2 =	stileid.u32  }
0xac: {  	s1 =	rddreg [dreg:$0x1];
	p0 =	sne.s32 s2, $0x0  }
0xad: {  	s3 =	rddreg [dreg:$0x2];
	[bflag:$0x3] =	sbarrier.arrive $0xFFFF;
	s2 =	simm.s32 @!p0 $0x1C05  }
0xae: {  	[timem:s3], [sflag:s2] =	dma.local @!p0 [hbm:s0], s1  }
0xaf: {  	s0 =	simm.s32 @!p0 $0x5  }
0xb0: {  	_ =	swait.ge @!p0 [sflag:s0], s1  }
0xb1: {  	s1 =	ssub.s32 @!p0 $0x0, s1;
	[sflag:s0] =	ssyncset.done @!p0 $0x0  }
0xb2: {  	[sflag:s0] =	ssyncadd.s32 @!p0 s1  }
0xb3: {  	[bflag:$0x3] =	sbarrier.arrive $0xFFFF  }
0xb4: {  	_ =	shalt  }

// kernel: kernel.21.cloned.1.call-start
scs
__scs_entry_jumppad:
0x0: {  	(pc) =	sbr.rel $0x88, $3  }
0x1: {  	(tag) =	ssettag $0x0;
	lr =	simm.s32 $0x1  }
0x2: {  	[smem:$0x3F88] =	sst lr;
	_ =	strace $0xD0000000  }
0x3: {  	_ = 	snop  }
0x4: {  	_ = 	snop  }
0x5: {  	_ = 	snop  }
0x6: {  	_ = 	snop  }
0x7: {  	_ = 	snop  }
__scs_overlays_trampoline_lowered:
0x8: {  	[smem:$0x3F97] =	sst s0  }
0x9: {  	[smem:$0x3F98] =	sst s1  }
0xa: {  	[smem:$0x3F99] =	sst s2  }
0xb: {  	[smem:$0x3F9A] =	sst s3  }
0xc: {  	[smem:$0x3F9B] =	sst s4  }
0xd: {  	[smem:$0x3F9C] =	sst s5  }
0xe: {  	[smem:$0x3F9D] =	sst s6  }
0xf: {  	[smem:$0x3F9E] =	sst s7  }
0x10: {  	[smem:$0x3F9F] =	sst s8  }
0x11: {  	[smem:$0x3FA0] =	sst s9;
	s0 =	simm.s32 @!p0 $0x0  }
0x12: {  	s1 =	sld [smem:$0x3F86];
	s0 =	simm.s32 @p0 $0x1  }
0x13: {  	[smem:$0x3FA1] =	sst s0;
	s0 =	simm.s32 @!p1 $0x0  }
0x14: {  	s2 =	sld [smem:$0x3F85];
	s0 =	simm.s32 @p1 $0x1  }
0x15: {  	[smem:$0x3FA2] =	sst s0;
	s0 =	simm.s32 @!p2 $0x0  }
0x16: {  	s3 =	sld [smem:$0x3FDB];
	s0 =	simm.s32 @p2 $0x1  }
0x17: {  	s4 =	simm.s32 $0x1BF5;
	[smem:$0x3FA4] =	sst s0  }
0x18: {  	s0 =	sld [smem:$0x3F87];
	_ =	swait.ge [sflag:s4], $0x0  }
0x19: {  	s7 =	sld [smem:$0x3F88]  }
0x1a: {  	s8 =	sadd.s32 $0xFFFFE003, lr  }
0x1b: {  	s9 =	sadd.s32 $0xFFFFFEF7, lr;
	s5 =	simm.s32 $0xFFFFFFFF;
	p2 =	slt.u32 s8, $0xFFFFF086  }
0x1c: {  	p1 =	slt.u32 s9, $0xF7A;
	s5 =	simm.s32 @!p2 $0x0  }
0x1d: {  	s5 =	simm.s32 @p1 $0x1;
	p0 =	seq.s32 s7, s2  }
0x1e: {  	s7 =	smul.u32 @!p0 $0xF7A, s2;
	p2 =	seq.s32 @!p0 s5, $0x0  }
0x1f: {  	s9 =	smul.u32 $0xF7A, s1;
	s8 =	simm.s32 @!p0 $0x1BF5;
	p2 =	por !p2, p0  }
0x20: {  	[sflag:s8] =	ssyncset.s32 @!p0 $0xFFFFF086;
	s6 =	sadd.s32 @!p0 s3, s7;
	s7 =	simm.s32 @!p0 $0x108  }
0x21: {  	s3 =	sadd.s32 s3, s9;
	s6 =	sadd.s32 @!p0 $0x88, s6;
	s7 =	simm.s32 @p2 $0x1082  }
0x22: {  	[simem:s7], [sflag:s8] =	dma.local @!p0 [hbm:s6], $0xF7A  }
0x23: {  	s9 =	sor.u32 $0xD0000000, s2;
	s6 =	simm.s32 $0x108;
	_ =	swait.ge @!p0 [sflag:s8], $0x0  }
0x24: {  	s3 =	sadd.s32 $0x88, s3;
	s6 =	simm.s32 @!p1 $0x1082;
	[sflag:s4] =	ssyncset.s32 $0xFFFFF086  }
0x25: {  	[simem:s6], [sflag:s4] =	dma.local [hbm:s3], $0xF7A  }
0x26: {  	[smem:$0x3F88] =	sst s1;
	(tag) =	ssettag s2;
	_ =	strace s9  }
0x27: {  	s1 =	sld [smem:$0x3F98]  }
0x28: {  	s2 =	sld [smem:$0x3F99]  }
0x29: {  	s4 =	sld [smem:$0x3F9B]  }
0x2a: {  	p0 =	seq.s32 s5, $0x0;
	s5 =	sld [smem:$0x3F9C]  }
0x2b: {  	s6 =	sld [smem:$0x3F9D]  }
0x2c: {  	s7 =	sld [smem:$0x3F9E]  }
0x2d: {  	s3 =	simm.s32 $0x108;
	s8 =	sld [smem:$0x3F9F]  }
0x2e: {  	s3 =	simm.s32 @!p0 $0x1082;
	s9 =	sld [smem:$0x3FA0]  }
0x2f: {  	lr =	sadd.s32 s0, s3;
	s0 =	sld [smem:$0x3F97]  }
0x30: {  	s3 =	sld [smem:$0x3F9A]  }
0x31: {  	[smem:$0x3FA3] =	sst s10  }
0x32: {  	s10 =	sld [smem:$0x3FA1];
	_ =	sdelay $0x3  }
0x33: {  	p0 =	seq.s32 s10, $0x1;
	s10 =	sld [smem:$0x3FA3];
	_ =	sdelay $0x3  }
0x34: {  	[smem:$0x3FA3] =	sst s10  }
0x35: {  	s10 =	sld [smem:$0x3FA2];
	_ =	sdelay $0x3  }
0x36: {  	p1 =	seq.s32 s10, $0x1;
	s10 =	sld [smem:$0x3FA3];
	_ =	sdelay $0x3  }
0x37: {  	[smem:$0x3FA3] =	sst s10  }
0x38: {  	s10 =	sld [smem:$0x3FA4]  }
0x39: {  	_ = 	snop;
	(pc) =	sbr.ind lr, $3  }
0x3a: {  	_ = 	snop  }
0x3b: {  	_ = 	snop  }
0x3c: {  	p2 =	seq.s32 s10, $0x1;
	s10 =	sld [smem:$0x3FA3]  }
0x3d: {  	_ =	shalt  }
0x3e: {  	_ =	shalt  }
0x3f: {  	_ =	shalt  }
0x40: {  	_ =	shalt  }
0x41: {  	_ =	shalt  }
0x42: {  	_ =	shalt  }
0x43: {  	_ =	shalt  }
0x44: {  	_ =	shalt  }
0x45: {  	_ =	shalt  }
0x46: {  	_ =	shalt  }
0x47: {  	_ =	shalt  }
0x48: {  	_ =	shalt  }
0x49: {  	_ =	shalt  }
0x4a: {  	_ =	shalt  }
0x4b: {  	_ =	shalt  }
0x4c: {  	_ =	shalt  }
0x4d: {  	_ =	shalt  }
0x4e: {  	_ =	shalt  }
0x4f: {  	_ =	shalt  }
0x50: {  	_ =	shalt  }
0x51: {  	_ =	shalt  }
0x52: {  	_ =	shalt  }
0x53: {  	_ =	shalt  }
0x54: {  	_ =	shalt  }
0x55: {  	_ =	shalt  }
0x56: {  	_ =	shalt  }
0x57: {  	_ =	shalt  }
0x58: {  	_ =	shalt  }
0x59: {  	_ =	shalt  }
0x5a: {  	_ =	shalt  }
0x5b: {  	_ =	shalt  }
0x5c: {  	_ =	shalt  }
0x5d: {  	_ =	shalt  }
0x5e: {  	_ =	shalt  }
0x5f: {  	_ =	shalt  }
0x60: {  	_ =	shalt  }
0x61: {  	_ =	shalt  }
0x62: {  	_ =	shalt  }
0x63: {  	_ =	shalt  }
0x64: {  	_ =	shalt  }
0x65: {  	_ =	shalt  }
0x66: {  	_ =	shalt  }
0x67: {  	_ =	shalt  }
0x68: {  	_ =	shalt  }
0x69: {  	_ =	shalt  }
0x6a: {  	_ =	shalt  }
0x6b: {  	_ =	shalt  }
0x6c: {  	_ =	shalt  }
0x6d: {  	_ =	shalt  }
0x6e: {  	_ =	shalt  }
0x6f: {  	_ =	shalt  }
0x70: {  	_ =	shalt  }
0x71: {  	_ =	shalt  }
0x72: {  	_ =	shalt  }
0x73: {  	_ =	shalt  }
0x74: {  	_ =	shalt  }
0x75: {  	_ =	shalt  }
0x76: {  	_ =	shalt  }
0x77: {  	_ =	shalt  }
0x78: {  	_ =	shalt  }
0x79: {  	_ =	shalt  }
0x7a: {  	_ =	shalt  }
0x7b: {  	_ =	shalt  }
0x7c: {  	_ =	shalt  }
0x7d: {  	_ =	shalt  }
0x7e: {  	_ =	shalt  }
0x7f: {  	_ =	shalt  }
0x80: {  	_ =	shalt  }
0x81: {  	_ =	shalt  }
0x82: {  	_ =	shalt  }
0x83: {  	_ =	shalt  }
0x84: {  	_ =	shalt  }
0x85: {  	_ =	shalt  }
0x86: {  	_ =	shalt  }
0x87: {  	_ =	shalt  }
.Lfunc_end0:
.L_simem_size_0:
called_computation.2_lowered:
.L_overlay_start_0:
0x88: {  	s2 =	sld [smem:$0x3FD9]  }
0x89: {  	s3 =	sld [smem:$0x3FFE];
	_ =	sdelay $0x1  }
0x8a: {  	s1 =	srdreg.scid  }
0x8b: {  	s0 =	sand.u32 $0x1, s1  }
0x8c: {  	s16 =	sshll.u32 s0, $0xA;
	s2 =	sadd.s32 s3, s2  }
0x8d: {  	s2 =	sadd.s32 s2, s16  }
0x8e: {  	[smem:$0x3FAF] =	sst s2  }
0x8f: {  	_ = 	snop  }
0x90: {  	(tm) =	ssettm $0x1  }
0x91: {  	s17 =	sld [smem:$0x3FFB];
	_ =	sdelay $0x3  }
0x92: {  	_ =	strace s17  }
0x93: {  	s2 =	sld [smem:$0x3FFC];
	_ =	sdelay $0x3  }
0x94: {  	_ =	strace s2  }
0x95: {  	s2 =	sld [smem:$0x3FFD];
	_ =	sdelay $0x3  }
0x96: {  	_ =	strace s2  }
0x97: {  	_ =	strace $0x8FFFFFFF  }
0x98: {  	s18 =	sld [smem:$0x3FDB];
	_ =	sdelay $0x1  }
0x99: {  	s19 =	simm.s32 $_scs_section_size  }
0x9a: {  	s4 =	simm.s32 $_size__tile_overlayer_lowered;
	s5 =	simm.s32 $_tile_overlayer_lowered  }
0x9b: {  	s22 =	simm.s32 $0x1BFF;
	s21 =	sshll.u32 s5, $0x1;
	s2 =	sadd.s32 s19, s18  }
0x9c: {  	s6 =	simm.s32 $0x0;
	s20 =	sshll.u32 s4, $0x1;
	s4 =	sadd.s32 s21, s2  }
0x9d: {  	[timem:s6], [sflag:s22] =	dma.local [hbm:s4], s20  }
0x9e: {  	_ =	swait.ge [sflag:s22], s20  }
0x9f: {  	s3 =	ssub.s32 $0x0, s20;
	[sflag:s22] =	ssyncset.done $0x0  }
0xa0: {  	[sflag:s22] =	ssyncadd.s32 s3;
	_ =	sdelay $0x1  }
0xa1: {  	s23 =	simm.s32 $0x1B8B  }
0xa2: {  	_ =	swait.ge [sflag:s23], $0x1  }
0xa3: {  	[sflag:s23] =	ssyncset.done $0x0  }
0xa4: {  	s25 =	simm.s32 $0x1B8E;
	s24 =	sld [smem:$0x3FFE];
	[sflag:s23] =	ssyncadd.s32 $0xFFFFFFFF  }
0xa5: {  	s26 =	simm.s32 $execute0_lowered;
	[smem:$0x3FD2] =	sst s25  }
0xa6: {  	s4 =	sshll.u32 s26, $0x1;
	_ =	strace $0x8000004C;
	[dreg:$0x1] =	wrdreg $0xFFFFFFFF  }
0xa7: {  	s28 =	simm.s32 $_size_execute0_lowered;
	s2 =	sadd.s32 s2, s4;
	[dreg:$0x0] =	wrdreg $0x0  }
0xa8: {  	s4 =	sshll.u32 s28, $0x1;
	[dreg:$0x2] =	wrdreg s2  }
0xa9: {  	[dreg:$0x3] =	wrdreg s4  }
0xaa: {  	[dreg:$0x4] =	wrdreg $0xC0  }
0xab: {  	_ =	task [dreg:s6], $0x5FFFF  }
0xac: {  	[dreg:$0x1] =	wrdreg $0xFFFFFFFF  }
0xad: {  	[dreg:$0x0] =	wrdreg $0x60  }
0xae: {  	[dreg:$0x2] =	wrdreg s24  }
0xaf: {  	[dreg:$0x3] =	wrdreg $0xA8000  }
0xb0: {  	[dreg:$0x4] =	wrdreg $0x9  }
0xb1: {  	_ =	task.clear_ibuf [dreg:s6], $0x5FFFF;
	_ =	strace $0x9000004C  }
0xb2: {  	s29 =	simm.s32 $0x9;
	_ =	strace $0x8000004E  }
0xb3: {  	_ =	swait.ge [sflag:s29], $0x1  }
0xb4: {  	[sflag:s29] =	ssyncadd.s32 $0xFFFFFFFF  }
0xb5: {  	_ =	strace $0x9000004E  }
0xb6: {  	_ =	sfence  }
0xb7: {  	s30 =	sld [smem:$0x0];
	_ =	sdelay $0x2  }
0xb8: {  	s31 =	sshll.u32 s1, $0xD;
	s1 =	sshrl.u32 s1, $0x2  }
0xb9: {  	s3 =	sand.u32 $0x4000, s31;
	s1 =	sadd.s32 s1, s30  }
0xba: {  	s0 =	sor.u32 s3, s0;
	s1 =	sshll.u32 s1, $0x11  }
0xbb: {  	s0 =	sor.u32 s1, s0  }
0xbc: {  	s0 =	sadd.s32 $0x8F2B, s0  }
0xbd: {  	[sflag:s0] =	ssyncadd.remote.s32 $0x1  }
0xbe: {  	_ =	sfence.sel $0xFFFF  }
0xbf: {  	[dreg:$0x0] =	wrdreg $0xFFFFFFFF;
	(pc) =	sbr.abs _section_cstart, $3  }
0xc0: {  	[dreg:$0x1] =	wrdreg $0xFFFFFFFF  }
0xc1: {  	_ =	task.clear_ibuf [dreg:s6], $0x2FFFF;
	_ =	strace $0x9FFFFFFF  }
0xc2: {  	(tm) =	ssettm $0x7FFFFFFF  }
0xc3: {  	_ =	shalt  }
tec
execute0_lowered:
.L_overlay_start_1:
0x0: {  	(tag) =	ssettag $0x1  }
0x1: {  	s6 =	rddreg [dreg:$0x0];
	s1 =	srdreg.scid  }
0x2: {  	s0 =	stileid.u32;
	s2 =	rddreg [dreg:$0x1]  }
0x3: {  	s3 =	simm.s32 $0x0;
	s14 =	simm.s32 $0x80;
	s15 =	simm.s32 $0x2800  }
0x4: {  	s16 =	simm.s32 $0x1;
	s17 =	simm.s32 $0x6800;
	s18 =	simm.s32 $0x2  }
0x5: {  	s19 =	simm.s32 $0x3;
	s20 =	simm.s32 $0x4;
	s21 =	simm.s32 $0x1380  }
0x6: {  	s22 =	simm.s32 $0x2700;
	s23 =	simm.s32 $0x2780;
	s5 =	sand.u32 $0x1, s1  }
0x7: {  	s4 =	sshll.u32 s0, $0x1;
	s1 =	rddreg [dreg:$0x2];
	s10 =	smul.u32 $0x4F000, s0  }
0x8: {  	[smem:$0x7FF] =	sst s3;
	s25 =	smul.u32 $0x2780, s0;
	s31 =	sshll.u32 s0, $0x6  }
0x9: {  	s4 =	sor.u32 s5, s4;
	_ =	strace $0x8000004D;
	s8 =	smul.u32 $0x27800, s5  }
0xa: {  	s9 =	ssub.s32 $0x2, s5;
	s5 =	sadd.s32 $0x41600, s6;
	s7 =	smul.u32 $0x500, s4  }
0xb: {  	s4 =	sadd.s32 $0x6400, s6;
	s29 =	sshrl.u32 s9, $0x1;
	s30 =	sshrl.u32 s10, $0x2  }
0xc: {  	s10 =	simm.s32 $0x5;
	s12 =	sadd.s32 s8, s6;
	s9 =	ssub.s32 s9, s29  }
0xd: {  	s13 =	sadd.s32 s30, s2;
	s11 =	sadd.s32 s7, s6;
	s24 =	sadd.s32 $0x43E00, s12  }
0xe: {  	s9 =	smax.u32 s9, $0x1;
	s12 =	sor.u32 $0x1C05, s31;
	s13 =	sshrl.u32 s13, $0x3  }
0xf: {  	s6 =	sadd.s32 $0x2D600, s11;
	s7 =	sadd.s32 $0x37600, s11;
	s8 =	sadd.s32 $0x2D880, s11  }
0x10: {  	s11 =	simm.s32 $0x1400;
	s24 =	sadd.s32 s25, s24;
	s25 =	simm.s32 $0x0  }
.LBB2_1:
0x11: {  	[tilespmem:s3], [sflag:$0x5] =	stream.linear.gather [hbm4b:s6+s3], $0x1400, $0x38;
	[tilespmem:$0x1E400] =	vst v63  }
0x12: {  	_ =	swait.ge [sflag:s10], $0x1400  }
0x13: {  	[sflag:s10] =	ssyncset.done $0x0  }
0x14: {  	[sflag:s10] =	ssyncadd.s32 $0xFFFFEC00  }
0x15: {  	[tilespmem:s11], [sflag:$0x5] =	stream.linear.gather [hbm4b:s7+s3], $0x1400, $0x38;
	[tilespmem:$0x1E400] =	vst v63  }
0x16: {  	_ =	swait.ge [sflag:s10], $0x1400  }
0x17: {  	[sflag:s10] =	ssyncset.done $0x0  }
0x18: {  	[sflag:s10] =	ssyncadd.s32 $0xFFFFEC00  }
0x19: {  	[spmem:s13], [sflag:s12] =	dma.local [hbm:s5], $0x2780  }
0x1a: {  	_ =	swait.ge [sflag:s10], $0x2780  }
0x1b: {  	[sflag:s10] =	ssyncset.done $0x0  }
0x1c: {  	[sflag:s10] =	ssyncadd.s32 $0xFFFFD880  }
0x1d: {  	[tilespmem:s15], [sflag:$0x1] =	stream.indirect.gather [hbm4b:s4+s14], $0x80, s3, s14, $0xb8;
	[tilespmem:$0x1E400] =	vst v63  }
0x1e: {  	[bflag:$0x0] =	sbarrier.arrive $0xFFFF  }
0x1f: {  	_ =	swait.ge [sflag:s16], $0x4000  }
0x20: {  	[sflag:s16] =	ssyncset.done $0x0  }
0x21: {  	s26 =	simm.s32 $0x80;
	[sflag:s16] =	ssyncadd.s32 $0xFFFFC000  }
0x22: {  	[tilespmem:s17], [sflag:$0x2] =	stream.indirect.gather [hbm4b:s4+s14], $0x80, s26, s14, $0xb8;
	[tilespmem:$0x1E400] =	vst v63  }
0x23: {  	s29 =	simm.s32 $0x1400  }
0x24: {  	[spmem:s2] =	stream.indirect.scatter.add.f32 [tilespmem:s15], [sflag:$0x3], $0x80, s29, s14, $0xb8;
	[tilespmem:$0x1E400] =	vst v63  }
0x25: {  	_ =	swait.ge [sflag:s18], $0x4000  }
0x26: {  	[sflag:s18] =	ssyncset.done $0x0  }
0x27: {  	[sflag:s18] =	ssyncadd.s32 $0xFFFFC000  }
0x28: {  	_ =	swait.ge [sflag:s19], $0x4000  }
0x29: {  	[sflag:s19] =	ssyncset.done $0x0  }
0x2a: {  	s30 =	simm.s32 $0x1480;
	[sflag:s19] =	ssyncadd.s32 $0xFFFFC000  }
0x2b: {  	[spmem:s2] =	stream.indirect.scatter.add.f32 [tilespmem:s17], [sflag:$0x4], $0x80, s30, s14, $0xb8;
	[tilespmem:$0x1E400] =	vst v63  }
0x2c: {  	s31 =	simm.s32 $0x100  }
0x2d: {  	[tilespmem:s15], [sflag:$0x1] =	stream.indirect.gather [hbm4b:s4+s14], $0x80, s31, s14, $0xb8;
	[tilespmem:$0x1E400] =	vst v63  }
0x2e: {  	_ =	swait.ge [sflag:s20], $0x4000  }
0x2f: {  	s26 =	simm.s32 $0x400;
	[sflag:s20] =	ssyncset.done $0x0  }
.LBB2_2:
0x30: {  	p0 =	sne.s32 s26, $0x4800  }
0x31: {  	[sflag:s20] =	ssyncadd.s32 $0xFFFFC000;
	s28 =	smov.u32 s26;
	s26 =	sadd.s32 $0x400, s26  }
0x32: {  	_ = 	snop  }
0x33: {  	_ =	swait.ge [sflag:s16], $0x4000  }
0x34: {  	s28 =	sshra.s32 s28, $0x2;
	[sflag:s16] =	ssyncset.done $0x0  }
0x35: {  	s29 =	sadd.s32 $0x80, s28;
	[sflag:s16] =	ssyncadd.s32 $0xFFFFC000  }
0x36: {  	[tilespmem:s17], [sflag:$0x2] =	stream.indirect.gather [hbm4b:s4+s14], $0x80, s29, s14, $0xb8;
	[tilespmem:$0x1E400] =	vst v63  }
0x37: {  	s29 =	sadd.s32 $0x1400, s28  }
0x38: {  	[spmem:s2] =	stream.indirect.scatter.add.f32 [tilespmem:s15], [sflag:$0x3], $0x80, s29, s14, $0xb8;
	[tilespmem:$0x1E400] =	vst v63  }
0x39: {  	_ =	swait.ge [sflag:s18], $0x4000  }
0x3a: {  	[sflag:s18] =	ssyncset.done $0x0  }
0x3b: {  	[sflag:s18] =	ssyncadd.s32 $0xFFFFC000  }
0x3c: {  	_ =	swait.ge [sflag:s19], $0x4000  }
0x3d: {  	[sflag:s19] =	ssyncset.done $0x0  }
0x3e: {  	s29 =	sadd.s32 $0x1480, s28;
	[sflag:s19] =	ssyncadd.s32 $0xFFFFC000  }
0x3f: {  	[spmem:s2] =	stream.indirect.scatter.add.f32 [tilespmem:s17], [sflag:$0x4], $0x80, s29, s14, $0xb8;
	[tilespmem:$0x1E400] =	vst v63  }
.Ltmp0:
0x40: {  	_ = 	snop;
	(pc) =	sbr.rel @p0 .LBB2_2-.Ltmp0, $4  }
0x41: {  	s28 =	sadd.s32 $0x100, s28  }
0x42: {  	[tilespmem:s15], [sflag:$0x1] =	stream.indirect.gather [hbm4b:s4+s14], $0x80, s28, s14, $0xb8;
	[tilespmem:$0x1E400] =	vst v63  }
0x43: {  	_ =	swait.ge [sflag:s20], $0x4000  }
0x44: {  	[sflag:s20] =	ssyncset.done $0x0  }
0x45: {  	[sflag:s20] =	ssyncadd.s32 $0xFFFFC000  }
0x46: {  	_ =	swait.ge [sflag:s16], $0x4000  }
0x47: {  	[sflag:s16] =	ssyncset.done $0x0  }
0x48: {  	[sflag:s16] =	ssyncadd.s32 $0xFFFFC000  }
0x49: {  	[tilespmem:s17], [sflag:$0x2] =	stream.indirect.gather [hbm4b:s4+s14], $0x80, s21, s14, $0xb8;
	[tilespmem:$0x1E400] =	vst v63  }
0x4a: {  	_ = 	snop  }
0x4b: {  	[spmem:s2] =	stream.indirect.scatter.add.f32 [tilespmem:s15], [sflag:$0x3], $0x80, s22, s14, $0xb8;
	[tilespmem:$0x1E400] =	vst v63  }
0x4c: {  	_ =	swait.ge [sflag:s18], $0x4000  }
0x4d: {  	[sflag:s18] =	ssyncset.done $0x0  }
0x4e: {  	[sflag:s18] =	ssyncadd.s32 $0xFFFFC000  }
0x4f: {  	_ =	swait.ge [sflag:s19], $0x4000  }
0x50: {  	[sflag:s19] =	ssyncset.done $0x0  }
0x51: {  	[sflag:s19] =	ssyncadd.s32 $0xFFFFC000  }
0x52: {  	[spmem:s2] =	stream.indirect.scatter.add.f32 [tilespmem:s17], [sflag:$0x4], $0x80, s23, s14, $0xb8;
	[tilespmem:$0x1E400] =	vst v63  }
0x53: {  	s26 =	simm.s32 $0x0  }
0x54: {  	[tilespmem:s15], [sflag:$0x1] =	stream.indirect.gather [hbm4b:s4+s14], $0x80, s26, s14, $0xb8;
	[tilespmem:$0x1E400] =	vst v63  }
0x55: {  	_ =	swait.ge [sflag:s20], $0x4000  }
0x56: {  	[sflag:s20] =	ssyncset.done $0x0  }
0x57: {  	[sflag:s20] =	ssyncadd.s32 $0xFFFFC000  }
0x58: {  	_ =	swait.ge [sflag:s16], $0x4000  }
0x59: {  	[sflag:s16] =	ssyncset.done $0x0  }
0x5a: {  	[sflag:s16] =	ssyncadd.s32 $0xFFFFC000  }
0x5b: {  	[tilespmem:s26], [sflag:$0x5] =	stream.linear.gather [hbm4b:s8+s26], $0x1400, $0x38;
	[tilespmem:$0x1E400] =	vst v63  }
0x5c: {  	_ =	swait.ge [sflag:s10], $0x1400  }
0x5d: {  	[sflag:s10] =	ssyncset.done $0x0  }
0x5e: {  	s28 =	sadd.s32 $0x280, s7;
	[sflag:s10] =	ssyncadd.s32 $0xFFFFEC00  }
0x5f: {  	[tilespmem:s11], [sflag:$0x5] =	stream.linear.gather [hbm4b:s28+s26], $0x1400, $0x38;
	[tilespmem:$0x1E400] =	vst v63  }
0x60: {  	_ =	swait.ge [sflag:s10], $0x1400  }
0x61: {  	[sflag:s10] =	ssyncset.done $0x0  }
0x62: {  	[sflag:s10] =	ssyncadd.s32 $0xFFFFEC00  }
0x63: {  	[tilespmem:s15], [sflag:$0x1] =	stream.indirect.gather [hbm4b:s4+s14], $0x80, s26, s14, $0xb8;
	[tilespmem:$0x1E400] =	vst v63  }
0x64: {  	_ =	swait.ge [sflag:s16], $0x4000  }
0x65: {  	[sflag:s16] =	ssyncset.done $0x0  }
0x66: {  	s28 =	simm.s32 $0x80;
	[sflag:s16] =	ssyncadd.s32 $0xFFFFC000  }
0x67: {  	[tilespmem:s17], [sflag:$0x2] =	stream.indirect.gather [hbm4b:s4+s14], $0x80, s28, s14, $0xb8;
	[tilespmem:$0x1E400] =	vst v63  }
0x68: {  	s29 =	simm.s32 $0x1400  }
0x69: {  	[spmem:s2] =	stream.indirect.scatter.add.f32 [tilespmem:s15], [sflag:$0x3], $0x80, s29, s14, $0xb8;
	[tilespmem:$0x1E400] =	vst v63  }
0x6a: {  	_ =	swait.ge [sflag:s18], $0x4000  }
0x6b: {  	[sflag:s18] =	ssyncset.done $0x0  }
0x6c: {  	[sflag:s18] =	ssyncadd.s32 $0xFFFFC000  }
0x6d: {  	_ =	swait.ge [sflag:s19], $0x4000  }
0x6e: {  	[sflag:s19] =	ssyncset.done $0x0  }
0x6f: {  	s30 =	simm.s32 $0x1480;
	[sflag:s19] =	ssyncadd.s32 $0xFFFFC000  }
0x70: {  	[spmem:s2] =	stream.indirect.scatter.add.f32 [tilespmem:s17], [sflag:$0x4], $0x80, s30, s14, $0xb8;
	[tilespmem:$0x1E400] =	vst v63  }
0x71: {  	s31 =	simm.s32 $0x100  }
0x72: {  	[tilespmem:s15], [sflag:$0x1] =	stream.indirect.gather [hbm4b:s4+s14], $0x80, s31, s14, $0xb8;
	[tilespmem:$0x1E400] =	vst v63  }
0x73: {  	_ =	swait.ge [sflag:s20], $0x4000  }
0x74: {  	s26 =	simm.s32 $0x400;
	[sflag:s20] =	ssyncset.done $0x0  }
.LBB2_4:
0x75: {  	p0 =	sne.s32 s26, $0x4800  }
0x76: {  	[sflag:s20] =	ssyncadd.s32 $0xFFFFC000;
	s28 =	smov.u32 s26;
	s26 =	sadd.s32 $0x400, s26  }
0x77: {  	_ = 	snop  }
0x78: {  	_ =	swait.ge [sflag:s16], $0x4000  }
0x79: {  	s28 =	sshra.s32 s28, $0x2;
	[sflag:s16] =	ssyncset.done $0x0  }
0x7a: {  	s29 =	sadd.s32 $0x80, s28;
	[sflag:s16] =	ssyncadd.s32 $0xFFFFC000  }
0x7b: {  	[tilespmem:s17], [sflag:$0x2] =	stream.indirect.gather [hbm4b:s4+s14], $0x80, s29, s14, $0xb8;
	[tilespmem:$0x1E400] =	vst v63  }
0x7c: {  	s29 =	sadd.s32 $0x1400, s28  }
0x7d: {  	[spmem:s2] =	stream.indirect.scatter.add.f32 [tilespmem:s15], [sflag:$0x3], $0x80, s29, s14, $0xb8;
	[tilespmem:$0x1E400] =	vst v63  }
0x7e: {  	_ =	swait.ge [sflag:s18], $0x4000  }
0x7f: {  	[sflag:s18] =	ssyncset.done $0x0  }
0x80: {  	[sflag:s18] =	ssyncadd.s32 $0xFFFFC000  }
0x81: {  	_ =	swait.ge [sflag:s19], $0x4000  }
0x82: {  	[sflag:s19] =	ssyncset.done $0x0  }
0x83: {  	s29 =	sadd.s32 $0x1480, s28;
	[sflag:s19] =	ssyncadd.s32 $0xFFFFC000  }
0x84: {  	[spmem:s2] =	stream.indirect.scatter.add.f32 [tilespmem:s17], [sflag:$0x4], $0x80, s29, s14, $0xb8;
	[tilespmem:$0x1E400] =	vst v63  }
.Ltmp1:
0x85: {  	_ = 	snop;
	(pc) =	sbr.rel @p0 .LBB2_4-.Ltmp1, $4  }
0x86: {  	s28 =	sadd.s32 $0x100, s28  }
0x87: {  	[tilespmem:s15], [sflag:$0x1] =	stream.indirect.gather [hbm4b:s4+s14], $0x80, s28, s14, $0xb8;
	[tilespmem:$0x1E400] =	vst v63  }
0x88: {  	_ =	swait.ge [sflag:s20], $0x4000  }
0x89: {  	[sflag:s20] =	ssyncset.done $0x0  }
0x8a: {  	[sflag:s20] =	ssyncadd.s32 $0xFFFFC000  }
0x8b: {  	_ =	swait.ge [sflag:s16], $0x4000  }
0x8c: {  	[sflag:s16] =	ssyncset.done $0x0  }
0x8d: {  	[sflag:s16] =	ssyncadd.s32 $0xFFFFC000  }
0x8e: {  	[tilespmem:s17], [sflag:$0x2] =	stream.indirect.gather [hbm4b:s4+s14], $0x80, s21, s14, $0xb8;
	[tilespmem:$0x1E400] =	vst v63  }
0x8f: {  	_ = 	snop  }
0x90: {  	[spmem:s2] =	stream.indirect.scatter.add.f32 [tilespmem:s15], [sflag:$0x3], $0x80, s22, s14, $0xb8;
	[tilespmem:$0x1E400] =	vst v63  }
0x91: {  	_ =	swait.ge [sflag:s18], $0x4000  }
0x92: {  	[sflag:s18] =	ssyncset.done $0x0  }
0x93: {  	[sflag:s18] =	ssyncadd.s32 $0xFFFFC000  }
0x94: {  	_ =	swait.ge [sflag:s19], $0x4000  }
0x95: {  	[sflag:s19] =	ssyncset.done $0x0  }
0x96: {  	[sflag:s19] =	ssyncadd.s32 $0xFFFFC000  }
0x97: {  	[spmem:s2] =	stream.indirect.scatter.add.f32 [tilespmem:s17], [sflag:$0x4], $0x80, s23, s14, $0xb8;
	[tilespmem:$0x1E400] =	vst v63  }
0x98: {  	_ = 	snop  }
0x99: {  	[tilespmem:s15], [sflag:$0x1] =	stream.indirect.gather [hbm4b:s4+s14], $0x80, s3, s14, $0xb8;
	[tilespmem:$0x1E400] =	vst v63  }
0x9a: {  	_ =	swait.ge [sflag:s20], $0x4000  }
0x9b: {  	[sflag:s20] =	ssyncset.done $0x0  }
0x9c: {  	[sflag:s20] =	ssyncadd.s32 $0xFFFFC000  }
0x9d: {  	_ =	swait.ge [sflag:s16], $0x4000  }
0x9e: {  	s25 =	sadd.s32 $0x1, s25;
	[sflag:s16] =	ssyncset.done $0x0  }
0x9f: {  	p0 =	sne.s32 s25, s9;
	[sflag:s16] =	ssyncadd.s32 $0xFFFFC000  }
.Ltmp2:
0xa0: {  	[bflag:$0x0] =	sbarrier.arrive $0xFFFF;
	(pc) =	sbr.rel @p0 .LBB2_1-.Ltmp2, $4  }
0xa1: {  	[hbm:s24], [sflag:s12] =	dma.local [spmem:s13], $0x2780  }
0xa2: {  	_ =	swait.ge [sflag:s10], $0x2780  }
0xa3: {  	[sflag:s10] =	ssyncset.done $0x0  }
0xa4: {  	[sflag:s10] =	ssyncadd.s32 $0xFFFFD880  }
0xa5: {  	_ =	sfence.sel $0x180000  }
0xa6: {  	[bflag:$0x0] =	sbarrier.arrive $0xFFFF  }
0xa7: {  	p0 =	sne.s32 s0, $0x0;
	_ =	strace $0x9000004D  }
0xa8: {  	s0 =	sadd.s32 @!p0 $0x100000, s1;
	[bflag:$0x2] =	sbarrier.arrive $0xFFFF  }
0xa9: {  	[sflag:s0] =	ssyncadd.tile.s32 @!p0 $0x1;
	_ =	shalt  }
.Lfunc_end2:
_tile_overlayer_lowered:
.L_overlay_start_2:
0xaa: {  	(tag) =	ssettag $0x2  }
0xab: {  	s0 =	rddreg [dreg:$0x0];
	s2 =	stileid.u32  }
0xac: {  	s1 =	rddreg [dreg:$0x1];
	p0 =	sne.s32 s2, $0x0  }
0xad: {  	s3 =	rddreg [dreg:$0x2];
	[bflag:$0x3] =	sbarrier.arrive $0xFFFF;
	s2 =	simm.s32 @!p0 $0x1C05  }
0xae: {  	[timem:s3], [sflag:s2] =	dma.local @!p0 [hbm:s0], s1  }
0xaf: {  	s0 =	simm.s32 @!p0 $0x5  }
0xb0: {  	_ =	swait.ge @!p0 [sflag:s0], s1  }
0xb1: {  	s1 =	ssub.s32 @!p0 $0x0, s1;
	[sflag:s0] =	ssyncset.done @!p0 $0x0  }
0xb2: {  	[sflag:s0] =	ssyncadd.s32 @!p0 s1  }
0xb3: {  	[bflag:$0x3] =	sbarrier.arrive $0xFFFF  }
0xb4: {  	_ =	shalt  }

// kernel: kernel.24.cloned.1.call-start
scs
__scs_entry_jumppad:
0x0: {  	(pc) =	sbr.rel $0x88, $3  }
0x1: {  	(tag) =	ssettag $0x0;
	lr =	simm.s32 $0x1  }
0x2: {  	[smem:$0x3F88] =	sst lr;
	_ =	strace $0xD0000000  }
0x3: {  	_ = 	snop  }
0x4: {  	_ = 	snop  }
0x5: {  	_ = 	snop  }
0x6: {  	_ = 	snop  }
0x7: {  	_ = 	snop  }
__scs_overlays_trampoline_lowered:
0x8: {  	[smem:$0x3F97] =	sst s0  }
0x9: {  	[smem:$0x3F98] =	sst s1  }
0xa: {  	[smem:$0x3F99] =	sst s2  }
0xb: {  	[smem:$0x3F9A] =	sst s3  }
0xc: {  	[smem:$0x3F9B] =	sst s4  }
0xd: {  	[smem:$0x3F9C] =	sst s5  }
0xe: {  	[smem:$0x3F9D] =	sst s6  }
0xf: {  	[smem:$0x3F9E] =	sst s7  }
0x10: {  	[smem:$0x3F9F] =	sst s8  }
0x11: {  	[smem:$0x3FA0] =	sst s9;
	s0 =	simm.s32 @!p0 $0x0  }
0x12: {  	s1 =	sld [smem:$0x3F86];
	s0 =	simm.s32 @p0 $0x1  }
0x13: {  	[smem:$0x3FA1] =	sst s0;
	s0 =	simm.s32 @!p1 $0x0  }
0x14: {  	s2 =	sld [smem:$0x3F85];
	s0 =	simm.s32 @p1 $0x1  }
0x15: {  	[smem:$0x3FA2] =	sst s0;
	s0 =	simm.s32 @!p2 $0x0  }
0x16: {  	s3 =	sld [smem:$0x3FDB];
	s0 =	simm.s32 @p2 $0x1  }
0x17: {  	s4 =	simm.s32 $0x1BF5;
	[smem:$0x3FA4] =	sst s0  }
0x18: {  	s0 =	sld [smem:$0x3F87];
	_ =	swait.ge [sflag:s4], $0x0  }
0x19: {  	s7 =	sld [smem:$0x3F88]  }
0x1a: {  	s8 =	sadd.s32 $0xFFFFE003, lr  }
0x1b: {  	s9 =	sadd.s32 $0xFFFFFEF7, lr;
	s5 =	simm.s32 $0xFFFFFFFF;
	p2 =	slt.u32 s8, $0xFFFFF086  }
0x1c: {  	p1 =	slt.u32 s9, $0xF7A;
	s5 =	simm.s32 @!p2 $0x0  }
0x1d: {  	s5 =	simm.s32 @p1 $0x1;
	p0 =	seq.s32 s7, s2  }
0x1e: {  	s7 =	smul.u32 @!p0 $0xF7A, s2;
	p2 =	seq.s32 @!p0 s5, $0x0  }
0x1f: {  	s9 =	smul.u32 $0xF7A, s1;
	s8 =	simm.s32 @!p0 $0x1BF5;
	p2 =	por !p2, p0  }
0x20: {  	[sflag:s8] =	ssyncset.s32 @!p0 $0xFFFFF086;
	s6 =	sadd.s32 @!p0 s3, s7;
	s7 =	simm.s32 @!p0 $0x108  }
0x21: {  	s3 =	sadd.s32 s3, s9;
	s6 =	sadd.s32 @!p0 $0x88, s6;
	s7 =	simm.s32 @p2 $0x1082  }
0x22: {  	[simem:s7], [sflag:s8] =	dma.local @!p0 [hbm:s6], $0xF7A  }
0x23: {  	s9 =	sor.u32 $0xD0000000, s2;
	s6 =	simm.s32 $0x108;
	_ =	swait.ge @!p0 [sflag:s8], $0x0  }
0x24: {  	s3 =	sadd.s32 $0x88, s3;
	s6 =	simm.s32 @!p1 $0x1082;
	[sflag:s4] =	ssyncset.s32 $0xFFFFF086  }
0x25: {  	[simem:s6], [sflag:s4] =	dma.local [hbm:s3], $0xF7A  }
0x26: {  	[smem:$0x3F88] =	sst s1;
	(tag) =	ssettag s2;
	_ =	strace s9  }
0x27: {  	s1 =	sld [smem:$0x3F98]  }
0x28: {  	s2 =	sld [smem:$0x3F99]  }
0x29: {  	s4 =	sld [smem:$0x3F9B]  }
0x2a: {  	p0 =	seq.s32 s5, $0x0;
	s5 =	sld [smem:$0x3F9C]  }
0x2b: {  	s6 =	sld [smem:$0x3F9D]  }
0x2c: {  	s7 =	sld [smem:$0x3F9E]  }
0x2d: {  	s3 =	simm.s32 $0x108;
	s8 =	sld [smem:$0x3F9F]  }
0x2e: {  	s3 =	simm.s32 @!p0 $0x1082;
	s9 =	sld [smem:$0x3FA0]  }
0x2f: {  	lr =	sadd.s32 s0, s3;
	s0 =	sld [smem:$0x3F97]  }
0x30: {  	s3 =	sld [smem:$0x3F9A]  }
0x31: {  	[smem:$0x3FA3] =	sst s10  }
0x32: {  	s10 =	sld [smem:$0x3FA1];
	_ =	sdelay $0x3  }
0x33: {  	p0 =	seq.s32 s10, $0x1;
	s10 =	sld [smem:$0x3FA3];
	_ =	sdelay $0x3  }
0x34: {  	[smem:$0x3FA3] =	sst s10  }
0x35: {  	s10 =	sld [smem:$0x3FA2];
	_ =	sdelay $0x3  }
0x36: {  	p1 =	seq.s32 s10, $0x1;
	s10 =	sld [smem:$0x3FA3];
	_ =	sdelay $0x3  }
0x37: {  	[smem:$0x3FA3] =	sst s10  }
0x38: {  	s10 =	sld [smem:$0x3FA4]  }
0x39: {  	_ = 	snop;
	(pc) =	sbr.ind lr, $3  }
0x3a: {  	_ = 	snop  }
0x3b: {  	_ = 	snop  }
0x3c: {  	p2 =	seq.s32 s10, $0x1;
	s10 =	sld [smem:$0x3FA3]  }
0x3d: {  	_ =	shalt  }
0x3e: {  	_ =	shalt  }
0x3f: {  	_ =	shalt  }
0x40: {  	_ =	shalt  }
0x41: {  	_ =	shalt  }
0x42: {  	_ =	shalt  }
0x43: {  	_ =	shalt  }
0x44: {  	_ =	shalt  }
0x45: {  	_ =	shalt  }
0x46: {  	_ =	shalt  }
0x47: {  	_ =	shalt  }
0x48: {  	_ =	shalt  }
0x49: {  	_ =	shalt  }
0x4a: {  	_ =	shalt  }
0x4b: {  	_ =	shalt  }
0x4c: {  	_ =	shalt  }
0x4d: {  	_ =	shalt  }
0x4e: {  	_ =	shalt  }
0x4f: {  	_ =	shalt  }
0x50: {  	_ =	shalt  }
0x51: {  	_ =	shalt  }
0x52: {  	_ =	shalt  }
0x53: {  	_ =	shalt  }
0x54: {  	_ =	shalt  }
0x55: {  	_ =	shalt  }
0x56: {  	_ =	shalt  }
0x57: {  	_ =	shalt  }
0x58: {  	_ =	shalt  }
0x59: {  	_ =	shalt  }
0x5a: {  	_ =	shalt  }
0x5b: {  	_ =	shalt  }
0x5c: {  	_ =	shalt  }
0x5d: {  	_ =	shalt  }
0x5e: {  	_ =	shalt  }
0x5f: {  	_ =	shalt  }
0x60: {  	_ =	shalt  }
0x61: {  	_ =	shalt  }
0x62: {  	_ =	shalt  }
0x63: {  	_ =	shalt  }
0x64: {  	_ =	shalt  }
0x65: {  	_ =	shalt  }
0x66: {  	_ =	shalt  }
0x67: {  	_ =	shalt  }
0x68: {  	_ =	shalt  }
0x69: {  	_ =	shalt  }
0x6a: {  	_ =	shalt  }
0x6b: {  	_ =	shalt  }
0x6c: {  	_ =	shalt  }
0x6d: {  	_ =	shalt  }
0x6e: {  	_ =	shalt  }
0x6f: {  	_ =	shalt  }
0x70: {  	_ =	shalt  }
0x71: {  	_ =	shalt  }
0x72: {  	_ =	shalt  }
0x73: {  	_ =	shalt  }
0x74: {  	_ =	shalt  }
0x75: {  	_ =	shalt  }
0x76: {  	_ =	shalt  }
0x77: {  	_ =	shalt  }
0x78: {  	_ =	shalt  }
0x79: {  	_ =	shalt  }
0x7a: {  	_ =	shalt  }
0x7b: {  	_ =	shalt  }
0x7c: {  	_ =	shalt  }
0x7d: {  	_ =	shalt  }
0x7e: {  	_ =	shalt  }
0x7f: {  	_ =	shalt  }
0x80: {  	_ =	shalt  }
0x81: {  	_ =	shalt  }
0x82: {  	_ =	shalt  }
0x83: {  	_ =	shalt  }
0x84: {  	_ =	shalt  }
0x85: {  	_ =	shalt  }
0x86: {  	_ =	shalt  }
0x87: {  	_ =	shalt  }
.Lfunc_end0:
.L_simem_size_0:
called_computation.3_lowered:
.L_overlay_start_0:
0x88: {  	s2 =	sld [smem:$0x3FD9]  }
0x89: {  	s3 =	sld [smem:$0x3FFE];
	_ =	sdelay $0x1  }
0x8a: {  	s1 =	srdreg.scid  }
0x8b: {  	s0 =	sand.u32 $0x1, s1  }
0x8c: {  	s16 =	sshll.u32 s0, $0xA;
	s2 =	sadd.s32 s3, s2  }
0x8d: {  	s2 =	sadd.s32 s2, s16  }
0x8e: {  	[smem:$0x3FAF] =	sst s2  }
0x8f: {  	_ = 	snop  }
0x90: {  	(tm) =	ssettm $0x1  }
0x91: {  	s17 =	sld [smem:$0x3FFB];
	_ =	sdelay $0x3  }
0x92: {  	_ =	strace s17  }
0x93: {  	s2 =	sld [smem:$0x3FFC];
	_ =	sdelay $0x3  }
0x94: {  	_ =	strace s2  }
0x95: {  	s2 =	sld [smem:$0x3FFD];
	_ =	sdelay $0x3  }
0x96: {  	_ =	strace s2  }
0x97: {  	_ =	strace $0x8FFFFFFF  }
0x98: {  	s18 =	sld [smem:$0x3FDB];
	_ =	sdelay $0x1  }
0x99: {  	s19 =	simm.s32 $_scs_section_size  }
0x9a: {  	s4 =	simm.s32 $_size__tile_overlayer_lowered;
	s5 =	simm.s32 $_tile_overlayer_lowered  }
0x9b: {  	s22 =	simm.s32 $0x1BFF;
	s21 =	sshll.u32 s5, $0x1;
	s2 =	sadd.s32 s19, s18  }
0x9c: {  	s6 =	simm.s32 $0x0;
	s20 =	sshll.u32 s4, $0x1;
	s4 =	sadd.s32 s21, s2  }
0x9d: {  	[timem:s6], [sflag:s22] =	dma.local [hbm:s4], s20  }
0x9e: {  	_ =	swait.ge [sflag:s22], s20  }
0x9f: {  	s3 =	ssub.s32 $0x0, s20;
	[sflag:s22] =	ssyncset.done $0x0  }
0xa0: {  	[sflag:s22] =	ssyncadd.s32 s3;
	_ =	sdelay $0x1  }
0xa1: {  	s23 =	simm.s32 $0x1B8B  }
0xa2: {  	_ =	swait.ge [sflag:s23], $0x1  }
0xa3: {  	[sflag:s23] =	ssyncset.done $0x0  }
0xa4: {  	s25 =	simm.s32 $0x1B8E;
	s24 =	sld [smem:$0x3FFE];
	[sflag:s23] =	ssyncadd.s32 $0xFFFFFFFF  }
0xa5: {  	s26 =	simm.s32 $execute0_lowered;
	[smem:$0x3FD2] =	sst s25  }
0xa6: {  	s4 =	sshll.u32 s26, $0x1;
	_ =	strace $0x8000004F;
	[dreg:$0x1] =	wrdreg $0xFFFFFFFF  }
0xa7: {  	s28 =	simm.s32 $_size_execute0_lowered;
	s2 =	sadd.s32 s2, s4;
	[dreg:$0x0] =	wrdreg $0x0  }
0xa8: {  	s4 =	sshll.u32 s28, $0x1;
	[dreg:$0x2] =	wrdreg s2  }
0xa9: {  	[dreg:$0x3] =	wrdreg s4  }
0xaa: {  	[dreg:$0x4] =	wrdreg $0xC0  }
0xab: {  	_ =	task [dreg:s6], $0x5FFFF  }
0xac: {  	[dreg:$0x1] =	wrdreg $0xFFFFFFFF  }
0xad: {  	[dreg:$0x0] =	wrdreg $0x60  }
0xae: {  	[dreg:$0x2] =	wrdreg s24  }
0xaf: {  	[dreg:$0x3] =	wrdreg $0x82000  }
0xb0: {  	[dreg:$0x4] =	wrdreg $0xA  }
0xb1: {  	_ =	task.clear_ibuf [dreg:s6], $0x5FFFF;
	_ =	strace $0x9000004F  }
0xb2: {  	s29 =	simm.s32 $0xA;
	_ =	strace $0x80000051  }
0xb3: {  	_ =	swait.ge [sflag:s29], $0x1  }
0xb4: {  	[sflag:s29] =	ssyncadd.s32 $0xFFFFFFFF  }
0xb5: {  	_ =	strace $0x90000051  }
0xb6: {  	_ =	sfence  }
0xb7: {  	s30 =	sld [smem:$0x0];
	_ =	sdelay $0x2  }
0xb8: {  	s31 =	sshll.u32 s1, $0xD;
	s1 =	sshrl.u32 s1, $0x2  }
0xb9: {  	s3 =	sand.u32 $0x4000, s31;
	s1 =	sadd.s32 s1, s30  }
0xba: {  	s0 =	sor.u32 s3, s0;
	s1 =	sshll.u32 s1, $0x11  }
0xbb: {  	s0 =	sor.u32 s1, s0  }
0xbc: {  	s0 =	sadd.s32 $0x8F2B, s0  }
0xbd: {  	[sflag:s0] =	ssyncadd.remote.s32 $0x1  }
0xbe: {  	_ =	sfence.sel $0xFFFF  }
0xbf: {  	[dreg:$0x0] =	wrdreg $0xFFFFFFFF;
	(pc) =	sbr.abs _section_cstart, $3  }
0xc0: {  	[dreg:$0x1] =	wrdreg $0xFFFFFFFF  }
0xc1: {  	_ =	task.clear_ibuf [dreg:s6], $0x2FFFF;
	_ =	strace $0x9FFFFFFF  }
0xc2: {  	(tm) =	ssettm $0x7FFFFFFF  }
0xc3: {  	_ =	shalt  }
tec
execute0_lowered:
.L_overlay_start_1:
0x0: {  	(tag) =	ssettag $0x1  }
0x1: {  	s1 =	srdreg.scid  }
0x2: {  	s0 =	stileid.u32;
	s24 =	sand.u32 $0x1, s1  }
0x3: {  	s23 =	rddreg [dreg:$0x0];
	s22 =	sshll.u32 s0, $0xA;
	s1 =	sshll.u32 s24, $0x9  }
0x4: {  	s2 =	rddreg [dreg:$0x1];
	s3 =	simm.s32 $0x0;
	s4 =	sor.u32 s1, s22  }
0x5: {  	[smem:$0x7FF] =	sst s3;
	s4 =	sshrl.u32 s4, $0x3  }
0x6: {  	s1 =	rddreg [dreg:$0x2];
	s20 =	sadd.s32 s4, s23  }
0x7: {  	_ =	strace $0x80000050;
	s4 =	simm.s32 $0x5;
	s5 =	sadd.s32 $0x92E00, s20  }
0x8: {  	[tilespmem:s3], [sflag:$0x5] =	stream.linear.gather [hbm4b:s5+s3], $0x100, $0x38;
	[tilespmem:$0xA200] =	vst v63  }
0x9: {  	_ =	swait.ge [sflag:s4], $0x100  }
0xa: {  	[sflag:s4] =	ssyncset.done $0x0  }
0xb: {  	s7 =	simm.s32 $0x100;
	s6 =	sadd.s32 $0x93600, s20;
	[sflag:s4] =	ssyncadd.s32 $0xFFFFFF00  }
0xc: {  	[tilespmem:s7], [sflag:$0x5] =	stream.linear.gather [hbm4b:s6+s3], $0x100, $0x38;
	[tilespmem:$0xA200] =	vst v63  }
0xd: {  	s8 =	sadd.s32 $0x2D600, s23;
	s9 =	sshll.u32 s0, $0xD;
	_ =	swait.ge [sflag:s4], $0x100  }
0xe: {  	s30 =	sshll.u32 s0, $0x6;
	s10 =	sadd.s32 s9, s2;
	[sflag:s4] =	ssyncset.done $0x0  }
0xf: {  	s9 =	sor.u32 $0x1C05, s30;
	s10 =	sshrl.u32 s10, $0x3;
	[sflag:s4] =	ssyncadd.s32 $0xFFFFFF00  }
0x10: {  	[spmem:s10], [sflag:s9] =	dma.local [hbm:s8], $0x400  }
0x11: {  	_ =	swait.ge [sflag:s4], $0x400  }
0x12: {  	s12 =	simm.s32 $0x80;
	[sflag:s4] =	ssyncset.done $0x0  }
0x13: {  	s13 =	simm.s32 $0x200;
	s11 =	sadd.s32 $0x6400, s23;
	[sflag:s4] =	ssyncadd.s32 $0xFFFFFC00  }
0x14: {  	[tilespmem:s13], [sflag:$0x1] =	stream.indirect.gather [hbm4b:s11+s12], $0x80, s3, s12, $0xb8;
	[tilespmem:$0xA200] =	vst v63  }
0x15: {  	s14 =	simm.s32 $0x1;
	[bflag:$0x0] =	sbarrier.arrive $0xFFFF  }
0x16: {  	_ =	swait.ge [sflag:s14], $0x4000  }
0x17: {  	[sflag:s14] =	ssyncset.done $0x0  }
0x18: {  	s15 =	simm.s32 $0x4200;
	[sflag:s14] =	ssyncadd.s32 $0xFFFFC000  }
0x19: {  	[tilespmem:s15], [sflag:$0x2] =	stream.indirect.gather [hbm4b:s11+s12], $0x80, s12, s12, $0xb8;
	[tilespmem:$0xA200] =	vst v63  }
0x1a: {  	s16 =	simm.s32 $0x2  }
0x1b: {  	[spmem:s2] =	stream.indirect.scatter.add.f32 [tilespmem:s13], [sflag:$0x3], $0x80, s7, s12, $0xb8;
	[tilespmem:$0xA200] =	vst v63  }
0x1c: {  	_ =	swait.ge [sflag:s16], $0x4000  }
0x1d: {  	[sflag:s16] =	ssyncset.done $0x0  }
0x1e: {  	s17 =	simm.s32 $0x3;
	[sflag:s16] =	ssyncadd.s32 $0xFFFFC000  }
0x1f: {  	_ =	swait.ge [sflag:s17], $0x4000  }
0x20: {  	[sflag:s17] =	ssyncset.done $0x0  }
0x21: {  	s18 =	simm.s32 $0x180;
	[sflag:s17] =	ssyncadd.s32 $0xFFFFC000  }
0x22: {  	[spmem:s2] =	stream.indirect.scatter.add.f32 [tilespmem:s15], [sflag:$0x4], $0x80, s18, s12, $0xb8;
	[tilespmem:$0xA200] =	vst v63  }
0x23: {  	s19 =	simm.s32 $0x4  }
0x24: {  	[tilespmem:s13], [sflag:$0x1] =	stream.indirect.gather [hbm4b:s11+s12], $0x80, s3, s12, $0xb8;
	[tilespmem:$0xA200] =	vst v63  }
0x25: {  	_ =	swait.ge [sflag:s19], $0x4000  }
0x26: {  	[sflag:s19] =	ssyncset.done $0x0  }
0x27: {  	[sflag:s19] =	ssyncadd.s32 $0xFFFFC000  }
0x28: {  	_ =	swait.ge [sflag:s14], $0x4000  }
0x29: {  	[sflag:s14] =	ssyncset.done $0x0  }
0x2a: {  	s20 =	sadd.s32 $0x92E20, s20;
	[sflag:s14] =	ssyncadd.s32 $0xFFFFC000  }
0x2b: {  	[tilespmem:s3], [sflag:$0x5] =	stream.linear.gather [hbm4b:s20+s3], $0x100, $0x38;
	[tilespmem:$0xA200] =	vst v63  }
0x2c: {  	_ =	swait.ge [sflag:s4], $0x100  }
0x2d: {  	[sflag:s4] =	ssyncset.done $0x0  }
0x2e: {  	s21 =	sadd.s32 $0x20, s6;
	[sflag:s4] =	ssyncadd.s32 $0xFFFFFF00  }
0x2f: {  	[tilespmem:s7], [sflag:$0x5] =	stream.linear.gather [hbm4b:s21+s3], $0x100, $0x38;
	[tilespmem:$0xA200] =	vst v63  }
0x30: {  	_ =	swait.ge [sflag:s4], $0x100  }
0x31: {  	[sflag:s4] =	ssyncset.done $0x0  }
0x32: {  	[sflag:s4] =	ssyncadd.s32 $0xFFFFFF00  }
0x33: {  	[tilespmem:s13], [sflag:$0x1] =	stream.indirect.gather [hbm4b:s11+s12], $0x80, s3, s12, $0xb8;
	[tilespmem:$0xA200] =	vst v63  }
0x34: {  	_ =	swait.ge [sflag:s14], $0x4000  }
0x35: {  	[sflag:s14] =	ssyncset.done $0x0  }
0x36: {  	[sflag:s14] =	ssyncadd.s32 $0xFFFFC000  }
0x37: {  	[tilespmem:s15], [sflag:$0x2] =	stream.indirect.gather [hbm4b:s11+s12], $0x80, s12, s12, $0xb8;
	[tilespmem:$0xA200] =	vst v63  }
0x38: {  	_ = 	snop  }
0x39: {  	[spmem:s2] =	stream.indirect.scatter.add.f32 [tilespmem:s13], [sflag:$0x3], $0x80, s7, s12, $0xb8;
	[tilespmem:$0xA200] =	vst v63  }
0x3a: {  	_ =	swait.ge [sflag:s16], $0x4000  }
0x3b: {  	[sflag:s16] =	ssyncset.done $0x0  }
0x3c: {  	[sflag:s16] =	ssyncadd.s32 $0xFFFFC000  }
0x3d: {  	_ =	swait.ge [sflag:s17], $0x4000  }
0x3e: {  	[sflag:s17] =	ssyncset.done $0x0  }
0x3f: {  	[sflag:s17] =	ssyncadd.s32 $0xFFFFC000  }
0x40: {  	[spmem:s2] =	stream.indirect.scatter.add.f32 [tilespmem:s15], [sflag:$0x4], $0x80, s18, s12, $0xb8;
	[tilespmem:$0xA200] =	vst v63  }
0x41: {  	_ = 	snop  }
0x42: {  	[tilespmem:s13], [sflag:$0x1] =	stream.indirect.gather [hbm4b:s11+s12], $0x80, s3, s12, $0xb8;
	[tilespmem:$0xA200] =	vst v63  }
0x43: {  	s25 =	sshll.u32 s24, $0xE;
	s24 =	ssub.s32 $0x2, s24;
	_ =	swait.ge [sflag:s19], $0x4000  }
0x44: {  	s31 =	sshrl.u32 s24, $0x1;
	[sflag:s19] =	ssyncset.done $0x0  }
0x45: {  	s24 =	ssub.s32 s24, s31;
	[sflag:s19] =	ssyncadd.s32 $0xFFFFC000  }
0x46: {  	s24 =	smax.u32 s24, $0x1;
	_ =	swait.ge [sflag:s14], $0x4000  }
0x47: {  	s23 =	sadd.s32 s25, s23;
	p0 =	sne.s32 s24, $0x1;
	[sflag:s14] =	ssyncset.done $0x0  }
.Ltmp0:
0x48: {  	s23 =	sadd.s32 $0x2DA00, s23;
	[sflag:s14] =	ssyncadd.s32 $0xFFFFC000;
	(pc) =	sbr.rel @!p0 .LBB2_2-.Ltmp0, $4  }
0x49: {  	s22 =	sadd.s32 s22, s23;
	[bflag:$0x0] =	sbarrier.arrive $0xFFFF  }
0x4a: {  	[hbm:s22], [sflag:s9] =	dma.local [spmem:s10], $0x400  }
0x4b: {  	_ =	swait.ge [sflag:s4], $0x400  }
0x4c: {  	s23 =	sadd.s32 $0xFFFFFFFF, s24;
	[sflag:s4] =	ssyncset.done $0x0  }
.LBB2_1:
0x4d: {  	p0 =	sne.s32 s23, $0x1;
	s23 =	sadd.s32 $0xFFFFFFFF, s23;
	[sflag:s4] =	ssyncadd.s32 $0xFFFFFC00  }
0x4e: {  	[tilespmem:s3], [sflag:$0x5] =	stream.linear.gather [hbm4b:s5+s3], $0x100, $0x38;
	[tilespmem:$0xA200] =	vst v63  }
0x4f: {  	_ =	swait.ge [sflag:s4], $0x100  }
0x50: {  	[sflag:s4] =	ssyncset.done $0x0  }
0x51: {  	[sflag:s4] =	ssyncadd.s32 $0xFFFFFF00  }
0x52: {  	[tilespmem:s7], [sflag:$0x5] =	stream.linear.gather [hbm4b:s6+s3], $0x100, $0x38;
	[tilespmem:$0xA200] =	vst v63  }
0x53: {  	_ =	swait.ge [sflag:s4], $0x100  }
0x54: {  	[sflag:s4] =	ssyncset.done $0x0  }
0x55: {  	[sflag:s4] =	ssyncadd.s32 $0xFFFFFF00  }
0x56: {  	[spmem:s10], [sflag:s9] =	dma.local [hbm:s8], $0x400  }
0x57: {  	_ =	swait.ge [sflag:s4], $0x400  }
0x58: {  	[sflag:s4] =	ssyncset.done $0x0  }
0x59: {  	[sflag:s4] =	ssyncadd.s32 $0xFFFFFC00  }
0x5a: {  	[tilespmem:s13], [sflag:$0x1] =	stream.indirect.gather [hbm4b:s11+s12], $0x80, s3, s12, $0xb8;
	[tilespmem:$0xA200] =	vst v63  }
0x5b: {  	[bflag:$0x0] =	sbarrier.arrive $0xFFFF  }
0x5c: {  	_ =	swait.ge [sflag:s14], $0x4000  }
0x5d: {  	[sflag:s14] =	ssyncset.done $0x0  }
0x5e: {  	[sflag:s14] =	ssyncadd.s32 $0xFFFFC000  }
0x5f: {  	[tilespmem:s15], [sflag:$0x2] =	stream.indirect.gather [hbm4b:s11+s12], $0x80, s12, s12, $0xb8;
	[tilespmem:$0xA200] =	vst v63  }
0x60: {  	_ = 	snop  }
0x61: {  	[spmem:s2] =	stream.indirect.scatter.add.f32 [tilespmem:s13], [sflag:$0x3], $0x80, s7, s12, $0xb8;
	[tilespmem:$0xA200] =	vst v63  }
0x62: {  	_ =	swait.ge [sflag:s16], $0x4000  }
0x63: {  	[sflag:s16] =	ssyncset.done $0x0  }
0x64: {  	[sflag:s16] =	ssyncadd.s32 $0xFFFFC000  }
0x65: {  	_ =	swait.ge [sflag:s17], $0x4000  }
0x66: {  	[sflag:s17] =	ssyncset.done $0x0  }
0x67: {  	[sflag:s17] =	ssyncadd.s32 $0xFFFFC000  }
0x68: {  	[spmem:s2] =	stream.indirect.scatter.add.f32 [tilespmem:s15], [sflag:$0x4], $0x80, s18, s12, $0xb8;
	[tilespmem:$0xA200] =	vst v63  }
0x69: {  	_ = 	snop  }
0x6a: {  	[tilespmem:s13], [sflag:$0x1] =	stream.indirect.gather [hbm4b:s11+s12], $0x80, s3, s12, $0xb8;
	[tilespmem:$0xA200] =	vst v63  }
0x6b: {  	_ =	swait.ge [sflag:s19], $0x4000  }
0x6c: {  	[sflag:s19] =	ssyncset.done $0x0  }
0x6d: {  	[sflag:s19] =	ssyncadd.s32 $0xFFFFC000  }
0x6e: {  	_ =	swait.ge [sflag:s14], $0x4000  }
0x6f: {  	[sflag:s14] =	ssyncset.done $0x0  }
0x70: {  	[sflag:s14] =	ssyncadd.s32 $0xFFFFC000  }
0x71: {  	[tilespmem:s3], [sflag:$0x5] =	stream.linear.gather [hbm4b:s20+s3], $0x100, $0x38;
	[tilespmem:$0xA200] =	vst v63  }
0x72: {  	_ =	swait.ge [sflag:s4], $0x100  }
0x73: {  	[sflag:s4] =	ssyncset.done $0x0  }
0x74: {  	[sflag:s4] =	ssyncadd.s32 $0xFFFFFF00  }
0x75: {  	[tilespmem:s7], [sflag:$0x5] =	stream.linear.gather [hbm4b:s21+s3], $0x100, $0x38;
	[tilespmem:$0xA200] =	vst v63  }
0x76: {  	_ =	swait.ge [sflag:s4], $0x100  }
0x77: {  	[sflag:s4] =	ssyncset.done $0x0  }
0x78: {  	[sflag:s4] =	ssyncadd.s32 $0xFFFFFF00  }
0x79: {  	[tilespmem:s13], [sflag:$0x1] =	stream.indirect.gather [hbm4b:s11+s12], $0x80, s3, s12, $0xb8;
	[tilespmem:$0xA200] =	vst v63  }
0x7a: {  	_ =	swait.ge [sflag:s14], $0x4000  }
0x7b: {  	[sflag:s14] =	ssyncset.done $0x0  }
0x7c: {  	[sflag:s14] =	ssyncadd.s32 $0xFFFFC000  }
0x7d: {  	[tilespmem:s15], [sflag:$0x2] =	stream.indirect.gather [hbm4b:s11+s12], $0x80, s12, s12, $0xb8;
	[tilespmem:$0xA200] =	vst v63  }
0x7e: {  	_ = 	snop  }
0x7f: {  	[spmem:s2] =	stream.indirect.scatter.add.f32 [tilespmem:s13], [sflag:$0x3], $0x80, s7, s12, $0xb8;
	[tilespmem:$0xA200] =	vst v63  }
0x80: {  	_ =	swait.ge [sflag:s16], $0x4000  }
0x81: {  	[sflag:s16] =	ssyncset.done $0x0  }
0x82: {  	[sflag:s16] =	ssyncadd.s32 $0xFFFFC000  }
0x83: {  	_ =	swait.ge [sflag:s17], $0x4000  }
0x84: {  	[sflag:s17] =	ssyncset.done $0x0  }
0x85: {  	[sflag:s17] =	ssyncadd.s32 $0xFFFFC000  }
0x86: {  	[spmem:s2] =	stream.indirect.scatter.add.f32 [tilespmem:s15], [sflag:$0x4], $0x80, s18, s12, $0xb8;
	[tilespmem:$0xA200] =	vst v63  }
0x87: {  	_ = 	snop  }
0x88: {  	[tilespmem:s13], [sflag:$0x1] =	stream.indirect.gather [hbm4b:s11+s12], $0x80, s3, s12, $0xb8;
	[tilespmem:$0xA200] =	vst v63  }
0x89: {  	_ =	swait.ge [sflag:s19], $0x4000  }
0x8a: {  	[sflag:s19] =	ssyncset.done $0x0  }
0x8b: {  	[sflag:s19] =	ssyncadd.s32 $0xFFFFC000  }
0x8c: {  	_ =	swait.ge [sflag:s14], $0x4000  }
0x8d: {  	[sflag:s14] =	ssyncset.done $0x0  }
.Ltmp1:
0x8e: {  	[sflag:s14] =	ssyncadd.s32 $0xFFFFC000;
	(pc) =	sbr.rel @p0 .LBB2_1-.Ltmp1, $4  }
0x8f: {  	[bflag:$0x0] =	sbarrier.arrive $0xFFFF  }
0x90: {  	[hbm:s22], [sflag:s9] =	dma.local [spmem:s10], $0x400  }
0x91: {  	_ =	swait.ge [sflag:s4], $0x400  }
0x92: {  	[sflag:s4] =	ssyncset.done $0x0  }
.LBB2_2:
0x93: {  	[sflag:s4] =	ssyncadd.s32 $0xFFFFFC00  }
0x94: {  	_ =	sfence.sel $0x180000  }
0x95: {  	[bflag:$0x0] =	sbarrier.arrive $0xFFFF  }
0x96: {  	p0 =	sne.s32 s0, $0x0;
	_ =	strace $0x90000050  }
0x97: {  	s0 =	sadd.s32 @!p0 $0x100000, s1;
	[bflag:$0x2] =	sbarrier.arrive $0xFFFF  }
0x98: {  	[sflag:s0] =	ssyncadd.tile.s32 @!p0 $0x1;
	_ =	shalt  }
.Lfunc_end2:
_tile_overlayer_lowered:
.L_overlay_start_2:
0x99: {  	(tag) =	ssettag $0x2  }
0x9a: {  	s0 =	rddreg [dreg:$0x0];
	s2 =	stileid.u32  }
0x9b: {  	s1 =	rddreg [dreg:$0x1];
	p0 =	sne.s32 s2, $0x0  }
0x9c: {  	s3 =	rddreg [dreg:$0x2];
	[bflag:$0x3] =	sbarrier.arrive $0xFFFF;
	s2 =	simm.s32 @!p0 $0x1C05  }
0x9d: {  	[timem:s3], [sflag:s2] =	dma.local @!p0 [hbm:s0], s1  }
0x9e: {  	s0 =	simm.s32 @!p0 $0x5  }
0x9f: {  	_ =	swait.ge @!p0 [sflag:s0], s1  }
0xa0: {  	s1 =	ssub.s32 @!p0 $0x0, s1;
	[sflag:s0] =	ssyncset.done @!p0 $0x0  }
0xa1: {  	[sflag:s0] =	ssyncadd.s32 @!p0 s1  }
0xa2: {  	[bflag:$0x3] =	sbarrier.arrive $0xFFFF  }
0xa3: {  	_ =	shalt  }

// kernel: kernel.27.cloned.1.call-start
scs
__scs_entry_jumppad:
0x0: {  	(pc) =	sbr.rel $0x88, $3  }
0x1: {  	(tag) =	ssettag $0x0;
	lr =	simm.s32 $0x1  }
0x2: {  	[smem:$0x3F88] =	sst lr;
	_ =	strace $0xD0000000  }
0x3: {  	_ = 	snop  }
0x4: {  	_ = 	snop  }
0x5: {  	_ = 	snop  }
0x6: {  	_ = 	snop  }
0x7: {  	_ = 	snop  }
__scs_overlays_trampoline_lowered:
0x8: {  	[smem:$0x3F97] =	sst s0  }
0x9: {  	[smem:$0x3F98] =	sst s1  }
0xa: {  	[smem:$0x3F99] =	sst s2  }
0xb: {  	[smem:$0x3F9A] =	sst s3  }
0xc: {  	[smem:$0x3F9B] =	sst s4  }
0xd: {  	[smem:$0x3F9C] =	sst s5  }
0xe: {  	[smem:$0x3F9D] =	sst s6  }
0xf: {  	[smem:$0x3F9E] =	sst s7  }
0x10: {  	[smem:$0x3F9F] =	sst s8  }
0x11: {  	[smem:$0x3FA0] =	sst s9;
	s0 =	simm.s32 @!p0 $0x0  }
0x12: {  	s1 =	sld [smem:$0x3F86];
	s0 =	simm.s32 @p0 $0x1  }
0x13: {  	[smem:$0x3FA1] =	sst s0;
	s0 =	simm.s32 @!p1 $0x0  }
0x14: {  	s2 =	sld [smem:$0x3F85];
	s0 =	simm.s32 @p1 $0x1  }
0x15: {  	[smem:$0x3FA2] =	sst s0;
	s0 =	simm.s32 @!p2 $0x0  }
0x16: {  	s3 =	sld [smem:$0x3FDB];
	s0 =	simm.s32 @p2 $0x1  }
0x17: {  	s4 =	simm.s32 $0x1BF5;
	[smem:$0x3FA4] =	sst s0  }
0x18: {  	s0 =	sld [smem:$0x3F87];
	_ =	swait.ge [sflag:s4], $0x0  }
0x19: {  	s7 =	sld [smem:$0x3F88]  }
0x1a: {  	s8 =	sadd.s32 $0xFFFFE003, lr  }
0x1b: {  	s9 =	sadd.s32 $0xFFFFFEF7, lr;
	s5 =	simm.s32 $0xFFFFFFFF;
	p2 =	slt.u32 s8, $0xFFFFF086  }
0x1c: {  	p1 =	slt.u32 s9, $0xF7A;
	s5 =	simm.s32 @!p2 $0x0  }
0x1d: {  	s5 =	simm.s32 @p1 $0x1;
	p0 =	seq.s32 s7, s2  }
0x1e: {  	s7 =	smul.u32 @!p0 $0xF7A, s2;
	p2 =	seq.s32 @!p0 s5, $0x0  }
0x1f: {  	s9 =	smul.u32 $0xF7A, s1;
	s8 =	simm.s32 @!p0 $0x1BF5;
	p2 =	por !p2, p0  }
0x20: {  	[sflag:s8] =	ssyncset.s32 @!p0 $0xFFFFF086;
	s6 =	sadd.s32 @!p0 s3, s7;
	s7 =	simm.s32 @!p0 $0x108  }
0x21: {  	s3 =	sadd.s32 s3, s9;
	s6 =	sadd.s32 @!p0 $0x88, s6;
	s7 =	simm.s32 @p2 $0x1082  }
0x22: {  	[simem:s7], [sflag:s8] =	dma.local @!p0 [hbm:s6], $0xF7A  }
0x23: {  	s9 =	sor.u32 $0xD0000000, s2;
	s6 =	simm.s32 $0x108;
	_ =	swait.ge @!p0 [sflag:s8], $0x0  }
0x24: {  	s3 =	sadd.s32 $0x88, s3;
	s6 =	simm.s32 @!p1 $0x1082;
	[sflag:s4] =	ssyncset.s32 $0xFFFFF086  }
0x25: {  	[simem:s6], [sflag:s4] =	dma.local [hbm:s3], $0xF7A  }
0x26: {  	[smem:$0x3F88] =	sst s1;
	(tag) =	ssettag s2;
	_ =	strace s9  }
0x27: {  	s1 =	sld [smem:$0x3F98]  }
0x28: {  	s2 =	sld [smem:$0x3F99]  }
0x29: {  	s4 =	sld [smem:$0x3F9B]  }
0x2a: {  	p0 =	seq.s32 s5, $0x0;
	s5 =	sld [smem:$0x3F9C]  }
0x2b: {  	s6 =	sld [smem:$0x3F9D]  }
0x2c: {  	s7 =	sld [smem:$0x3F9E]  }
0x2d: {  	s3 =	simm.s32 $0x108;
	s8 =	sld [smem:$0x3F9F]  }
0x2e: {  	s3 =	simm.s32 @!p0 $0x1082;
	s9 =	sld [smem:$0x3FA0]  }
0x2f: {  	lr =	sadd.s32 s0, s3;
	s0 =	sld [smem:$0x3F97]  }
0x30: {  	s3 =	sld [smem:$0x3F9A]  }
0x31: {  	[smem:$0x3FA3] =	sst s10  }
0x32: {  	s10 =	sld [smem:$0x3FA1];
	_ =	sdelay $0x3  }
0x33: {  	p0 =	seq.s32 s10, $0x1;
	s10 =	sld [smem:$0x3FA3];
	_ =	sdelay $0x3  }
0x34: {  	[smem:$0x3FA3] =	sst s10  }
0x35: {  	s10 =	sld [smem:$0x3FA2];
	_ =	sdelay $0x3  }
0x36: {  	p1 =	seq.s32 s10, $0x1;
	s10 =	sld [smem:$0x3FA3];
	_ =	sdelay $0x3  }
0x37: {  	[smem:$0x3FA3] =	sst s10  }
0x38: {  	s10 =	sld [smem:$0x3FA4]  }
0x39: {  	_ = 	snop;
	(pc) =	sbr.ind lr, $3  }
0x3a: {  	_ = 	snop  }
0x3b: {  	_ = 	snop  }
0x3c: {  	p2 =	seq.s32 s10, $0x1;
	s10 =	sld [smem:$0x3FA3]  }
0x3d: {  	_ =	shalt  }
0x3e: {  	_ =	shalt  }
0x3f: {  	_ =	shalt  }
0x40: {  	_ =	shalt  }
0x41: {  	_ =	shalt  }
0x42: {  	_ =	shalt  }
0x43: {  	_ =	shalt  }
0x44: {  	_ =	shalt  }
0x45: {  	_ =	shalt  }
0x46: {  	_ =	shalt  }
0x47: {  	_ =	shalt  }
0x48: {  	_ =	shalt  }
0x49: {  	_ =	shalt  }
0x4a: {  	_ =	shalt  }
0x4b: {  	_ =	shalt  }
0x4c: {  	_ =	shalt  }
0x4d: {  	_ =	shalt  }
0x4e: {  	_ =	shalt  }
0x4f: {  	_ =	shalt  }
0x50: {  	_ =	shalt  }
0x51: {  	_ =	shalt  }
0x52: {  	_ =	shalt  }
0x53: {  	_ =	shalt  }
0x54: {  	_ =	shalt  }
0x55: {  	_ =	shalt  }
0x56: {  	_ =	shalt  }
0x57: {  	_ =	shalt  }
0x58: {  	_ =	shalt  }
0x59: {  	_ =	shalt  }
0x5a: {  	_ =	shalt  }
0x5b: {  	_ =	shalt  }
0x5c: {  	_ =	shalt  }
0x5d: {  	_ =	shalt  }
0x5e: {  	_ =	shalt  }
0x5f: {  	_ =	shalt  }
0x60: {  	_ =	shalt  }
0x61: {  	_ =	shalt  }
0x62: {  	_ =	shalt  }
0x63: {  	_ =	shalt  }
0x64: {  	_ =	shalt  }
0x65: {  	_ =	shalt  }
0x66: {  	_ =	shalt  }
0x67: {  	_ =	shalt  }
0x68: {  	_ =	shalt  }
0x69: {  	_ =	shalt  }
0x6a: {  	_ =	shalt  }
0x6b: {  	_ =	shalt  }
0x6c: {  	_ =	shalt  }
0x6d: {  	_ =	shalt  }
0x6e: {  	_ =	shalt  }
0x6f: {  	_ =	shalt  }
0x70: {  	_ =	shalt  }
0x71: {  	_ =	shalt  }
0x72: {  	_ =	shalt  }
0x73: {  	_ =	shalt  }
0x74: {  	_ =	shalt  }
0x75: {  	_ =	shalt  }
0x76: {  	_ =	shalt  }
0x77: {  	_ =	shalt  }
0x78: {  	_ =	shalt  }
0x79: {  	_ =	shalt  }
0x7a: {  	_ =	shalt  }
0x7b: {  	_ =	shalt  }
0x7c: {  	_ =	shalt  }
0x7d: {  	_ =	shalt  }
0x7e: {  	_ =	shalt  }
0x7f: {  	_ =	shalt  }
0x80: {  	_ =	shalt  }
0x81: {  	_ =	shalt  }
0x82: {  	_ =	shalt  }
0x83: {  	_ =	shalt  }
0x84: {  	_ =	shalt  }
0x85: {  	_ =	shalt  }
0x86: {  	_ =	shalt  }
0x87: {  	_ =	shalt  }
.Lfunc_end0:
.L_simem_size_0:
called_computation.4_lowered:
.L_overlay_start_0:
0x88: {  	s2 =	sld [smem:$0x3FD9]  }
0x89: {  	s3 =	sld [smem:$0x3FFE];
	_ =	sdelay $0x1  }
0x8a: {  	s1 =	srdreg.scid  }
0x8b: {  	s0 =	sand.u32 $0x1, s1  }
0x8c: {  	s17 =	sshll.u32 s0, $0xA;
	s2 =	sadd.s32 s3, s2  }
0x8d: {  	s2 =	sadd.s32 s2, s17  }
0x8e: {  	[smem:$0x3FAF] =	sst s2  }
0x8f: {  	_ = 	snop  }
0x90: {  	(tm) =	ssettm $0x1  }
0x91: {  	s18 =	sld [smem:$0x3FFB];
	_ =	sdelay $0x3  }
0x92: {  	_ =	strace s18  }
0x93: {  	s2 =	sld [smem:$0x3FFC];
	_ =	sdelay $0x3  }
0x94: {  	_ =	strace s2  }
0x95: {  	s2 =	sld [smem:$0x3FFD];
	_ =	sdelay $0x3  }
0x96: {  	_ =	strace s2  }
0x97: {  	_ =	strace $0x8FFFFFFF  }
0x98: {  	s19 =	sld [smem:$0x3FDB];
	_ =	sdelay $0x1  }
0x99: {  	s20 =	simm.s32 $_scs_section_size  }
0x9a: {  	s4 =	simm.s32 $_size__tile_overlayer_lowered;
	s5 =	simm.s32 $_tile_overlayer_lowered  }
0x9b: {  	s6 =	simm.s32 $0x1BFF;
	s21 =	sshll.u32 s5, $0x1;
	s3 =	sadd.s32 s20, s19  }
0x9c: {  	s22 =	simm.s32 $0x0;
	s4 =	sshll.u32 s4, $0x1;
	s5 =	sadd.s32 s21, s3  }
0x9d: {  	[timem:s22], [sflag:s6] =	dma.local [hbm:s5], s4  }
0x9e: {  	_ =	swait.ge [sflag:s6], s4  }
0x9f: {  	s4 =	ssub.s32 $0x0, s4;
	[sflag:s6] =	ssyncset.done $0x0  }
0xa0: {  	[sflag:s6] =	ssyncadd.s32 s4;
	_ =	sdelay $0x1  }
0xa1: {  	s23 =	simm.s32 $0x1B8B  }
0xa2: {  	_ =	swait.ge [sflag:s23], $0x1  }
0xa3: {  	[sflag:s23] =	ssyncset.done $0x0  }
0xa4: {  	[sflag:s23] =	ssyncadd.s32 $0xFFFFFFFF  }
0xa5: {  	s4 =	sld [smem:$0x0]  }
0xa6: {  	s5 =	sand.u32 $0xFFFFFFFE, s1  }
0xa7: {  	p0 =	sne.s32 s1, s5  }
0xa8: {  	s5 =	sshll.u32 @p0 s5, $0xE  }
0xa9: {  	s5 =	sadd.s32 @p0 $0x11B8D, s5;
	s6 =	sshll.u32 @p0 s4, $0x11  }
0xaa: {  	s5 =	sor.u32 @p0 s6, s5  }
0xab: {  	[sflag:s5] =	ssyncadd.remote.s32 @p0 $0x1;
	_ =	sdelay $0x1  }
0xac: {  	s5 =	simm.s32 @p0 $0x1B8D  }
0xad: {  	_ =	swait.eq @p0 [sflag:s5], $0x1  }
0xae: {  	[sflag:s5] =	ssyncadd.s32 @p0 $0xFFFFFFFF  }
0xaf: {  	s6 =	sshll.u32 @!p0 s1, $0xE  }
0xb0: {  	s6 =	sor.u32 @!p0 $0x4000, s6;
	s5 =	simm.s32 @!p0 $0x1B8D  }
0xb1: {  	s4 =	sshll.u32 @!p0 s4, $0x11;
	s6 =	sadd.s32 @!p0 $0x11B8D, s6;
	_ =	swait.eq @!p0 [sflag:s5], $0x1  }
0xb2: {  	s4 =	sor.u32 @!p0 s4, s6;
	[sflag:s5] =	ssyncadd.s32 @!p0 $0xFFFFFFFF  }
0xb3: {  	s25 =	simm.s32 $0x1B8E;
	s24 =	sld [smem:$0x3FFE];
	[sflag:s4] =	ssyncadd.remote.s32 @!p0 $0x1  }
0xb4: {  	s26 =	simm.s32 $execute0_lowered;
	[smem:$0x3FD2] =	sst s25  }
0xb5: {  	s5 =	sshll.u32 s26, $0x1;
	_ =	strace $0x80000055;
	[dreg:$0x1] =	wrdreg $0xFFFFFFFF  }
0xb6: {  	s28 =	simm.s32 $_size_execute0_lowered;
	s3 =	sadd.s32 s3, s5;
	[dreg:$0x0] =	wrdreg $0x0  }
0xb7: {  	s5 =	sshll.u32 s28, $0x1;
	[dreg:$0x2] =	wrdreg s3  }
0xb8: {  	[dreg:$0x3] =	wrdreg s5  }
0xb9: {  	[dreg:$0x4] =	wrdreg $0xC0  }
0xba: {  	_ =	task [dreg:s22], $0x5FFFF  }
0xbb: {  	[dreg:$0x1] =	wrdreg $0xFFFFFFFF  }
0xbc: {  	[dreg:$0x0] =	wrdreg $0x60  }
0xbd: {  	[dreg:$0x2] =	wrdreg s24  }
0xbe: {  	[dreg:$0x3] =	wrdreg $0x82000  }
0xbf: {  	[dreg:$0x4] =	wrdreg $0xA  }
0xc0: {  	_ =	task.clear_ibuf [dreg:s22], $0x5FFFF;
	_ =	strace $0x90000055  }
0xc1: {  	s29 =	simm.s32 $0xA;
	_ =	strace $0x80000057  }
0xc2: {  	_ =	swait.ge [sflag:s29], $0x1  }
0xc3: {  	[sflag:s29] =	ssyncadd.s32 $0xFFFFFFFF  }
0xc4: {  	_ =	strace $0x90000057  }
0xc5: {  	_ =	sfence  }
0xc6: {  	s30 =	sld [smem:$0x0];
	_ =	sdelay $0x2  }
0xc7: {  	s31 =	sshll.u32 s1, $0xD;
	s1 =	sshrl.u32 s1, $0x2  }
0xc8: {  	s4 =	sand.u32 $0x4000, s31;
	s1 =	sadd.s32 s1, s30  }
0xc9: {  	s0 =	sor.u32 s4, s0;
	s1 =	sshll.u32 s1, $0x11  }
0xca: {  	s0 =	sor.u32 s1, s0  }
0xcb: {  	s0 =	sadd.s32 $0x8F2B, s0  }
0xcc: {  	[sflag:s0] =	ssyncadd.remote.s32 $0x1  }
0xcd: {  	_ =	sfence.sel $0xFFFF  }
0xce: {  	[dreg:$0x0] =	wrdreg $0xFFFFFFFF;
	(pc) =	sbr.abs _section_cstart, $3  }
0xcf: {  	[dreg:$0x1] =	wrdreg $0xFFFFFFFF  }
0xd0: {  	_ =	task.clear_ibuf [dreg:s22], $0x2FFFF;
	_ =	strace $0x9FFFFFFF  }
0xd1: {  	(tm) =	ssettm $0x7FFFFFFF  }
tec
execute0_lowered:
.L_overlay_start_1:
0x0: {  	(tag) =	ssettag $0x1  }
0x1: {  	s1 =	srdreg.scid  }
0x2: {  	s0 =	stileid.u32;
	s24 =	sand.u32 $0x1, s1  }
0x3: {  	s23 =	rddreg [dreg:$0x0];
	s22 =	sshll.u32 s0, $0xA;
	s1 =	sshll.u32 s24, $0x9  }
0x4: {  	s2 =	rddreg [dreg:$0x1];
	s3 =	simm.s32 $0x0;
	s4 =	sor.u32 s1, s22  }
0x5: {  	[smem:$0x7FF] =	sst s3;
	s4 =	sshrl.u32 s4, $0x3  }
0x6: {  	s1 =	rddreg [dreg:$0x2];
	s20 =	sadd.s32 s4, s23  }
0x7: {  	_ =	strace $0x80000056;
	s4 =	simm.s32 $0x5;
	s5 =	sadd.s32 $0x39A00, s20  }
0x8: {  	[tilespmem:s3], [sflag:$0x5] =	stream.linear.gather [hbm4b:s5+s3], $0x100, $0x38;
	[tilespmem:$0xA200] =	vst v63  }
0x9: {  	_ =	swait.ge [sflag:s4], $0x100  }
0xa: {  	[sflag:s4] =	ssyncset.done $0x0  }
0xb: {  	s7 =	simm.s32 $0x100;
	s6 =	sadd.s32 $0x3A200, s20;
	[sflag:s4] =	ssyncadd.s32 $0xFFFFFF00  }
0xc: {  	[tilespmem:s7], [sflag:$0x5] =	stream.linear.gather [hbm4b:s6+s3], $0x100, $0x38;
	[tilespmem:$0xA200] =	vst v63  }
0xd: {  	s8 =	sadd.s32 $0x2D600, s23;
	s9 =	sshll.u32 s0, $0xD;
	_ =	swait.ge [sflag:s4], $0x100  }
0xe: {  	s30 =	sshll.u32 s0, $0x6;
	s10 =	sadd.s32 s9, s2;
	[sflag:s4] =	ssyncset.done $0x0  }
0xf: {  	s9 =	sor.u32 $0x1C05, s30;
	s10 =	sshrl.u32 s10, $0x3;
	[sflag:s4] =	ssyncadd.s32 $0xFFFFFF00  }
0x10: {  	[spmem:s10], [sflag:s9] =	dma.local [hbm:s8], $0x400  }
0x11: {  	_ =	swait.ge [sflag:s4], $0x400  }
0x12: {  	s12 =	simm.s32 $0x80;
	[sflag:s4] =	ssyncset.done $0x0  }
0x13: {  	s13 =	simm.s32 $0x200;
	s11 =	sadd.s32 $0x2DA00, s23;
	[sflag:s4] =	ssyncadd.s32 $0xFFFFFC00  }
0x14: {  	[tilespmem:s13], [sflag:$0x1] =	stream.indirect.gather [hbm4b:s11+s12], $0x80, s3, s12, $0xb8;
	[tilespmem:$0xA200] =	vst v63  }
0x15: {  	s14 =	simm.s32 $0x1;
	[bflag:$0x0] =	sbarrier.arrive $0xFFFF  }
0x16: {  	_ =	swait.ge [sflag:s14], $0x4000  }
0x17: {  	[sflag:s14] =	ssyncset.done $0x0  }
0x18: {  	s15 =	simm.s32 $0x4200;
	[sflag:s14] =	ssyncadd.s32 $0xFFFFC000  }
0x19: {  	[tilespmem:s15], [sflag:$0x2] =	stream.indirect.gather [hbm4b:s11+s12], $0x80, s12, s12, $0xb8;
	[tilespmem:$0xA200] =	vst v63  }
0x1a: {  	s16 =	simm.s32 $0x2  }
0x1b: {  	[spmem:s2] =	stream.indirect.scatter.add.f32 [tilespmem:s13], [sflag:$0x3], $0x80, s7, s12, $0xb8;
	[tilespmem:$0xA200] =	vst v63  }
0x1c: {  	_ =	swait.ge [sflag:s16], $0x4000  }
0x1d: {  	[sflag:s16] =	ssyncset.done $0x0  }
0x1e: {  	s17 =	simm.s32 $0x3;
	[sflag:s16] =	ssyncadd.s32 $0xFFFFC000  }
0x1f: {  	_ =	swait.ge [sflag:s17], $0x4000  }
0x20: {  	[sflag:s17] =	ssyncset.done $0x0  }
0x21: {  	s18 =	simm.s32 $0x180;
	[sflag:s17] =	ssyncadd.s32 $0xFFFFC000  }
0x22: {  	[spmem:s2] =	stream.indirect.scatter.add.f32 [tilespmem:s15], [sflag:$0x4], $0x80, s18, s12, $0xb8;
	[tilespmem:$0xA200] =	vst v63  }
0x23: {  	s19 =	simm.s32 $0x4  }
0x24: {  	[tilespmem:s13], [sflag:$0x1] =	stream.indirect.gather [hbm4b:s11+s12], $0x80, s3, s12, $0xb8;
	[tilespmem:$0xA200] =	vst v63  }
0x25: {  	_ =	swait.ge [sflag:s19], $0x4000  }
0x26: {  	[sflag:s19] =	ssyncset.done $0x0  }
0x27: {  	[sflag:s19] =	ssyncadd.s32 $0xFFFFC000  }
0x28: {  	_ =	swait.ge [sflag:s14], $0x4000  }
0x29: {  	[sflag:s14] =	ssyncset.done $0x0  }
0x2a: {  	s20 =	sadd.s32 $0x39A20, s20;
	[sflag:s14] =	ssyncadd.s32 $0xFFFFC000  }
0x2b: {  	[tilespmem:s3], [sflag:$0x5] =	stream.linear.gather [hbm4b:s20+s3], $0x100, $0x38;
	[tilespmem:$0xA200] =	vst v63  }
0x2c: {  	_ =	swait.ge [sflag:s4], $0x100  }
0x2d: {  	[sflag:s4] =	ssyncset.done $0x0  }
0x2e: {  	s21 =	sadd.s32 $0x20, s6;
	[sflag:s4] =	ssyncadd.s32 $0xFFFFFF00  }
0x2f: {  	[tilespmem:s7], [sflag:$0x5] =	stream.linear.gather [hbm4b:s21+s3], $0x100, $0x38;
	[tilespmem:$0xA200] =	vst v63  }
0x30: {  	_ =	swait.ge [sflag:s4], $0x100  }
0x31: {  	[sflag:s4] =	ssyncset.done $0x0  }
0x32: {  	[sflag:s4] =	ssyncadd.s32 $0xFFFFFF00  }
0x33: {  	[tilespmem:s13], [sflag:$0x1] =	stream.indirect.gather [hbm4b:s11+s12], $0x80, s3, s12, $0xb8;
	[tilespmem:$0xA200] =	vst v63  }
0x34: {  	_ =	swait.ge [sflag:s14], $0x4000  }
0x35: {  	[sflag:s14] =	ssyncset.done $0x0  }
0x36: {  	[sflag:s14] =	ssyncadd.s32 $0xFFFFC000  }
0x37: {  	[tilespmem:s15], [sflag:$0x2] =	stream.indirect.gather [hbm4b:s11+s12], $0x80, s12, s12, $0xb8;
	[tilespmem:$0xA200] =	vst v63  }
0x38: {  	_ = 	snop  }
0x39: {  	[spmem:s2] =	stream.indirect.scatter.add.f32 [tilespmem:s13], [sflag:$0x3], $0x80, s7, s12, $0xb8;
	[tilespmem:$0xA200] =	vst v63  }
0x3a: {  	_ =	swait.ge [sflag:s16], $0x4000  }
0x3b: {  	[sflag:s16] =	ssyncset.done $0x0  }
0x3c: {  	[sflag:s16] =	ssyncadd.s32 $0xFFFFC000  }
0x3d: {  	_ =	swait.ge [sflag:s17], $0x4000  }
0x3e: {  	[sflag:s17] =	ssyncset.done $0x0  }
0x3f: {  	[sflag:s17] =	ssyncadd.s32 $0xFFFFC000  }
0x40: {  	[spmem:s2] =	stream.indirect.scatter.add.f32 [tilespmem:s15], [sflag:$0x4], $0x80, s18, s12, $0xb8;
	[tilespmem:$0xA200] =	vst v63  }
0x41: {  	_ = 	snop  }
0x42: {  	[tilespmem:s13], [sflag:$0x1] =	stream.indirect.gather [hbm4b:s11+s12], $0x80, s3, s12, $0xb8;
	[tilespmem:$0xA200] =	vst v63  }
0x43: {  	s25 =	sshll.u32 s24, $0xE;
	s24 =	ssub.s32 $0x2, s24;
	_ =	swait.ge [sflag:s19], $0x4000  }
0x44: {  	s31 =	sshrl.u32 s24, $0x1;
	[sflag:s19] =	ssyncset.done $0x0  }
0x45: {  	s24 =	ssub.s32 s24, s31;
	[sflag:s19] =	ssyncadd.s32 $0xFFFFC000  }
0x46: {  	s24 =	smax.u32 s24, $0x1;
	_ =	swait.ge [sflag:s14], $0x4000  }
0x47: {  	s23 =	sadd.s32 s25, s23;
	p0 =	sne.s32 s24, $0x1;
	[sflag:s14] =	ssyncset.done $0x0  }
.Ltmp0:
0x48: {  	s23 =	sadd.s32 $0x6400, s23;
	[sflag:s14] =	ssyncadd.s32 $0xFFFFC000;
	(pc) =	sbr.rel @!p0 .LBB2_2-.Ltmp0, $4  }
0x49: {  	s22 =	sadd.s32 s22, s23;
	[bflag:$0x0] =	sbarrier.arrive $0xFFFF  }
0x4a: {  	[hbm:s22], [sflag:s9] =	dma.local [spmem:s10], $0x400  }
0x4b: {  	_ =	swait.ge [sflag:s4], $0x400  }
0x4c: {  	s23 =	sadd.s32 $0xFFFFFFFF, s24;
	[sflag:s4] =	ssyncset.done $0x0  }
.LBB2_1:
0x4d: {  	p0 =	sne.s32 s23, $0x1;
	s23 =	sadd.s32 $0xFFFFFFFF, s23;
	[sflag:s4] =	ssyncadd.s32 $0xFFFFFC00  }
0x4e: {  	[tilespmem:s3], [sflag:$0x5] =	stream.linear.gather [hbm4b:s5+s3], $0x100, $0x38;
	[tilespmem:$0xA200] =	vst v63  }
0x4f: {  	_ =	swait.ge [sflag:s4], $0x100  }
0x50: {  	[sflag:s4] =	ssyncset.done $0x0  }
0x51: {  	[sflag:s4] =	ssyncadd.s32 $0xFFFFFF00  }
0x52: {  	[tilespmem:s7], [sflag:$0x5] =	stream.linear.gather [hbm4b:s6+s3], $0x100, $0x38;
	[tilespmem:$0xA200] =	vst v63  }
0x53: {  	_ =	swait.ge [sflag:s4], $0x100  }
0x54: {  	[sflag:s4] =	ssyncset.done $0x0  }
0x55: {  	[sflag:s4] =	ssyncadd.s32 $0xFFFFFF00  }
0x56: {  	[spmem:s10], [sflag:s9] =	dma.local [hbm:s8], $0x400  }
0x57: {  	_ =	swait.ge [sflag:s4], $0x400  }
0x58: {  	[sflag:s4] =	ssyncset.done $0x0  }
0x59: {  	[sflag:s4] =	ssyncadd.s32 $0xFFFFFC00  }
0x5a: {  	[tilespmem:s13], [sflag:$0x1] =	stream.indirect.gather [hbm4b:s11+s12], $0x80, s3, s12, $0xb8;
	[tilespmem:$0xA200] =	vst v63  }
0x5b: {  	[bflag:$0x0] =	sbarrier.arrive $0xFFFF  }
0x5c: {  	_ =	swait.ge [sflag:s14], $0x4000  }
0x5d: {  	[sflag:s14] =	ssyncset.done $0x0  }
0x5e: {  	[sflag:s14] =	ssyncadd.s32 $0xFFFFC000  }
0x5f: {  	[tilespmem:s15], [sflag:$0x2] =	stream.indirect.gather [hbm4b:s11+s12], $0x80, s12, s12, $0xb8;
	[tilespmem:$0xA200] =	vst v63  }
0x60: {  	_ = 	snop  }
0x61: {  	[spmem:s2] =	stream.indirect.scatter.add.f32 [tilespmem:s13], [sflag:$0x3], $0x80, s7, s12, $0xb8;
	[tilespmem:$0xA200] =	vst v63  }
0x62: {  	_ =	swait.ge [sflag:s16], $0x4000  }
0x63: {  	[sflag:s16] =	ssyncset.done $0x0  }
0x64: {  	[sflag:s16] =	ssyncadd.s32 $0xFFFFC000  }
0x65: {  	_ =	swait.ge [sflag:s17], $0x4000  }
0x66: {  	[sflag:s17] =	ssyncset.done $0x0  }
0x67: {  	[sflag:s17] =	ssyncadd.s32 $0xFFFFC000  }
0x68: {  	[spmem:s2] =	stream.indirect.scatter.add.f32 [tilespmem:s15], [sflag:$0x4], $0x80, s18, s12, $0xb8;
	[tilespmem:$0xA200] =	vst v63  }
0x69: {  	_ = 	snop  }
0x6a: {  	[tilespmem:s13], [sflag:$0x1] =	stream.indirect.gather [hbm4b:s11+s12], $0x80, s3, s12, $0xb8;
	[tilespmem:$0xA200] =	vst v63  }
0x6b: {  	_ =	swait.ge [sflag:s19], $0x4000  }
0x6c: {  	[sflag:s19] =	ssyncset.done $0x0  }
0x6d: {  	[sflag:s19] =	ssyncadd.s32 $0xFFFFC000  }
0x6e: {  	_ =	swait.ge [sflag:s14], $0x4000  }
0x6f: {  	[sflag:s14] =	ssyncset.done $0x0  }
0x70: {  	[sflag:s14] =	ssyncadd.s32 $0xFFFFC000  }
0x71: {  	[tilespmem:s3], [sflag:$0x5] =	stream.linear.gather [hbm4b:s20+s3], $0x100, $0x38;
	[tilespmem:$0xA200] =	vst v63  }
0x72: {  	_ =	swait.ge [sflag:s4], $0x100  }
0x73: {  	[sflag:s4] =	ssyncset.done $0x0  }
0x74: {  	[sflag:s4] =	ssyncadd.s32 $0xFFFFFF00  }
0x75: {  	[tilespmem:s7], [sflag:$0x5] =	stream.linear.gather [hbm4b:s21+s3], $0x100, $0x38;
	[tilespmem:$0xA200] =	vst v63  }
0x76: {  	_ =	swait.ge [sflag:s4], $0x100  }
0x77: {  	[sflag:s4] =	ssyncset.done $0x0  }
0x78: {  	[sflag:s4] =	ssyncadd.s32 $0xFFFFFF00  }
0x79: {  	[tilespmem:s13], [sflag:$0x1] =	stream.indirect.gather [hbm4b:s11+s12], $0x80, s3, s12, $0xb8;
	[tilespmem:$0xA200] =	vst v63  }
0x7a: {  	_ =	swait.ge [sflag:s14], $0x4000  }
0x7b: {  	[sflag:s14] =	ssyncset.done $0x0  }
0x7c: {  	[sflag:s14] =	ssyncadd.s32 $0xFFFFC000  }
0x7d: {  	[tilespmem:s15], [sflag:$0x2] =	stream.indirect.gather [hbm4b:s11+s12], $0x80, s12, s12, $0xb8;
	[tilespmem:$0xA200] =	vst v63  }
0x7e: {  	_ = 	snop  }
0x7f: {  	[spmem:s2] =	stream.indirect.scatter.add.f32 [tilespmem:s13], [sflag:$0x3], $0x80, s7, s12, $0xb8;
	[tilespmem:$0xA200] =	vst v63  }
0x80: {  	_ =	swait.ge [sflag:s16], $0x4000  }
0x81: {  	[sflag:s16] =	ssyncset.done $0x0  }
0x82: {  	[sflag:s16] =	ssyncadd.s32 $0xFFFFC000  }
0x83: {  	_ =	swait.ge [sflag:s17], $0x4000  }
0x84: {  	[sflag:s17] =	ssyncset.done $0x0  }
0x85: {  	[sflag:s17] =	ssyncadd.s32 $0xFFFFC000  }
0x86: {  	[spmem:s2] =	stream.indirect.scatter.add.f32 [tilespmem:s15], [sflag:$0x4], $0x80, s18, s12, $0xb8;
	[tilespmem:$0xA200] =	vst v63  }
0x87: {  	_ = 	snop  }
0x88: {  	[tilespmem:s13], [sflag:$0x1] =	stream.indirect.gather [hbm4b:s11+s12], $0x80, s3, s12, $0xb8;
	[tilespmem:$0xA200] =	vst v63  }
0x89: {  	_ =	swait.ge [sflag:s19], $0x4000  }
0x8a: {  	[sflag:s19] =	ssyncset.done $0x0  }
0x8b: {  	[sflag:s19] =	ssyncadd.s32 $0xFFFFC000  }
0x8c: {  	_ =	swait.ge [sflag:s14], $0x4000  }
0x8d: {  	[sflag:s14] =	ssyncset.done $0x0  }
.Ltmp1:
0x8e: {  	[sflag:s14] =	ssyncadd.s32 $0xFFFFC000;
	(pc) =	sbr.rel @p0 .LBB2_1-.Ltmp1, $4  }
0x8f: {  	[bflag:$0x0] =	sbarrier.arrive $0xFFFF  }
0x90: {  	[hbm:s22], [sflag:s9] =	dma.local [spmem:s10], $0x400  }
0x91: {  	_ =	swait.ge [sflag:s4], $0x400  }
0x92: {  	[sflag:s4] =	ssyncset.done $0x0  }
.LBB2_2:
0x93: {  	[sflag:s4] =	ssyncadd.s32 $0xFFFFFC00  }
0x94: {  	_ =	sfence.sel $0x180000  }
0x95: {  	[bflag:$0x0] =	sbarrier.arrive $0xFFFF  }
0x96: {  	p0 =	sne.s32 s0, $0x0;
	_ =	strace $0x90000056  }
0x97: {  	s0 =	sadd.s32 @!p0 $0x100000, s1;
	[bflag:$0x2] =	sbarrier.arrive $0xFFFF  }
0x98: {  	[sflag:s0] =	ssyncadd.tile.s32 @!p0 $0x1;
	_ =	shalt  }
.Lfunc_end2:
_tile_overlayer_lowered:
.L_overlay_start_2:
0x99: {  	(tag) =	ssettag $0x2  }
0x9a: {  	s0 =	rddreg [dreg:$0x0];
	s2 =	stileid.u32  }
0x9b: {  	s1 =	rddreg [dreg:$0x1];
	p0 =	sne.s32 s2, $0x0  }
0x9c: {  	s3 =	rddreg [dreg:$0x2];
	[bflag:$0x3] =	sbarrier.arrive $0xFFFF;
	s2 =	simm.s32 @!p0 $0x1C05  }
0x9d: {  	[timem:s3], [sflag:s2] =	dma.local @!p0 [hbm:s0], s1  }
0x9e: {  	s0 =	simm.s32 @!p0 $0x5  }
0x9f: {  	_ =	swait.ge @!p0 [sflag:s0], s1  }
0xa0: {  	s1 =	ssub.s32 @!p0 $0x0, s1;
	[sflag:s0] =	ssyncset.done @!p0 $0x0  }
0xa1: {  	[sflag:s0] =	ssyncadd.s32 @!p0 s1  }
0xa2: {  	[bflag:$0x3] =	sbarrier.arrive $0xFFFF  }
0xa3: {  	_ =	shalt  }

// kernel: kernel.30.cloned.1.call-start
scs
__scs_entry_jumppad:
0x0: {  	(pc) =	sbr.rel $0x88, $3  }
0x1: {  	(tag) =	ssettag $0x0;
	lr =	simm.s32 $0x1  }
0x2: {  	[smem:$0x3F88] =	sst lr;
	_ =	strace $0xD0000000  }
0x3: {  	_ = 	snop  }
0x4: {  	_ = 	snop  }
0x5: {  	_ = 	snop  }
0x6: {  	_ = 	snop  }
0x7: {  	_ = 	snop  }
__scs_overlays_trampoline_lowered:
0x8: {  	[smem:$0x3F97] =	sst s0  }
0x9: {  	[smem:$0x3F98] =	sst s1  }
0xa: {  	[smem:$0x3F99] =	sst s2  }
0xb: {  	[smem:$0x3F9A] =	sst s3  }
0xc: {  	[smem:$0x3F9B] =	sst s4  }
0xd: {  	[smem:$0x3F9C] =	sst s5  }
0xe: {  	[smem:$0x3F9D] =	sst s6  }
0xf: {  	[smem:$0x3F9E] =	sst s7  }
0x10: {  	[smem:$0x3F9F] =	sst s8  }
0x11: {  	[smem:$0x3FA0] =	sst s9;
	s0 =	simm.s32 @!p0 $0x0  }
0x12: {  	s1 =	sld [smem:$0x3F86];
	s0 =	simm.s32 @p0 $0x1  }
0x13: {  	[smem:$0x3FA1] =	sst s0;
	s0 =	simm.s32 @!p1 $0x0  }
0x14: {  	s2 =	sld [smem:$0x3F85];
	s0 =	simm.s32 @p1 $0x1  }
0x15: {  	[smem:$0x3FA2] =	sst s0;
	s0 =	simm.s32 @!p2 $0x0  }
0x16: {  	s3 =	sld [smem:$0x3FDB];
	s0 =	simm.s32 @p2 $0x1  }
0x17: {  	s4 =	simm.s32 $0x1BF5;
	[smem:$0x3FA4] =	sst s0  }
0x18: {  	s0 =	sld [smem:$0x3F87];
	_ =	swait.ge [sflag:s4], $0x0  }
0x19: {  	s7 =	sld [smem:$0x3F88]  }
0x1a: {  	s8 =	sadd.s32 $0xFFFFE003, lr  }
0x1b: {  	s9 =	sadd.s32 $0xFFFFFEF7, lr;
	s5 =	simm.s32 $0xFFFFFFFF;
	p2 =	slt.u32 s8, $0xFFFFF086  }
0x1c: {  	p1 =	slt.u32 s9, $0xF7A;
	s5 =	simm.s32 @!p2 $0x0  }
0x1d: {  	s5 =	simm.s32 @p1 $0x1;
	p0 =	seq.s32 s7, s2  }
0x1e: {  	s7 =	smul.u32 @!p0 $0xF7A, s2;
	p2 =	seq.s32 @!p0 s5, $0x0  }
0x1f: {  	s9 =	smul.u32 $0xF7A, s1;
	s8 =	simm.s32 @!p0 $0x1BF5;
	p2 =	por !p2, p0  }
0x20: {  	[sflag:s8] =	ssyncset.s32 @!p0 $0xFFFFF086;
	s6 =	sadd.s32 @!p0 s3, s7;
	s7 =	simm.s32 @!p0 $0x108  }
0x21: {  	s3 =	sadd.s32 s3, s9;
	s6 =	sadd.s32 @!p0 $0x88, s6;
	s7 =	simm.s32 @p2 $0x1082  }
0x22: {  	[simem:s7], [sflag:s8] =	dma.local @!p0 [hbm:s6], $0xF7A  }
0x23: {  	s9 =	sor.u32 $0xD0000000, s2;
	s6 =	simm.s32 $0x108;
	_ =	swait.ge @!p0 [sflag:s8], $0x0  }
0x24: {  	s3 =	sadd.s32 $0x88, s3;
	s6 =	simm.s32 @!p1 $0x1082;
	[sflag:s4] =	ssyncset.s32 $0xFFFFF086  }
0x25: {  	[simem:s6], [sflag:s4] =	dma.local [hbm:s3], $0xF7A  }
0x26: {  	[smem:$0x3F88] =	sst s1;
	(tag) =	ssettag s2;
	_ =	strace s9  }
0x27: {  	s1 =	sld [smem:$0x3F98]  }
0x28: {  	s2 =	sld [smem:$0x3F99]  }
0x29: {  	s4 =	sld [smem:$0x3F9B]  }
0x2a: {  	p0 =	seq.s32 s5, $0x0;
	s5 =	sld [smem:$0x3F9C]  }
0x2b: {  	s6 =	sld [smem:$0x3F9D]  }
0x2c: {  	s7 =	sld [smem:$0x3F9E]  }
0x2d: {  	s3 =	simm.s32 $0x108;
	s8 =	sld [smem:$0x3F9F]  }
0x2e: {  	s3 =	simm.s32 @!p0 $0x1082;
	s9 =	sld [smem:$0x3FA0]  }
0x2f: {  	lr =	sadd.s32 s0, s3;
	s0 =	sld [smem:$0x3F97]  }
0x30: {  	s3 =	sld [smem:$0x3F9A]  }
0x31: {  	[smem:$0x3FA3] =	sst s10  }
0x32: {  	s10 =	sld [smem:$0x3FA1];
	_ =	sdelay $0x3  }
0x33: {  	p0 =	seq.s32 s10, $0x1;
	s10 =	sld [smem:$0x3FA3];
	_ =	sdelay $0x3  }
0x34: {  	[smem:$0x3FA3] =	sst s10  }
0x35: {  	s10 =	sld [smem:$0x3FA2];
	_ =	sdelay $0x3  }
0x36: {  	p1 =	seq.s32 s10, $0x1;
	s10 =	sld [smem:$0x3FA3];
	_ =	sdelay $0x3  }
0x37: {  	[smem:$0x3FA3] =	sst s10  }
0x38: {  	s10 =	sld [smem:$0x3FA4]  }
0x39: {  	_ = 	snop;
	(pc) =	sbr.ind lr, $3  }
0x3a: {  	_ = 	snop  }
0x3b: {  	_ = 	snop  }
0x3c: {  	p2 =	seq.s32 s10, $0x1;
	s10 =	sld [smem:$0x3FA3]  }
0x3d: {  	_ =	shalt  }
0x3e: {  	_ =	shalt  }
0x3f: {  	_ =	shalt  }
0x40: {  	_ =	shalt  }
0x41: {  	_ =	shalt  }
0x42: {  	_ =	shalt  }
0x43: {  	_ =	shalt  }
0x44: {  	_ =	shalt  }
0x45: {  	_ =	shalt  }
0x46: {  	_ =	shalt  }
0x47: {  	_ =	shalt  }
0x48: {  	_ =	shalt  }
0x49: {  	_ =	shalt  }
0x4a: {  	_ =	shalt  }
0x4b: {  	_ =	shalt  }
0x4c: {  	_ =	shalt  }
0x4d: {  	_ =	shalt  }
0x4e: {  	_ =	shalt  }
0x4f: {  	_ =	shalt  }
0x50: {  	_ =	shalt  }
0x51: {  	_ =	shalt  }
0x52: {  	_ =	shalt  }
0x53: {  	_ =	shalt  }
0x54: {  	_ =	shalt  }
0x55: {  	_ =	shalt  }
0x56: {  	_ =	shalt  }
0x57: {  	_ =	shalt  }
0x58: {  	_ =	shalt  }
0x59: {  	_ =	shalt  }
0x5a: {  	_ =	shalt  }
0x5b: {  	_ =	shalt  }
0x5c: {  	_ =	shalt  }
0x5d: {  	_ =	shalt  }
0x5e: {  	_ =	shalt  }
0x5f: {  	_ =	shalt  }
0x60: {  	_ =	shalt  }
0x61: {  	_ =	shalt  }
0x62: {  	_ =	shalt  }
0x63: {  	_ =	shalt  }
0x64: {  	_ =	shalt  }
0x65: {  	_ =	shalt  }
0x66: {  	_ =	shalt  }
0x67: {  	_ =	shalt  }
0x68: {  	_ =	shalt  }
0x69: {  	_ =	shalt  }
0x6a: {  	_ =	shalt  }
0x6b: {  	_ =	shalt  }
0x6c: {  	_ =	shalt  }
0x6d: {  	_ =	shalt  }
0x6e: {  	_ =	shalt  }
0x6f: {  	_ =	shalt  }
0x70: {  	_ =	shalt  }
0x71: {  	_ =	shalt  }
0x72: {  	_ =	shalt  }
0x73: {  	_ =	shalt  }
0x74: {  	_ =	shalt  }
0x75: {  	_ =	shalt  }
0x76: {  	_ =	shalt  }
0x77: {  	_ =	shalt  }
0x78: {  	_ =	shalt  }
0x79: {  	_ =	shalt  }
0x7a: {  	_ =	shalt  }
0x7b: {  	_ =	shalt  }
0x7c: {  	_ =	shalt  }
0x7d: {  	_ =	shalt  }
0x7e: {  	_ =	shalt  }
0x7f: {  	_ =	shalt  }
0x80: {  	_ =	shalt  }
0x81: {  	_ =	shalt  }
0x82: {  	_ =	shalt  }
0x83: {  	_ =	shalt  }
0x84: {  	_ =	shalt  }
0x85: {  	_ =	shalt  }
0x86: {  	_ =	shalt  }
0x87: {  	_ =	shalt  }
.Lfunc_end0:
.L_simem_size_0:
called_computation.5_lowered:
.L_overlay_start_0:
0x88: {  	s2 =	sld [smem:$0x3FD9]  }
0x89: {  	s3 =	sld [smem:$0x3FFE];
	_ =	sdelay $0x1  }
0x8a: {  	s1 =	srdreg.scid  }
0x8b: {  	s0 =	sand.u32 $0x1, s1  }
0x8c: {  	s17 =	sshll.u32 s0, $0xA;
	s2 =	sadd.s32 s3, s2  }
0x8d: {  	s2 =	sadd.s32 s2, s17  }
0x8e: {  	[smem:$0x3FAF] =	sst s2  }
0x8f: {  	_ = 	snop  }
0x90: {  	(tm) =	ssettm $0x1  }
0x91: {  	s18 =	sld [smem:$0x3FFB];
	_ =	sdelay $0x3  }
0x92: {  	_ =	strace s18  }
0x93: {  	s2 =	sld [smem:$0x3FFC];
	_ =	sdelay $0x3  }
0x94: {  	_ =	strace s2  }
0x95: {  	s2 =	sld [smem:$0x3FFD];
	_ =	sdelay $0x3  }
0x96: {  	_ =	strace s2  }
0x97: {  	_ =	strace $0x8FFFFFFF  }
0x98: {  	s19 =	sld [smem:$0x3FDB];
	_ =	sdelay $0x1  }
0x99: {  	s20 =	simm.s32 $_scs_section_size  }
0x9a: {  	s4 =	simm.s32 $_size__tile_overlayer_lowered;
	s5 =	simm.s32 $_tile_overlayer_lowered  }
0x9b: {  	s6 =	simm.s32 $0x1BFF;
	s21 =	sshll.u32 s5, $0x1;
	s3 =	sadd.s32 s20, s19  }
0x9c: {  	s22 =	simm.s32 $0x0;
	s4 =	sshll.u32 s4, $0x1;
	s5 =	sadd.s32 s21, s3  }
0x9d: {  	[timem:s22], [sflag:s6] =	dma.local [hbm:s5], s4  }
0x9e: {  	_ =	swait.ge [sflag:s6], s4  }
0x9f: {  	s4 =	ssub.s32 $0x0, s4;
	[sflag:s6] =	ssyncset.done $0x0  }
0xa0: {  	[sflag:s6] =	ssyncadd.s32 s4;
	_ =	sdelay $0x1  }
0xa1: {  	s23 =	simm.s32 $0x1B8B  }
0xa2: {  	_ =	swait.ge [sflag:s23], $0x1  }
0xa3: {  	[sflag:s23] =	ssyncset.done $0x0  }
0xa4: {  	[sflag:s23] =	ssyncadd.s32 $0xFFFFFFFF  }
0xa5: {  	s4 =	sld [smem:$0x0]  }
0xa6: {  	s5 =	sand.u32 $0xFFFFFFFE, s1  }
0xa7: {  	p0 =	sne.s32 s1, s5  }
0xa8: {  	s5 =	sshll.u32 @p0 s5, $0xE  }
0xa9: {  	s5 =	sadd.s32 @p0 $0x11B8D, s5;
	s6 =	sshll.u32 @p0 s4, $0x11  }
0xaa: {  	s5 =	sor.u32 @p0 s6, s5  }
0xab: {  	[sflag:s5] =	ssyncadd.remote.s32 @p0 $0x1;
	_ =	sdelay $0x1  }
0xac: {  	s5 =	simm.s32 @p0 $0x1B8D  }
0xad: {  	_ =	swait.eq @p0 [sflag:s5], $0x1  }
0xae: {  	[sflag:s5] =	ssyncadd.s32 @p0 $0xFFFFFFFF  }
0xaf: {  	s6 =	sshll.u32 @!p0 s1, $0xE  }
0xb0: {  	s6 =	sor.u32 @!p0 $0x4000, s6;
	s5 =	simm.s32 @!p0 $0x1B8D  }
0xb1: {  	s4 =	sshll.u32 @!p0 s4, $0x11;
	s6 =	sadd.s32 @!p0 $0x11B8D, s6;
	_ =	swait.eq @!p0 [sflag:s5], $0x1  }
0xb2: {  	s4 =	sor.u32 @!p0 s4, s6;
	[sflag:s5] =	ssyncadd.s32 @!p0 $0xFFFFFFFF  }
0xb3: {  	s25 =	simm.s32 $0x1B8E;
	s24 =	sld [smem:$0x3FFE];
	[sflag:s4] =	ssyncadd.remote.s32 @!p0 $0x1  }
0xb4: {  	s26 =	simm.s32 $execute0_lowered;
	[smem:$0x3FD2] =	sst s25  }
0xb5: {  	s5 =	sshll.u32 s26, $0x1;
	_ =	strace $0x80000052;
	[dreg:$0x1] =	wrdreg $0xFFFFFFFF  }
0xb6: {  	s28 =	simm.s32 $_size_execute0_lowered;
	s3 =	sadd.s32 s3, s5;
	[dreg:$0x0] =	wrdreg $0x0  }
0xb7: {  	s5 =	sshll.u32 s28, $0x1;
	[dreg:$0x2] =	wrdreg s3  }
0xb8: {  	[dreg:$0x3] =	wrdreg s5  }
0xb9: {  	[dreg:$0x4] =	wrdreg $0xC0  }
0xba: {  	_ =	task [dreg:s22], $0x5FFFF  }
0xbb: {  	[dreg:$0x1] =	wrdreg $0xFFFFFFFF  }
0xbc: {  	[dreg:$0x0] =	wrdreg $0x60  }
0xbd: {  	[dreg:$0x2] =	wrdreg s24  }
0xbe: {  	[dreg:$0x3] =	wrdreg $0x82000  }
0xbf: {  	[dreg:$0x4] =	wrdreg $0x9  }
0xc0: {  	_ =	task.clear_ibuf [dreg:s22], $0x5FFFF;
	_ =	strace $0x90000052  }
0xc1: {  	s29 =	simm.s32 $0x9;
	_ =	strace $0x80000054  }
0xc2: {  	_ =	swait.ge [sflag:s29], $0x1  }
0xc3: {  	[sflag:s29] =	ssyncadd.s32 $0xFFFFFFFF  }
0xc4: {  	_ =	strace $0x90000054  }
0xc5: {  	_ =	sfence  }
0xc6: {  	s30 =	sld [smem:$0x0];
	_ =	sdelay $0x2  }
0xc7: {  	s31 =	sshll.u32 s1, $0xD;
	s1 =	sshrl.u32 s1, $0x2  }
0xc8: {  	s4 =	sand.u32 $0x4000, s31;
	s1 =	sadd.s32 s1, s30  }
0xc9: {  	s0 =	sor.u32 s4, s0;
	s1 =	sshll.u32 s1, $0x11  }
0xca: {  	s0 =	sor.u32 s1, s0  }
0xcb: {  	s0 =	sadd.s32 $0x8F2B, s0  }
0xcc: {  	[sflag:s0] =	ssyncadd.remote.s32 $0x1  }
0xcd: {  	_ =	sfence.sel $0xFFFF  }
0xce: {  	[dreg:$0x0] =	wrdreg $0xFFFFFFFF;
	(pc) =	sbr.abs _section_cstart, $3  }
0xcf: {  	[dreg:$0x1] =	wrdreg $0xFFFFFFFF  }
0xd0: {  	_ =	task.clear_ibuf [dreg:s22], $0x2FFFF;
	_ =	strace $0x9FFFFFFF  }
0xd1: {  	(tm) =	ssettm $0x7FFFFFFF  }
tec
execute0_lowered:
.L_overlay_start_1:
0x0: {  	(tag) =	ssettag $0x1  }
0x1: {  	s1 =	srdreg.scid  }
0x2: {  	s0 =	stileid.u32;
	s24 =	sand.u32 $0x1, s1  }
0x3: {  	s23 =	rddreg [dreg:$0x0];
	s22 =	sshll.u32 s0, $0xA;
	s1 =	sshll.u32 s24, $0x9  }
0x4: {  	s2 =	rddreg [dreg:$0x1];
	s3 =	simm.s32 $0x0;
	s4 =	sor.u32 s1, s22  }
0x5: {  	[smem:$0x7FF] =	sst s3;
	s4 =	sshrl.u32 s4, $0x3  }
0x6: {  	s1 =	rddreg [dreg:$0x2];
	s20 =	sadd.s32 s4, s23  }
0x7: {  	_ =	strace $0x80000053;
	s4 =	simm.s32 $0x5;
	s5 =	sadd.s32 $0x39A00, s20  }
0x8: {  	[tilespmem:s3], [sflag:$0x5] =	stream.linear.gather [hbm4b:s5+s3], $0x100, $0x38;
	[tilespmem:$0xA200] =	vst v63  }
0x9: {  	_ =	swait.ge [sflag:s4], $0x100  }
0xa: {  	[sflag:s4] =	ssyncset.done $0x0  }
0xb: {  	s7 =	simm.s32 $0x100;
	s6 =	sadd.s32 $0x3A200, s20;
	[sflag:s4] =	ssyncadd.s32 $0xFFFFFF00  }
0xc: {  	[tilespmem:s7], [sflag:$0x5] =	stream.linear.gather [hbm4b:s6+s3], $0x100, $0x38;
	[tilespmem:$0xA200] =	vst v63  }
0xd: {  	s8 =	sadd.s32 $0x2D600, s23;
	s9 =	sshll.u32 s0, $0xD;
	_ =	swait.ge [sflag:s4], $0x100  }
0xe: {  	s30 =	sshll.u32 s0, $0x6;
	s10 =	sadd.s32 s9, s2;
	[sflag:s4] =	ssyncset.done $0x0  }
0xf: {  	s9 =	sor.u32 $0x1C05, s30;
	s10 =	sshrl.u32 s10, $0x3;
	[sflag:s4] =	ssyncadd.s32 $0xFFFFFF00  }
0x10: {  	[spmem:s10], [sflag:s9] =	dma.local [hbm:s8], $0x400  }
0x11: {  	_ =	swait.ge [sflag:s4], $0x400  }
0x12: {  	s12 =	simm.s32 $0x80;
	[sflag:s4] =	ssyncset.done $0x0  }
0x13: {  	s13 =	simm.s32 $0x200;
	s11 =	sadd.s32 $0x35A00, s23;
	[sflag:s4] =	ssyncadd.s32 $0xFFFFFC00  }
0x14: {  	[tilespmem:s13], [sflag:$0x1] =	stream.indirect.gather [hbm4b:s11+s12], $0x80, s3, s12, $0xb8;
	[tilespmem:$0xA200] =	vst v63  }
0x15: {  	s14 =	simm.s32 $0x1;
	[bflag:$0x0] =	sbarrier.arrive $0xFFFF  }
0x16: {  	_ =	swait.ge [sflag:s14], $0x4000  }
0x17: {  	[sflag:s14] =	ssyncset.done $0x0  }
0x18: {  	s15 =	simm.s32 $0x4200;
	[sflag:s14] =	ssyncadd.s32 $0xFFFFC000  }
0x19: {  	[tilespmem:s15], [sflag:$0x2] =	stream.indirect.gather [hbm4b:s11+s12], $0x80, s12, s12, $0xb8;
	[tilespmem:$0xA200] =	vst v63  }
0x1a: {  	s16 =	simm.s32 $0x2  }
0x1b: {  	[spmem:s2] =	stream.indirect.scatter.add.f32 [tilespmem:s13], [sflag:$0x3], $0x80, s7, s12, $0xb8;
	[tilespmem:$0xA200] =	vst v63  }
0x1c: {  	_ =	swait.ge [sflag:s16], $0x4000  }
0x1d: {  	[sflag:s16] =	ssyncset.done $0x0  }
0x1e: {  	s17 =	simm.s32 $0x3;
	[sflag:s16] =	ssyncadd.s32 $0xFFFFC000  }
0x1f: {  	_ =	swait.ge [sflag:s17], $0x4000  }
0x20: {  	[sflag:s17] =	ssyncset.done $0x0  }
0x21: {  	s18 =	simm.s32 $0x180;
	[sflag:s17] =	ssyncadd.s32 $0xFFFFC000  }
0x22: {  	[spmem:s2] =	stream.indirect.scatter.add.f32 [tilespmem:s15], [sflag:$0x4], $0x80, s18, s12, $0xb8;
	[tilespmem:$0xA200] =	vst v63  }
0x23: {  	s19 =	simm.s32 $0x4  }
0x24: {  	[tilespmem:s13], [sflag:$0x1] =	stream.indirect.gather [hbm4b:s11+s12], $0x80, s3, s12, $0xb8;
	[tilespmem:$0xA200] =	vst v63  }
0x25: {  	_ =	swait.ge [sflag:s19], $0x4000  }
0x26: {  	[sflag:s19] =	ssyncset.done $0x0  }
0x27: {  	[sflag:s19] =	ssyncadd.s32 $0xFFFFC000  }
0x28: {  	_ =	swait.ge [sflag:s14], $0x4000  }
0x29: {  	[sflag:s14] =	ssyncset.done $0x0  }
0x2a: {  	s20 =	sadd.s32 $0x39A20, s20;
	[sflag:s14] =	ssyncadd.s32 $0xFFFFC000  }
0x2b: {  	[tilespmem:s3], [sflag:$0x5] =	stream.linear.gather [hbm4b:s20+s3], $0x100, $0x38;
	[tilespmem:$0xA200] =	vst v63  }
0x2c: {  	_ =	swait.ge [sflag:s4], $0x100  }
0x2d: {  	[sflag:s4] =	ssyncset.done $0x0  }
0x2e: {  	s21 =	sadd.s32 $0x20, s6;
	[sflag:s4] =	ssyncadd.s32 $0xFFFFFF00  }
0x2f: {  	[tilespmem:s7], [sflag:$0x5] =	stream.linear.gather [hbm4b:s21+s3], $0x100, $0x38;
	[tilespmem:$0xA200] =	vst v63  }
0x30: {  	_ =	swait.ge [sflag:s4], $0x100  }
0x31: {  	[sflag:s4] =	ssyncset.done $0x0  }
0x32: {  	[sflag:s4] =	ssyncadd.s32 $0xFFFFFF00  }
0x33: {  	[tilespmem:s13], [sflag:$0x1] =	stream.indirect.gather [hbm4b:s11+s12], $0x80, s3, s12, $0xb8;
	[tilespmem:$0xA200] =	vst v63  }
0x34: {  	_ =	swait.ge [sflag:s14], $0x4000  }
0x35: {  	[sflag:s14] =	ssyncset.done $0x0  }
0x36: {  	[sflag:s14] =	ssyncadd.s32 $0xFFFFC000  }
0x37: {  	[tilespmem:s15], [sflag:$0x2] =	stream.indirect.gather [hbm4b:s11+s12], $0x80, s12, s12, $0xb8;
	[tilespmem:$0xA200] =	vst v63  }
0x38: {  	_ = 	snop  }
0x39: {  	[spmem:s2] =	stream.indirect.scatter.add.f32 [tilespmem:s13], [sflag:$0x3], $0x80, s7, s12, $0xb8;
	[tilespmem:$0xA200] =	vst v63  }
0x3a: {  	_ =	swait.ge [sflag:s16], $0x4000  }
0x3b: {  	[sflag:s16] =	ssyncset.done $0x0  }
0x3c: {  	[sflag:s16] =	ssyncadd.s32 $0xFFFFC000  }
0x3d: {  	_ =	swait.ge [sflag:s17], $0x4000  }
0x3e: {  	[sflag:s17] =	ssyncset.done $0x0  }
0x3f: {  	[sflag:s17] =	ssyncadd.s32 $0xFFFFC000  }
0x40: {  	[spmem:s2] =	stream.indirect.scatter.add.f32 [tilespmem:s15], [sflag:$0x4], $0x80, s18, s12, $0xb8;
	[tilespmem:$0xA200] =	vst v63  }
0x41: {  	_ = 	snop  }
0x42: {  	[tilespmem:s13], [sflag:$0x1] =	stream.indirect.gather [hbm4b:s11+s12], $0x80, s3, s12, $0xb8;
	[tilespmem:$0xA200] =	vst v63  }
0x43: {  	s25 =	sshll.u32 s24, $0xE;
	s24 =	ssub.s32 $0x2, s24;
	_ =	swait.ge [sflag:s19], $0x4000  }
0x44: {  	s31 =	sshrl.u32 s24, $0x1;
	[sflag:s19] =	ssyncset.done $0x0  }
0x45: {  	s24 =	ssub.s32 s24, s31;
	[sflag:s19] =	ssyncadd.s32 $0xFFFFC000  }
0x46: {  	s24 =	smax.u32 s24, $0x1;
	_ =	swait.ge [sflag:s14], $0x4000  }
0x47: {  	s23 =	sadd.s32 s25, s23;
	p0 =	sne.s32 s24, $0x1;
	[sflag:s14] =	ssyncset.done $0x0  }
.Ltmp0:
0x48: {  	s23 =	sadd.s32 $0x3AA00, s23;
	[sflag:s14] =	ssyncadd.s32 $0xFFFFC000;
	(pc) =	sbr.rel @!p0 .LBB2_2-.Ltmp0, $4  }
0x49: {  	s22 =	sadd.s32 s22, s23;
	[bflag:$0x0] =	sbarrier.arrive $0xFFFF  }
0x4a: {  	[hbm:s22], [sflag:s9] =	dma.local [spmem:s10], $0x400  }
0x4b: {  	_ =	swait.ge [sflag:s4], $0x400  }
0x4c: {  	s23 =	sadd.s32 $0xFFFFFFFF, s24;
	[sflag:s4] =	ssyncset.done $0x0  }
.LBB2_1:
0x4d: {  	p0 =	sne.s32 s23, $0x1;
	s23 =	sadd.s32 $0xFFFFFFFF, s23;
	[sflag:s4] =	ssyncadd.s32 $0xFFFFFC00  }
0x4e: {  	[tilespmem:s3], [sflag:$0x5] =	stream.linear.gather [hbm4b:s5+s3], $0x100, $0x38;
	[tilespmem:$0xA200] =	vst v63  }
0x4f: {  	_ =	swait.ge [sflag:s4], $0x100  }
0x50: {  	[sflag:s4] =	ssyncset.done $0x0  }
0x51: {  	[sflag:s4] =	ssyncadd.s32 $0xFFFFFF00  }
0x52: {  	[tilespmem:s7], [sflag:$0x5] =	stream.linear.gather [hbm4b:s6+s3], $0x100, $0x38;
	[tilespmem:$0xA200] =	vst v63  }
0x53: {  	_ =	swait.ge [sflag:s4], $0x100  }
0x54: {  	[sflag:s4] =	ssyncset.done $0x0  }
0x55: {  	[sflag:s4] =	ssyncadd.s32 $0xFFFFFF00  }
0x56: {  	[spmem:s10], [sflag:s9] =	dma.local [hbm:s8], $0x400  }
0x57: {  	_ =	swait.ge [sflag:s4], $0x400  }
0x58: {  	[sflag:s4] =	ssyncset.done $0x0  }
0x59: {  	[sflag:s4] =	ssyncadd.s32 $0xFFFFFC00  }
0x5a: {  	[tilespmem:s13], [sflag:$0x1] =	stream.indirect.gather [hbm4b:s11+s12], $0x80, s3, s12, $0xb8;
	[tilespmem:$0xA200] =	vst v63  }
0x5b: {  	[bflag:$0x0] =	sbarrier.arrive $0xFFFF  }
0x5c: {  	_ =	swait.ge [sflag:s14], $0x4000  }
0x5d: {  	[sflag:s14] =	ssyncset.done $0x0  }
0x5e: {  	[sflag:s14] =	ssyncadd.s32 $0xFFFFC000  }
0x5f: {  	[tilespmem:s15], [sflag:$0x2] =	stream.indirect.gather [hbm4b:s11+s12], $0x80, s12, s12, $0xb8;
	[tilespmem:$0xA200] =	vst v63  }
0x60: {  	_ = 	snop  }
0x61: {  	[spmem:s2] =	stream.indirect.scatter.add.f32 [tilespmem:s13], [sflag:$0x3], $0x80, s7, s12, $0xb8;
	[tilespmem:$0xA200] =	vst v63  }
0x62: {  	_ =	swait.ge [sflag:s16], $0x4000  }
0x63: {  	[sflag:s16] =	ssyncset.done $0x0  }
0x64: {  	[sflag:s16] =	ssyncadd.s32 $0xFFFFC000  }
0x65: {  	_ =	swait.ge [sflag:s17], $0x4000  }
0x66: {  	[sflag:s17] =	ssyncset.done $0x0  }
0x67: {  	[sflag:s17] =	ssyncadd.s32 $0xFFFFC000  }
0x68: {  	[spmem:s2] =	stream.indirect.scatter.add.f32 [tilespmem:s15], [sflag:$0x4], $0x80, s18, s12, $0xb8;
	[tilespmem:$0xA200] =	vst v63  }
0x69: {  	_ = 	snop  }
0x6a: {  	[tilespmem:s13], [sflag:$0x1] =	stream.indirect.gather [hbm4b:s11+s12], $0x80, s3, s12, $0xb8;
	[tilespmem:$0xA200] =	vst v63  }
0x6b: {  	_ =	swait.ge [sflag:s19], $0x4000  }
0x6c: {  	[sflag:s19] =	ssyncset.done $0x0  }
0x6d: {  	[sflag:s19] =	ssyncadd.s32 $0xFFFFC000  }
0x6e: {  	_ =	swait.ge [sflag:s14], $0x4000  }
0x6f: {  	[sflag:s14] =	ssyncset.done $0x0  }
0x70: {  	[sflag:s14] =	ssyncadd.s32 $0xFFFFC000  }
0x71: {  	[tilespmem:s3], [sflag:$0x5] =	stream.linear.gather [hbm4b:s20+s3], $0x100, $0x38;
	[tilespmem:$0xA200] =	vst v63  }
0x72: {  	_ =	swait.ge [sflag:s4], $0x100  }
0x73: {  	[sflag:s4] =	ssyncset.done $0x0  }
0x74: {  	[sflag:s4] =	ssyncadd.s32 $0xFFFFFF00  }
0x75: {  	[tilespmem:s7], [sflag:$0x5] =	stream.linear.gather [hbm4b:s21+s3], $0x100, $0x38;
	[tilespmem:$0xA200] =	vst v63  }
0x76: {  	_ =	swait.ge [sflag:s4], $0x100  }
0x77: {  	[sflag:s4] =	ssyncset.done $0x0  }
0x78: {  	[sflag:s4] =	ssyncadd.s32 $0xFFFFFF00  }
0x79: {  	[tilespmem:s13], [sflag:$0x1] =	stream.indirect.gather [hbm4b:s11+s12], $0x80, s3, s12, $0xb8;
	[tilespmem:$0xA200] =	vst v63  }
0x7a: {  	_ =	swait.ge [sflag:s14], $0x4000  }
0x7b: {  	[sflag:s14] =	ssyncset.done $0x0  }
0x7c: {  	[sflag:s14] =	ssyncadd.s32 $0xFFFFC000  }
0x7d: {  	[tilespmem:s15], [sflag:$0x2] =	stream.indirect.gather [hbm4b:s11+s12], $0x80, s12, s12, $0xb8;
	[tilespmem:$0xA200] =	vst v63  }
0x7e: {  	_ = 	snop  }
0x7f: {  	[spmem:s2] =	stream.indirect.scatter.add.f32 [tilespmem:s13], [sflag:$0x3], $0x80, s7, s12, $0xb8;
	[tilespmem:$0xA200] =	vst v63  }
0x80: {  	_ =	swait.ge [sflag:s16], $0x4000  }
0x81: {  	[sflag:s16] =	ssyncset.done $0x0  }
0x82: {  	[sflag:s16] =	ssyncadd.s32 $0xFFFFC000  }
0x83: {  	_ =	swait.ge [sflag:s17], $0x4000  }
0x84: {  	[sflag:s17] =	ssyncset.done $0x0  }
0x85: {  	[sflag:s17] =	ssyncadd.s32 $0xFFFFC000  }
0x86: {  	[spmem:s2] =	stream.indirect.scatter.add.f32 [tilespmem:s15], [sflag:$0x4], $0x80, s18, s12, $0xb8;
	[tilespmem:$0xA200] =	vst v63  }
0x87: {  	_ = 	snop  }
0x88: {  	[tilespmem:s13], [sflag:$0x1] =	stream.indirect.gather [hbm4b:s11+s12], $0x80, s3, s12, $0xb8;
	[tilespmem:$0xA200] =	vst v63  }
0x89: {  	_ =	swait.ge [sflag:s19], $0x4000  }
0x8a: {  	[sflag:s19] =	ssyncset.done $0x0  }
0x8b: {  	[sflag:s19] =	ssyncadd.s32 $0xFFFFC000  }
0x8c: {  	_ =	swait.ge [sflag:s14], $0x4000  }
0x8d: {  	[sflag:s14] =	ssyncset.done $0x0  }
.Ltmp1:
0x8e: {  	[sflag:s14] =	ssyncadd.s32 $0xFFFFC000;
	(pc) =	sbr.rel @p0 .LBB2_1-.Ltmp1, $4  }
0x8f: {  	[bflag:$0x0] =	sbarrier.arrive $0xFFFF  }
0x90: {  	[hbm:s22], [sflag:s9] =	dma.local [spmem:s10], $0x400  }
0x91: {  	_ =	swait.ge [sflag:s4], $0x400  }
0x92: {  	[sflag:s4] =	ssyncset.done $0x0  }
.LBB2_2:
0x93: {  	[sflag:s4] =	ssyncadd.s32 $0xFFFFFC00  }
0x94: {  	_ =	sfence.sel $0x180000  }
0x95: {  	[bflag:$0x0] =	sbarrier.arrive $0xFFFF  }
0x96: {  	p0 =	sne.s32 s0, $0x0;
	_ =	strace $0x90000053  }
0x97: {  	s0 =	sadd.s32 @!p0 $0x100000, s1;
	[bflag:$0x2] =	sbarrier.arrive $0xFFFF  }
0x98: {  	[sflag:s0] =	ssyncadd.tile.s32 @!p0 $0x1;
	_ =	shalt  }
.Lfunc_end2:
_tile_overlayer_lowered:
.L_overlay_start_2:
0x99: {  	(tag) =	ssettag $0x2  }
0x9a: {  	s0 =	rddreg [dreg:$0x0];
	s2 =	stileid.u32  }
0x9b: {  	s1 =	rddreg [dreg:$0x1];
	p0 =	sne.s32 s2, $0x0  }
0x9c: {  	s3 =	rddreg [dreg:$0x2];
	[bflag:$0x3] =	sbarrier.arrive $0xFFFF;
	s2 =	simm.s32 @!p0 $0x1C05  }
0x9d: {  	[timem:s3], [sflag:s2] =	dma.local @!p0 [hbm:s0], s1  }
0x9e: {  	s0 =	simm.s32 @!p0 $0x5  }
0x9f: {  	_ =	swait.ge @!p0 [sflag:s0], s1  }
0xa0: {  	s1 =	ssub.s32 @!p0 $0x0, s1;
	[sflag:s0] =	ssyncset.done @!p0 $0x0  }
0xa1: {  	[sflag:s0] =	ssyncadd.s32 @!p0 s1  }
0xa2: {  	[bflag:$0x3] =	sbarrier.arrive $0xFFFF  }
0xa3: {  	_ =	shalt  }

// kernel: kernel.33.cloned.1.call-start
scs
__scs_entry_jumppad:
0x0: {  	(pc) =	sbr.rel $0x88, $3  }
0x1: {  	(tag) =	ssettag $0x0;
	lr =	simm.s32 $0x1  }
0x2: {  	[smem:$0x3F88] =	sst lr;
	_ =	strace $0xD0000000  }
0x3: {  	_ = 	snop  }
0x4: {  	_ = 	snop  }
0x5: {  	_ = 	snop  }
0x6: {  	_ = 	snop  }
0x7: {  	_ = 	snop  }
__scs_overlays_trampoline_lowered:
0x8: {  	[smem:$0x3F97] =	sst s0  }
0x9: {  	[smem:$0x3F98] =	sst s1  }
0xa: {  	[smem:$0x3F99] =	sst s2  }
0xb: {  	[smem:$0x3F9A] =	sst s3  }
0xc: {  	[smem:$0x3F9B] =	sst s4  }
0xd: {  	[smem:$0x3F9C] =	sst s5  }
0xe: {  	[smem:$0x3F9D] =	sst s6  }
0xf: {  	[smem:$0x3F9E] =	sst s7  }
0x10: {  	[smem:$0x3F9F] =	sst s8  }
0x11: {  	[smem:$0x3FA0] =	sst s9;
	s0 =	simm.s32 @!p0 $0x0  }
0x12: {  	s1 =	sld [smem:$0x3F86];
	s0 =	simm.s32 @p0 $0x1  }
0x13: {  	[smem:$0x3FA1] =	sst s0;
	s0 =	simm.s32 @!p1 $0x0  }
0x14: {  	s2 =	sld [smem:$0x3F85];
	s0 =	simm.s32 @p1 $0x1  }
0x15: {  	[smem:$0x3FA2] =	sst s0;
	s0 =	simm.s32 @!p2 $0x0  }
0x16: {  	s3 =	sld [smem:$0x3FDB];
	s0 =	simm.s32 @p2 $0x1  }
0x17: {  	s4 =	simm.s32 $0x1BF5;
	[smem:$0x3FA4] =	sst s0  }
0x18: {  	s0 =	sld [smem:$0x3F87];
	_ =	swait.ge [sflag:s4], $0x0  }
0x19: {  	s7 =	sld [smem:$0x3F88]  }
0x1a: {  	s8 =	sadd.s32 $0xFFFFE003, lr  }
0x1b: {  	s9 =	sadd.s32 $0xFFFFFEF7, lr;
	s5 =	simm.s32 $0xFFFFFFFF;
	p2 =	slt.u32 s8, $0xFFFFF086  }
0x1c: {  	p1 =	slt.u32 s9, $0xF7A;
	s5 =	simm.s32 @!p2 $0x0  }
0x1d: {  	s5 =	simm.s32 @p1 $0x1;
	p0 =	seq.s32 s7, s2  }
0x1e: {  	s7 =	smul.u32 @!p0 $0xF7A, s2;
	p2 =	seq.s32 @!p0 s5, $0x0  }
0x1f: {  	s9 =	smul.u32 $0xF7A, s1;
	s8 =	simm.s32 @!p0 $0x1BF5;
	p2 =	por !p2, p0  }
0x20: {  	[sflag:s8] =	ssyncset.s32 @!p0 $0xFFFFF086;
	s6 =	sadd.s32 @!p0 s3, s7;
	s7 =	simm.s32 @!p0 $0x108  }
0x21: {  	s3 =	sadd.s32 s3, s9;
	s6 =	sadd.s32 @!p0 $0x88, s6;
	s7 =	simm.s32 @p2 $0x1082  }
0x22: {  	[simem:s7], [sflag:s8] =	dma.local @!p0 [hbm:s6], $0xF7A  }
0x23: {  	s9 =	sor.u32 $0xD0000000, s2;
	s6 =	simm.s32 $0x108;
	_ =	swait.ge @!p0 [sflag:s8], $0x0  }
0x24: {  	s3 =	sadd.s32 $0x88, s3;
	s6 =	simm.s32 @!p1 $0x1082;
	[sflag:s4] =	ssyncset.s32 $0xFFFFF086  }
0x25: {  	[simem:s6], [sflag:s4] =	dma.local [hbm:s3], $0xF7A  }
0x26: {  	[smem:$0x3F88] =	sst s1;
	(tag) =	ssettag s2;
	_ =	strace s9  }
0x27: {  	s1 =	sld [smem:$0x3F98]  }
0x28: {  	s2 =	sld [smem:$0x3F99]  }
0x29: {  	s4 =	sld [smem:$0x3F9B]  }
0x2a: {  	p0 =	seq.s32 s5, $0x0;
	s5 =	sld [smem:$0x3F9C]  }
0x2b: {  	s6 =	sld [smem:$0x3F9D]  }
0x2c: {  	s7 =	sld [smem:$0x3F9E]  }
0x2d: {  	s3 =	simm.s32 $0x108;
	s8 =	sld [smem:$0x3F9F]  }
0x2e: {  	s3 =	simm.s32 @!p0 $0x1082;
	s9 =	sld [smem:$0x3FA0]  }
0x2f: {  	lr =	sadd.s32 s0, s3;
	s0 =	sld [smem:$0x3F97]  }
0x30: {  	s3 =	sld [smem:$0x3F9A]  }
0x31: {  	[smem:$0x3FA3] =	sst s10  }
0x32: {  	s10 =	sld [smem:$0x3FA1];
	_ =	sdelay $0x3  }
0x33: {  	p0 =	seq.s32 s10, $0x1;
	s10 =	sld [smem:$0x3FA3];
	_ =	sdelay $0x3  }
0x34: {  	[smem:$0x3FA3] =	sst s10  }
0x35: {  	s10 =	sld [smem:$0x3FA2];
	_ =	sdelay $0x3  }
0x36: {  	p1 =	seq.s32 s10, $0x1;
	s10 =	sld [smem:$0x3FA3];
	_ =	sdelay $0x3  }
0x37: {  	[smem:$0x3FA3] =	sst s10  }
0x38: {  	s10 =	sld [smem:$0x3FA4]  }
0x39: {  	_ = 	snop;
	(pc) =	sbr.ind lr, $3  }
0x3a: {  	_ = 	snop  }
0x3b: {  	_ = 	snop  }
0x3c: {  	p2 =	seq.s32 s10, $0x1;
	s10 =	sld [smem:$0x3FA3]  }
0x3d: {  	_ =	shalt  }
0x3e: {  	_ =	shalt  }
0x3f: {  	_ =	shalt  }
0x40: {  	_ =	shalt  }
0x41: {  	_ =	shalt  }
0x42: {  	_ =	shalt  }
0x43: {  	_ =	shalt  }
0x44: {  	_ =	shalt  }
0x45: {  	_ =	shalt  }
0x46: {  	_ =	shalt  }
0x47: {  	_ =	shalt  }
0x48: {  	_ =	shalt  }
0x49: {  	_ =	shalt  }
0x4a: {  	_ =	shalt  }
0x4b: {  	_ =	shalt  }
0x4c: {  	_ =	shalt  }
0x4d: {  	_ =	shalt  }
0x4e: {  	_ =	shalt  }
0x4f: {  	_ =	shalt  }
0x50: {  	_ =	shalt  }
0x51: {  	_ =	shalt  }
0x52: {  	_ =	shalt  }
0x53: {  	_ =	shalt  }
0x54: {  	_ =	shalt  }
0x55: {  	_ =	shalt  }
0x56: {  	_ =	shalt  }
0x57: {  	_ =	shalt  }
0x58: {  	_ =	shalt  }
0x59: {  	_ =	shalt  }
0x5a: {  	_ =	shalt  }
0x5b: {  	_ =	shalt  }
0x5c: {  	_ =	shalt  }
0x5d: {  	_ =	shalt  }
0x5e: {  	_ =	shalt  }
0x5f: {  	_ =	shalt  }
0x60: {  	_ =	shalt  }
0x61: {  	_ =	shalt  }
0x62: {  	_ =	shalt  }
0x63: {  	_ =	shalt  }
0x64: {  	_ =	shalt  }
0x65: {  	_ =	shalt  }
0x66: {  	_ =	shalt  }
0x67: {  	_ =	shalt  }
0x68: {  	_ =	shalt  }
0x69: {  	_ =	shalt  }
0x6a: {  	_ =	shalt  }
0x6b: {  	_ =	shalt  }
0x6c: {  	_ =	shalt  }
0x6d: {  	_ =	shalt  }
0x6e: {  	_ =	shalt  }
0x6f: {  	_ =	shalt  }
0x70: {  	_ =	shalt  }
0x71: {  	_ =	shalt  }
0x72: {  	_ =	shalt  }
0x73: {  	_ =	shalt  }
0x74: {  	_ =	shalt  }
0x75: {  	_ =	shalt  }
0x76: {  	_ =	shalt  }
0x77: {  	_ =	shalt  }
0x78: {  	_ =	shalt  }
0x79: {  	_ =	shalt  }
0x7a: {  	_ =	shalt  }
0x7b: {  	_ =	shalt  }
0x7c: {  	_ =	shalt  }
0x7d: {  	_ =	shalt  }
0x7e: {  	_ =	shalt  }
0x7f: {  	_ =	shalt  }
0x80: {  	_ =	shalt  }
0x81: {  	_ =	shalt  }
0x82: {  	_ =	shalt  }
0x83: {  	_ =	shalt  }
0x84: {  	_ =	shalt  }
0x85: {  	_ =	shalt  }
0x86: {  	_ =	shalt  }
0x87: {  	_ =	shalt  }
.Lfunc_end0:
.L_simem_size_0:
called_computation.6_lowered:
.L_overlay_start_0:
0x88: {  	s2 =	sld [smem:$0x3FD9]  }
0x89: {  	s3 =	sld [smem:$0x3FFE];
	_ =	sdelay $0x1  }
0x8a: {  	s1 =	srdreg.scid  }
0x8b: {  	s0 =	sand.u32 $0x1, s1  }
0x8c: {  	s16 =	sshll.u32 s0, $0xA;
	s2 =	sadd.s32 s3, s2  }
0x8d: {  	s2 =	sadd.s32 s2, s16  }
0x8e: {  	[smem:$0x3FAF] =	sst s2  }
0x8f: {  	_ = 	snop  }
0x90: {  	(tm) =	ssettm $0x1  }
0x91: {  	s17 =	sld [smem:$0x3FFB];
	_ =	sdelay $0x3  }
0x92: {  	_ =	strace s17  }
0x93: {  	s2 =	sld [smem:$0x3FFC];
	_ =	sdelay $0x3  }
0x94: {  	_ =	strace s2  }
0x95: {  	s2 =	sld [smem:$0x3FFD];
	_ =	sdelay $0x3  }
0x96: {  	_ =	strace s2  }
0x97: {  	_ =	strace $0x8FFFFFFF  }
0x98: {  	s18 =	sld [smem:$0x3FDB];
	_ =	sdelay $0x1  }
0x99: {  	s19 =	simm.s32 $_scs_section_size  }
0x9a: {  	s4 =	simm.s32 $_size__tile_overlayer_lowered;
	s5 =	simm.s32 $_tile_overlayer_lowered  }
0x9b: {  	s22 =	simm.s32 $0x1BFF;
	s21 =	sshll.u32 s5, $0x1;
	s2 =	sadd.s32 s19, s18  }
0x9c: {  	s6 =	simm.s32 $0x0;
	s20 =	sshll.u32 s4, $0x1;
	s4 =	sadd.s32 s21, s2  }
0x9d: {  	[timem:s6], [sflag:s22] =	dma.local [hbm:s4], s20  }
0x9e: {  	_ =	swait.ge [sflag:s22], s20  }
0x9f: {  	s3 =	ssub.s32 $0x0, s20;
	[sflag:s22] =	ssyncset.done $0x0  }
0xa0: {  	[sflag:s22] =	ssyncadd.s32 s3;
	_ =	sdelay $0x1  }
0xa1: {  	s23 =	simm.s32 $0x1B8B  }
0xa2: {  	_ =	swait.ge [sflag:s23], $0x1  }
0xa3: {  	[sflag:s23] =	ssyncset.done $0x0  }
0xa4: {  	s25 =	simm.s32 $0x1B8E;
	s24 =	sld [smem:$0x3FFE];
	[sflag:s23] =	ssyncadd.s32 $0xFFFFFFFF  }
0xa5: {  	s26 =	simm.s32 $execute0_lowered;
	[smem:$0x3FD2] =	sst s25  }
0xa6: {  	s4 =	sshll.u32 s26, $0x1;
	_ =	strace $0x80000058;
	[dreg:$0x1] =	wrdreg $0xFFFFFFFF  }
0xa7: {  	s28 =	simm.s32 $_size_execute0_lowered;
	s2 =	sadd.s32 s2, s4;
	[dreg:$0x0] =	wrdreg $0x0  }
0xa8: {  	s4 =	sshll.u32 s28, $0x1;
	[dreg:$0x2] =	wrdreg s2  }
0xa9: {  	[dreg:$0x3] =	wrdreg s4  }
0xaa: {  	[dreg:$0x4] =	wrdreg $0xC0  }
0xab: {  	_ =	task [dreg:s6], $0x5FFFF  }
0xac: {  	[dreg:$0x1] =	wrdreg $0xFFFFFFFF  }
0xad: {  	[dreg:$0x0] =	wrdreg $0x60  }
0xae: {  	[dreg:$0x2] =	wrdreg s24  }
0xaf: {  	[dreg:$0x3] =	wrdreg $0x82000  }
0xb0: {  	[dreg:$0x4] =	wrdreg $0x9  }
0xb1: {  	_ =	task.clear_ibuf [dreg:s6], $0x5FFFF;
	_ =	strace $0x90000058  }
0xb2: {  	s29 =	simm.s32 $0x9;
	_ =	strace $0x8000005A  }
0xb3: {  	_ =	swait.ge [sflag:s29], $0x1  }
0xb4: {  	[sflag:s29] =	ssyncadd.s32 $0xFFFFFFFF  }
0xb5: {  	_ =	strace $0x9000005A  }
0xb6: {  	_ =	sfence  }
0xb7: {  	s30 =	sld [smem:$0x0];
	_ =	sdelay $0x2  }
0xb8: {  	s31 =	sshll.u32 s1, $0xD;
	s1 =	sshrl.u32 s1, $0x2  }
0xb9: {  	s3 =	sand.u32 $0x4000, s31;
	s1 =	sadd.s32 s1, s30  }
0xba: {  	s0 =	sor.u32 s3, s0;
	s1 =	sshll.u32 s1, $0x11  }
0xbb: {  	s0 =	sor.u32 s1, s0  }
0xbc: {  	s0 =	sadd.s32 $0x8F2B, s0  }
0xbd: {  	[sflag:s0] =	ssyncadd.remote.s32 $0x1  }
0xbe: {  	_ =	sfence.sel $0xFFFF  }
0xbf: {  	[dreg:$0x0] =	wrdreg $0xFFFFFFFF;
	(pc) =	sbr.abs _section_cstart, $3  }
0xc0: {  	[dreg:$0x1] =	wrdreg $0xFFFFFFFF  }
0xc1: {  	_ =	task.clear_ibuf [dreg:s6], $0x2FFFF;
	_ =	strace $0x9FFFFFFF  }
0xc2: {  	(tm) =	ssettm $0x7FFFFFFF  }
0xc3: {  	_ =	shalt  }
tec
execute0_lowered:
.L_overlay_start_1:
0x0: {  	(tag) =	ssettag $0x1  }
0x1: {  	s1 =	srdreg.scid  }
0x2: {  	s0 =	stileid.u32;
	s24 =	sand.u32 $0x1, s1  }
0x3: {  	s23 =	rddreg [dreg:$0x0];
	s22 =	sshll.u32 s0, $0xA;
	s1 =	sshll.u32 s24, $0x9  }
0x4: {  	s2 =	rddreg [dreg:$0x1];
	s3 =	simm.s32 $0x0;
	s4 =	sor.u32 s1, s22  }
0x5: {  	[smem:$0x7FF] =	sst s3;
	s4 =	sshrl.u32 s4, $0x3  }
0x6: {  	s1 =	rddreg [dreg:$0x2];
	s20 =	sadd.s32 s4, s23  }
0x7: {  	_ =	strace $0x80000059;
	s4 =	simm.s32 $0x5;
	s5 =	sadd.s32 $0x39A00, s20  }
0x8: {  	[tilespmem:s3], [sflag:$0x5] =	stream.linear.gather [hbm4b:s5+s3], $0x100, $0x38;
	[tilespmem:$0xA200] =	vst v63  }
0x9: {  	_ =	swait.ge [sflag:s4], $0x100  }
0xa: {  	[sflag:s4] =	ssyncset.done $0x0  }
0xb: {  	s7 =	simm.s32 $0x100;
	s6 =	sadd.s32 $0x3A200, s20;
	[sflag:s4] =	ssyncadd.s32 $0xFFFFFF00  }
0xc: {  	[tilespmem:s7], [sflag:$0x5] =	stream.linear.gather [hbm4b:s6+s3], $0x100, $0x38;
	[tilespmem:$0xA200] =	vst v63  }
0xd: {  	s8 =	sadd.s32 $0x2D600, s23;
	s9 =	sshll.u32 s0, $0xD;
	_ =	swait.ge [sflag:s4], $0x100  }
0xe: {  	s30 =	sshll.u32 s0, $0x6;
	s10 =	sadd.s32 s9, s2;
	[sflag:s4] =	ssyncset.done $0x0  }
0xf: {  	s9 =	sor.u32 $0x1C05, s30;
	s10 =	sshrl.u32 s10, $0x3;
	[sflag:s4] =	ssyncadd.s32 $0xFFFFFF00  }
0x10: {  	[spmem:s10], [sflag:s9] =	dma.local [hbm:s8], $0x400  }
0x11: {  	_ =	swait.ge [sflag:s4], $0x400  }
0x12: {  	s12 =	simm.s32 $0x80;
	[sflag:s4] =	ssyncset.done $0x0  }
0x13: {  	s13 =	simm.s32 $0x200;
	s11 =	sadd.s32 $0x2DA00, s23;
	[sflag:s4] =	ssyncadd.s32 $0xFFFFFC00  }
0x14: {  	[tilespmem:s13], [sflag:$0x1] =	stream.indirect.gather [hbm4b:s11+s12], $0x80, s3, s12, $0xb8;
	[tilespmem:$0xA200] =	vst v63  }
0x15: {  	s14 =	simm.s32 $0x1;
	[bflag:$0x0] =	sbarrier.arrive $0xFFFF  }
0x16: {  	_ =	swait.ge [sflag:s14], $0x4000  }
0x17: {  	[sflag:s14] =	ssyncset.done $0x0  }
0x18: {  	s15 =	simm.s32 $0x4200;
	[sflag:s14] =	ssyncadd.s32 $0xFFFFC000  }
0x19: {  	[tilespmem:s15], [sflag:$0x2] =	stream.indirect.gather [hbm4b:s11+s12], $0x80, s12, s12, $0xb8;
	[tilespmem:$0xA200] =	vst v63  }
0x1a: {  	s16 =	simm.s32 $0x2  }
0x1b: {  	[spmem:s2] =	stream.indirect.scatter.add.f32 [tilespmem:s13], [sflag:$0x3], $0x80, s7, s12, $0xb8;
	[tilespmem:$0xA200] =	vst v63  }
0x1c: {  	_ =	swait.ge [sflag:s16], $0x4000  }
0x1d: {  	[sflag:s16] =	ssyncset.done $0x0  }
0x1e: {  	s17 =	simm.s32 $0x3;
	[sflag:s16] =	ssyncadd.s32 $0xFFFFC000  }
0x1f: {  	_ =	swait.ge [sflag:s17], $0x4000  }
0x20: {  	[sflag:s17] =	ssyncset.done $0x0  }
0x21: {  	s18 =	simm.s32 $0x180;
	[sflag:s17] =	ssyncadd.s32 $0xFFFFC000  }
0x22: {  	[spmem:s2] =	stream.indirect.scatter.add.f32 [tilespmem:s15], [sflag:$0x4], $0x80, s18, s12, $0xb8;
	[tilespmem:$0xA200] =	vst v63  }
0x23: {  	s19 =	simm.s32 $0x4  }
0x24: {  	[tilespmem:s13], [sflag:$0x1] =	stream.indirect.gather [hbm4b:s11+s12], $0x80, s3, s12, $0xb8;
	[tilespmem:$0xA200] =	vst v63  }
0x25: {  	_ =	swait.ge [sflag:s19], $0x4000  }
0x26: {  	[sflag:s19] =	ssyncset.done $0x0  }
0x27: {  	[sflag:s19] =	ssyncadd.s32 $0xFFFFC000  }
0x28: {  	_ =	swait.ge [sflag:s14], $0x4000  }
0x29: {  	[sflag:s14] =	ssyncset.done $0x0  }
0x2a: {  	s20 =	sadd.s32 $0x39A20, s20;
	[sflag:s14] =	ssyncadd.s32 $0xFFFFC000  }
0x2b: {  	[tilespmem:s3], [sflag:$0x5] =	stream.linear.gather [hbm4b:s20+s3], $0x100, $0x38;
	[tilespmem:$0xA200] =	vst v63  }
0x2c: {  	_ =	swait.ge [sflag:s4], $0x100  }
0x2d: {  	[sflag:s4] =	ssyncset.done $0x0  }
0x2e: {  	s21 =	sadd.s32 $0x20, s6;
	[sflag:s4] =	ssyncadd.s32 $0xFFFFFF00  }
0x2f: {  	[tilespmem:s7], [sflag:$0x5] =	stream.linear.gather [hbm4b:s21+s3], $0x100, $0x38;
	[tilespmem:$0xA200] =	vst v63  }
0x30: {  	_ =	swait.ge [sflag:s4], $0x100  }
0x31: {  	[sflag:s4] =	ssyncset.done $0x0  }
0x32: {  	[sflag:s4] =	ssyncadd.s32 $0xFFFFFF00  }
0x33: {  	[tilespmem:s13], [sflag:$0x1] =	stream.indirect.gather [hbm4b:s11+s12], $0x80, s3, s12, $0xb8;
	[tilespmem:$0xA200] =	vst v63  }
0x34: {  	_ =	swait.ge [sflag:s14], $0x4000  }
0x35: {  	[sflag:s14] =	ssyncset.done $0x0  }
0x36: {  	[sflag:s14] =	ssyncadd.s32 $0xFFFFC000  }
0x37: {  	[tilespmem:s15], [sflag:$0x2] =	stream.indirect.gather [hbm4b:s11+s12], $0x80, s12, s12, $0xb8;
	[tilespmem:$0xA200] =	vst v63  }
0x38: {  	_ = 	snop  }
0x39: {  	[spmem:s2] =	stream.indirect.scatter.add.f32 [tilespmem:s13], [sflag:$0x3], $0x80, s7, s12, $0xb8;
	[tilespmem:$0xA200] =	vst v63  }
0x3a: {  	_ =	swait.ge [sflag:s16], $0x4000  }
0x3b: {  	[sflag:s16] =	ssyncset.done $0x0  }
0x3c: {  	[sflag:s16] =	ssyncadd.s32 $0xFFFFC000  }
0x3d: {  	_ =	swait.ge [sflag:s17], $0x4000  }
0x3e: {  	[sflag:s17] =	ssyncset.done $0x0  }
0x3f: {  	[sflag:s17] =	ssyncadd.s32 $0xFFFFC000  }
0x40: {  	[spmem:s2] =	stream.indirect.scatter.add.f32 [tilespmem:s15], [sflag:$0x4], $0x80, s18, s12, $0xb8;
	[tilespmem:$0xA200] =	vst v63  }
0x41: {  	_ = 	snop  }
0x42: {  	[tilespmem:s13], [sflag:$0x1] =	stream.indirect.gather [hbm4b:s11+s12], $0x80, s3, s12, $0xb8;
	[tilespmem:$0xA200] =	vst v63  }
0x43: {  	s25 =	sshll.u32 s24, $0xE;
	s24 =	ssub.s32 $0x2, s24;
	_ =	swait.ge [sflag:s19], $0x4000  }
0x44: {  	s31 =	sshrl.u32 s24, $0x1;
	[sflag:s19] =	ssyncset.done $0x0  }
0x45: {  	s24 =	ssub.s32 s24, s31;
	[sflag:s19] =	ssyncadd.s32 $0xFFFFC000  }
0x46: {  	s24 =	smax.u32 s24, $0x1;
	_ =	swait.ge [sflag:s14], $0x4000  }
0x47: {  	s23 =	sadd.s32 s25, s23;
	p0 =	sne.s32 s24, $0x1;
	[sflag:s14] =	ssyncset.done $0x0  }
.Ltmp0:
0x48: {  	s23 =	sadd.s32 $0x31A00, s23;
	[sflag:s14] =	ssyncadd.s32 $0xFFFFC000;
	(pc) =	sbr.rel @!p0 .LBB2_2-.Ltmp0, $4  }
0x49: {  	s22 =	sadd.s32 s22, s23;
	[bflag:$0x0] =	sbarrier.arrive $0xFFFF  }
0x4a: {  	[hbm:s22], [sflag:s9] =	dma.local [spmem:s10], $0x400  }
0x4b: {  	_ =	swait.ge [sflag:s4], $0x400  }
0x4c: {  	s23 =	sadd.s32 $0xFFFFFFFF, s24;
	[sflag:s4] =	ssyncset.done $0x0  }
.LBB2_1:
0x4d: {  	p0 =	sne.s32 s23, $0x1;
	s23 =	sadd.s32 $0xFFFFFFFF, s23;
	[sflag:s4] =	ssyncadd.s32 $0xFFFFFC00  }
0x4e: {  	[tilespmem:s3], [sflag:$0x5] =	stream.linear.gather [hbm4b:s5+s3], $0x100, $0x38;
	[tilespmem:$0xA200] =	vst v63  }
0x4f: {  	_ =	swait.ge [sflag:s4], $0x100  }
0x50: {  	[sflag:s4] =	ssyncset.done $0x0  }
0x51: {  	[sflag:s4] =	ssyncadd.s32 $0xFFFFFF00  }
0x52: {  	[tilespmem:s7], [sflag:$0x5] =	stream.linear.gather [hbm4b:s6+s3], $0x100, $0x38;
	[tilespmem:$0xA200] =	vst v63  }
0x53: {  	_ =	swait.ge [sflag:s4], $0x100  }
0x54: {  	[sflag:s4] =	ssyncset.done $0x0  }
0x55: {  	[sflag:s4] =	ssyncadd.s32 $0xFFFFFF00  }
0x56: {  	[spmem:s10], [sflag:s9] =	dma.local [hbm:s8], $0x400  }
0x57: {  	_ =	swait.ge [sflag:s4], $0x400  }
0x58: {  	[sflag:s4] =	ssyncset.done $0x0  }
0x59: {  	[sflag:s4] =	ssyncadd.s32 $0xFFFFFC00  }
0x5a: {  	[tilespmem:s13], [sflag:$0x1] =	stream.indirect.gather [hbm4b:s11+s12], $0x80, s3, s12, $0xb8;
	[tilespmem:$0xA200] =	vst v63  }
0x5b: {  	[bflag:$0x0] =	sbarrier.arrive $0xFFFF  }
0x5c: {  	_ =	swait.ge [sflag:s14], $0x4000  }
0x5d: {  	[sflag:s14] =	ssyncset.done $0x0  }
0x5e: {  	[sflag:s14] =	ssyncadd.s32 $0xFFFFC000  }
0x5f: {  	[tilespmem:s15], [sflag:$0x2] =	stream.indirect.gather [hbm4b:s11+s12], $0x80, s12, s12, $0xb8;
	[tilespmem:$0xA200] =	vst v63  }
0x60: {  	_ = 	snop  }
0x61: {  	[spmem:s2] =	stream.indirect.scatter.add.f32 [tilespmem:s13], [sflag:$0x3], $0x80, s7, s12, $0xb8;
	[tilespmem:$0xA200] =	vst v63  }
0x62: {  	_ =	swait.ge [sflag:s16], $0x4000  }
0x63: {  	[sflag:s16] =	ssyncset.done $0x0  }
0x64: {  	[sflag:s16] =	ssyncadd.s32 $0xFFFFC000  }
0x65: {  	_ =	swait.ge [sflag:s17], $0x4000  }
0x66: {  	[sflag:s17] =	ssyncset.done $0x0  }
0x67: {  	[sflag:s17] =	ssyncadd.s32 $0xFFFFC000  }
0x68: {  	[spmem:s2] =	stream.indirect.scatter.add.f32 [tilespmem:s15], [sflag:$0x4], $0x80, s18, s12, $0xb8;
	[tilespmem:$0xA200] =	vst v63  }
0x69: {  	_ = 	snop  }
0x6a: {  	[tilespmem:s13], [sflag:$0x1] =	stream.indirect.gather [hbm4b:s11+s12], $0x80, s3, s12, $0xb8;
	[tilespmem:$0xA200] =	vst v63  }
0x6b: {  	_ =	swait.ge [sflag:s19], $0x4000  }
0x6c: {  	[sflag:s19] =	ssyncset.done $0x0  }
0x6d: {  	[sflag:s19] =	ssyncadd.s32 $0xFFFFC000  }
0x6e: {  	_ =	swait.ge [sflag:s14], $0x4000  }
0x6f: {  	[sflag:s14] =	ssyncset.done $0x0  }
0x70: {  	[sflag:s14] =	ssyncadd.s32 $0xFFFFC000  }
0x71: {  	[tilespmem:s3], [sflag:$0x5] =	stream.linear.gather [hbm4b:s20+s3], $0x100, $0x38;
	[tilespmem:$0xA200] =	vst v63  }
0x72: {  	_ =	swait.ge [sflag:s4], $0x100  }
0x73: {  	[sflag:s4] =	ssyncset.done $0x0  }
0x74: {  	[sflag:s4] =	ssyncadd.s32 $0xFFFFFF00  }
0x75: {  	[tilespmem:s7], [sflag:$0x5] =	stream.linear.gather [hbm4b:s21+s3], $0x100, $0x38;
	[tilespmem:$0xA200] =	vst v63  }
0x76: {  	_ =	swait.ge [sflag:s4], $0x100  }
0x77: {  	[sflag:s4] =	ssyncset.done $0x0  }
0x78: {  	[sflag:s4] =	ssyncadd.s32 $0xFFFFFF00  }
0x79: {  	[tilespmem:s13], [sflag:$0x1] =	stream.indirect.gather [hbm4b:s11+s12], $0x80, s3, s12, $0xb8;
	[tilespmem:$0xA200] =	vst v63  }
0x7a: {  	_ =	swait.ge [sflag:s14], $0x4000  }
0x7b: {  	[sflag:s14] =	ssyncset.done $0x0  }
0x7c: {  	[sflag:s14] =	ssyncadd.s32 $0xFFFFC000  }
0x7d: {  	[tilespmem:s15], [sflag:$0x2] =	stream.indirect.gather [hbm4b:s11+s12], $0x80, s12, s12, $0xb8;
	[tilespmem:$0xA200] =	vst v63  }
0x7e: {  	_ = 	snop  }
0x7f: {  	[spmem:s2] =	stream.indirect.scatter.add.f32 [tilespmem:s13], [sflag:$0x3], $0x80, s7, s12, $0xb8;
	[tilespmem:$0xA200] =	vst v63  }
0x80: {  	_ =	swait.ge [sflag:s16], $0x4000  }
0x81: {  	[sflag:s16] =	ssyncset.done $0x0  }
0x82: {  	[sflag:s16] =	ssyncadd.s32 $0xFFFFC000  }
0x83: {  	_ =	swait.ge [sflag:s17], $0x4000  }
0x84: {  	[sflag:s17] =	ssyncset.done $0x0  }
0x85: {  	[sflag:s17] =	ssyncadd.s32 $0xFFFFC000  }
0x86: {  	[spmem:s2] =	stream.indirect.scatter.add.f32 [tilespmem:s15], [sflag:$0x4], $0x80, s18, s12, $0xb8;
	[tilespmem:$0xA200] =	vst v63  }
0x87: {  	_ = 	snop  }
0x88: {  	[tilespmem:s13], [sflag:$0x1] =	stream.indirect.gather [hbm4b:s11+s12], $0x80, s3, s12, $0xb8;
	[tilespmem:$0xA200] =	vst v63  }
0x89: {  	_ =	swait.ge [sflag:s19], $0x4000  }
0x8a: {  	[sflag:s19] =	ssyncset.done $0x0  }
0x8b: {  	[sflag:s19] =	ssyncadd.s32 $0xFFFFC000  }
0x8c: {  	_ =	swait.ge [sflag:s14], $0x4000  }
0x8d: {  	[sflag:s14] =	ssyncset.done $0x0  }
.Ltmp1:
0x8e: {  	[sflag:s14] =	ssyncadd.s32 $0xFFFFC000;
	(pc) =	sbr.rel @p0 .LBB2_1-.Ltmp1, $4  }
0x8f: {  	[bflag:$0x0] =	sbarrier.arrive $0xFFFF  }
0x90: {  	[hbm:s22], [sflag:s9] =	dma.local [spmem:s10], $0x400  }
0x91: {  	_ =	swait.ge [sflag:s4], $0x400  }
0x92: {  	[sflag:s4] =	ssyncset.done $0x0  }
.LBB2_2:
0x93: {  	[sflag:s4] =	ssyncadd.s32 $0xFFFFFC00  }
0x94: {  	_ =	sfence.sel $0x180000  }
0x95: {  	[bflag:$0x0] =	sbarrier.arrive $0xFFFF  }
0x96: {  	p0 =	sne.s32 s0, $0x0;
	_ =	strace $0x90000059  }
0x97: {  	s0 =	sadd.s32 @!p0 $0x100000, s1;
	[bflag:$0x2] =	sbarrier.arrive $0xFFFF  }
0x98: {  	[sflag:s0] =	ssyncadd.tile.s32 @!p0 $0x1;
	_ =	shalt  }
.Lfunc_end2:
_tile_overlayer_lowered:
.L_overlay_start_2:
0x99: {  	(tag) =	ssettag $0x2  }
0x9a: {  	s0 =	rddreg [dreg:$0x0];
	s2 =	stileid.u32  }
0x9b: {  	s1 =	rddreg [dreg:$0x1];
	p0 =	sne.s32 s2, $0x0  }
0x9c: {  	s3 =	rddreg [dreg:$0x2];
	[bflag:$0x3] =	sbarrier.arrive $0xFFFF;
	s2 =	simm.s32 @!p0 $0x1C05  }
0x9d: {  	[timem:s3], [sflag:s2] =	dma.local @!p0 [hbm:s0], s1  }
0x9e: {  	s0 =	simm.s32 @!p0 $0x5  }
0x9f: {  	_ =	swait.ge @!p0 [sflag:s0], s1  }
0xa0: {  	s1 =	ssub.s32 @!p0 $0x0, s1;
	[sflag:s0] =	ssyncset.done @!p0 $0x0  }
0xa1: {  	[sflag:s0] =	ssyncadd.s32 @!p0 s1  }
0xa2: {  	[bflag:$0x3] =	sbarrier.arrive $0xFFFF  }
0xa3: {  	_ =	shalt  }

</sc_bundles>
